<compile_context>
chip_gen: v7x
topology: tpu7x:2x2x1
jax: 0.10.2.dev20260603
libtpu: 0.0.44.dev20260713+nightly
codegen_flags: <defaults>
</compile_context>

<pallas_src>
import functools

import jax
import jax.numpy as jnp
from jax import lax
from jax.experimental import pallas as pl
from jax.experimental.pallas import tpu as pltpu
from jax.experimental.pallas import tpu_sc as plsc

NCORES = 2
NSUB = 16
NW = NCORES * NSUB
L = 16

NF = 10000
NP = 10240
RPW = NP // NW
D = 128
IPC = 128


def _gather_sum_sc(table, nbr_flat, K, KP, name):
    NT = table.shape[0]
    RC = IPC // KP
    nch = (RPW * KP) // IPC
    assert RPW % RC == 0 and nch % 2 == 0

    def body(table_ref, nbr_ref, out_ref, idx_v, buf0, buf1, acc_v, sem0, sem1):
        wid = lax.axis_index("s") * NCORES + lax.axis_index("c")
        base = wid * RPW

        pltpu.sync_copy(nbr_ref.at[pl.ds(base * KP, RPW * KP)], idx_v)
        lane = lax.iota(jnp.int32, L)

        def transform(i, _):
            v = idx_v[pl.ds(i * L, L)]
            p = lane + i * L
            t = jnp.minimum(p & (KP - 1), K - 1)
            idx_v[pl.ds(i * L, L)] = v * K + t
            return 0

        lax.fori_loop(0, (RPW * KP) // L, transform, 0)

        bufs = (buf0, buf1)
        sems = (sem0, sem1)

        def fire(c, b):
            return pltpu.async_copy(
                table_ref.at[idx_v.at[pl.ds(c * IPC, IPC)]], bufs[b], sems[b]
            )

        def wait(c, b):
            pltpu.make_async_copy(
                table_ref.at[idx_v.at[pl.ds(c * IPC, IPC)]], bufs[b], sems[b]
            ).wait()

        def consume(c, b):
            buf = bufs[b]

            def row_body(rr, _):
                accs = [None] * (D // L)
                for t in range(K):
                    row = rr * KP + t
                    for j in range(D // L):
                        v = buf[row, pl.ds(j * L, L)]
                        accs[j] = v if t == 0 else accs[j] + v
                for j in range(D // L):
                    acc_v[c * RC + rr, pl.ds(j * L, L)] = accs[j]
                return 0

            lax.fori_loop(0, RC, row_body, 0)

        fire(0, 0)
        fire(1, 1)

        def chunk_body(c2, _):
            for b in range(2):
                c = c2 * 2 + b
                wait(c, b)
                consume(c, b)
                fire(c + 2, b)
            return 0

        lax.fori_loop(0, nch // 2 - 1, chunk_body, 0)
        for b in range(2):
            c = nch - 2 + b
            wait(c, b)
            consume(c, b)

        pltpu.sync_copy(acc_v, out_ref.at[pl.ds(base, RPW)])

    return pl.kernel(
        body,
        out_type=jax.ShapeDtypeStruct((NP, D), jnp.float32),
        mesh=plsc.VectorSubcoreMesh(core_axis_name="c", subcore_axis_name="s"),
        scratch_types=[
            pltpu.VMEM((RPW * KP,), jnp.int32),
            pltpu.VMEM((IPC, D), jnp.float32),
            pltpu.VMEM((IPC, D), jnp.float32),
            pltpu.VMEM((RPW, D), jnp.float32),
            pltpu.SemaphoreType.DMA,
            pltpu.SemaphoreType.DMA,
        ],
        name=name,
    )(table, nbr_flat)


def _gather_rows_sc(table, nbr_w, K, W, name):
    IPC_G = 80
    CPT = RPW // IPC_G
    nch = K * CPT
    NS_B = 4
    IWP = nbr_w.shape[2]
    assert nch % NS_B == 0 and IWP >= K * RPW
    dt = table.dtype

    def body(table_ref, nbr_ref, out_ref, idx_v,
             buf0, buf1, buf2, buf3, gs0, gs1, gs2, gs3, ws0, ws1, ws2, ws3):
        wid = lax.axis_index("s") * NCORES + lax.axis_index("c")
        base = wid * RPW

        pltpu.sync_copy(nbr_ref.at[wid, 0], idx_v)

        bufs = (buf0, buf1, buf2, buf3)
        gsems = (gs0, gs1, gs2, gs3)
        wsems = (ws0, ws1, ws2, ws3)

        def g_desc(c, b):
            return pltpu.make_async_copy(
                table_ref.at[idx_v.at[pl.ds(c * IPC_G, IPC_G)]],
                bufs[b], gsems[b])

        def w_desc(c, b):
            t = c // CPT
            cc = c - t * CPT
            return pltpu.make_async_copy(
                bufs[b], out_ref.at[t, pl.ds(base + cc * IPC_G, IPC_G)],
                wsems[b])

        for b in range(NS_B):
            g_desc(b, b).start()

        def round_body(r, _):
            c0 = r * NS_B
            for b in range(NS_B):
                g_desc(c0 + b, b).wait()
                w_desc(c0 + b, b).start()
            for b in range(NS_B):
                w_desc(c0 + b, b).wait()
                g_desc(c0 + NS_B + b, b).start()
            return 0

        lax.fori_loop(0, nch // NS_B - 1, round_body, 0)
        c0 = nch - NS_B
        for b in range(NS_B):
            g_desc(c0 + b, b).wait()
            w_desc(c0 + b, b).start()
        for b in range(NS_B):
            w_desc(c0 + b, b).wait()

    return pl.kernel(
        body,
        out_type=jax.ShapeDtypeStruct((K, NP, W), dt),
        mesh=plsc.VectorSubcoreMesh(core_axis_name="c", subcore_axis_name="s"),
        scratch_types=[
            pltpu.VMEM((IWP,), jnp.int32),
        ] + [pltpu.VMEM((IPC_G, W), dt) for _ in range(NS_B)]
          + [pltpu.SemaphoreType.DMA] * (2 * NS_B),
        name=name,
    )(table, nbr_w)


def _pack16(lo, hi):
    ulo = lax.bitcast_convert_type(
        lo.astype(jnp.bfloat16).astype(jnp.float32), jnp.uint32)
    uhi = lax.bitcast_convert_type(
        hi.astype(jnp.bfloat16).astype(jnp.float32), jnp.uint32)
    return lax.bitcast_convert_type(uhi | (ulo >> 16), jnp.float32)


def _unpack16(w):
    u = lax.bitcast_convert_type(w, jnp.uint32)
    hi = lax.bitcast_convert_type(u & jnp.uint32(0xFFFF0000), jnp.float32)
    lo = lax.bitcast_convert_type(u << 16, jnp.float32)
    return lo, hi


def _tap_matmul(g3, w3, packed, br=512):
    T, _, Wp = g3.shape

    def body(g_ref, w_ref, o_ref):
        acc = jnp.zeros((br, D), jnp.float32)
        for t in range(T):
            wv = w_ref[t]
            if packed:
                lo, hi = _unpack16(g_ref[t])
                acc += jnp.dot(lo.astype(jnp.bfloat16), wv[0:Wp],
                               preferred_element_type=jnp.float32)
                acc += jnp.dot(hi.astype(jnp.bfloat16), wv[Wp:2 * Wp],
                               preferred_element_type=jnp.float32)
            else:
                acc += jnp.dot(g_ref[t], wv,
                               preferred_element_type=jnp.float32)
        o_ref[...] = acc

    kw = 2 * Wp if packed else Wp
    return pl.pallas_call(
        body,
        grid=(NP // br,),
        in_specs=[
            pl.BlockSpec((T, br, Wp), lambda i: (0, i, 0)),
            pl.BlockSpec((T, kw, D), lambda i: (0, 0, 0)),
        ],
        out_specs=pl.BlockSpec((br, D), lambda i: (i, 0)),
        out_shape=jax.ShapeDtypeStruct((NP, D), jnp.float32),
    )(g3, w3)


def _bn_relu_cat(h, scale, shift, xs, br=1024):

    def body(h_ref, sc_ref, sh_ref, xs_ref, o_ref):
        a = jnp.maximum(h_ref[...] * sc_ref[...] + sh_ref[...], 0.0)
        o_ref[...] = _pack16(a, xs_ref[...])

    return pl.pallas_call(
        body,
        grid=(NP // br,),
        in_specs=[
            pl.BlockSpec((br, D), lambda i: (i, 0)),
            pl.BlockSpec((1, D), lambda i: (0, 0)),
            pl.BlockSpec((1, D), lambda i: (0, 0)),
            pl.BlockSpec((br, D), lambda i: (i, 0)),
        ],
        out_specs=pl.BlockSpec((br, D), lambda i: (i, 0)),
        out_shape=jax.ShapeDtypeStruct((NP, D), jnp.float32),
    )(h, scale, shift, xs)


def _bn_stats(h, g, be):

    def body(h_ref, g_ref, be_ref, scale_ref, shift_ref):
        hv = h_ref[...]
        rows = lax.broadcasted_iota(jnp.int32, hv.shape, 0)
        hm = jnp.where(rows < NF, hv, 0.0)
        mu = jnp.sum(hm, axis=0, keepdims=True) * (1.0 / NF)
        ms = jnp.sum(hm * hm, axis=0, keepdims=True) * (1.0 / NF)
        var = ms - mu * mu
        scale = g_ref[...] * lax.rsqrt(var + 1e-5)
        scale_ref[...] = scale
        shift_ref[...] = be_ref[...] - mu * scale

    return pl.pallas_call(
        body,
        out_shape=(
            jax.ShapeDtypeStruct((1, D), jnp.float32),
            jax.ShapeDtypeStruct((1, D), jnp.float32),
        ),
    )(h, g.reshape(1, D), be.reshape(1, D))


def _matmul(x, w):
    def body(x_ref, w_ref, o_ref):
        o_ref[...] = jnp.dot(x_ref[...], w_ref[...],
                             preferred_element_type=jnp.float32)

    return pl.pallas_call(
        body,
        out_shape=jax.ShapeDtypeStruct((x.shape[0], w.shape[1]), jnp.float32),
    )(x, w)


def _bn_relu(h, scale, shift):
    def body(h_ref, sc_ref, sh_ref, o_ref):
        o_ref[...] = jnp.maximum(h_ref[...] * sc_ref[...] + sh_ref[...], 0.0)

    return pl.pallas_call(
        body,
        out_shape=jax.ShapeDtypeStruct(h.shape, jnp.float32),
    )(h, scale, shift)


def _pack_nbr(nbr, KP):
    K = nbr.shape[0]
    nbr_t = jnp.pad(nbr, ((0, 0), (0, NP - nbr.shape[1]))).T
    if KP > K:
        nbr_t = jnp.pad(nbr_t, ((0, 0), (0, KP - K)))
    return nbr_t.reshape(NP * KP)


def _pack_nbr_worker(nbr):
    K = nbr.shape[0]
    iw = K * RPW
    iwp = (iw + 127) // 128 * 128
    t = jnp.pad(nbr, ((0, 0), (0, NP - nbr.shape[1])))
    t = t.reshape(K, NW, RPW).transpose(1, 0, 2).reshape(NW, iw)
    return jnp.pad(t, ((0, 0), (0, iwp - iw))).reshape(NW, 1, iwp)


def kernel(x, x_skip, up_nbr, nbr1, nbr2, W_up, b_up, g_up, be_up,
           W1, g1, be1, W2, g2, be2):
    del b_up
    w_up_c = W_up.transpose(1, 0, 2).reshape(D, 8 * D)

    xp = jnp.pad(x, ((0, 1280 - x.shape[0]), (0, 0)))
    xs_p = jnp.pad(x_skip, ((0, NP - NF), (0, 0)))
    up_f = _pack_nbr(up_nbr, 8)
    nbr1_p = _pack_nbr_worker(nbr1)
    nbr2_p = _pack_nbr_worker(nbr2)

    yup = _matmul(xp, w_up_c).reshape(1280 * 8, D)
    h1 = _gather_sum_sc(yup, up_f, 8, 8, "sc_up_gather")
    sc1, sh1 = _bn_stats(h1, g_up, be_up)

    a1 = _bn_relu_cat(h1, sc1, sh1, xs_p)
    gt1 = _gather_rows_sc(a1, nbr1_p, 27, D, "sc_conv1_gather")
    h2 = _tap_matmul(gt1, W1.astype(jnp.bfloat16), packed=True)
    sc2, sh2 = _bn_stats(h2, g1, be1)

    a2 = _bn_relu(h2, sc2, sh2)
    gt2 = _gather_rows_sc(a2, nbr2_p, 27, D, "sc_conv2_gather")
    h3 = _tap_matmul(gt2, W2, packed=False)
    sc3, sh3 = _bn_stats(h3, g2, be2)

    out = _bn_relu(h3, sc3, sh3)
    return out[:NF]

# --- scband reference (transcript-rebuilt; emitter-appended) ---
"""Pipeline reference for scband-up-sample-block-661424964110 (READ-ONLY COPY).

The authoritative reference and input builder live on the scoring server;
editing this copy changes nothing except your own understanding.
"""

import jax, jax.numpy as jnp
import numpy as np

N_C = 1250
N_F = 10000
C_IN = 128
C_OUT = 128


def _sconv(x, nbr, W):
    # Sparse conv as per-kernel-offset gather + matmul + accumulate.
    # nbr: int[K, N_out] neighbor (source voxel) index for each kernel tap;
    # W:   float[K, Cin, Cout] per-tap weights.
    out = jnp.zeros((nbr.shape[1], W.shape[2]), dtype=x.dtype)
    for k in range(nbr.shape[0]):
        out = out + jnp.take(x, nbr[k], axis=0) @ W[k]
    return out


def _bn(h, g, b, eps=1e-5):
    mu = jnp.mean(h, axis=0, keepdims=True)
    var = jnp.var(h, axis=0, keepdims=True)
    return g * (h - mu) * jax.lax.rsqrt(var + eps) + b


def setup_inputs(seed: int = 0):
    key = jax.random.key(seed)
    ks = jax.random.split(key, 12)
    x = jax.random.normal(ks[0], (N_C, C_IN), dtype=jnp.float32)
    x_skip = jax.random.normal(ks[1], (N_F, C_OUT), dtype=jnp.float32)
    up_nbr = jax.random.randint(ks[2], (8, N_F), 0, N_C)
    nbr1 = jax.random.randint(ks[3], (27, N_F), 0, N_F)
    nbr2 = jax.random.randint(ks[4], (27, N_F), 0, N_F)
    s = 0.05
    W_up = jax.random.normal(ks[5], (8, C_IN, C_OUT), dtype=jnp.float32) * s
    b_up = jnp.zeros((C_OUT,), jnp.float32)
    g_up = jnp.ones((C_OUT,), jnp.float32)
    be_up = jnp.zeros((C_OUT,), jnp.float32)
    W1 = jax.random.normal(ks[6], (27, 2 * C_OUT, C_OUT), dtype=jnp.float32) * s
    g1 = jnp.ones((C_OUT,), jnp.float32)
    be1 = jnp.zeros((C_OUT,), jnp.float32)
    W2 = jax.random.normal(ks[7], (27, C_OUT, C_OUT), dtype=jnp.float32) * s
    g2 = jnp.ones((C_OUT,), jnp.float32)
    be2 = jnp.zeros((C_OUT,), jnp.float32)
    return {
        "x": x, "x_skip": x_skip,
        "up_nbr": up_nbr, "nbr1": nbr1, "nbr2": nbr2,
        "W_up": W_up, "b_up": b_up, "g_up": g_up, "be_up": be_up,
        "W1": W1, "g1": g1, "be1": be1,
        "W2": W2, "g2": g2, "be2": be2,
    }


def reference(x, x_skip, up_nbr, nbr1, nbr2, W_up, b_up, g_up, be_up,
              W1, g1, be1, W2, g2, be2):
    # transposed sparse conv onto the skip grid
    h = _sconv(x, up_nbr, W_up) + b_up
    h = jax.nn.relu(_bn(h, g_up, be_up))
    # jcat along feature dim with skip features
    h = jnp.concatenate([h, x_skip], axis=1)
    # conv1 (3x3x3, no bias) + BN + ReLU
    h = jax.nn.relu(_bn(_sconv(h, nbr1, W1), g1, be1))
    # conv2 (3x3x3, no bias) + BN + ReLU
    h = jax.nn.relu(_bn(_sconv(h, nbr2, W2), g2, be2))
    return h

if __name__ == "__main__":
    import jax
    _d = setup_inputs()
    print(jax.jit(kernel)(*tuple(_d.values())))

</pallas_src>

<mosaic_0001>
#map = affine_map<(d0, d1) -> (0, 0)>
#map1 = affine_map<(d0, d1) -> (0)>
module attributes {stable_mosaic.version = 14 : i64} {
  func.func @sc_up_gather(%arg0: i32, %arg1: i32, %arg2: memref<10240x128xf32, #tpu.memory_space<hbm>>, %arg3: memref<81920xi32, #tpu.memory_space<hbm>>, %arg4: memref<10240x128xf32, #tpu.memory_space<hbm>>, %arg5: memref<2560xi32, #tpu.memory_space<vmem>>, %arg6: memref<128x128xf32, #tpu.memory_space<vmem>>, %arg7: memref<128x128xf32, #tpu.memory_space<vmem>>, %arg8: memref<320x128xf32, #tpu.memory_space<vmem>>, %arg9: memref<!tpu.dma_semaphore, #tpu.memory_space<semaphore_mem>>, %arg10: memref<!tpu.dma_semaphore, #tpu.memory_space<semaphore_mem>>) attributes {dimension_semantics = [#tpu.dimension_semantics<core_parallel>, #tpu.dimension_semantics<subcore_parallel>], iteration_bounds = array<i64: 2, 16>, scalar_prefetch = 0 : i64, scratch_operands = 6 : i64, tpu.core_type = #tpu.core_type<sc_vector_subcore>, window_params = [{transform_indices = #map}, {transform_indices = #map1}, {transform_indices = #map}]} {
    %mul3A = arith.constant 2 : i32
    %mul3A_0 = arith.muli %arg1, %mul3A : i32
    %add3A = arith.addi %mul3A_0, %arg0 : i32
    %mul3A_1 = arith.constant 320 : i32
    %mul3A_2 = arith.muli %add3A, %mul3A_1 : i32
    %mul3A_3 = arith.constant 8 : i32
    %mul3A_4 = arith.muli %mul3A_2, %mul3A_3 : i32
    "tpu.region"() ({
      %run_scoped3A = tpu.sem_alloc : memref<!tpu.dma_semaphore, #tpu.memory_space<semaphore_mem>>
      %dma_start3A_50 = tpu.memref_slice %arg3[%mul3A_4] : memref<81920xi32, #tpu.memory_space<hbm>> -> memref<2560xi32, #tpu.memory_space<hbm>>
      %dma_start3A_51 = tpu.memref_slice %arg3[%mul3A_4] : memref<81920xi32, #tpu.memory_space<hbm>> -> memref<2560xi32, #tpu.memory_space<hbm>>
      tpu.enqueue_dma source(%dma_start3A_51 : memref<2560xi32, #tpu.memory_space<hbm>>) target(%arg5 : memref<2560xi32, #tpu.memory_space<vmem>>) target_semaphore(%run_scoped3A : memref<!tpu.dma_semaphore, #tpu.memory_space<semaphore_mem>>)
      %dma_wait3A_52 = tpu.memref_slice %arg3[%mul3A_4] : memref<81920xi32, #tpu.memory_space<hbm>> -> memref<2560xi32, #tpu.memory_space<hbm>>
      %dma_wait3A_53 = tpu.memref_slice %arg3[%mul3A_4] : memref<81920xi32, #tpu.memory_space<hbm>> -> memref<2560xi32, #tpu.memory_space<hbm>>
      tpu.wait_dma2 semaphore(%run_scoped3A : memref<!tpu.dma_semaphore, #tpu.memory_space<semaphore_mem>>) src(%dma_wait3A_53 : memref<2560xi32, #tpu.memory_space<hbm>>) dst(%arg5 : memref<2560xi32, #tpu.memory_space<vmem>>)
      tpu.yield
    }) : () -> ()
    %iota3A = tpu.iota {dimensions = array<i32: 0>} : vector<16xi32>
    %scan3A = arith.constant 0 : i32
    %scan3A_5 = arith.constant 0 : i32
    %scan3A_6 = arith.constant 160 : i32
    %scan3A_7 = arith.addi %scan3A_5, %scan3A_6 : i32
    %scan3A_8 = arith.constant 1 : i32
    %scan3A_9 = scf.for %scan3A_50 = %scan3A_5 to %scan3A_7 step %scan3A_8 iter_args(%scan3A_51 = %scan3A) -> (i32)  : i32 {
      %mul3A_52 = arith.constant 16 : i32
      %mul3A_53 = arith.muli %scan3A_50, %mul3A_52 : i32
      %get3A = arith.index_cast %mul3A_53 : i32 to index
      %get3A_54 = tpu.vector_load %arg5[%get3A] {strides = array<i32>} : memref<2560xi32, #tpu.memory_space<vmem>>, vector<16xi32>,
      %get3A_55 = vector.shape_cast %get3A_54 : vector<16xi32> to vector<16xi32>
      %mul3A_56 = arith.constant 16 : i32
      %mul3A_57 = arith.muli %scan3A_50, %mul3A_56 : i32
      %add3A_58 = vector.broadcast %mul3A_57 : i32 to vector<16xi32>
      %add3A_59 = arith.addi %iota3A, %add3A_58 : vector<16xi32>
      %and3A = arith.constant 7 : i32
      %and3A_60 = vector.broadcast %and3A : i32 to vector<16xi32>
      %and3A_61 = arith.andi %add3A_59, %and3A_60 : vector<16xi32>
      %min3A = arith.constant 7 : i32
      %min3A_62 = vector.broadcast %min3A : i32 to vector<16xi32>
      %min3A_63 = arith.minsi %and3A_61, %min3A_62 : vector<16xi32>
      %mul3A_64 = arith.constant 8 : i32
      %mul3A_65 = vector.broadcast %mul3A_64 : i32 to vector<16xi32>
      %mul3A_66 = arith.muli %get3A_55, %mul3A_65 : vector<16xi32>
      %add3A_67 = arith.addi %mul3A_66, %min3A_63 : vector<16xi32>
      %mul3A_68 = arith.constant 16 : i32
      %mul3A_69 = arith.muli %scan3A_50, %mul3A_68 : i32
      %swap3A = arith.index_cast %mul3A_69 : i32 to index
      %swap3A_70 = tpu.vector_load %arg5[%swap3A] {strides = array<i32>} : memref<2560xi32, #tpu.memory_space<vmem>>, vector<16xi32>,
      %swap3A_71 = vector.shape_cast %swap3A_70 : vector<16xi32> to vector<16xi32>
      %swap3A_72 = vector.shape_cast %add3A_67 : vector<16xi32> to vector<16xi32>
      tpu.vector_store %arg5[%swap3A], %swap3A_72 {strides = array<i32>} : memref<2560xi32, #tpu.memory_space<vmem>>, vector<16xi32>,
      %scan3A_73 = arith.constant 0 : i32
      scf.yield %scan3A_73 : i32
    }
    %scan3A_10 = arith.constant 160 : i32
    %dma_start3A = arith.constant 0 : i32
    %dma_start3A_11 = tpu.memref_slice %arg5[%dma_start3A] : memref<2560xi32, #tpu.memory_space<vmem>> -> memref<128xi32, #tpu.memory_space<vmem>>
    %dma_start3A_12 = arith.constant 0 : i32
    %dma_start3A_13 = arith.constant 0 : i32
    %dma_start3A_14 = tpu.memref_slice %arg2[%dma_start3A_12, %dma_start3A_13] : memref<10240x128xf32, #tpu.memory_space<hbm>> -> memref<10240x128xf32, #tpu.memory_space<hbm>>
    tpu.enqueue_indirect_dma source(%dma_start3A_14 : memref<10240x128xf32, #tpu.memory_space<hbm>>) target(%arg6 : memref<128x128xf32, #tpu.memory_space<vmem>>) offsets(%dma_start3A_11 : memref<128xi32, #tpu.memory_space<vmem>>) semaphore(%arg9 : memref<!tpu.dma_semaphore, #tpu.memory_space<semaphore_mem>>)
    %dma_start3A_15 = arith.constant 128 : i32
    %dma_start3A_16 = tpu.memref_slice %arg5[%dma_start3A_15] : memref<2560xi32, #tpu.memory_space<vmem>> -> memref<128xi32, #tpu.memory_space<vmem>>
    %dma_start3A_17 = arith.constant 0 : i32
    %dma_start3A_18 = arith.constant 0 : i32
    %dma_start3A_19 = tpu.memref_slice %arg2[%dma_start3A_17, %dma_start3A_18] : memref<10240x128xf32, #tpu.memory_space<hbm>> -> memref<10240x128xf32, #tpu.memory_space<hbm>>
    tpu.enqueue_indirect_dma source(%dma_start3A_19 : memref<10240x128xf32, #tpu.memory_space<hbm>>) target(%arg7 : memref<128x128xf32, #tpu.memory_space<vmem>>) offsets(%dma_start3A_16 : memref<128xi32, #tpu.memory_space<vmem>>) semaphore(%arg10 : memref<!tpu.dma_semaphore, #tpu.memory_space<semaphore_mem>>)
    %scan3A_20 = arith.constant 0 : i32
    %scan3A_21 = arith.constant 0 : i32
    %scan3A_22 = arith.constant 9 : i32
    %scan3A_23 = arith.addi %scan3A_21, %scan3A_22 : i32
    %scan3A_24 = arith.constant 1 : i32
    %scan3A_25 = scf.for %scan3A_50 = %scan3A_21 to %scan3A_23 step %scan3A_24 iter_args(%scan3A_51 = %scan3A_20) -> (i32)  : i32 {
      %mul3A_52 = arith.constant 2 : i32
      %mul3A_53 = arith.muli %scan3A_50, %mul3A_52 : i32
      %add3A_54 = arith.constant 0 : i32
      %add3A_55 = arith.addi %mul3A_53, %add3A_54 : i32
      %mul3A_56 = arith.constant 128 : i32
      %mul3A_57 = arith.muli %add3A_55, %mul3A_56 : i32
      %dma_wait3A_58 = tpu.memref_slice %arg5[%mul3A_57] : memref<2560xi32, #tpu.memory_space<vmem>> -> memref<128xi32, #tpu.memory_space<vmem>>
      %dma_wait3A_59 = arith.constant 0 : i32
      %dma_wait3A_60 = arith.constant 0 : i32
      %dma_wait3A_61 = tpu.memref_slice %arg2[%dma_wait3A_59, %dma_wait3A_60] : memref<10240x128xf32, #tpu.memory_space<hbm>> -> memref<10240x128xf32, #tpu.memory_space<hbm>>
      tpu.wait_indirect_dma semaphore(%arg9 : memref<!tpu.dma_semaphore, #tpu.memory_space<semaphore_mem>>) src(%dma_wait3A_61 : memref<10240x128xf32, #tpu.memory_space<hbm>>) dst(%arg6 : memref<128x128xf32, #tpu.memory_space<vmem>>)
      %scan3A_62 = arith.constant 0 : i32
      %scan3A_63 = arith.constant 0 : i32
      %scan3A_64 = arith.constant 16 : i32
      %scan3A_65 = arith.addi %scan3A_63, %scan3A_64 : i32
      %scan3A_66 = arith.constant 1 : i32
      %scan3A_67 = scf.for %scan3A_103 = %scan3A_63 to %scan3A_65 step %scan3A_66 iter_args(%scan3A_104 = %scan3A_62) -> (i32)  : i32 {
        %mul3A_105 = arith.constant 8 : i32
        %mul3A_106 = arith.muli %scan3A_103, %mul3A_105 : i32
        %add3A_107 = arith.constant 0 : i32
        %add3A_108 = arith.addi %mul3A_106, %add3A_107 : i32
        %get3A = arith.index_cast %add3A_108 : i32 to index
        %get3A_109 = arith.constant 0 : index
        %get3A_110 = tpu.vector_load %arg6[%get3A, %get3A_109] {strides = array<i32>} : memref<128x128xf32, #tpu.memory_space<vmem>>, vector<1x16xf32>,
        %get3A_111 = vector.shape_cast %get3A_110 : vector<1x16xf32> to vector<16xf32>
        %get3A_112 = arith.index_cast %add3A_108 : i32 to index
        %get3A_113 = arith.constant 16 : index
        %get3A_114 = tpu.vector_load %arg6[%get3A_112, %get3A_113] {strides = array<i32>} : memref<128x128xf32, #tpu.memory_space<vmem>>, vector<1x16xf32>,
        %get3A_115 = vector.shape_cast %get3A_114 : vector<1x16xf32> to vector<16xf32>
        %get3A_116 = arith.index_cast %add3A_108 : i32 to index
        %get3A_117 = arith.constant 32 : index
        %get3A_118 = tpu.vector_load %arg6[%get3A_116, %get3A_117] {strides = array<i32>} : memref<128x128xf32, #tpu.memory_space<vmem>>, vector<1x16xf32>,
        %get3A_119 = vector.shape_cast %get3A_118 : vector<1x16xf32> to vector<16xf32>
        %get3A_120 = arith.index_cast %add3A_108 : i32 to index
        %get3A_121 = arith.constant 48 : index
        %get3A_122 = tpu.vector_load %arg6[%get3A_120, %get3A_121] {strides = array<i32>} : memref<128x128xf32, #tpu.memory_space<vmem>>, vector<1x16xf32>,
        %get3A_123 = vector.shape_cast %get3A_122 : vector<1x16xf32> to vector<16xf32>
        %get3A_124 = arith.index_cast %add3A_108 : i32 to index
        %get3A_125 = arith.constant 64 : index
        %get3A_126 = tpu.vector_load %arg6[%get3A_124, %get3A_125] {strides = array<i32>} : memref<128x128xf32, #tpu.memory_space<vmem>>, vector<1x16xf32>,
        %get3A_127 = vector.shape_cast %get3A_126 : vector<1x16xf32> to vector<16xf32>
        %get3A_128 = arith.index_cast %add3A_108 : i32 to index
        %get3A_129 = arith.constant 80 : index
        %get3A_130 = tpu.vector_load %arg6[%get3A_128, %get3A_129] {strides = array<i32>} : memref<128x128xf32, #tpu.memory_space<vmem>>, vector<1x16xf32>,
        %get3A_131 = vector.shape_cast %get3A_130 : vector<1x16xf32> to vector<16xf32>
        %get3A_132 = arith.index_cast %add3A_108 : i32 to index
        %get3A_133 = arith.constant 96 : index
        %get3A_134 = tpu.vector_load %arg6[%get3A_132, %get3A_133] {strides = array<i32>} : memref<128x128xf32, #tpu.memory_space<vmem>>, vector<1x16xf32>,
        %get3A_135 = vector.shape_cast %get3A_134 : vector<1x16xf32> to vector<16xf32>
        %get3A_136 = arith.index_cast %add3A_108 : i32 to index
        %get3A_137 = arith.constant 112 : index
        %get3A_138 = tpu.vector_load %arg6[%get3A_136, %get3A_137] {strides = array<i32>} : memref<128x128xf32, #tpu.memory_space<vmem>>, vector<1x16xf32>,
        %get3A_139 = vector.shape_cast %get3A_138 : vector<1x16xf32> to vector<16xf32>
        %mul3A_140 = arith.constant 8 : i32
        %mul3A_141 = arith.muli %scan3A_103, %mul3A_140 : i32
        %add3A_142 = arith.constant 1 : i32
        %add3A_143 = arith.addi %mul3A_141, %add3A_142 : i32
        %get3A_144 = arith.index_cast %add3A_143 : i32 to index
        %get3A_145 = arith.constant 0 : index
        %get3A_146 = tpu.vector_load %arg6[%get3A_144, %get3A_145] {strides = array<i32>} : memref<128x128xf32, #tpu.memory_space<vmem>>, vector<1x16xf32>,
        %get3A_147 = vector.shape_cast %get3A_146 : vector<1x16xf32> to vector<16xf32>
        %add3A_148 = arith.addf %get3A_111, %get3A_147 : vector<16xf32>
        %get3A_149 = arith.index_cast %add3A_143 : i32 to index
        %get3A_150 = arith.constant 16 : index
        %get3A_151 = tpu.vector_load %arg6[%get3A_149, %get3A_150] {strides = array<i32>} : memref<128x128xf32, #tpu.memory_space<vmem>>, vector<1x16xf32>,
        %get3A_152 = vector.shape_cast %get3A_151 : vector<1x16xf32> to vector<16xf32>
        %add3A_153 = arith.addf %get3A_115, %get3A_152 : vector<16xf32>
        %get3A_154 = arith.index_cast %add3A_143 : i32 to index
        %get3A_155 = arith.constant 32 : index
        %get3A_156 = tpu.vector_load %arg6[%get3A_154, %get3A_155] {strides = array<i32>} : memref<128x128xf32, #tpu.memory_space<vmem>>, vector<1x16xf32>,
        %get3A_157 = vector.shape_cast %get3A_156 : vector<1x16xf32> to vector<16xf32>
        %add3A_158 = arith.addf %get3A_119, %get3A_157 : vector<16xf32>
        %get3A_159 = arith.index_cast %add3A_143 : i32 to index
        %get3A_160 = arith.constant 48 : index
        %get3A_161 = tpu.vector_load %arg6[%get3A_159, %get3A_160] {strides = array<i32>} : memref<128x128xf32, #tpu.memory_space<vmem>>, vector<1x16xf32>,
        %get3A_162 = vector.shape_cast %get3A_161 : vector<1x16xf32> to vector<16xf32>
        %add3A_163 = arith.addf %get3A_123, %get3A_162 : vector<16xf32>
        %get3A_164 = arith.index_cast %add3A_143 : i32 to index
        %get3A_165 = arith.constant 64 : index
        %get3A_166 = tpu.vector_load %arg6[%get3A_164, %get3A_165] {strides = array<i32>} : memref<128x128xf32, #tpu.memory_space<vmem>>, vector<1x16xf32>,
        %get3A_167 = vector.shape_cast %get3A_166 : vector<1x16xf32> to vector<16xf32>
        %add3A_168 = arith.addf %get3A_127, %get3A_167 : vector<16xf32>
        %get3A_169 = arith.index_cast %add3A_143 : i32 to index
        %get3A_170 = arith.constant 80 : index
        %get3A_171 = tpu.vector_load %arg6[%get3A_169, %get3A_170] {strides = array<i32>} : memref<128x128xf32, #tpu.memory_space<vmem>>, vector<1x16xf32>,
        %get3A_172 = vector.shape_cast %get3A_171 : vector<1x16xf32> to vector<16xf32>
        %add3A_173 = arith.addf %get3A_131, %get3A_172 : vector<16xf32>
        %get3A_174 = arith.index_cast %add3A_143 : i32 to index
        %get3A_175 = arith.constant 96 : index
        %get3A_176 = tpu.vector_load %arg6[%get3A_174, %get3A_175] {strides = array<i32>} : memref<128x128xf32, #tpu.memory_space<vmem>>, vector<1x16xf32>,
        %get3A_177 = vector.shape_cast %get3A_176 : vector<1x16xf32> to vector<16xf32>
        %add3A_178 = arith.addf %get3A_135, %get3A_177 : vector<16xf32>
        %get3A_179 = arith.index_cast %add3A_143 : i32 to index
        %get3A_180 = arith.constant 112 : index
        %get3A_181 = tpu.vector_load %arg6[%get3A_179, %get3A_180] {strides = array<i32>} : memref<128x128xf32, #tpu.memory_space<vmem>>, vector<1x16xf32>,
        %get3A_182 = vector.shape_cast %get3A_181 : vector<1x16xf32> to vector<16xf32>
        %add3A_183 = arith.addf %get3A_139, %get3A_182 : vector<16xf32>
        %mul3A_184 = arith.constant 8 : i32
        %mul3A_185 = arith.muli %scan3A_103, %mul3A_184 : i32
        %add3A_186 = arith.constant 2 : i32
        %add3A_187 = arith.addi %mul3A_185, %add3A_186 : i32
        %get3A_188 = arith.index_cast %add3A_187 : i32 to index
        %get3A_189 = arith.constant 0 : index
        %get3A_190 = tpu.vector_load %arg6[%get3A_188, %get3A_189] {strides = array<i32>} : memref<128x128xf32, #tpu.memory_space<vmem>>, vector<1x16xf32>,
        %get3A_191 = vector.shape_cast %get3A_190 : vector<1x16xf32> to vector<16xf32>
        %add3A_192 = arith.addf %add3A_148, %get3A_191 : vector<16xf32>
        %get3A_193 = arith.index_cast %add3A_187 : i32 to index
        %get3A_194 = arith.constant 16 : index
        %get3A_195 = tpu.vector_load %arg6[%get3A_193, %get3A_194] {strides = array<i32>} : memref<128x128xf32, #tpu.memory_space<vmem>>, vector<1x16xf32>,
        %get3A_196 = vector.shape_cast %get3A_195 : vector<1x16xf32> to vector<16xf32>
        %add3A_197 = arith.addf %add3A_153, %get3A_196 : vector<16xf32>
        %get3A_198 = arith.index_cast %add3A_187 : i32 to index
        %get3A_199 = arith.constant 32 : index
        %get3A_200 = tpu.vector_load %arg6[%get3A_198, %get3A_199] {strides = array<i32>} : memref<128x128xf32, #tpu.memory_space<vmem>>, vector<1x16xf32>,
        %get3A_201 = vector.shape_cast %get3A_200 : vector<1x16xf32> to vector<16xf32>
        %add3A_202 = arith.addf %add3A_158, %get3A_201 : vector<16xf32>
        %get3A_203 = arith.index_cast %add3A_187 : i32 to index
        %get3A_204 = arith.constant 48 : index
        %get3A_205 = tpu.vector_load %arg6[%get3A_203, %get3A_204] {strides = array<i32>} : memref<128x128xf32, #tpu.memory_space<vmem>>, vector<1x16xf32>,
        %get3A_206 = vector.shape_cast %get3A_205 : vector<1x16xf32> to vector<16xf32>
        %add3A_207 = arith.addf %add3A_163, %get3A_206 : vector<16xf32>
        %get3A_208 = arith.index_cast %add3A_187 : i32 to index
        %get3A_209 = arith.constant 64 : index
        %get3A_210 = tpu.vector_load %arg6[%get3A_208, %get3A_209] {strides = array<i32>} : memref<128x128xf32, #tpu.memory_space<vmem>>, vector<1x16xf32>,
        %get3A_211 = vector.shape_cast %get3A_210 : vector<1x16xf32> to vector<16xf32>
        %add3A_212 = arith.addf %add3A_168, %get3A_211 : vector<16xf32>
        %get3A_213 = arith.index_cast %add3A_187 : i32 to index
        %get3A_214 = arith.constant 80 : index
        %get3A_215 = tpu.vector_load %arg6[%get3A_213, %get3A_214] {strides = array<i32>} : memref<128x128xf32, #tpu.memory_space<vmem>>, vector<1x16xf32>,
        %get3A_216 = vector.shape_cast %get3A_215 : vector<1x16xf32> to vector<16xf32>
        %add3A_217 = arith.addf %add3A_173, %get3A_216 : vector<16xf32>
        %get3A_218 = arith.index_cast %add3A_187 : i32 to index
        %get3A_219 = arith.constant 96 : index
        %get3A_220 = tpu.vector_load %arg6[%get3A_218, %get3A_219] {strides = array<i32>} : memref<128x128xf32, #tpu.memory_space<vmem>>, vector<1x16xf32>,
        %get3A_221 = vector.shape_cast %get3A_220 : vector<1x16xf32> to vector<16xf32>
        %add3A_222 = arith.addf %add3A_178, %get3A_221 : vector<16xf32>
        %get3A_223 = arith.index_cast %add3A_187 : i32 to index
        %get3A_224 = arith.constant 112 : index
        %get3A_225 = tpu.vector_load %arg6[%get3A_223, %get3A_224] {strides = array<i32>} : memref<128x128xf32, #tpu.memory_space<vmem>>, vector<1x16xf32>,
        %get3A_226 = vector.shape_cast %get3A_225 : vector<1x16xf32> to vector<16xf32>
        %add3A_227 = arith.addf %add3A_183, %get3A_226 : vector<16xf32>
        %mul3A_228 = arith.constant 8 : i32
        %mul3A_229 = arith.muli %scan3A_103, %mul3A_228 : i32
        %add3A_230 = arith.constant 3 : i32
        %add3A_231 = arith.addi %mul3A_229, %add3A_230 : i32
        %get3A_232 = arith.index_cast %add3A_231 : i32 to index
        %get3A_233 = arith.constant 0 : index
        %get3A_234 = tpu.vector_load %arg6[%get3A_232, %get3A_233] {strides = array<i32>} : memref<128x128xf32, #tpu.memory_space<vmem>>, vector<1x16xf32>,
        %get3A_235 = vector.shape_cast %get3A_234 : vector<1x16xf32> to vector<16xf32>
        %add3A_236 = arith.addf %add3A_192, %get3A_235 : vector<16xf32>
        %get3A_237 = arith.index_cast %add3A_231 : i32 to index
        %get3A_238 = arith.constant 16 : index
        %get3A_239 = tpu.vector_load %arg6[%get3A_237, %get3A_238] {strides = array<i32>} : memref<128x128xf32, #tpu.memory_space<vmem>>, vector<1x16xf32>,
        %get3A_240 = vector.shape_cast %get3A_239 : vector<1x16xf32> to vector<16xf32>
        %add3A_241 = arith.addf %add3A_197, %get3A_240 : vector<16xf32>
        %get3A_242 = arith.index_cast %add3A_231 : i32 to index
        %get3A_243 = arith.constant 32 : index
        %get3A_244 = tpu.vector_load %arg6[%get3A_242, %get3A_243] {strides = array<i32>} : memref<128x128xf32, #tpu.memory_space<vmem>>, vector<1x16xf32>,
        %get3A_245 = vector.shape_cast %get3A_244 : vector<1x16xf32> to vector<16xf32>
        %add3A_246 = arith.addf %add3A_202, %get3A_245 : vector<16xf32>
        %get3A_247 = arith.index_cast %add3A_231 : i32 to index
        %get3A_248 = arith.constant 48 : index
        %get3A_249 = tpu.vector_load %arg6[%get3A_247, %get3A_248] {strides = array<i32>} : memref<128x128xf32, #tpu.memory_space<vmem>>, vector<1x16xf32>,
        %get3A_250 = vector.shape_cast %get3A_249 : vector<1x16xf32> to vector<16xf32>
        %add3A_251 = arith.addf %add3A_207, %get3A_250 : vector<16xf32>
        %get3A_252 = arith.index_cast %add3A_231 : i32 to index
        %get3A_253 = arith.constant 64 : index
        %get3A_254 = tpu.vector_load %arg6[%get3A_252, %get3A_253] {strides = array<i32>} : memref<128x128xf32, #tpu.memory_space<vmem>>, vector<1x16xf32>,
        %get3A_255 = vector.shape_cast %get3A_254 : vector<1x16xf32> to vector<16xf32>
        %add3A_256 = arith.addf %add3A_212, %get3A_255 : vector<16xf32>
        %get3A_257 = arith.index_cast %add3A_231 : i32 to index
        %get3A_258 = arith.constant 80 : index
        %get3A_259 = tpu.vector_load %arg6[%get3A_257, %get3A_258] {strides = array<i32>} : memref<128x128xf32, #tpu.memory_space<vmem>>, vector<1x16xf32>,
        %get3A_260 = vector.shape_cast %get3A_259 : vector<1x16xf32> to vector<16xf32>
        %add3A_261 = arith.addf %add3A_217, %get3A_260 : vector<16xf32>
        %get3A_262 = arith.index_cast %add3A_231 : i32 to index
        %get3A_263 = arith.constant 96 : index
        %get3A_264 = tpu.vector_load %arg6[%get3A_262, %get3A_263] {strides = array<i32>} : memref<128x128xf32, #tpu.memory_space<vmem>>, vector<1x16xf32>,
        %get3A_265 = vector.shape_cast %get3A_264 : vector<1x16xf32> to vector<16xf32>
        %add3A_266 = arith.addf %add3A_222, %get3A_265 : vector<16xf32>
        %get3A_267 = arith.index_cast %add3A_231 : i32 to index
        %get3A_268 = arith.constant 112 : index
        %get3A_269 = tpu.vector_load %arg6[%get3A_267, %get3A_268] {strides = array<i32>} : memref<128x128xf32, #tpu.memory_space<vmem>>, vector<1x16xf32>,
        %get3A_270 = vector.shape_cast %get3A_269 : vector<1x16xf32> to vector<16xf32>
        %add3A_271 = arith.addf %add3A_227, %get3A_270 : vector<16xf32>
        %mul3A_272 = arith.constant 8 : i32
        %mul3A_273 = arith.muli %scan3A_103, %mul3A_272 : i32
        %add3A_274 = arith.constant 4 : i32
        %add3A_275 = arith.addi %mul3A_273, %add3A_274 : i32
        %get3A_276 = arith.index_cast %add3A_275 : i32 to index
        %get3A_277 = arith.constant 0 : index
        %get3A_278 = tpu.vector_load %arg6[%get3A_276, %get3A_277] {strides = array<i32>} : memref<128x128xf32, #tpu.memory_space<vmem>>, vector<1x16xf32>,
        %get3A_279 = vector.shape_cast %get3A_278 : vector<1x16xf32> to vector<16xf32>
        %add3A_280 = arith.addf %add3A_236, %get3A_279 : vector<16xf32>
        %get3A_281 = arith.index_cast %add3A_275 : i32 to index
        %get3A_282 = arith.constant 16 : index
        %get3A_283 = tpu.vector_load %arg6[%get3A_281, %get3A_282] {strides = array<i32>} : memref<128x128xf32, #tpu.memory_space<vmem>>, vector<1x16xf32>,
        %get3A_284 = vector.shape_cast %get3A_283 : vector<1x16xf32> to vector<16xf32>
        %add3A_285 = arith.addf %add3A_241, %get3A_284 : vector<16xf32>
        %get3A_286 = arith.index_cast %add3A_275 : i32 to index
        %get3A_287 = arith.constant 32 : index
        %get3A_288 = tpu.vector_load %arg6[%get3A_286, %get3A_287] {strides = array<i32>} : memref<128x128xf32, #tpu.memory_space<vmem>>, vector<1x16xf32>,
        %get3A_289 = vector.shape_cast %get3A_288 : vector<1x16xf32> to vector<16xf32>
        %add3A_290 = arith.addf %add3A_246, %get3A_289 : vector<16xf32>
        %get3A_291 = arith.index_cast %add3A_275 : i32 to index
        %get3A_292 = arith.constant 48 : index
        %get3A_293 = tpu.vector_load %arg6[%get3A_291, %get3A_292] {strides = array<i32>} : memref<128x128xf32, #tpu.memory_space<vmem>>, vector<1x16xf32>,
        %get3A_294 = vector.shape_cast %get3A_293 : vector<1x16xf32> to vector<16xf32>
        %add3A_295 = arith.addf %add3A_251, %get3A_294 : vector<16xf32>
        %get3A_296 = arith.index_cast %add3A_275 : i32 to index
        %get3A_297 = arith.constant 64 : index
        %get3A_298 = tpu.vector_load %arg6[%get3A_296, %get3A_297] {strides = array<i32>} : memref<128x128xf32, #tpu.memory_space<vmem>>, vector<1x16xf32>,
        %get3A_299 = vector.shape_cast %get3A_298 : vector<1x16xf32> to vector<16xf32>
        %add3A_300 = arith.addf %add3A_256, %get3A_299 : vector<16xf32>
        %get3A_301 = arith.index_cast %add3A_275 : i32 to index
        %get3A_302 = arith.constant 80 : index
        %get3A_303 = tpu.vector_load %arg6[%get3A_301, %get3A_302] {strides = array<i32>} : memref<128x128xf32, #tpu.memory_space<vmem>>, vector<1x16xf32>,
        %get3A_304 = vector.shape_cast %get3A_303 : vector<1x16xf32> to vector<16xf32>
        %add3A_305 = arith.addf %add3A_261, %get3A_304 : vector<16xf32>
        %get3A_306 = arith.index_cast %add3A_275 : i32 to index
        %get3A_307 = arith.constant 96 : index
        %get3A_308 = tpu.vector_load %arg6[%get3A_306, %get3A_307] {strides = array<i32>} : memref<128x128xf32, #tpu.memory_space<vmem>>, vector<1x16xf32>,
        %get3A_309 = vector.shape_cast %get3A_308 : vector<1x16xf32> to vector<16xf32>
        %add3A_310 = arith.addf %add3A_266, %get3A_309 : vector<16xf32>
        %get3A_311 = arith.index_cast %add3A_275 : i32 to index
        %get3A_312 = arith.constant 112 : index
        %get3A_313 = tpu.vector_load %arg6[%get3A_311, %get3A_312] {strides = array<i32>} : memref<128x128xf32, #tpu.memory_space<vmem>>, vector<1x16xf32>,
        %get3A_314 = vector.shape_cast %get3A_313 : vector<1x16xf32> to vector<16xf32>
        %add3A_315 = arith.addf %add3A_271, %get3A_314 : vector<16xf32>
        %mul3A_316 = arith.constant 8 : i32
        %mul3A_317 = arith.muli %scan3A_103, %mul3A_316 : i32
        %add3A_318 = arith.constant 5 : i32
        %add3A_319 = arith.addi %mul3A_317, %add3A_318 : i32
        %get3A_320 = arith.index_cast %add3A_319 : i32 to index
        %get3A_321 = arith.constant 0 : index
        %get3A_322 = tpu.vector_load %arg6[%get3A_320, %get3A_321] {strides = array<i32>} : memref<128x128xf32, #tpu.memory_space<vmem>>, vector<1x16xf32>,
        %get3A_323 = vector.shape_cast %get3A_322 : vector<1x16xf32> to vector<16xf32>
        %add3A_324 = arith.addf %add3A_280, %get3A_323 : vector<16xf32>
        %get3A_325 = arith.index_cast %add3A_319 : i32 to index
        %get3A_326 = arith.constant 16 : index
        %get3A_327 = tpu.vector_load %arg6[%get3A_325, %get3A_326] {strides = array<i32>} : memref<128x128xf32, #tpu.memory_space<vmem>>, vector<1x16xf32>,
        %get3A_328 = vector.shape_cast %get3A_327 : vector<1x16xf32> to vector<16xf32>
        %add3A_329 = arith.addf %add3A_285, %get3A_328 : vector<16xf32>
        %get3A_330 = arith.index_cast %add3A_319 : i32 to index
        %get3A_331 = arith.constant 32 : index
        %get3A_332 = tpu.vector_load %arg6[%get3A_330, %get3A_331] {strides = array<i32>} : memref<128x128xf32, #tpu.memory_space<vmem>>, vector<1x16xf32>,
        %get3A_333 = vector.shape_cast %get3A_332 : vector<1x16xf32> to vector<16xf32>
        %add3A_334 = arith.addf %add3A_290, %get3A_333 : vector<16xf32>
        %get3A_335 = arith.index_cast %add3A_319 : i32 to index
        %get3A_336 = arith.constant 48 : index
        %get3A_337 = tpu.vector_load %arg6[%get3A_335, %get3A_336] {strides = array<i32>} : memref<128x128xf32, #tpu.memory_space<vmem>>, vector<1x16xf32>,
        %get3A_338 = vector.shape_cast %get3A_337 : vector<1x16xf32> to vector<16xf32>
        %add3A_339 = arith.addf %add3A_295, %get3A_338 : vector<16xf32>
        %get3A_340 = arith.index_cast %add3A_319 : i32 to index
        %get3A_341 = arith.constant 64 : index
        %get3A_342 = tpu.vector_load %arg6[%get3A_340, %get3A_341] {strides = array<i32>} : memref<128x128xf32, #tpu.memory_space<vmem>>, vector<1x16xf32>,
        %get3A_343 = vector.shape_cast %get3A_342 : vector<1x16xf32> to vector<16xf32>
        %add3A_344 = arith.addf %add3A_300, %get3A_343 : vector<16xf32>
        %get3A_345 = arith.index_cast %add3A_319 : i32 to index
        %get3A_346 = arith.constant 80 : index
        %get3A_347 = tpu.vector_load %arg6[%get3A_345, %get3A_346] {strides = array<i32>} : memref<128x128xf32, #tpu.memory_space<vmem>>, vector<1x16xf32>,
        %get3A_348 = vector.shape_cast %get3A_347 : vector<1x16xf32> to vector<16xf32>
        %add3A_349 = arith.addf %add3A_305, %get3A_348 : vector<16xf32>
        %get3A_350 = arith.index_cast %add3A_319 : i32 to index
        %get3A_351 = arith.constant 96 : index
        %get3A_352 = tpu.vector_load %arg6[%get3A_350, %get3A_351] {strides = array<i32>} : memref<128x128xf32, #tpu.memory_space<vmem>>, vector<1x16xf32>,
        %get3A_353 = vector.shape_cast %get3A_352 : vector<1x16xf32> to vector<16xf32>
        %add3A_354 = arith.addf %add3A_310, %get3A_353 : vector<16xf32>
        %get3A_355 = arith.index_cast %add3A_319 : i32 to index
        %get3A_356 = arith.constant 112 : index
        %get3A_357 = tpu.vector_load %arg6[%get3A_355, %get3A_356] {strides = array<i32>} : memref<128x128xf32, #tpu.memory_space<vmem>>, vector<1x16xf32>,
        %get3A_358 = vector.shape_cast %get3A_357 : vector<1x16xf32> to vector<16xf32>
        %add3A_359 = arith.addf %add3A_315, %get3A_358 : vector<16xf32>
        %mul3A_360 = arith.constant 8 : i32
        %mul3A_361 = arith.muli %scan3A_103, %mul3A_360 : i32
        %add3A_362 = arith.constant 6 : i32
        %add3A_363 = arith.addi %mul3A_361, %add3A_362 : i32
        %get3A_364 = arith.index_cast %add3A_363 : i32 to index
        %get3A_365 = arith.constant 0 : index
        %get3A_366 = tpu.vector_load %arg6[%get3A_364, %get3A_365] {strides = array<i32>} : memref<128x128xf32, #tpu.memory_space<vmem>>, vector<1x16xf32>,
        %get3A_367 = vector.shape_cast %get3A_366 : vector<1x16xf32> to vector<16xf32>
        %add3A_368 = arith.addf %add3A_324, %get3A_367 : vector<16xf32>
        %get3A_369 = arith.index_cast %add3A_363 : i32 to index
        %get3A_370 = arith.constant 16 : index
        %get3A_371 = tpu.vector_load %arg6[%get3A_369, %get3A_370] {strides = array<i32>} : memref<128x128xf32, #tpu.memory_space<vmem>>, vector<1x16xf32>,
        %get3A_372 = vector.shape_cast %get3A_371 : vector<1x16xf32> to vector<16xf32>
        %add3A_373 = arith.addf %add3A_329, %get3A_372 : vector<16xf32>
        %get3A_374 = arith.index_cast %add3A_363 : i32 to index
        %get3A_375 = arith.constant 32 : index
        %get3A_376 = tpu.vector_load %arg6[%get3A_374, %get3A_375] {strides = array<i32>} : memref<128x128xf32, #tpu.memory_space<vmem>>, vector<1x16xf32>,
        %get3A_377 = vector.shape_cast %get3A_376 : vector<1x16xf32> to vector<16xf32>
        %add3A_378 = arith.addf %add3A_334, %get3A_377 : vector<16xf32>
        %get3A_379 = arith.index_cast %add3A_363 : i32 to index
        %get3A_380 = arith.constant 48 : index
        %get3A_381 = tpu.vector_load %arg6[%get3A_379, %get3A_380] {strides = array<i32>} : memref<128x128xf32, #tpu.memory_space<vmem>>, vector<1x16xf32>,
        %get3A_382 = vector.shape_cast %get3A_381 : vector<1x16xf32> to vector<16xf32>
        %add3A_383 = arith.addf %add3A_339, %get3A_382 : vector<16xf32>
        %get3A_384 = arith.index_cast %add3A_363 : i32 to index
        %get3A_385 = arith.constant 64 : index
        %get3A_386 = tpu.vector_load %arg6[%get3A_384, %get3A_385] {strides = array<i32>} : memref<128x128xf32, #tpu.memory_space<vmem>>, vector<1x16xf32>,
        %get3A_387 = vector.shape_cast %get3A_386 : vector<1x16xf32> to vector<16xf32>
        %add3A_388 = arith.addf %add3A_344, %get3A_387 : vector<16xf32>
        %get3A_389 = arith.index_cast %add3A_363 : i32 to index
        %get3A_390 = arith.constant 80 : index
        %get3A_391 = tpu.vector_load %arg6[%get3A_389, %get3A_390] {strides = array<i32>} : memref<128x128xf32, #tpu.memory_space<vmem>>, vector<1x16xf32>,
        %get3A_392 = vector.shape_cast %get3A_391 : vector<1x16xf32> to vector<16xf32>
        %add3A_393 = arith.addf %add3A_349, %get3A_392 : vector<16xf32>
        %get3A_394 = arith.index_cast %add3A_363 : i32 to index
        %get3A_395 = arith.constant 96 : index
        %get3A_396 = tpu.vector_load %arg6[%get3A_394, %get3A_395] {strides = array<i32>} : memref<128x128xf32, #tpu.memory_space<vmem>>, vector<1x16xf32>,
        %get3A_397 = vector.shape_cast %get3A_396 : vector<1x16xf32> to vector<16xf32>
        %add3A_398 = arith.addf %add3A_354, %get3A_397 : vector<16xf32>
        %get3A_399 = arith.index_cast %add3A_363 : i32 to index
        %get3A_400 = arith.constant 112 : index
        %get3A_401 = tpu.vector_load %arg6[%get3A_399, %get3A_400] {strides = array<i32>} : memref<128x128xf32, #tpu.memory_space<vmem>>, vector<1x16xf32>,
        %get3A_402 = vector.shape_cast %get3A_401 : vector<1x16xf32> to vector<16xf32>
        %add3A_403 = arith.addf %add3A_359, %get3A_402 : vector<16xf32>
        %mul3A_404 = arith.constant 8 : i32
        %mul3A_405 = arith.muli %scan3A_103, %mul3A_404 : i32
        %add3A_406 = arith.constant 7 : i32
        %add3A_407 = arith.addi %mul3A_405, %add3A_406 : i32
        %get3A_408 = arith.index_cast %add3A_407 : i32 to index
        %get3A_409 = arith.constant 0 : index
        %get3A_410 = tpu.vector_load %arg6[%get3A_408, %get3A_409] {strides = array<i32>} : memref<128x128xf32, #tpu.memory_space<vmem>>, vector<1x16xf32>,
        %get3A_411 = vector.shape_cast %get3A_410 : vector<1x16xf32> to vector<16xf32>
        %add3A_412 = arith.addf %add3A_368, %get3A_411 : vector<16xf32>
        %get3A_413 = arith.index_cast %add3A_407 : i32 to index
        %get3A_414 = arith.constant 16 : index
        %get3A_415 = tpu.vector_load %arg6[%get3A_413, %get3A_414] {strides = array<i32>} : memref<128x128xf32, #tpu.memory_space<vmem>>, vector<1x16xf32>,
        %get3A_416 = vector.shape_cast %get3A_415 : vector<1x16xf32> to vector<16xf32>
        %add3A_417 = arith.addf %add3A_373, %get3A_416 : vector<16xf32>
        %get3A_418 = arith.index_cast %add3A_407 : i32 to index
        %get3A_419 = arith.constant 32 : index
        %get3A_420 = tpu.vector_load %arg6[%get3A_418, %get3A_419] {strides = array<i32>} : memref<128x128xf32, #tpu.memory_space<vmem>>, vector<1x16xf32>,
        %get3A_421 = vector.shape_cast %get3A_420 : vector<1x16xf32> to vector<16xf32>
        %add3A_422 = arith.addf %add3A_378, %get3A_421 : vector<16xf32>
        %get3A_423 = arith.index_cast %add3A_407 : i32 to index
        %get3A_424 = arith.constant 48 : index
        %get3A_425 = tpu.vector_load %arg6[%get3A_423, %get3A_424] {strides = array<i32>} : memref<128x128xf32, #tpu.memory_space<vmem>>, vector<1x16xf32>,
        %get3A_426 = vector.shape_cast %get3A_425 : vector<1x16xf32> to vector<16xf32>
        %add3A_427 = arith.addf %add3A_383, %get3A_426 : vector<16xf32>
        %get3A_428 = arith.index_cast %add3A_407 : i32 to index
        %get3A_429 = arith.constant 64 : index
        %get3A_430 = tpu.vector_load %arg6[%get3A_428, %get3A_429] {strides = array<i32>} : memref<128x128xf32, #tpu.memory_space<vmem>>, vector<1x16xf32>,
        %get3A_431 = vector.shape_cast %get3A_430 : vector<1x16xf32> to vector<16xf32>
        %add3A_432 = arith.addf %add3A_388, %get3A_431 : vector<16xf32>
        %get3A_433 = arith.index_cast %add3A_407 : i32 to index
        %get3A_434 = arith.constant 80 : index
        %get3A_435 = tpu.vector_load %arg6[%get3A_433, %get3A_434] {strides = array<i32>} : memref<128x128xf32, #tpu.memory_space<vmem>>, vector<1x16xf32>,
        %get3A_436 = vector.shape_cast %get3A_435 : vector<1x16xf32> to vector<16xf32>
        %add3A_437 = arith.addf %add3A_393, %get3A_436 : vector<16xf32>
        %get3A_438 = arith.index_cast %add3A_407 : i32 to index
        %get3A_439 = arith.constant 96 : index
        %get3A_440 = tpu.vector_load %arg6[%get3A_438, %get3A_439] {strides = array<i32>} : memref<128x128xf32, #tpu.memory_space<vmem>>, vector<1x16xf32>,
        %get3A_441 = vector.shape_cast %get3A_440 : vector<1x16xf32> to vector<16xf32>
        %add3A_442 = arith.addf %add3A_398, %get3A_441 : vector<16xf32>
        %get3A_443 = arith.index_cast %add3A_407 : i32 to index
        %get3A_444 = arith.constant 112 : index
        %get3A_445 = tpu.vector_load %arg6[%get3A_443, %get3A_444] {strides = array<i32>} : memref<128x128xf32, #tpu.memory_space<vmem>>, vector<1x16xf32>,
        %get3A_446 = vector.shape_cast %get3A_445 : vector<1x16xf32> to vector<16xf32>
        %add3A_447 = arith.addf %add3A_403, %get3A_446 : vector<16xf32>
        %mul3A_448 = arith.constant 16 : i32
        %mul3A_449 = arith.muli %add3A_55, %mul3A_448 : i32
        %add3A_450 = arith.addi %mul3A_449, %scan3A_103 : i32
        %swap3A = arith.index_cast %add3A_450 : i32 to index
        %swap3A_451 = arith.constant 0 : index
        %swap3A_452 = tpu.vector_load %arg8[%swap3A, %swap3A_451] {strides = array<i32>} : memref<320x128xf32, #tpu.memory_space<vmem>>, vector<1x16xf32>,
        %swap3A_453 = vector.shape_cast %swap3A_452 : vector<1x16xf32> to vector<16xf32>
        %swap3A_454 = vector.shape_cast %add3A_412 : vector<16xf32> to vector<1x16xf32>
        tpu.vector_store %arg8[%swap3A, %swap3A_451], %swap3A_454 {strides = array<i32>} : memref<320x128xf32, #tpu.memory_space<vmem>>, vector<1x16xf32>,
        %mul3A_455 = arith.constant 16 : i32
        %mul3A_456 = arith.muli %add3A_55, %mul3A_455 : i32
        %add3A_457 = arith.addi %mul3A_456, %scan3A_103 : i32
        %swap3A_458 = arith.index_cast %add3A_457 : i32 to index
        %swap3A_459 = arith.constant 16 : index
        %swap3A_460 = tpu.vector_load %arg8[%swap3A_458, %swap3A_459] {strides = array<i32>} : memref<320x128xf32, #tpu.memory_space<vmem>>, vector<1x16xf32>,
        %swap3A_461 = vector.shape_cast %swap3A_460 : vector<1x16xf32> to vector<16xf32>
        %swap3A_462 = vector.shape_cast %add3A_417 : vector<16xf32> to vector<1x16xf32>
        tpu.vector_store %arg8[%swap3A_458, %swap3A_459], %swap3A_462 {strides = array<i32>} : memref<320x128xf32, #tpu.memory_space<vmem>>, vector<1x16xf32>,
        %mul3A_463 = arith.constant 16 : i32
        %mul3A_464 = arith.muli %add3A_55, %mul3A_463 : i32
        %add3A_465 = arith.addi %mul3A_464, %scan3A_103 : i32
        %swap3A_466 = arith.index_cast %add3A_465 : i32 to index
        %swap3A_467 = arith.constant 32 : index
        %swap3A_468 = tpu.vector_load %arg8[%swap3A_466, %swap3A_467] {strides = array<i32>} : memref<320x128xf32, #tpu.memory_space<vmem>>, vector<1x16xf32>,
        %swap3A_469 = vector.shape_cast %swap3A_468 : vector<1x16xf32> to vector<16xf32>
        %swap3A_470 = vector.shape_cast %add3A_422 : vector<16xf32> to vector<1x16xf32>
        tpu.vector_store %arg8[%swap3A_466, %swap3A_467], %swap3A_470 {strides = array<i32>} : memref<320x128xf32, #tpu.memory_space<vmem>>, vector<1x16xf32>,
        %mul3A_471 = arith.constant 16 : i32
        %mul3A_472 = arith.muli %add3A_55, %mul3A_471 : i32
        %add3A_473 = arith.addi %mul3A_472, %scan3A_103 : i32
        %swap3A_474 = arith.index_cast %add3A_473 : i32 to index
        %swap3A_475 = arith.constant 48 : index
        %swap3A_476 = tpu.vector_load %arg8[%swap3A_474, %swap3A_475] {strides = array<i32>} : memref<320x128xf32, #tpu.memory_space<vmem>>, vector<1x16xf32>,
        %swap3A_477 = vector.shape_cast %swap3A_476 : vector<1x16xf32> to vector<16xf32>
        %swap3A_478 = vector.shape_cast %add3A_427 : vector<16xf32> to vector<1x16xf32>
        tpu.vector_store %arg8[%swap3A_474, %swap3A_475], %swap3A_478 {strides = array<i32>} : memref<320x128xf32, #tpu.memory_space<vmem>>, vector<1x16xf32>,
        %mul3A_479 = arith.constant 16 : i32
        %mul3A_480 = arith.muli %add3A_55, %mul3A_479 : i32
        %add3A_481 = arith.addi %mul3A_480, %scan3A_103 : i32
        %swap3A_482 = arith.index_cast %add3A_481 : i32 to index
        %swap3A_483 = arith.constant 64 : index
        %swap3A_484 = tpu.vector_load %arg8[%swap3A_482, %swap3A_483] {strides = array<i32>} : memref<320x128xf32, #tpu.memory_space<vmem>>, vector<1x16xf32>,
        %swap3A_485 = vector.shape_cast %swap3A_484 : vector<1x16xf32> to vector<16xf32>
        %swap3A_486 = vector.shape_cast %add3A_432 : vector<16xf32> to vector<1x16xf32>
        tpu.vector_store %arg8[%swap3A_482, %swap3A_483], %swap3A_486 {strides = array<i32>} : memref<320x128xf32, #tpu.memory_space<vmem>>, vector<1x16xf32>,
        %mul3A_487 = arith.constant 16 : i32
        %mul3A_488 = arith.muli %add3A_55, %mul3A_487 : i32
        %add3A_489 = arith.addi %mul3A_488, %scan3A_103 : i32
        %swap3A_490 = arith.index_cast %add3A_489 : i32 to index
        %swap3A_491 = arith.constant 80 : index
        %swap3A_492 = tpu.vector_load %arg8[%swap3A_490, %swap3A_491] {strides = array<i32>} : memref<320x128xf32, #tpu.memory_space<vmem>>, vector<1x16xf32>,
        %swap3A_493 = vector.shape_cast %swap3A_492 : vector<1x16xf32> to vector<16xf32>
        %swap3A_494 = vector.shape_cast %add3A_437 : vector<16xf32> to vector<1x16xf32>
        tpu.vector_store %arg8[%swap3A_490, %swap3A_491], %swap3A_494 {strides = array<i32>} : memref<320x128xf32, #tpu.memory_space<vmem>>, vector<1x16xf32>,
        %mul3A_495 = arith.constant 16 : i32
        %mul3A_496 = arith.muli %add3A_55, %mul3A_495 : i32
        %add3A_497 = arith.addi %mul3A_496, %scan3A_103 : i32
        %swap3A_498 = arith.index_cast %add3A_497 : i32 to index
        %swap3A_499 = arith.constant 96 : index
        %swap3A_500 = tpu.vector_load %arg8[%swap3A_498, %swap3A_499] {strides = array<i32>} : memref<320x128xf32, #tpu.memory_space<vmem>>, vector<1x16xf32>,
        %swap3A_501 = vector.shape_cast %swap3A_500 : vector<1x16xf32> to vector<16xf32>
        %swap3A_502 = vector.shape_cast %add3A_442 : vector<16xf32> to vector<1x16xf32>
        tpu.vector_store %arg8[%swap3A_498, %swap3A_499], %swap3A_502 {strides = array<i32>} : memref<320x128xf32, #tpu.memory_space<vmem>>, vector<1x16xf32>,
        %mul3A_503 = arith.constant 16 : i32
        %mul3A_504 = arith.muli %add3A_55, %mul3A_503 : i32
        %add3A_505 = arith.addi %mul3A_504, %scan3A_103 : i32
        %swap3A_506 = arith.index_cast %add3A_505 : i32 to index
        %swap3A_507 = arith.constant 112 : index
        %swap3A_508 = tpu.vector_load %arg8[%swap3A_506, %swap3A_507] {strides = array<i32>} : memref<320x128xf32, #tpu.memory_space<vmem>>, vector<1x16xf32>,
        %swap3A_509 = vector.shape_cast %swap3A_508 : vector<1x16xf32> to vector<16xf32>
        %swap3A_510 = vector.shape_cast %add3A_447 : vector<16xf32> to vector<1x16xf32>
        tpu.vector_store %arg8[%swap3A_506, %swap3A_507], %swap3A_510 {strides = array<i32>} : memref<320x128xf32, #tpu.memory_space<vmem>>, vector<1x16xf32>,
        %scan3A_511 = arith.constant 0 : i32
        scf.yield %scan3A_511 : i32
      }
      %scan3A_68 = arith.constant 16 : i32
      %add3A_69 = arith.constant 2 : i32
      %add3A_70 = arith.addi %add3A_55, %add3A_69 : i32
      %mul3A_71 = arith.constant 128 : i32
      %mul3A_72 = arith.muli %add3A_70, %mul3A_71 : i32
      %dma_start3A_73 = tpu.memref_slice %arg5[%mul3A_72] : memref<2560xi32, #tpu.memory_space<vmem>> -> memref<128xi32, #tpu.memory_space<vmem>>
      %dma_start3A_74 = arith.constant 0 : i32
      %dma_start3A_75 = arith.constant 0 : i32
      %dma_start3A_76 = tpu.memref_slice %arg2[%dma_start3A_74, %dma_start3A_75] : memref<10240x128xf32, #tpu.memory_space<hbm>> -> memref<10240x128xf32, #tpu.memory_space<hbm>>
      tpu.enqueue_indirect_dma source(%dma_start3A_76 : memref<10240x128xf32, #tpu.memory_space<hbm>>) target(%arg6 : memref<128x128xf32, #tpu.memory_space<vmem>>) offsets(%dma_start3A_73 : memref<128xi32, #tpu.memory_space<vmem>>) semaphore(%arg9 : memref<!tpu.dma_semaphore, #tpu.memory_space<semaphore_mem>>)
      %mul3A_77 = arith.constant 2 : i32
      %mul3A_78 = arith.muli %scan3A_50, %mul3A_77 : i32
      %add3A_79 = arith.constant 1 : i32
      %add3A_80 = arith.addi %mul3A_78, %add3A_79 : i32
      %mul3A_81 = arith.constant 128 : i32
      %mul3A_82 = arith.muli %add3A_80, %mul3A_81 : i32
      %dma_wait3A_83 = tpu.memref_slice %arg5[%mul3A_82] : memref<2560xi32, #tpu.memory_space<vmem>> -> memref<128xi32, #tpu.memory_space<vmem>>
      %dma_wait3A_84 = arith.constant 0 : i32
      %dma_wait3A_85 = arith.constant 0 : i32
      %dma_wait3A_86 = tpu.memref_slice %arg2[%dma_wait3A_84, %dma_wait3A_85] : memref<10240x128xf32, #tpu.memory_space<hbm>> -> memref<10240x128xf32, #tpu.memory_space<hbm>>
      tpu.wait_indirect_dma semaphore(%arg10 : memref<!tpu.dma_semaphore, #tpu.memory_space<semaphore_mem>>) src(%dma_wait3A_86 : memref<10240x128xf32, #tpu.memory_space<hbm>>) dst(%arg7 : memref<128x128xf32, #tpu.memory_space<vmem>>)
      %scan3A_87 = arith.constant 0 : i32
      %scan3A_88 = arith.constant 0 : i32
      %scan3A_89 = arith.constant 16 : i32
      %scan3A_90 = arith.addi %scan3A_88, %scan3A_89 : i32
      %scan3A_91 = arith.constant 1 : i32
      %scan3A_92 = scf.for %scan3A_103 = %scan3A_88 to %scan3A_90 step %scan3A_91 iter_args(%scan3A_104 = %scan3A_87) -> (i32)  : i32 {
        %mul3A_105 = arith.constant 8 : i32
        %mul3A_106 = arith.muli %scan3A_103, %mul3A_105 : i32
        %add3A_107 = arith.constant 0 : i32
        %add3A_108 = arith.addi %mul3A_106, %add3A_107 : i32
        %get3A = arith.index_cast %add3A_108 : i32 to index
        %get3A_109 = arith.constant 0 : index
        %get3A_110 = tpu.vector_load %arg7[%get3A, %get3A_109] {strides = array<i32>} : memref<128x128xf32, #tpu.memory_space<vmem>>, vector<1x16xf32>,
        %get3A_111 = vector.shape_cast %get3A_110 : vector<1x16xf32> to vector<16xf32>
        %get3A_112 = arith.index_cast %add3A_108 : i32 to index
        %get3A_113 = arith.constant 16 : index
        %get3A_114 = tpu.vector_load %arg7[%get3A_112, %get3A_113] {strides = array<i32>} : memref<128x128xf32, #tpu.memory_space<vmem>>, vector<1x16xf32>,
        %get3A_115 = vector.shape_cast %get3A_114 : vector<1x16xf32> to vector<16xf32>
        %get3A_116 = arith.index_cast %add3A_108 : i32 to index
        %get3A_117 = arith.constant 32 : index
        %get3A_118 = tpu.vector_load %arg7[%get3A_116, %get3A_117] {strides = array<i32>} : memref<128x128xf32, #tpu.memory_space<vmem>>, vector<1x16xf32>,
        %get3A_119 = vector.shape_cast %get3A_118 : vector<1x16xf32> to vector<16xf32>
        %get3A_120 = arith.index_cast %add3A_108 : i32 to index
        %get3A_121 = arith.constant 48 : index
        %get3A_122 = tpu.vector_load %arg7[%get3A_120, %get3A_121] {strides = array<i32>} : memref<128x128xf32, #tpu.memory_space<vmem>>, vector<1x16xf32>,
        %get3A_123 = vector.shape_cast %get3A_122 : vector<1x16xf32> to vector<16xf32>
        %get3A_124 = arith.index_cast %add3A_108 : i32 to index
        %get3A_125 = arith.constant 64 : index
        %get3A_126 = tpu.vector_load %arg7[%get3A_124, %get3A_125] {strides = array<i32>} : memref<128x128xf32, #tpu.memory_space<vmem>>, vector<1x16xf32>,
        %get3A_127 = vector.shape_cast %get3A_126 : vector<1x16xf32> to vector<16xf32>
        %get3A_128 = arith.index_cast %add3A_108 : i32 to index
        %get3A_129 = arith.constant 80 : index
        %get3A_130 = tpu.vector_load %arg7[%get3A_128, %get3A_129] {strides = array<i32>} : memref<128x128xf32, #tpu.memory_space<vmem>>, vector<1x16xf32>,
        %get3A_131 = vector.shape_cast %get3A_130 : vector<1x16xf32> to vector<16xf32>
        %get3A_132 = arith.index_cast %add3A_108 : i32 to index
        %get3A_133 = arith.constant 96 : index
        %get3A_134 = tpu.vector_load %arg7[%get3A_132, %get3A_133] {strides = array<i32>} : memref<128x128xf32, #tpu.memory_space<vmem>>, vector<1x16xf32>,
        %get3A_135 = vector.shape_cast %get3A_134 : vector<1x16xf32> to vector<16xf32>
        %get3A_136 = arith.index_cast %add3A_108 : i32 to index
        %get3A_137 = arith.constant 112 : index
        %get3A_138 = tpu.vector_load %arg7[%get3A_136, %get3A_137] {strides = array<i32>} : memref<128x128xf32, #tpu.memory_space<vmem>>, vector<1x16xf32>,
        %get3A_139 = vector.shape_cast %get3A_138 : vector<1x16xf32> to vector<16xf32>
        %mul3A_140 = arith.constant 8 : i32
        %mul3A_141 = arith.muli %scan3A_103, %mul3A_140 : i32
        %add3A_142 = arith.constant 1 : i32
        %add3A_143 = arith.addi %mul3A_141, %add3A_142 : i32
        %get3A_144 = arith.index_cast %add3A_143 : i32 to index
        %get3A_145 = arith.constant 0 : index
        %get3A_146 = tpu.vector_load %arg7[%get3A_144, %get3A_145] {strides = array<i32>} : memref<128x128xf32, #tpu.memory_space<vmem>>, vector<1x16xf32>,
        %get3A_147 = vector.shape_cast %get3A_146 : vector<1x16xf32> to vector<16xf32>
        %add3A_148 = arith.addf %get3A_111, %get3A_147 : vector<16xf32>
        %get3A_149 = arith.index_cast %add3A_143 : i32 to index
        %get3A_150 = arith.constant 16 : index
        %get3A_151 = tpu.vector_load %arg7[%get3A_149, %get3A_150] {strides = array<i32>} : memref<128x128xf32, #tpu.memory_space<vmem>>, vector<1x16xf32>,
        %get3A_152 = vector.shape_cast %get3A_151 : vector<1x16xf32> to vector<16xf32>
        %add3A_153 = arith.addf %get3A_115, %get3A_152 : vector<16xf32>
        %get3A_154 = arith.index_cast %add3A_143 : i32 to index
        %get3A_155 = arith.constant 32 : index
        %get3A_156 = tpu.vector_load %arg7[%get3A_154, %get3A_155] {strides = array<i32>} : memref<128x128xf32, #tpu.memory_space<vmem>>, vector<1x16xf32>,
        %get3A_157 = vector.shape_cast %get3A_156 : vector<1x16xf32> to vector<16xf32>
        %add3A_158 = arith.addf %get3A_119, %get3A_157 : vector<16xf32>
        %get3A_159 = arith.index_cast %add3A_143 : i32 to index
        %get3A_160 = arith.constant 48 : index
        %get3A_161 = tpu.vector_load %arg7[%get3A_159, %get3A_160] {strides = array<i32>} : memref<128x128xf32, #tpu.memory_space<vmem>>, vector<1x16xf32>,
        %get3A_162 = vector.shape_cast %get3A_161 : vector<1x16xf32> to vector<16xf32>
        %add3A_163 = arith.addf %get3A_123, %get3A_162 : vector<16xf32>
        %get3A_164 = arith.index_cast %add3A_143 : i32 to index
        %get3A_165 = arith.constant 64 : index
        %get3A_166 = tpu.vector_load %arg7[%get3A_164, %get3A_165] {strides = array<i32>} : memref<128x128xf32, #tpu.memory_space<vmem>>, vector<1x16xf32>,
        %get3A_167 = vector.shape_cast %get3A_166 : vector<1x16xf32> to vector<16xf32>
        %add3A_168 = arith.addf %get3A_127, %get3A_167 : vector<16xf32>
        %get3A_169 = arith.index_cast %add3A_143 : i32 to index
        %get3A_170 = arith.constant 80 : index
        %get3A_171 = tpu.vector_load %arg7[%get3A_169, %get3A_170] {strides = array<i32>} : memref<128x128xf32, #tpu.memory_space<vmem>>, vector<1x16xf32>,
        %get3A_172 = vector.shape_cast %get3A_171 : vector<1x16xf32> to vector<16xf32>
        %add3A_173 = arith.addf %get3A_131, %get3A_172 : vector<16xf32>
        %get3A_174 = arith.index_cast %add3A_143 : i32 to index
        %get3A_175 = arith.constant 96 : index
        %get3A_176 = tpu.vector_load %arg7[%get3A_174, %get3A_175] {strides = array<i32>} : memref<128x128xf32, #tpu.memory_space<vmem>>, vector<1x16xf32>,
        %get3A_177 = vector.shape_cast %get3A_176 : vector<1x16xf32> to vector<16xf32>
        %add3A_178 = arith.addf %get3A_135, %get3A_177 : vector<16xf32>
        %get3A_179 = arith.index_cast %add3A_143 : i32 to index
        %get3A_180 = arith.constant 112 : index
        %get3A_181 = tpu.vector_load %arg7[%get3A_179, %get3A_180] {strides = array<i32>} : memref<128x128xf32, #tpu.memory_space<vmem>>, vector<1x16xf32>,
        %get3A_182 = vector.shape_cast %get3A_181 : vector<1x16xf32> to vector<16xf32>
        %add3A_183 = arith.addf %get3A_139, %get3A_182 : vector<16xf32>
        %mul3A_184 = arith.constant 8 : i32
        %mul3A_185 = arith.muli %scan3A_103, %mul3A_184 : i32
        %add3A_186 = arith.constant 2 : i32
        %add3A_187 = arith.addi %mul3A_185, %add3A_186 : i32
        %get3A_188 = arith.index_cast %add3A_187 : i32 to index
        %get3A_189 = arith.constant 0 : index
        %get3A_190 = tpu.vector_load %arg7[%get3A_188, %get3A_189] {strides = array<i32>} : memref<128x128xf32, #tpu.memory_space<vmem>>, vector<1x16xf32>,
        %get3A_191 = vector.shape_cast %get3A_190 : vector<1x16xf32> to vector<16xf32>
        %add3A_192 = arith.addf %add3A_148, %get3A_191 : vector<16xf32>
        %get3A_193 = arith.index_cast %add3A_187 : i32 to index
        %get3A_194 = arith.constant 16 : index
        %get3A_195 = tpu.vector_load %arg7[%get3A_193, %get3A_194] {strides = array<i32>} : memref<128x128xf32, #tpu.memory_space<vmem>>, vector<1x16xf32>,
        %get3A_196 = vector.shape_cast %get3A_195 : vector<1x16xf32> to vector<16xf32>
        %add3A_197 = arith.addf %add3A_153, %get3A_196 : vector<16xf32>
        %get3A_198 = arith.index_cast %add3A_187 : i32 to index
        %get3A_199 = arith.constant 32 : index
        %get3A_200 = tpu.vector_load %arg7[%get3A_198, %get3A_199] {strides = array<i32>} : memref<128x128xf32, #tpu.memory_space<vmem>>, vector<1x16xf32>,
        %get3A_201 = vector.shape_cast %get3A_200 : vector<1x16xf32> to vector<16xf32>
        %add3A_202 = arith.addf %add3A_158, %get3A_201 : vector<16xf32>
        %get3A_203 = arith.index_cast %add3A_187 : i32 to index
        %get3A_204 = arith.constant 48 : index
        %get3A_205 = tpu.vector_load %arg7[%get3A_203, %get3A_204] {strides = array<i32>} : memref<128x128xf32, #tpu.memory_space<vmem>>, vector<1x16xf32>,
        %get3A_206 = vector.shape_cast %get3A_205 : vector<1x16xf32> to vector<16xf32>
        %add3A_207 = arith.addf %add3A_163, %get3A_206 : vector<16xf32>
        %get3A_208 = arith.index_cast %add3A_187 : i32 to index
        %get3A_209 = arith.constant 64 : index
        %get3A_210 = tpu.vector_load %arg7[%get3A_208, %get3A_209] {strides = array<i32>} : memref<128x128xf32, #tpu.memory_space<vmem>>, vector<1x16xf32>,
        %get3A_211 = vector.shape_cast %get3A_210 : vector<1x16xf32> to vector<16xf32>
        %add3A_212 = arith.addf %add3A_168, %get3A_211 : vector<16xf32>
        %get3A_213 = arith.index_cast %add3A_187 : i32 to index
        %get3A_214 = arith.constant 80 : index
        %get3A_215 = tpu.vector_load %arg7[%get3A_213, %get3A_214] {strides = array<i32>} : memref<128x128xf32, #tpu.memory_space<vmem>>, vector<1x16xf32>,
        %get3A_216 = vector.shape_cast %get3A_215 : vector<1x16xf32> to vector<16xf32>
        %add3A_217 = arith.addf %add3A_173, %get3A_216 : vector<16xf32>
        %get3A_218 = arith.index_cast %add3A_187 : i32 to index
        %get3A_219 = arith.constant 96 : index
        %get3A_220 = tpu.vector_load %arg7[%get3A_218, %get3A_219] {strides = array<i32>} : memref<128x128xf32, #tpu.memory_space<vmem>>, vector<1x16xf32>,
        %get3A_221 = vector.shape_cast %get3A_220 : vector<1x16xf32> to vector<16xf32>
        %add3A_222 = arith.addf %add3A_178, %get3A_221 : vector<16xf32>
        %get3A_223 = arith.index_cast %add3A_187 : i32 to index
        %get3A_224 = arith.constant 112 : index
        %get3A_225 = tpu.vector_load %arg7[%get3A_223, %get3A_224] {strides = array<i32>} : memref<128x128xf32, #tpu.memory_space<vmem>>, vector<1x16xf32>,
        %get3A_226 = vector.shape_cast %get3A_225 : vector<1x16xf32> to vector<16xf32>
        %add3A_227 = arith.addf %add3A_183, %get3A_226 : vector<16xf32>
        %mul3A_228 = arith.constant 8 : i32
        %mul3A_229 = arith.muli %scan3A_103, %mul3A_228 : i32
        %add3A_230 = arith.constant 3 : i32
        %add3A_231 = arith.addi %mul3A_229, %add3A_230 : i32
        %get3A_232 = arith.index_cast %add3A_231 : i32 to index
        %get3A_233 = arith.constant 0 : index
        %get3A_234 = tpu.vector_load %arg7[%get3A_232, %get3A_233] {strides = array<i32>} : memref<128x128xf32, #tpu.memory_space<vmem>>, vector<1x16xf32>,
        %get3A_235 = vector.shape_cast %get3A_234 : vector<1x16xf32> to vector<16xf32>
        %add3A_236 = arith.addf %add3A_192, %get3A_235 : vector<16xf32>
        %get3A_237 = arith.index_cast %add3A_231 : i32 to index
        %get3A_238 = arith.constant 16 : index
        %get3A_239 = tpu.vector_load %arg7[%get3A_237, %get3A_238] {strides = array<i32>} : memref<128x128xf32, #tpu.memory_space<vmem>>, vector<1x16xf32>,
        %get3A_240 = vector.shape_cast %get3A_239 : vector<1x16xf32> to vector<16xf32>
        %add3A_241 = arith.addf %add3A_197, %get3A_240 : vector<16xf32>
        %get3A_242 = arith.index_cast %add3A_231 : i32 to index
        %get3A_243 = arith.constant 32 : index
        %get3A_244 = tpu.vector_load %arg7[%get3A_242, %get3A_243] {strides = array<i32>} : memref<128x128xf32, #tpu.memory_space<vmem>>, vector<1x16xf32>,
        %get3A_245 = vector.shape_cast %get3A_244 : vector<1x16xf32> to vector<16xf32>
        %add3A_246 = arith.addf %add3A_202, %get3A_245 : vector<16xf32>
        %get3A_247 = arith.index_cast %add3A_231 : i32 to index
        %get3A_248 = arith.constant 48 : index
        %get3A_249 = tpu.vector_load %arg7[%get3A_247, %get3A_248] {strides = array<i32>} : memref<128x128xf32, #tpu.memory_space<vmem>>, vector<1x16xf32>,
        %get3A_250 = vector.shape_cast %get3A_249 : vector<1x16xf32> to vector<16xf32>
        %add3A_251 = arith.addf %add3A_207, %get3A_250 : vector<16xf32>
        %get3A_252 = arith.index_cast %add3A_231 : i32 to index
        %get3A_253 = arith.constant 64 : index
        %get3A_254 = tpu.vector_load %arg7[%get3A_252, %get3A_253] {strides = array<i32>} : memref<128x128xf32, #tpu.memory_space<vmem>>, vector<1x16xf32>,
        %get3A_255 = vector.shape_cast %get3A_254 : vector<1x16xf32> to vector<16xf32>
        %add3A_256 = arith.addf %add3A_212, %get3A_255 : vector<16xf32>
        %get3A_257 = arith.index_cast %add3A_231 : i32 to index
        %get3A_258 = arith.constant 80 : index
        %get3A_259 = tpu.vector_load %arg7[%get3A_257, %get3A_258] {strides = array<i32>} : memref<128x128xf32, #tpu.memory_space<vmem>>, vector<1x16xf32>,
        %get3A_260 = vector.shape_cast %get3A_259 : vector<1x16xf32> to vector<16xf32>
        %add3A_261 = arith.addf %add3A_217, %get3A_260 : vector<16xf32>
        %get3A_262 = arith.index_cast %add3A_231 : i32 to index
        %get3A_263 = arith.constant 96 : index
        %get3A_264 = tpu.vector_load %arg7[%get3A_262, %get3A_263] {strides = array<i32>} : memref<128x128xf32, #tpu.memory_space<vmem>>, vector<1x16xf32>,
        %get3A_265 = vector.shape_cast %get3A_264 : vector<1x16xf32> to vector<16xf32>
        %add3A_266 = arith.addf %add3A_222, %get3A_265 : vector<16xf32>
        %get3A_267 = arith.index_cast %add3A_231 : i32 to index
        %get3A_268 = arith.constant 112 : index
        %get3A_269 = tpu.vector_load %arg7[%get3A_267, %get3A_268] {strides = array<i32>} : memref<128x128xf32, #tpu.memory_space<vmem>>, vector<1x16xf32>,
        %get3A_270 = vector.shape_cast %get3A_269 : vector<1x16xf32> to vector<16xf32>
        %add3A_271 = arith.addf %add3A_227, %get3A_270 : vector<16xf32>
        %mul3A_272 = arith.constant 8 : i32
        %mul3A_273 = arith.muli %scan3A_103, %mul3A_272 : i32
        %add3A_274 = arith.constant 4 : i32
        %add3A_275 = arith.addi %mul3A_273, %add3A_274 : i32
        %get3A_276 = arith.index_cast %add3A_275 : i32 to index
        %get3A_277 = arith.constant 0 : index
        %get3A_278 = tpu.vector_load %arg7[%get3A_276, %get3A_277] {strides = array<i32>} : memref<128x128xf32, #tpu.memory_space<vmem>>, vector<1x16xf32>,
        %get3A_279 = vector.shape_cast %get3A_278 : vector<1x16xf32> to vector<16xf32>
        %add3A_280 = arith.addf %add3A_236, %get3A_279 : vector<16xf32>
        %get3A_281 = arith.index_cast %add3A_275 : i32 to index
        %get3A_282 = arith.constant 16 : index
        %get3A_283 = tpu.vector_load %arg7[%get3A_281, %get3A_282] {strides = array<i32>} : memref<128x128xf32, #tpu.memory_space<vmem>>, vector<1x16xf32>,
        %get3A_284 = vector.shape_cast %get3A_283 : vector<1x16xf32> to vector<16xf32>
        %add3A_285 = arith.addf %add3A_241, %get3A_284 : vector<16xf32>
        %get3A_286 = arith.index_cast %add3A_275 : i32 to index
        %get3A_287 = arith.constant 32 : index
        %get3A_288 = tpu.vector_load %arg7[%get3A_286, %get3A_287] {strides = array<i32>} : memref<128x128xf32, #tpu.memory_space<vmem>>, vector<1x16xf32>,
        %get3A_289 = vector.shape_cast %get3A_288 : vector<1x16xf32> to vector<16xf32>
        %add3A_290 = arith.addf %add3A_246, %get3A_289 : vector<16xf32>
        %get3A_291 = arith.index_cast %add3A_275 : i32 to index
        %get3A_292 = arith.constant 48 : index
        %get3A_293 = tpu.vector_load %arg7[%get3A_291, %get3A_292] {strides = array<i32>} : memref<128x128xf32, #tpu.memory_space<vmem>>, vector<1x16xf32>,
        %get3A_294 = vector.shape_cast %get3A_293 : vector<1x16xf32> to vector<16xf32>
        %add3A_295 = arith.addf %add3A_251, %get3A_294 : vector<16xf32>
        %get3A_296 = arith.index_cast %add3A_275 : i32 to index
        %get3A_297 = arith.constant 64 : index
        %get3A_298 = tpu.vector_load %arg7[%get3A_296, %get3A_297] {strides = array<i32>} : memref<128x128xf32, #tpu.memory_space<vmem>>, vector<1x16xf32>,
        %get3A_299 = vector.shape_cast %get3A_298 : vector<1x16xf32> to vector<16xf32>
        %add3A_300 = arith.addf %add3A_256, %get3A_299 : vector<16xf32>
        %get3A_301 = arith.index_cast %add3A_275 : i32 to index
        %get3A_302 = arith.constant 80 : index
        %get3A_303 = tpu.vector_load %arg7[%get3A_301, %get3A_302] {strides = array<i32>} : memref<128x128xf32, #tpu.memory_space<vmem>>, vector<1x16xf32>,
        %get3A_304 = vector.shape_cast %get3A_303 : vector<1x16xf32> to vector<16xf32>
        %add3A_305 = arith.addf %add3A_261, %get3A_304 : vector<16xf32>
        %get3A_306 = arith.index_cast %add3A_275 : i32 to index
        %get3A_307 = arith.constant 96 : index
        %get3A_308 = tpu.vector_load %arg7[%get3A_306, %get3A_307] {strides = array<i32>} : memref<128x128xf32, #tpu.memory_space<vmem>>, vector<1x16xf32>,
        %get3A_309 = vector.shape_cast %get3A_308 : vector<1x16xf32> to vector<16xf32>
        %add3A_310 = arith.addf %add3A_266, %get3A_309 : vector<16xf32>
        %get3A_311 = arith.index_cast %add3A_275 : i32 to index
        %get3A_312 = arith.constant 112 : index
        %get3A_313 = tpu.vector_load %arg7[%get3A_311, %get3A_312] {strides = array<i32>} : memref<128x128xf32, #tpu.memory_space<vmem>>, vector<1x16xf32>,
        %get3A_314 = vector.shape_cast %get3A_313 : vector<1x16xf32> to vector<16xf32>
        %add3A_315 = arith.addf %add3A_271, %get3A_314 : vector<16xf32>
        %mul3A_316 = arith.constant 8 : i32
        %mul3A_317 = arith.muli %scan3A_103, %mul3A_316 : i32
        %add3A_318 = arith.constant 5 : i32
        %add3A_319 = arith.addi %mul3A_317, %add3A_318 : i32
        %get3A_320 = arith.index_cast %add3A_319 : i32 to index
        %get3A_321 = arith.constant 0 : index
        %get3A_322 = tpu.vector_load %arg7[%get3A_320, %get3A_321] {strides = array<i32>} : memref<128x128xf32, #tpu.memory_space<vmem>>, vector<1x16xf32>,
        %get3A_323 = vector.shape_cast %get3A_322 : vector<1x16xf32> to vector<16xf32>
        %add3A_324 = arith.addf %add3A_280, %get3A_323 : vector<16xf32>
        %get3A_325 = arith.index_cast %add3A_319 : i32 to index
        %get3A_326 = arith.constant 16 : index
        %get3A_327 = tpu.vector_load %arg7[%get3A_325, %get3A_326] {strides = array<i32>} : memref<128x128xf32, #tpu.memory_space<vmem>>, vector<1x16xf32>,
        %get3A_328 = vector.shape_cast %get3A_327 : vector<1x16xf32> to vector<16xf32>
        %add3A_329 = arith.addf %add3A_285, %get3A_328 : vector<16xf32>
        %get3A_330 = arith.index_cast %add3A_319 : i32 to index
        %get3A_331 = arith.constant 32 : index
        %get3A_332 = tpu.vector_load %arg7[%get3A_330, %get3A_331] {strides = array<i32>} : memref<128x128xf32, #tpu.memory_space<vmem>>, vector<1x16xf32>,
        %get3A_333 = vector.shape_cast %get3A_332 : vector<1x16xf32> to vector<16xf32>
        %add3A_334 = arith.addf %add3A_290, %get3A_333 : vector<16xf32>
        %get3A_335 = arith.index_cast %add3A_319 : i32 to index
        %get3A_336 = arith.constant 48 : index
        %get3A_337 = tpu.vector_load %arg7[%get3A_335, %get3A_336] {strides = array<i32>} : memref<128x128xf32, #tpu.memory_space<vmem>>, vector<1x16xf32>,
        %get3A_338 = vector.shape_cast %get3A_337 : vector<1x16xf32> to vector<16xf32>
        %add3A_339 = arith.addf %add3A_295, %get3A_338 : vector<16xf32>
        %get3A_340 = arith.index_cast %add3A_319 : i32 to index
        %get3A_341 = arith.constant 64 : index
        %get3A_342 = tpu.vector_load %arg7[%get3A_340, %get3A_341] {strides = array<i32>} : memref<128x128xf32, #tpu.memory_space<vmem>>, vector<1x16xf32>,
        %get3A_343 = vector.shape_cast %get3A_342 : vector<1x16xf32> to vector<16xf32>
        %add3A_344 = arith.addf %add3A_300, %get3A_343 : vector<16xf32>
        %get3A_345 = arith.index_cast %add3A_319 : i32 to index
        %get3A_346 = arith.constant 80 : index
        %get3A_347 = tpu.vector_load %arg7[%get3A_345, %get3A_346] {strides = array<i32>} : memref<128x128xf32, #tpu.memory_space<vmem>>, vector<1x16xf32>,
        %get3A_348 = vector.shape_cast %get3A_347 : vector<1x16xf32> to vector<16xf32>
        %add3A_349 = arith.addf %add3A_305, %get3A_348 : vector<16xf32>
        %get3A_350 = arith.index_cast %add3A_319 : i32 to index
        %get3A_351 = arith.constant 96 : index
        %get3A_352 = tpu.vector_load %arg7[%get3A_350, %get3A_351] {strides = array<i32>} : memref<128x128xf32, #tpu.memory_space<vmem>>, vector<1x16xf32>,
        %get3A_353 = vector.shape_cast %get3A_352 : vector<1x16xf32> to vector<16xf32>
        %add3A_354 = arith.addf %add3A_310, %get3A_353 : vector<16xf32>
        %get3A_355 = arith.index_cast %add3A_319 : i32 to index
        %get3A_356 = arith.constant 112 : index
        %get3A_357 = tpu.vector_load %arg7[%get3A_355, %get3A_356] {strides = array<i32>} : memref<128x128xf32, #tpu.memory_space<vmem>>, vector<1x16xf32>,
        %get3A_358 = vector.shape_cast %get3A_357 : vector<1x16xf32> to vector<16xf32>
        %add3A_359 = arith.addf %add3A_315, %get3A_358 : vector<16xf32>
        %mul3A_360 = arith.constant 8 : i32
        %mul3A_361 = arith.muli %scan3A_103, %mul3A_360 : i32
        %add3A_362 = arith.constant 6 : i32
        %add3A_363 = arith.addi %mul3A_361, %add3A_362 : i32
        %get3A_364 = arith.index_cast %add3A_363 : i32 to index
        %get3A_365 = arith.constant 0 : index
        %get3A_366 = tpu.vector_load %arg7[%get3A_364, %get3A_365] {strides = array<i32>} : memref<128x128xf32, #tpu.memory_space<vmem>>, vector<1x16xf32>,
        %get3A_367 = vector.shape_cast %get3A_366 : vector<1x16xf32> to vector<16xf32>
        %add3A_368 = arith.addf %add3A_324, %get3A_367 : vector<16xf32>
        %get3A_369 = arith.index_cast %add3A_363 : i32 to index
        %get3A_370 = arith.constant 16 : index
        %get3A_371 = tpu.vector_load %arg7[%get3A_369, %get3A_370] {strides = array<i32>} : memref<128x128xf32, #tpu.memory_space<vmem>>, vector<1x16xf32>,
        %get3A_372 = vector.shape_cast %get3A_371 : vector<1x16xf32> to vector<16xf32>
        %add3A_373 = arith.addf %add3A_329, %get3A_372 : vector<16xf32>
        %get3A_374 = arith.index_cast %add3A_363 : i32 to index
        %get3A_375 = arith.constant 32 : index
        %get3A_376 = tpu.vector_load %arg7[%get3A_374, %get3A_375] {strides = array<i32>} : memref<128x128xf32, #tpu.memory_space<vmem>>, vector<1x16xf32>,
        %get3A_377 = vector.shape_cast %get3A_376 : vector<1x16xf32> to vector<16xf32>
        %add3A_378 = arith.addf %add3A_334, %get3A_377 : vector<16xf32>
        %get3A_379 = arith.index_cast %add3A_363 : i32 to index
        %get3A_380 = arith.constant 48 : index
        %get3A_381 = tpu.vector_load %arg7[%get3A_379, %get3A_380] {strides = array<i32>} : memref<128x128xf32, #tpu.memory_space<vmem>>, vector<1x16xf32>,
        %get3A_382 = vector.shape_cast %get3A_381 : vector<1x16xf32> to vector<16xf32>
        %add3A_383 = arith.addf %add3A_339, %get3A_382 : vector<16xf32>
        %get3A_384 = arith.index_cast %add3A_363 : i32 to index
        %get3A_385 = arith.constant 64 : index
        %get3A_386 = tpu.vector_load %arg7[%get3A_384, %get3A_385] {strides = array<i32>} : memref<128x128xf32, #tpu.memory_space<vmem>>, vector<1x16xf32>,
        %get3A_387 = vector.shape_cast %get3A_386 : vector<1x16xf32> to vector<16xf32>
        %add3A_388 = arith.addf %add3A_344, %get3A_387 : vector<16xf32>
        %get3A_389 = arith.index_cast %add3A_363 : i32 to index
        %get3A_390 = arith.constant 80 : index
        %get3A_391 = tpu.vector_load %arg7[%get3A_389, %get3A_390] {strides = array<i32>} : memref<128x128xf32, #tpu.memory_space<vmem>>, vector<1x16xf32>,
        %get3A_392 = vector.shape_cast %get3A_391 : vector<1x16xf32> to vector<16xf32>
        %add3A_393 = arith.addf %add3A_349, %get3A_392 : vector<16xf32>
        %get3A_394 = arith.index_cast %add3A_363 : i32 to index
        %get3A_395 = arith.constant 96 : index
        %get3A_396 = tpu.vector_load %arg7[%get3A_394, %get3A_395] {strides = array<i32>} : memref<128x128xf32, #tpu.memory_space<vmem>>, vector<1x16xf32>,
        %get3A_397 = vector.shape_cast %get3A_396 : vector<1x16xf32> to vector<16xf32>
        %add3A_398 = arith.addf %add3A_354, %get3A_397 : vector<16xf32>
        %get3A_399 = arith.index_cast %add3A_363 : i32 to index
        %get3A_400 = arith.constant 112 : index
        %get3A_401 = tpu.vector_load %arg7[%get3A_399, %get3A_400] {strides = array<i32>} : memref<128x128xf32, #tpu.memory_space<vmem>>, vector<1x16xf32>,
        %get3A_402 = vector.shape_cast %get3A_401 : vector<1x16xf32> to vector<16xf32>
        %add3A_403 = arith.addf %add3A_359, %get3A_402 : vector<16xf32>
        %mul3A_404 = arith.constant 8 : i32
        %mul3A_405 = arith.muli %scan3A_103, %mul3A_404 : i32
        %add3A_406 = arith.constant 7 : i32
        %add3A_407 = arith.addi %mul3A_405, %add3A_406 : i32
        %get3A_408 = arith.index_cast %add3A_407 : i32 to index
        %get3A_409 = arith.constant 0 : index
        %get3A_410 = tpu.vector_load %arg7[%get3A_408, %get3A_409] {strides = array<i32>} : memref<128x128xf32, #tpu.memory_space<vmem>>, vector<1x16xf32>,
        %get3A_411 = vector.shape_cast %get3A_410 : vector<1x16xf32> to vector<16xf32>
        %add3A_412 = arith.addf %add3A_368, %get3A_411 : vector<16xf32>
        %get3A_413 = arith.index_cast %add3A_407 : i32 to index
        %get3A_414 = arith.constant 16 : index
        %get3A_415 = tpu.vector_load %arg7[%get3A_413, %get3A_414] {strides = array<i32>} : memref<128x128xf32, #tpu.memory_space<vmem>>, vector<1x16xf32>,
        %get3A_416 = vector.shape_cast %get3A_415 : vector<1x16xf32> to vector<16xf32>
        %add3A_417 = arith.addf %add3A_373, %get3A_416 : vector<16xf32>
        %get3A_418 = arith.index_cast %add3A_407 : i32 to index
        %get3A_419 = arith.constant 32 : index
        %get3A_420 = tpu.vector_load %arg7[%get3A_418, %get3A_419] {strides = array<i32>} : memref<128x128xf32, #tpu.memory_space<vmem>>, vector<1x16xf32>,
        %get3A_421 = vector.shape_cast %get3A_420 : vector<1x16xf32> to vector<16xf32>
        %add3A_422 = arith.addf %add3A_378, %get3A_421 : vector<16xf32>
        %get3A_423 = arith.index_cast %add3A_407 : i32 to index
        %get3A_424 = arith.constant 48 : index
        %get3A_425 = tpu.vector_load %arg7[%get3A_423, %get3A_424] {strides = array<i32>} : memref<128x128xf32, #tpu.memory_space<vmem>>, vector<1x16xf32>,
        %get3A_426 = vector.shape_cast %get3A_425 : vector<1x16xf32> to vector<16xf32>
        %add3A_427 = arith.addf %add3A_383, %get3A_426 : vector<16xf32>
        %get3A_428 = arith.index_cast %add3A_407 : i32 to index
        %get3A_429 = arith.constant 64 : index
        %get3A_430 = tpu.vector_load %arg7[%get3A_428, %get3A_429] {strides = array<i32>} : memref<128x128xf32, #tpu.memory_space<vmem>>, vector<1x16xf32>,
        %get3A_431 = vector.shape_cast %get3A_430 : vector<1x16xf32> to vector<16xf32>
        %add3A_432 = arith.addf %add3A_388, %get3A_431 : vector<16xf32>
        %get3A_433 = arith.index_cast %add3A_407 : i32 to index
        %get3A_434 = arith.constant 80 : index
        %get3A_435 = tpu.vector_load %arg7[%get3A_433, %get3A_434] {strides = array<i32>} : memref<128x128xf32, #tpu.memory_space<vmem>>, vector<1x16xf32>,
        %get3A_436 = vector.shape_cast %get3A_435 : vector<1x16xf32> to vector<16xf32>
        %add3A_437 = arith.addf %add3A_393, %get3A_436 : vector<16xf32>
        %get3A_438 = arith.index_cast %add3A_407 : i32 to index
        %get3A_439 = arith.constant 96 : index
        %get3A_440 = tpu.vector_load %arg7[%get3A_438, %get3A_439] {strides = array<i32>} : memref<128x128xf32, #tpu.memory_space<vmem>>, vector<1x16xf32>,
        %get3A_441 = vector.shape_cast %get3A_440 : vector<1x16xf32> to vector<16xf32>
        %add3A_442 = arith.addf %add3A_398, %get3A_441 : vector<16xf32>
        %get3A_443 = arith.index_cast %add3A_407 : i32 to index
        %get3A_444 = arith.constant 112 : index
        %get3A_445 = tpu.vector_load %arg7[%get3A_443, %get3A_444] {strides = array<i32>} : memref<128x128xf32, #tpu.memory_space<vmem>>, vector<1x16xf32>,
        %get3A_446 = vector.shape_cast %get3A_445 : vector<1x16xf32> to vector<16xf32>
        %add3A_447 = arith.addf %add3A_403, %get3A_446 : vector<16xf32>
        %mul3A_448 = arith.constant 16 : i32
        %mul3A_449 = arith.muli %add3A_80, %mul3A_448 : i32
        %add3A_450 = arith.addi %mul3A_449, %scan3A_103 : i32
        %swap3A = arith.index_cast %add3A_450 : i32 to index
        %swap3A_451 = arith.constant 0 : index
        %swap3A_452 = tpu.vector_load %arg8[%swap3A, %swap3A_451] {strides = array<i32>} : memref<320x128xf32, #tpu.memory_space<vmem>>, vector<1x16xf32>,
        %swap3A_453 = vector.shape_cast %swap3A_452 : vector<1x16xf32> to vector<16xf32>
        %swap3A_454 = vector.shape_cast %add3A_412 : vector<16xf32> to vector<1x16xf32>
        tpu.vector_store %arg8[%swap3A, %swap3A_451], %swap3A_454 {strides = array<i32>} : memref<320x128xf32, #tpu.memory_space<vmem>>, vector<1x16xf32>,
        %mul3A_455 = arith.constant 16 : i32
        %mul3A_456 = arith.muli %add3A_80, %mul3A_455 : i32
        %add3A_457 = arith.addi %mul3A_456, %scan3A_103 : i32
        %swap3A_458 = arith.index_cast %add3A_457 : i32 to index
        %swap3A_459 = arith.constant 16 : index
        %swap3A_460 = tpu.vector_load %arg8[%swap3A_458, %swap3A_459] {strides = array<i32>} : memref<320x128xf32, #tpu.memory_space<vmem>>, vector<1x16xf32>,
        %swap3A_461 = vector.shape_cast %swap3A_460 : vector<1x16xf32> to vector<16xf32>
        %swap3A_462 = vector.shape_cast %add3A_417 : vector<16xf32> to vector<1x16xf32>
        tpu.vector_store %arg8[%swap3A_458, %swap3A_459], %swap3A_462 {strides = array<i32>} : memref<320x128xf32, #tpu.memory_space<vmem>>, vector<1x16xf32>,
        %mul3A_463 = arith.constant 16 : i32
        %mul3A_464 = arith.muli %add3A_80, %mul3A_463 : i32
        %add3A_465 = arith.addi %mul3A_464, %scan3A_103 : i32
        %swap3A_466 = arith.index_cast %add3A_465 : i32 to index
        %swap3A_467 = arith.constant 32 : index
        %swap3A_468 = tpu.vector_load %arg8[%swap3A_466, %swap3A_467] {strides = array<i32>} : memref<320x128xf32, #tpu.memory_space<vmem>>, vector<1x16xf32>,
        %swap3A_469 = vector.shape_cast %swap3A_468 : vector<1x16xf32> to vector<16xf32>
        %swap3A_470 = vector.shape_cast %add3A_422 : vector<16xf32> to vector<1x16xf32>
        tpu.vector_store %arg8[%swap3A_466, %swap3A_467], %swap3A_470 {strides = array<i32>} : memref<320x128xf32, #tpu.memory_space<vmem>>, vector<1x16xf32>,
        %mul3A_471 = arith.constant 16 : i32
        %mul3A_472 = arith.muli %add3A_80, %mul3A_471 : i32
        %add3A_473 = arith.addi %mul3A_472, %scan3A_103 : i32
        %swap3A_474 = arith.index_cast %add3A_473 : i32 to index
        %swap3A_475 = arith.constant 48 : index
        %swap3A_476 = tpu.vector_load %arg8[%swap3A_474, %swap3A_475] {strides = array<i32>} : memref<320x128xf32, #tpu.memory_space<vmem>>, vector<1x16xf32>,
        %swap3A_477 = vector.shape_cast %swap3A_476 : vector<1x16xf32> to vector<16xf32>
        %swap3A_478 = vector.shape_cast %add3A_427 : vector<16xf32> to vector<1x16xf32>
        tpu.vector_store %arg8[%swap3A_474, %swap3A_475], %swap3A_478 {strides = array<i32>} : memref<320x128xf32, #tpu.memory_space<vmem>>, vector<1x16xf32>,
        %mul3A_479 = arith.constant 16 : i32
        %mul3A_480 = arith.muli %add3A_80, %mul3A_479 : i32
        %add3A_481 = arith.addi %mul3A_480, %scan3A_103 : i32
        %swap3A_482 = arith.index_cast %add3A_481 : i32 to index
        %swap3A_483 = arith.constant 64 : index
        %swap3A_484 = tpu.vector_load %arg8[%swap3A_482, %swap3A_483] {strides = array<i32>} : memref<320x128xf32, #tpu.memory_space<vmem>>, vector<1x16xf32>,
        %swap3A_485 = vector.shape_cast %swap3A_484 : vector<1x16xf32> to vector<16xf32>
        %swap3A_486 = vector.shape_cast %add3A_432 : vector<16xf32> to vector<1x16xf32>
        tpu.vector_store %arg8[%swap3A_482, %swap3A_483], %swap3A_486 {strides = array<i32>} : memref<320x128xf32, #tpu.memory_space<vmem>>, vector<1x16xf32>,
        %mul3A_487 = arith.constant 16 : i32
        %mul3A_488 = arith.muli %add3A_80, %mul3A_487 : i32
        %add3A_489 = arith.addi %mul3A_488, %scan3A_103 : i32
        %swap3A_490 = arith.index_cast %add3A_489 : i32 to index
        %swap3A_491 = arith.constant 80 : index
        %swap3A_492 = tpu.vector_load %arg8[%swap3A_490, %swap3A_491] {strides = array<i32>} : memref<320x128xf32, #tpu.memory_space<vmem>>, vector<1x16xf32>,
        %swap3A_493 = vector.shape_cast %swap3A_492 : vector<1x16xf32> to vector<16xf32>
        %swap3A_494 = vector.shape_cast %add3A_437 : vector<16xf32> to vector<1x16xf32>
        tpu.vector_store %arg8[%swap3A_490, %swap3A_491], %swap3A_494 {strides = array<i32>} : memref<320x128xf32, #tpu.memory_space<vmem>>, vector<1x16xf32>,
        %mul3A_495 = arith.constant 16 : i32
        %mul3A_496 = arith.muli %add3A_80, %mul3A_495 : i32
        %add3A_497 = arith.addi %mul3A_496, %scan3A_103 : i32
        %swap3A_498 = arith.index_cast %add3A_497 : i32 to index
        %swap3A_499 = arith.constant 96 : index
        %swap3A_500 = tpu.vector_load %arg8[%swap3A_498, %swap3A_499] {strides = array<i32>} : memref<320x128xf32, #tpu.memory_space<vmem>>, vector<1x16xf32>,
        %swap3A_501 = vector.shape_cast %swap3A_500 : vector<1x16xf32> to vector<16xf32>
        %swap3A_502 = vector.shape_cast %add3A_442 : vector<16xf32> to vector<1x16xf32>
        tpu.vector_store %arg8[%swap3A_498, %swap3A_499], %swap3A_502 {strides = array<i32>} : memref<320x128xf32, #tpu.memory_space<vmem>>, vector<1x16xf32>,
        %mul3A_503 = arith.constant 16 : i32
        %mul3A_504 = arith.muli %add3A_80, %mul3A_503 : i32
        %add3A_505 = arith.addi %mul3A_504, %scan3A_103 : i32
        %swap3A_506 = arith.index_cast %add3A_505 : i32 to index
        %swap3A_507 = arith.constant 112 : index
        %swap3A_508 = tpu.vector_load %arg8[%swap3A_506, %swap3A_507] {strides = array<i32>} : memref<320x128xf32, #tpu.memory_space<vmem>>, vector<1x16xf32>,
        %swap3A_509 = vector.shape_cast %swap3A_508 : vector<1x16xf32> to vector<16xf32>
        %swap3A_510 = vector.shape_cast %add3A_447 : vector<16xf32> to vector<1x16xf32>
        tpu.vector_store %arg8[%swap3A_506, %swap3A_507], %swap3A_510 {strides = array<i32>} : memref<320x128xf32, #tpu.memory_space<vmem>>, vector<1x16xf32>,
        %scan3A_511 = arith.constant 0 : i32
        scf.yield %scan3A_511 : i32
      }
      %scan3A_93 = arith.constant 16 : i32
      %add3A_94 = arith.constant 2 : i32
      %add3A_95 = arith.addi %add3A_80, %add3A_94 : i32
      %mul3A_96 = arith.constant 128 : i32
      %mul3A_97 = arith.muli %add3A_95, %mul3A_96 : i32
      %dma_start3A_98 = tpu.memref_slice %arg5[%mul3A_97] : memref<2560xi32, #tpu.memory_space<vmem>> -> memref<128xi32, #tpu.memory_space<vmem>>
      %dma_start3A_99 = arith.constant 0 : i32
      %dma_start3A_100 = arith.constant 0 : i32
      %dma_start3A_101 = tpu.memref_slice %arg2[%dma_start3A_99, %dma_start3A_100] : memref<10240x128xf32, #tpu.memory_space<hbm>> -> memref<10240x128xf32, #tpu.memory_space<hbm>>
      tpu.enqueue_indirect_dma source(%dma_start3A_101 : memref<10240x128xf32, #tpu.memory_space<hbm>>) target(%arg7 : memref<128x128xf32, #tpu.memory_space<vmem>>) offsets(%dma_start3A_98 : memref<128xi32, #tpu.memory_space<vmem>>) semaphore(%arg10 : memref<!tpu.dma_semaphore, #tpu.memory_space<semaphore_mem>>)
      %scan3A_102 = arith.constant 0 : i32
      scf.yield %scan3A_102 : i32
    }
    %scan3A_26 = arith.constant 9 : i32
    %dma_wait3A = arith.constant 2304 : i32
    %dma_wait3A_27 = tpu.memref_slice %arg5[%dma_wait3A] : memref<2560xi32, #tpu.memory_space<vmem>> -> memref<128xi32, #tpu.memory_space<vmem>>
    %dma_wait3A_28 = arith.constant 0 : i32
    %dma_wait3A_29 = arith.constant 0 : i32
    %dma_wait3A_30 = tpu.memref_slice %arg2[%dma_wait3A_28, %dma_wait3A_29] : memref<10240x128xf32, #tpu.memory_space<hbm>> -> memref<10240x128xf32, #tpu.memory_space<hbm>>
    tpu.wait_indirect_dma semaphore(%arg9 : memref<!tpu.dma_semaphore, #tpu.memory_space<semaphore_mem>>) src(%dma_wait3A_30 : memref<10240x128xf32, #tpu.memory_space<hbm>>) dst(%arg6 : memref<128x128xf32, #tpu.memory_space<vmem>>)
    %scan3A_31 = arith.constant 0 : i32
    %scan3A_32 = arith.constant 0 : i32
    %scan3A_33 = arith.constant 16 : i32
    %scan3A_34 = arith.addi %scan3A_32, %scan3A_33 : i32
    %scan3A_35 = arith.constant 1 : i32
    %scan3A_36 = scf.for %scan3A_50 = %scan3A_32 to %scan3A_34 step %scan3A_35 iter_args(%scan3A_51 = %scan3A_31) -> (i32)  : i32 {
      %mul3A_52 = arith.constant 8 : i32
      %mul3A_53 = arith.muli %scan3A_50, %mul3A_52 : i32
      %add3A_54 = arith.constant 0 : i32
      %add3A_55 = arith.addi %mul3A_53, %add3A_54 : i32
      %get3A = arith.index_cast %add3A_55 : i32 to index
      %get3A_56 = arith.constant 0 : index
      %get3A_57 = tpu.vector_load %arg6[%get3A, %get3A_56] {strides = array<i32>} : memref<128x128xf32, #tpu.memory_space<vmem>>, vector<1x16xf32>,
      %get3A_58 = vector.shape_cast %get3A_57 : vector<1x16xf32> to vector<16xf32>
      %get3A_59 = arith.index_cast %add3A_55 : i32 to index
      %get3A_60 = arith.constant 16 : index
      %get3A_61 = tpu.vector_load %arg6[%get3A_59, %get3A_60] {strides = array<i32>} : memref<128x128xf32, #tpu.memory_space<vmem>>, vector<1x16xf32>,
      %get3A_62 = vector.shape_cast %get3A_61 : vector<1x16xf32> to vector<16xf32>
      %get3A_63 = arith.index_cast %add3A_55 : i32 to index
      %get3A_64 = arith.constant 32 : index
      %get3A_65 = tpu.vector_load %arg6[%get3A_63, %get3A_64] {strides = array<i32>} : memref<128x128xf32, #tpu.memory_space<vmem>>, vector<1x16xf32>,
      %get3A_66 = vector.shape_cast %get3A_65 : vector<1x16xf32> to vector<16xf32>
      %get3A_67 = arith.index_cast %add3A_55 : i32 to index
      %get3A_68 = arith.constant 48 : index
      %get3A_69 = tpu.vector_load %arg6[%get3A_67, %get3A_68] {strides = array<i32>} : memref<128x128xf32, #tpu.memory_space<vmem>>, vector<1x16xf32>,
      %get3A_70 = vector.shape_cast %get3A_69 : vector<1x16xf32> to vector<16xf32>
      %get3A_71 = arith.index_cast %add3A_55 : i32 to index
      %get3A_72 = arith.constant 64 : index
      %get3A_73 = tpu.vector_load %arg6[%get3A_71, %get3A_72] {strides = array<i32>} : memref<128x128xf32, #tpu.memory_space<vmem>>, vector<1x16xf32>,
      %get3A_74 = vector.shape_cast %get3A_73 : vector<1x16xf32> to vector<16xf32>
      %get3A_75 = arith.index_cast %add3A_55 : i32 to index
      %get3A_76 = arith.constant 80 : index
      %get3A_77 = tpu.vector_load %arg6[%get3A_75, %get3A_76] {strides = array<i32>} : memref<128x128xf32, #tpu.memory_space<vmem>>, vector<1x16xf32>,
      %get3A_78 = vector.shape_cast %get3A_77 : vector<1x16xf32> to vector<16xf32>
      %get3A_79 = arith.index_cast %add3A_55 : i32 to index
      %get3A_80 = arith.constant 96 : index
      %get3A_81 = tpu.vector_load %arg6[%get3A_79, %get3A_80] {strides = array<i32>} : memref<128x128xf32, #tpu.memory_space<vmem>>, vector<1x16xf32>,
      %get3A_82 = vector.shape_cast %get3A_81 : vector<1x16xf32> to vector<16xf32>
      %get3A_83 = arith.index_cast %add3A_55 : i32 to index
      %get3A_84 = arith.constant 112 : index
      %get3A_85 = tpu.vector_load %arg6[%get3A_83, %get3A_84] {strides = array<i32>} : memref<128x128xf32, #tpu.memory_space<vmem>>, vector<1x16xf32>,
      %get3A_86 = vector.shape_cast %get3A_85 : vector<1x16xf32> to vector<16xf32>
      %mul3A_87 = arith.constant 8 : i32
      %mul3A_88 = arith.muli %scan3A_50, %mul3A_87 : i32
      %add3A_89 = arith.constant 1 : i32
      %add3A_90 = arith.addi %mul3A_88, %add3A_89 : i32
      %get3A_91 = arith.index_cast %add3A_90 : i32 to index
      %get3A_92 = arith.constant 0 : index
      %get3A_93 = tpu.vector_load %arg6[%get3A_91, %get3A_92] {strides = array<i32>} : memref<128x128xf32, #tpu.memory_space<vmem>>, vector<1x16xf32>,
      %get3A_94 = vector.shape_cast %get3A_93 : vector<1x16xf32> to vector<16xf32>
      %add3A_95 = arith.addf %get3A_58, %get3A_94 : vector<16xf32>
      %get3A_96 = arith.index_cast %add3A_90 : i32 to index
      %get3A_97 = arith.constant 16 : index
      %get3A_98 = tpu.vector_load %arg6[%get3A_96, %get3A_97] {strides = array<i32>} : memref<128x128xf32, #tpu.memory_space<vmem>>, vector<1x16xf32>,
      %get3A_99 = vector.shape_cast %get3A_98 : vector<1x16xf32> to vector<16xf32>
      %add3A_100 = arith.addf %get3A_62, %get3A_99 : vector<16xf32>
      %get3A_101 = arith.index_cast %add3A_90 : i32 to index
      %get3A_102 = arith.constant 32 : index
      %get3A_103 = tpu.vector_load %arg6[%get3A_101, %get3A_102] {strides = array<i32>} : memref<128x128xf32, #tpu.memory_space<vmem>>, vector<1x16xf32>,
      %get3A_104 = vector.shape_cast %get3A_103 : vector<1x16xf32> to vector<16xf32>
      %add3A_105 = arith.addf %get3A_66, %get3A_104 : vector<16xf32>
      %get3A_106 = arith.index_cast %add3A_90 : i32 to index
      %get3A_107 = arith.constant 48 : index
      %get3A_108 = tpu.vector_load %arg6[%get3A_106, %get3A_107] {strides = array<i32>} : memref<128x128xf32, #tpu.memory_space<vmem>>, vector<1x16xf32>,
      %get3A_109 = vector.shape_cast %get3A_108 : vector<1x16xf32> to vector<16xf32>
      %add3A_110 = arith.addf %get3A_70, %get3A_109 : vector<16xf32>
      %get3A_111 = arith.index_cast %add3A_90 : i32 to index
      %get3A_112 = arith.constant 64 : index
      %get3A_113 = tpu.vector_load %arg6[%get3A_111, %get3A_112] {strides = array<i32>} : memref<128x128xf32, #tpu.memory_space<vmem>>, vector<1x16xf32>,
      %get3A_114 = vector.shape_cast %get3A_113 : vector<1x16xf32> to vector<16xf32>
      %add3A_115 = arith.addf %get3A_74, %get3A_114 : vector<16xf32>
      %get3A_116 = arith.index_cast %add3A_90 : i32 to index
      %get3A_117 = arith.constant 80 : index
      %get3A_118 = tpu.vector_load %arg6[%get3A_116, %get3A_117] {strides = array<i32>} : memref<128x128xf32, #tpu.memory_space<vmem>>, vector<1x16xf32>,
      %get3A_119 = vector.shape_cast %get3A_118 : vector<1x16xf32> to vector<16xf32>
      %add3A_120 = arith.addf %get3A_78, %get3A_119 : vector<16xf32>
      %get3A_121 = arith.index_cast %add3A_90 : i32 to index
      %get3A_122 = arith.constant 96 : index
      %get3A_123 = tpu.vector_load %arg6[%get3A_121, %get3A_122] {strides = array<i32>} : memref<128x128xf32, #tpu.memory_space<vmem>>, vector<1x16xf32>,
      %get3A_124 = vector.shape_cast %get3A_123 : vector<1x16xf32> to vector<16xf32>
      %add3A_125 = arith.addf %get3A_82, %get3A_124 : vector<16xf32>
      %get3A_126 = arith.index_cast %add3A_90 : i32 to index
      %get3A_127 = arith.constant 112 : index
      %get3A_128 = tpu.vector_load %arg6[%get3A_126, %get3A_127] {strides = array<i32>} : memref<128x128xf32, #tpu.memory_space<vmem>>, vector<1x16xf32>,
      %get3A_129 = vector.shape_cast %get3A_128 : vector<1x16xf32> to vector<16xf32>
      %add3A_130 = arith.addf %get3A_86, %get3A_129 : vector<16xf32>
      %mul3A_131 = arith.constant 8 : i32
      %mul3A_132 = arith.muli %scan3A_50, %mul3A_131 : i32
      %add3A_133 = arith.constant 2 : i32
      %add3A_134 = arith.addi %mul3A_132, %add3A_133 : i32
      %get3A_135 = arith.index_cast %add3A_134 : i32 to index
      %get3A_136 = arith.constant 0 : index
      %get3A_137 = tpu.vector_load %arg6[%get3A_135, %get3A_136] {strides = array<i32>} : memref<128x128xf32, #tpu.memory_space<vmem>>, vector<1x16xf32>,
      %get3A_138 = vector.shape_cast %get3A_137 : vector<1x16xf32> to vector<16xf32>
      %add3A_139 = arith.addf %add3A_95, %get3A_138 : vector<16xf32>
      %get3A_140 = arith.index_cast %add3A_134 : i32 to index
      %get3A_141 = arith.constant 16 : index
      %get3A_142 = tpu.vector_load %arg6[%get3A_140, %get3A_141] {strides = array<i32>} : memref<128x128xf32, #tpu.memory_space<vmem>>, vector<1x16xf32>,
      %get3A_143 = vector.shape_cast %get3A_142 : vector<1x16xf32> to vector<16xf32>
      %add3A_144 = arith.addf %add3A_100, %get3A_143 : vector<16xf32>
      %get3A_145 = arith.index_cast %add3A_134 : i32 to index
      %get3A_146 = arith.constant 32 : index
      %get3A_147 = tpu.vector_load %arg6[%get3A_145, %get3A_146] {strides = array<i32>} : memref<128x128xf32, #tpu.memory_space<vmem>>, vector<1x16xf32>,
      %get3A_148 = vector.shape_cast %get3A_147 : vector<1x16xf32> to vector<16xf32>
      %add3A_149 = arith.addf %add3A_105, %get3A_148 : vector<16xf32>
      %get3A_150 = arith.index_cast %add3A_134 : i32 to index
      %get3A_151 = arith.constant 48 : index
      %get3A_152 = tpu.vector_load %arg6[%get3A_150, %get3A_151] {strides = array<i32>} : memref<128x128xf32, #tpu.memory_space<vmem>>, vector<1x16xf32>,
      %get3A_153 = vector.shape_cast %get3A_152 : vector<1x16xf32> to vector<16xf32>
      %add3A_154 = arith.addf %add3A_110, %get3A_153 : vector<16xf32>
      %get3A_155 = arith.index_cast %add3A_134 : i32 to index
      %get3A_156 = arith.constant 64 : index
      %get3A_157 = tpu.vector_load %arg6[%get3A_155, %get3A_156] {strides = array<i32>} : memref<128x128xf32, #tpu.memory_space<vmem>>, vector<1x16xf32>,
      %get3A_158 = vector.shape_cast %get3A_157 : vector<1x16xf32> to vector<16xf32>
      %add3A_159 = arith.addf %add3A_115, %get3A_158 : vector<16xf32>
      %get3A_160 = arith.index_cast %add3A_134 : i32 to index
      %get3A_161 = arith.constant 80 : index
      %get3A_162 = tpu.vector_load %arg6[%get3A_160, %get3A_161] {strides = array<i32>} : memref<128x128xf32, #tpu.memory_space<vmem>>, vector<1x16xf32>,
      %get3A_163 = vector.shape_cast %get3A_162 : vector<1x16xf32> to vector<16xf32>
      %add3A_164 = arith.addf %add3A_120, %get3A_163 : vector<16xf32>
      %get3A_165 = arith.index_cast %add3A_134 : i32 to index
      %get3A_166 = arith.constant 96 : index
      %get3A_167 = tpu.vector_load %arg6[%get3A_165, %get3A_166] {strides = array<i32>} : memref<128x128xf32, #tpu.memory_space<vmem>>, vector<1x16xf32>,
      %get3A_168 = vector.shape_cast %get3A_167 : vector<1x16xf32> to vector<16xf32>
      %add3A_169 = arith.addf %add3A_125, %get3A_168 : vector<16xf32>
      %get3A_170 = arith.index_cast %add3A_134 : i32 to index
      %get3A_171 = arith.constant 112 : index
      %get3A_172 = tpu.vector_load %arg6[%get3A_170, %get3A_171] {strides = array<i32>} : memref<128x128xf32, #tpu.memory_space<vmem>>, vector<1x16xf32>,
      %get3A_173 = vector.shape_cast %get3A_172 : vector<1x16xf32> to vector<16xf32>
      %add3A_174 = arith.addf %add3A_130, %get3A_173 : vector<16xf32>
      %mul3A_175 = arith.constant 8 : i32
      %mul3A_176 = arith.muli %scan3A_50, %mul3A_175 : i32
      %add3A_177 = arith.constant 3 : i32
      %add3A_178 = arith.addi %mul3A_176, %add3A_177 : i32
      %get3A_179 = arith.index_cast %add3A_178 : i32 to index
      %get3A_180 = arith.constant 0 : index
      %get3A_181 = tpu.vector_load %arg6[%get3A_179, %get3A_180] {strides = array<i32>} : memref<128x128xf32, #tpu.memory_space<vmem>>, vector<1x16xf32>,
      %get3A_182 = vector.shape_cast %get3A_181 : vector<1x16xf32> to vector<16xf32>
      %add3A_183 = arith.addf %add3A_139, %get3A_182 : vector<16xf32>
      %get3A_184 = arith.index_cast %add3A_178 : i32 to index
      %get3A_185 = arith.constant 16 : index
      %get3A_186 = tpu.vector_load %arg6[%get3A_184, %get3A_185] {strides = array<i32>} : memref<128x128xf32, #tpu.memory_space<vmem>>, vector<1x16xf32>,
      %get3A_187 = vector.shape_cast %get3A_186 : vector<1x16xf32> to vector<16xf32>
      %add3A_188 = arith.addf %add3A_144, %get3A_187 : vector<16xf32>
      %get3A_189 = arith.index_cast %add3A_178 : i32 to index
      %get3A_190 = arith.constant 32 : index
      %get3A_191 = tpu.vector_load %arg6[%get3A_189, %get3A_190] {strides = array<i32>} : memref<128x128xf32, #tpu.memory_space<vmem>>, vector<1x16xf32>,
      %get3A_192 = vector.shape_cast %get3A_191 : vector<1x16xf32> to vector<16xf32>
      %add3A_193 = arith.addf %add3A_149, %get3A_192 : vector<16xf32>
      %get3A_194 = arith.index_cast %add3A_178 : i32 to index
      %get3A_195 = arith.constant 48 : index
      %get3A_196 = tpu.vector_load %arg6[%get3A_194, %get3A_195] {strides = array<i32>} : memref<128x128xf32, #tpu.memory_space<vmem>>, vector<1x16xf32>,
      %get3A_197 = vector.shape_cast %get3A_196 : vector<1x16xf32> to vector<16xf32>
      %add3A_198 = arith.addf %add3A_154, %get3A_197 : vector<16xf32>
      %get3A_199 = arith.index_cast %add3A_178 : i32 to index
      %get3A_200 = arith.constant 64 : index
      %get3A_201 = tpu.vector_load %arg6[%get3A_199, %get3A_200] {strides = array<i32>} : memref<128x128xf32, #tpu.memory_space<vmem>>, vector<1x16xf32>,
      %get3A_202 = vector.shape_cast %get3A_201 : vector<1x16xf32> to vector<16xf32>
      %add3A_203 = arith.addf %add3A_159, %get3A_202 : vector<16xf32>
      %get3A_204 = arith.index_cast %add3A_178 : i32 to index
      %get3A_205 = arith.constant 80 : index
      %get3A_206 = tpu.vector_load %arg6[%get3A_204, %get3A_205] {strides = array<i32>} : memref<128x128xf32, #tpu.memory_space<vmem>>, vector<1x16xf32>,
      %get3A_207 = vector.shape_cast %get3A_206 : vector<1x16xf32> to vector<16xf32>
      %add3A_208 = arith.addf %add3A_164, %get3A_207 : vector<16xf32>
      %get3A_209 = arith.index_cast %add3A_178 : i32 to index
      %get3A_210 = arith.constant 96 : index
      %get3A_211 = tpu.vector_load %arg6[%get3A_209, %get3A_210] {strides = array<i32>} : memref<128x128xf32, #tpu.memory_space<vmem>>, vector<1x16xf32>,
      %get3A_212 = vector.shape_cast %get3A_211 : vector<1x16xf32> to vector<16xf32>
      %add3A_213 = arith.addf %add3A_169, %get3A_212 : vector<16xf32>
      %get3A_214 = arith.index_cast %add3A_178 : i32 to index
      %get3A_215 = arith.constant 112 : index
      %get3A_216 = tpu.vector_load %arg6[%get3A_214, %get3A_215] {strides = array<i32>} : memref<128x128xf32, #tpu.memory_space<vmem>>, vector<1x16xf32>,
      %get3A_217 = vector.shape_cast %get3A_216 : vector<1x16xf32> to vector<16xf32>
      %add3A_218 = arith.addf %add3A_174, %get3A_217 : vector<16xf32>
      %mul3A_219 = arith.constant 8 : i32
      %mul3A_220 = arith.muli %scan3A_50, %mul3A_219 : i32
      %add3A_221 = arith.constant 4 : i32
      %add3A_222 = arith.addi %mul3A_220, %add3A_221 : i32
      %get3A_223 = arith.index_cast %add3A_222 : i32 to index
      %get3A_224 = arith.constant 0 : index
      %get3A_225 = tpu.vector_load %arg6[%get3A_223, %get3A_224] {strides = array<i32>} : memref<128x128xf32, #tpu.memory_space<vmem>>, vector<1x16xf32>,
      %get3A_226 = vector.shape_cast %get3A_225 : vector<1x16xf32> to vector<16xf32>
      %add3A_227 = arith.addf %add3A_183, %get3A_226 : vector<16xf32>
      %get3A_228 = arith.index_cast %add3A_222 : i32 to index
      %get3A_229 = arith.constant 16 : index
      %get3A_230 = tpu.vector_load %arg6[%get3A_228, %get3A_229] {strides = array<i32>} : memref<128x128xf32, #tpu.memory_space<vmem>>, vector<1x16xf32>,
      %get3A_231 = vector.shape_cast %get3A_230 : vector<1x16xf32> to vector<16xf32>
      %add3A_232 = arith.addf %add3A_188, %get3A_231 : vector<16xf32>
      %get3A_233 = arith.index_cast %add3A_222 : i32 to index
      %get3A_234 = arith.constant 32 : index
      %get3A_235 = tpu.vector_load %arg6[%get3A_233, %get3A_234] {strides = array<i32>} : memref<128x128xf32, #tpu.memory_space<vmem>>, vector<1x16xf32>,
      %get3A_236 = vector.shape_cast %get3A_235 : vector<1x16xf32> to vector<16xf32>
      %add3A_237 = arith.addf %add3A_193, %get3A_236 : vector<16xf32>
      %get3A_238 = arith.index_cast %add3A_222 : i32 to index
      %get3A_239 = arith.constant 48 : index
      %get3A_240 = tpu.vector_load %arg6[%get3A_238, %get3A_239] {strides = array<i32>} : memref<128x128xf32, #tpu.memory_space<vmem>>, vector<1x16xf32>,
      %get3A_241 = vector.shape_cast %get3A_240 : vector<1x16xf32> to vector<16xf32>
      %add3A_242 = arith.addf %add3A_198, %get3A_241 : vector<16xf32>
      %get3A_243 = arith.index_cast %add3A_222 : i32 to index
      %get3A_244 = arith.constant 64 : index
      %get3A_245 = tpu.vector_load %arg6[%get3A_243, %get3A_244] {strides = array<i32>} : memref<128x128xf32, #tpu.memory_space<vmem>>, vector<1x16xf32>,
      %get3A_246 = vector.shape_cast %get3A_245 : vector<1x16xf32> to vector<16xf32>
      %add3A_247 = arith.addf %add3A_203, %get3A_246 : vector<16xf32>
      %get3A_248 = arith.index_cast %add3A_222 : i32 to index
      %get3A_249 = arith.constant 80 : index
      %get3A_250 = tpu.vector_load %arg6[%get3A_248, %get3A_249] {strides = array<i32>} : memref<128x128xf32, #tpu.memory_space<vmem>>, vector<1x16xf32>,
      %get3A_251 = vector.shape_cast %get3A_250 : vector<1x16xf32> to vector<16xf32>
      %add3A_252 = arith.addf %add3A_208, %get3A_251 : vector<16xf32>
      %get3A_253 = arith.index_cast %add3A_222 : i32 to index
      %get3A_254 = arith.constant 96 : index
      %get3A_255 = tpu.vector_load %arg6[%get3A_253, %get3A_254] {strides = array<i32>} : memref<128x128xf32, #tpu.memory_space<vmem>>, vector<1x16xf32>,
      %get3A_256 = vector.shape_cast %get3A_255 : vector<1x16xf32> to vector<16xf32>
      %add3A_257 = arith.addf %add3A_213, %get3A_256 : vector<16xf32>
      %get3A_258 = arith.index_cast %add3A_222 : i32 to index
      %get3A_259 = arith.constant 112 : index
      %get3A_260 = tpu.vector_load %arg6[%get3A_258, %get3A_259] {strides = array<i32>} : memref<128x128xf32, #tpu.memory_space<vmem>>, vector<1x16xf32>,
      %get3A_261 = vector.shape_cast %get3A_260 : vector<1x16xf32> to vector<16xf32>
      %add3A_262 = arith.addf %add3A_218, %get3A_261 : vector<16xf32>
      %mul3A_263 = arith.constant 8 : i32
      %mul3A_264 = arith.muli %scan3A_50, %mul3A_263 : i32
      %add3A_265 = arith.constant 5 : i32
      %add3A_266 = arith.addi %mul3A_264, %add3A_265 : i32
      %get3A_267 = arith.index_cast %add3A_266 : i32 to index
      %get3A_268 = arith.constant 0 : index
      %get3A_269 = tpu.vector_load %arg6[%get3A_267, %get3A_268] {strides = array<i32>} : memref<128x128xf32, #tpu.memory_space<vmem>>, vector<1x16xf32>,
      %get3A_270 = vector.shape_cast %get3A_269 : vector<1x16xf32> to vector<16xf32>
      %add3A_271 = arith.addf %add3A_227, %get3A_270 : vector<16xf32>
      %get3A_272 = arith.index_cast %add3A_266 : i32 to index
      %get3A_273 = arith.constant 16 : index
      %get3A_274 = tpu.vector_load %arg6[%get3A_272, %get3A_273] {strides = array<i32>} : memref<128x128xf32, #tpu.memory_space<vmem>>, vector<1x16xf32>,
      %get3A_275 = vector.shape_cast %get3A_274 : vector<1x16xf32> to vector<16xf32>
      %add3A_276 = arith.addf %add3A_232, %get3A_275 : vector<16xf32>
      %get3A_277 = arith.index_cast %add3A_266 : i32 to index
      %get3A_278 = arith.constant 32 : index
      %get3A_279 = tpu.vector_load %arg6[%get3A_277, %get3A_278] {strides = array<i32>} : memref<128x128xf32, #tpu.memory_space<vmem>>, vector<1x16xf32>,
      %get3A_280 = vector.shape_cast %get3A_279 : vector<1x16xf32> to vector<16xf32>
      %add3A_281 = arith.addf %add3A_237, %get3A_280 : vector<16xf32>
      %get3A_282 = arith.index_cast %add3A_266 : i32 to index
      %get3A_283 = arith.constant 48 : index
      %get3A_284 = tpu.vector_load %arg6[%get3A_282, %get3A_283] {strides = array<i32>} : memref<128x128xf32, #tpu.memory_space<vmem>>, vector<1x16xf32>,
      %get3A_285 = vector.shape_cast %get3A_284 : vector<1x16xf32> to vector<16xf32>
      %add3A_286 = arith.addf %add3A_242, %get3A_285 : vector<16xf32>
      %get3A_287 = arith.index_cast %add3A_266 : i32 to index
      %get3A_288 = arith.constant 64 : index
      %get3A_289 = tpu.vector_load %arg6[%get3A_287, %get3A_288] {strides = array<i32>} : memref<128x128xf32, #tpu.memory_space<vmem>>, vector<1x16xf32>,
      %get3A_290 = vector.shape_cast %get3A_289 : vector<1x16xf32> to vector<16xf32>
      %add3A_291 = arith.addf %add3A_247, %get3A_290 : vector<16xf32>
      %get3A_292 = arith.index_cast %add3A_266 : i32 to index
      %get3A_293 = arith.constant 80 : index
      %get3A_294 = tpu.vector_load %arg6[%get3A_292, %get3A_293] {strides = array<i32>} : memref<128x128xf32, #tpu.memory_space<vmem>>, vector<1x16xf32>,
      %get3A_295 = vector.shape_cast %get3A_294 : vector<1x16xf32> to vector<16xf32>
      %add3A_296 = arith.addf %add3A_252, %get3A_295 : vector<16xf32>
      %get3A_297 = arith.index_cast %add3A_266 : i32 to index
      %get3A_298 = arith.constant 96 : index
      %get3A_299 = tpu.vector_load %arg6[%get3A_297, %get3A_298] {strides = array<i32>} : memref<128x128xf32, #tpu.memory_space<vmem>>, vector<1x16xf32>,
      %get3A_300 = vector.shape_cast %get3A_299 : vector<1x16xf32> to vector<16xf32>
      %add3A_301 = arith.addf %add3A_257, %get3A_300 : vector<16xf32>
      %get3A_302 = arith.index_cast %add3A_266 : i32 to index
      %get3A_303 = arith.constant 112 : index
      %get3A_304 = tpu.vector_load %arg6[%get3A_302, %get3A_303] {strides = array<i32>} : memref<128x128xf32, #tpu.memory_space<vmem>>, vector<1x16xf32>,
      %get3A_305 = vector.shape_cast %get3A_304 : vector<1x16xf32> to vector<16xf32>
      %add3A_306 = arith.addf %add3A_262, %get3A_305 : vector<16xf32>
      %mul3A_307 = arith.constant 8 : i32
      %mul3A_308 = arith.muli %scan3A_50, %mul3A_307 : i32
      %add3A_309 = arith.constant 6 : i32
      %add3A_310 = arith.addi %mul3A_308, %add3A_309 : i32
      %get3A_311 = arith.index_cast %add3A_310 : i32 to index
      %get3A_312 = arith.constant 0 : index
      %get3A_313 = tpu.vector_load %arg6[%get3A_311, %get3A_312] {strides = array<i32>} : memref<128x128xf32, #tpu.memory_space<vmem>>, vector<1x16xf32>,
      %get3A_314 = vector.shape_cast %get3A_313 : vector<1x16xf32> to vector<16xf32>
      %add3A_315 = arith.addf %add3A_271, %get3A_314 : vector<16xf32>
      %get3A_316 = arith.index_cast %add3A_310 : i32 to index
      %get3A_317 = arith.constant 16 : index
      %get3A_318 = tpu.vector_load %arg6[%get3A_316, %get3A_317] {strides = array<i32>} : memref<128x128xf32, #tpu.memory_space<vmem>>, vector<1x16xf32>,
      %get3A_319 = vector.shape_cast %get3A_318 : vector<1x16xf32> to vector<16xf32>
      %add3A_320 = arith.addf %add3A_276, %get3A_319 : vector<16xf32>
      %get3A_321 = arith.index_cast %add3A_310 : i32 to index
      %get3A_322 = arith.constant 32 : index
      %get3A_323 = tpu.vector_load %arg6[%get3A_321, %get3A_322] {strides = array<i32>} : memref<128x128xf32, #tpu.memory_space<vmem>>, vector<1x16xf32>,
      %get3A_324 = vector.shape_cast %get3A_323 : vector<1x16xf32> to vector<16xf32>
      %add3A_325 = arith.addf %add3A_281, %get3A_324 : vector<16xf32>
      %get3A_326 = arith.index_cast %add3A_310 : i32 to index
      %get3A_327 = arith.constant 48 : index
      %get3A_328 = tpu.vector_load %arg6[%get3A_326, %get3A_327] {strides = array<i32>} : memref<128x128xf32, #tpu.memory_space<vmem>>, vector<1x16xf32>,
      %get3A_329 = vector.shape_cast %get3A_328 : vector<1x16xf32> to vector<16xf32>
      %add3A_330 = arith.addf %add3A_286, %get3A_329 : vector<16xf32>
      %get3A_331 = arith.index_cast %add3A_310 : i32 to index
      %get3A_332 = arith.constant 64 : index
      %get3A_333 = tpu.vector_load %arg6[%get3A_331, %get3A_332] {strides = array<i32>} : memref<128x128xf32, #tpu.memory_space<vmem>>, vector<1x16xf32>,
      %get3A_334 = vector.shape_cast %get3A_333 : vector<1x16xf32> to vector<16xf32>
      %add3A_335 = arith.addf %add3A_291, %get3A_334 : vector<16xf32>
      %get3A_336 = arith.index_cast %add3A_310 : i32 to index
      %get3A_337 = arith.constant 80 : index
      %get3A_338 = tpu.vector_load %arg6[%get3A_336, %get3A_337] {strides = array<i32>} : memref<128x128xf32, #tpu.memory_space<vmem>>, vector<1x16xf32>,
      %get3A_339 = vector.shape_cast %get3A_338 : vector<1x16xf32> to vector<16xf32>
      %add3A_340 = arith.addf %add3A_296, %get3A_339 : vector<16xf32>
      %get3A_341 = arith.index_cast %add3A_310 : i32 to index
      %get3A_342 = arith.constant 96 : index
      %get3A_343 = tpu.vector_load %arg6[%get3A_341, %get3A_342] {strides = array<i32>} : memref<128x128xf32, #tpu.memory_space<vmem>>, vector<1x16xf32>,
      %get3A_344 = vector.shape_cast %get3A_343 : vector<1x16xf32> to vector<16xf32>
      %add3A_345 = arith.addf %add3A_301, %get3A_344 : vector<16xf32>
      %get3A_346 = arith.index_cast %add3A_310 : i32 to index
      %get3A_347 = arith.constant 112 : index
      %get3A_348 = tpu.vector_load %arg6[%get3A_346, %get3A_347] {strides = array<i32>} : memref<128x128xf32, #tpu.memory_space<vmem>>, vector<1x16xf32>,
      %get3A_349 = vector.shape_cast %get3A_348 : vector<1x16xf32> to vector<16xf32>
      %add3A_350 = arith.addf %add3A_306, %get3A_349 : vector<16xf32>
      %mul3A_351 = arith.constant 8 : i32
      %mul3A_352 = arith.muli %scan3A_50, %mul3A_351 : i32
      %add3A_353 = arith.constant 7 : i32
      %add3A_354 = arith.addi %mul3A_352, %add3A_353 : i32
      %get3A_355 = arith.index_cast %add3A_354 : i32 to index
      %get3A_356 = arith.constant 0 : index
      %get3A_357 = tpu.vector_load %arg6[%get3A_355, %get3A_356] {strides = array<i32>} : memref<128x128xf32, #tpu.memory_space<vmem>>, vector<1x16xf32>,
      %get3A_358 = vector.shape_cast %get3A_357 : vector<1x16xf32> to vector<16xf32>
      %add3A_359 = arith.addf %add3A_315, %get3A_358 : vector<16xf32>
      %get3A_360 = arith.index_cast %add3A_354 : i32 to index
      %get3A_361 = arith.constant 16 : index
      %get3A_362 = tpu.vector_load %arg6[%get3A_360, %get3A_361] {strides = array<i32>} : memref<128x128xf32, #tpu.memory_space<vmem>>, vector<1x16xf32>,
      %get3A_363 = vector.shape_cast %get3A_362 : vector<1x16xf32> to vector<16xf32>
      %add3A_364 = arith.addf %add3A_320, %get3A_363 : vector<16xf32>
      %get3A_365 = arith.index_cast %add3A_354 : i32 to index
      %get3A_366 = arith.constant 32 : index
      %get3A_367 = tpu.vector_load %arg6[%get3A_365, %get3A_366] {strides = array<i32>} : memref<128x128xf32, #tpu.memory_space<vmem>>, vector<1x16xf32>,
      %get3A_368 = vector.shape_cast %get3A_367 : vector<1x16xf32> to vector<16xf32>
      %add3A_369 = arith.addf %add3A_325, %get3A_368 : vector<16xf32>
      %get3A_370 = arith.index_cast %add3A_354 : i32 to index
      %get3A_371 = arith.constant 48 : index
      %get3A_372 = tpu.vector_load %arg6[%get3A_370, %get3A_371] {strides = array<i32>} : memref<128x128xf32, #tpu.memory_space<vmem>>, vector<1x16xf32>,
      %get3A_373 = vector.shape_cast %get3A_372 : vector<1x16xf32> to vector<16xf32>
      %add3A_374 = arith.addf %add3A_330, %get3A_373 : vector<16xf32>
      %get3A_375 = arith.index_cast %add3A_354 : i32 to index
      %get3A_376 = arith.constant 64 : index
      %get3A_377 = tpu.vector_load %arg6[%get3A_375, %get3A_376] {strides = array<i32>} : memref<128x128xf32, #tpu.memory_space<vmem>>, vector<1x16xf32>,
      %get3A_378 = vector.shape_cast %get3A_377 : vector<1x16xf32> to vector<16xf32>
      %add3A_379 = arith.addf %add3A_335, %get3A_378 : vector<16xf32>
      %get3A_380 = arith.index_cast %add3A_354 : i32 to index
      %get3A_381 = arith.constant 80 : index
      %get3A_382 = tpu.vector_load %arg6[%get3A_380, %get3A_381] {strides = array<i32>} : memref<128x128xf32, #tpu.memory_space<vmem>>, vector<1x16xf32>,
      %get3A_383 = vector.shape_cast %get3A_382 : vector<1x16xf32> to vector<16xf32>
      %add3A_384 = arith.addf %add3A_340, %get3A_383 : vector<16xf32>
      %get3A_385 = arith.index_cast %add3A_354 : i32 to index
      %get3A_386 = arith.constant 96 : index
      %get3A_387 = tpu.vector_load %arg6[%get3A_385, %get3A_386] {strides = array<i32>} : memref<128x128xf32, #tpu.memory_space<vmem>>, vector<1x16xf32>,
      %get3A_388 = vector.shape_cast %get3A_387 : vector<1x16xf32> to vector<16xf32>
      %add3A_389 = arith.addf %add3A_345, %get3A_388 : vector<16xf32>
      %get3A_390 = arith.index_cast %add3A_354 : i32 to index
      %get3A_391 = arith.constant 112 : index
      %get3A_392 = tpu.vector_load %arg6[%get3A_390, %get3A_391] {strides = array<i32>} : memref<128x128xf32, #tpu.memory_space<vmem>>, vector<1x16xf32>,
      %get3A_393 = vector.shape_cast %get3A_392 : vector<1x16xf32> to vector<16xf32>
      %add3A_394 = arith.addf %add3A_350, %get3A_393 : vector<16xf32>
      %add3A_395 = arith.constant 288 : i32
      %add3A_396 = arith.addi %add3A_395, %scan3A_50 : i32
      %swap3A = arith.index_cast %add3A_396 : i32 to index
      %swap3A_397 = arith.constant 0 : index
      %swap3A_398 = tpu.vector_load %arg8[%swap3A, %swap3A_397] {strides = array<i32>} : memref<320x128xf32, #tpu.memory_space<vmem>>, vector<1x16xf32>,
      %swap3A_399 = vector.shape_cast %swap3A_398 : vector<1x16xf32> to vector<16xf32>
      %swap3A_400 = vector.shape_cast %add3A_359 : vector<16xf32> to vector<1x16xf32>
      tpu.vector_store %arg8[%swap3A, %swap3A_397], %swap3A_400 {strides = array<i32>} : memref<320x128xf32, #tpu.memory_space<vmem>>, vector<1x16xf32>,
      %add3A_401 = arith.constant 288 : i32
      %add3A_402 = arith.addi %add3A_401, %scan3A_50 : i32
      %swap3A_403 = arith.index_cast %add3A_402 : i32 to index
      %swap3A_404 = arith.constant 16 : index
      %swap3A_405 = tpu.vector_load %arg8[%swap3A_403, %swap3A_404] {strides = array<i32>} : memref<320x128xf32, #tpu.memory_space<vmem>>, vector<1x16xf32>,
      %swap3A_406 = vector.shape_cast %swap3A_405 : vector<1x16xf32> to vector<16xf32>
      %swap3A_407 = vector.shape_cast %add3A_364 : vector<16xf32> to vector<1x16xf32>
      tpu.vector_store %arg8[%swap3A_403, %swap3A_404], %swap3A_407 {strides = array<i32>} : memref<320x128xf32, #tpu.memory_space<vmem>>, vector<1x16xf32>,
      %add3A_408 = arith.constant 288 : i32
      %add3A_409 = arith.addi %add3A_408, %scan3A_50 : i32
      %swap3A_410 = arith.index_cast %add3A_409 : i32 to index
      %swap3A_411 = arith.constant 32 : index
      %swap3A_412 = tpu.vector_load %arg8[%swap3A_410, %swap3A_411] {strides = array<i32>} : memref<320x128xf32, #tpu.memory_space<vmem>>, vector<1x16xf32>,
      %swap3A_413 = vector.shape_cast %swap3A_412 : vector<1x16xf32> to vector<16xf32>
      %swap3A_414 = vector.shape_cast %add3A_369 : vector<16xf32> to vector<1x16xf32>
      tpu.vector_store %arg8[%swap3A_410, %swap3A_411], %swap3A_414 {strides = array<i32>} : memref<320x128xf32, #tpu.memory_space<vmem>>, vector<1x16xf32>,
      %add3A_415 = arith.constant 288 : i32
      %add3A_416 = arith.addi %add3A_415, %scan3A_50 : i32
      %swap3A_417 = arith.index_cast %add3A_416 : i32 to index
      %swap3A_418 = arith.constant 48 : index
      %swap3A_419 = tpu.vector_load %arg8[%swap3A_417, %swap3A_418] {strides = array<i32>} : memref<320x128xf32, #tpu.memory_space<vmem>>, vector<1x16xf32>,
      %swap3A_420 = vector.shape_cast %swap3A_419 : vector<1x16xf32> to vector<16xf32>
      %swap3A_421 = vector.shape_cast %add3A_374 : vector<16xf32> to vector<1x16xf32>
      tpu.vector_store %arg8[%swap3A_417, %swap3A_418], %swap3A_421 {strides = array<i32>} : memref<320x128xf32, #tpu.memory_space<vmem>>, vector<1x16xf32>,
      %add3A_422 = arith.constant 288 : i32
      %add3A_423 = arith.addi %add3A_422, %scan3A_50 : i32
      %swap3A_424 = arith.index_cast %add3A_423 : i32 to index
      %swap3A_425 = arith.constant 64 : index
      %swap3A_426 = tpu.vector_load %arg8[%swap3A_424, %swap3A_425] {strides = array<i32>} : memref<320x128xf32, #tpu.memory_space<vmem>>, vector<1x16xf32>,
      %swap3A_427 = vector.shape_cast %swap3A_426 : vector<1x16xf32> to vector<16xf32>
      %swap3A_428 = vector.shape_cast %add3A_379 : vector<16xf32> to vector<1x16xf32>
      tpu.vector_store %arg8[%swap3A_424, %swap3A_425], %swap3A_428 {strides = array<i32>} : memref<320x128xf32, #tpu.memory_space<vmem>>, vector<1x16xf32>,
      %add3A_429 = arith.constant 288 : i32
      %add3A_430 = arith.addi %add3A_429, %scan3A_50 : i32
      %swap3A_431 = arith.index_cast %add3A_430 : i32 to index
      %swap3A_432 = arith.constant 80 : index
      %swap3A_433 = tpu.vector_load %arg8[%swap3A_431, %swap3A_432] {strides = array<i32>} : memref<320x128xf32, #tpu.memory_space<vmem>>, vector<1x16xf32>,
      %swap3A_434 = vector.shape_cast %swap3A_433 : vector<1x16xf32> to vector<16xf32>
      %swap3A_435 = vector.shape_cast %add3A_384 : vector<16xf32> to vector<1x16xf32>
      tpu.vector_store %arg8[%swap3A_431, %swap3A_432], %swap3A_435 {strides = array<i32>} : memref<320x128xf32, #tpu.memory_space<vmem>>, vector<1x16xf32>,
      %add3A_436 = arith.constant 288 : i32
      %add3A_437 = arith.addi %add3A_436, %scan3A_50 : i32
      %swap3A_438 = arith.index_cast %add3A_437 : i32 to index
      %swap3A_439 = arith.constant 96 : index
      %swap3A_440 = tpu.vector_load %arg8[%swap3A_438, %swap3A_439] {strides = array<i32>} : memref<320x128xf32, #tpu.memory_space<vmem>>, vector<1x16xf32>,
      %swap3A_441 = vector.shape_cast %swap3A_440 : vector<1x16xf32> to vector<16xf32>
      %swap3A_442 = vector.shape_cast %add3A_389 : vector<16xf32> to vector<1x16xf32>
      tpu.vector_store %arg8[%swap3A_438, %swap3A_439], %swap3A_442 {strides = array<i32>} : memref<320x128xf32, #tpu.memory_space<vmem>>, vector<1x16xf32>,
      %add3A_443 = arith.constant 288 : i32
      %add3A_444 = arith.addi %add3A_443, %scan3A_50 : i32
      %swap3A_445 = arith.index_cast %add3A_444 : i32 to index
      %swap3A_446 = arith.constant 112 : index
      %swap3A_447 = tpu.vector_load %arg8[%swap3A_445, %swap3A_446] {strides = array<i32>} : memref<320x128xf32, #tpu.memory_space<vmem>>, vector<1x16xf32>,
      %swap3A_448 = vector.shape_cast %swap3A_447 : vector<1x16xf32> to vector<16xf32>
      %swap3A_449 = vector.shape_cast %add3A_394 : vector<16xf32> to vector<1x16xf32>
      tpu.vector_store %arg8[%swap3A_445, %swap3A_446], %swap3A_449 {strides = array<i32>} : memref<320x128xf32, #tpu.memory_space<vmem>>, vector<1x16xf32>,
      %scan3A_450 = arith.constant 0 : i32
      scf.yield %scan3A_450 : i32
    }
    %scan3A_37 = arith.constant 16 : i32
    %dma_wait3A_38 = arith.constant 2432 : i32
    %dma_wait3A_39 = tpu.memref_slice %arg5[%dma_wait3A_38] : memref<2560xi32, #tpu.memory_space<vmem>> -> memref<128xi32, #tpu.memory_space<vmem>>
    %dma_wait3A_40 = arith.constant 0 : i32
    %dma_wait3A_41 = arith.constant 0 : i32
    %dma_wait3A_42 = tpu.memref_slice %arg2[%dma_wait3A_40, %dma_wait3A_41] : memref<10240x128xf32, #tpu.memory_space<hbm>> -> memref<10240x128xf32, #tpu.memory_space<hbm>>
    tpu.wait_indirect_dma semaphore(%arg10 : memref<!tpu.dma_semaphore, #tpu.memory_space<semaphore_mem>>) src(%dma_wait3A_42 : memref<10240x128xf32, #tpu.memory_space<hbm>>) dst(%arg7 : memref<128x128xf32, #tpu.memory_space<vmem>>)
    %scan3A_43 = arith.constant 0 : i32
    %scan3A_44 = arith.constant 0 : i32
    %scan3A_45 = arith.constant 16 : i32
    %scan3A_46 = arith.addi %scan3A_44, %scan3A_45 : i32
    %scan3A_47 = arith.constant 1 : i32
    %scan3A_48 = scf.for %scan3A_50 = %scan3A_44 to %scan3A_46 step %scan3A_47 iter_args(%scan3A_51 = %scan3A_43) -> (i32)  : i32 {
      %mul3A_52 = arith.constant 8 : i32
      %mul3A_53 = arith.muli %scan3A_50, %mul3A_52 : i32
      %add3A_54 = arith.constant 0 : i32
      %add3A_55 = arith.addi %mul3A_53, %add3A_54 : i32
      %get3A = arith.index_cast %add3A_55 : i32 to index
      %get3A_56 = arith.constant 0 : index
      %get3A_57 = tpu.vector_load %arg7[%get3A, %get3A_56] {strides = array<i32>} : memref<128x128xf32, #tpu.memory_space<vmem>>, vector<1x16xf32>,
      %get3A_58 = vector.shape_cast %get3A_57 : vector<1x16xf32> to vector<16xf32>
      %get3A_59 = arith.index_cast %add3A_55 : i32 to index
      %get3A_60 = arith.constant 16 : index
      %get3A_61 = tpu.vector_load %arg7[%get3A_59, %get3A_60] {strides = array<i32>} : memref<128x128xf32, #tpu.memory_space<vmem>>, vector<1x16xf32>,
      %get3A_62 = vector.shape_cast %get3A_61 : vector<1x16xf32> to vector<16xf32>
      %get3A_63 = arith.index_cast %add3A_55 : i32 to index
      %get3A_64 = arith.constant 32 : index
      %get3A_65 = tpu.vector_load %arg7[%get3A_63, %get3A_64] {strides = array<i32>} : memref<128x128xf32, #tpu.memory_space<vmem>>, vector<1x16xf32>,
      %get3A_66 = vector.shape_cast %get3A_65 : vector<1x16xf32> to vector<16xf32>
      %get3A_67 = arith.index_cast %add3A_55 : i32 to index
      %get3A_68 = arith.constant 48 : index
      %get3A_69 = tpu.vector_load %arg7[%get3A_67, %get3A_68] {strides = array<i32>} : memref<128x128xf32, #tpu.memory_space<vmem>>, vector<1x16xf32>,
      %get3A_70 = vector.shape_cast %get3A_69 : vector<1x16xf32> to vector<16xf32>
      %get3A_71 = arith.index_cast %add3A_55 : i32 to index
      %get3A_72 = arith.constant 64 : index
      %get3A_73 = tpu.vector_load %arg7[%get3A_71, %get3A_72] {strides = array<i32>} : memref<128x128xf32, #tpu.memory_space<vmem>>, vector<1x16xf32>,
      %get3A_74 = vector.shape_cast %get3A_73 : vector<1x16xf32> to vector<16xf32>
      %get3A_75 = arith.index_cast %add3A_55 : i32 to index
      %get3A_76 = arith.constant 80 : index
      %get3A_77 = tpu.vector_load %arg7[%get3A_75, %get3A_76] {strides = array<i32>} : memref<128x128xf32, #tpu.memory_space<vmem>>, vector<1x16xf32>,
      %get3A_78 = vector.shape_cast %get3A_77 : vector<1x16xf32> to vector<16xf32>
      %get3A_79 = arith.index_cast %add3A_55 : i32 to index
      %get3A_80 = arith.constant 96 : index
      %get3A_81 = tpu.vector_load %arg7[%get3A_79, %get3A_80] {strides = array<i32>} : memref<128x128xf32, #tpu.memory_space<vmem>>, vector<1x16xf32>,
      %get3A_82 = vector.shape_cast %get3A_81 : vector<1x16xf32> to vector<16xf32>
      %get3A_83 = arith.index_cast %add3A_55 : i32 to index
      %get3A_84 = arith.constant 112 : index
      %get3A_85 = tpu.vector_load %arg7[%get3A_83, %get3A_84] {strides = array<i32>} : memref<128x128xf32, #tpu.memory_space<vmem>>, vector<1x16xf32>,
      %get3A_86 = vector.shape_cast %get3A_85 : vector<1x16xf32> to vector<16xf32>
      %mul3A_87 = arith.constant 8 : i32
      %mul3A_88 = arith.muli %scan3A_50, %mul3A_87 : i32
      %add3A_89 = arith.constant 1 : i32
      %add3A_90 = arith.addi %mul3A_88, %add3A_89 : i32
      %get3A_91 = arith.index_cast %add3A_90 : i32 to index
      %get3A_92 = arith.constant 0 : index
      %get3A_93 = tpu.vector_load %arg7[%get3A_91, %get3A_92] {strides = array<i32>} : memref<128x128xf32, #tpu.memory_space<vmem>>, vector<1x16xf32>,
      %get3A_94 = vector.shape_cast %get3A_93 : vector<1x16xf32> to vector<16xf32>
      %add3A_95 = arith.addf %get3A_58, %get3A_94 : vector<16xf32>
      %get3A_96 = arith.index_cast %add3A_90 : i32 to index
      %get3A_97 = arith.constant 16 : index
      %get3A_98 = tpu.vector_load %arg7[%get3A_96, %get3A_97] {strides = array<i32>} : memref<128x128xf32, #tpu.memory_space<vmem>>, vector<1x16xf32>,
      %get3A_99 = vector.shape_cast %get3A_98 : vector<1x16xf32> to vector<16xf32>
      %add3A_100 = arith.addf %get3A_62, %get3A_99 : vector<16xf32>
      %get3A_101 = arith.index_cast %add3A_90 : i32 to index
      %get3A_102 = arith.constant 32 : index
      %get3A_103 = tpu.vector_load %arg7[%get3A_101, %get3A_102] {strides = array<i32>} : memref<128x128xf32, #tpu.memory_space<vmem>>, vector<1x16xf32>,
      %get3A_104 = vector.shape_cast %get3A_103 : vector<1x16xf32> to vector<16xf32>
      %add3A_105 = arith.addf %get3A_66, %get3A_104 : vector<16xf32>
      %get3A_106 = arith.index_cast %add3A_90 : i32 to index
      %get3A_107 = arith.constant 48 : index
      %get3A_108 = tpu.vector_load %arg7[%get3A_106, %get3A_107] {strides = array<i32>} : memref<128x128xf32, #tpu.memory_space<vmem>>, vector<1x16xf32>,
      %get3A_109 = vector.shape_cast %get3A_108 : vector<1x16xf32> to vector<16xf32>
      %add3A_110 = arith.addf %get3A_70, %get3A_109 : vector<16xf32>
      %get3A_111 = arith.index_cast %add3A_90 : i32 to index
      %get3A_112 = arith.constant 64 : index
      %get3A_113 = tpu.vector_load %arg7[%get3A_111, %get3A_112] {strides = array<i32>} : memref<128x128xf32, #tpu.memory_space<vmem>>, vector<1x16xf32>,
      %get3A_114 = vector.shape_cast %get3A_113 : vector<1x16xf32> to vector<16xf32>
      %add3A_115 = arith.addf %get3A_74, %get3A_114 : vector<16xf32>
      %get3A_116 = arith.index_cast %add3A_90 : i32 to index
      %get3A_117 = arith.constant 80 : index
      %get3A_118 = tpu.vector_load %arg7[%get3A_116, %get3A_117] {strides = array<i32>} : memref<128x128xf32, #tpu.memory_space<vmem>>, vector<1x16xf32>,
      %get3A_119 = vector.shape_cast %get3A_118 : vector<1x16xf32> to vector<16xf32>
      %add3A_120 = arith.addf %get3A_78, %get3A_119 : vector<16xf32>
      %get3A_121 = arith.index_cast %add3A_90 : i32 to index
      %get3A_122 = arith.constant 96 : index
      %get3A_123 = tpu.vector_load %arg7[%get3A_121, %get3A_122] {strides = array<i32>} : memref<128x128xf32, #tpu.memory_space<vmem>>, vector<1x16xf32>,
      %get3A_124 = vector.shape_cast %get3A_123 : vector<1x16xf32> to vector<16xf32>
      %add3A_125 = arith.addf %get3A_82, %get3A_124 : vector<16xf32>
      %get3A_126 = arith.index_cast %add3A_90 : i32 to index
      %get3A_127 = arith.constant 112 : index
      %get3A_128 = tpu.vector_load %arg7[%get3A_126, %get3A_127] {strides = array<i32>} : memref<128x128xf32, #tpu.memory_space<vmem>>, vector<1x16xf32>,
      %get3A_129 = vector.shape_cast %get3A_128 : vector<1x16xf32> to vector<16xf32>
      %add3A_130 = arith.addf %get3A_86, %get3A_129 : vector<16xf32>
      %mul3A_131 = arith.constant 8 : i32
      %mul3A_132 = arith.muli %scan3A_50, %mul3A_131 : i32
      %add3A_133 = arith.constant 2 : i32
      %add3A_134 = arith.addi %mul3A_132, %add3A_133 : i32
      %get3A_135 = arith.index_cast %add3A_134 : i32 to index
      %get3A_136 = arith.constant 0 : index
      %get3A_137 = tpu.vector_load %arg7[%get3A_135, %get3A_136] {strides = array<i32>} : memref<128x128xf32, #tpu.memory_space<vmem>>, vector<1x16xf32>,
      %get3A_138 = vector.shape_cast %get3A_137 : vector<1x16xf32> to vector<16xf32>
      %add3A_139 = arith.addf %add3A_95, %get3A_138 : vector<16xf32>
      %get3A_140 = arith.index_cast %add3A_134 : i32 to index
      %get3A_141 = arith.constant 16 : index
      %get3A_142 = tpu.vector_load %arg7[%get3A_140, %get3A_141] {strides = array<i32>} : memref<128x128xf32, #tpu.memory_space<vmem>>, vector<1x16xf32>,
      %get3A_143 = vector.shape_cast %get3A_142 : vector<1x16xf32> to vector<16xf32>
      %add3A_144 = arith.addf %add3A_100, %get3A_143 : vector<16xf32>
      %get3A_145 = arith.index_cast %add3A_134 : i32 to index
      %get3A_146 = arith.constant 32 : index
      %get3A_147 = tpu.vector_load %arg7[%get3A_145, %get3A_146] {strides = array<i32>} : memref<128x128xf32, #tpu.memory_space<vmem>>, vector<1x16xf32>,
      %get3A_148 = vector.shape_cast %get3A_147 : vector<1x16xf32> to vector<16xf32>
      %add3A_149 = arith.addf %add3A_105, %get3A_148 : vector<16xf32>
      %get3A_150 = arith.index_cast %add3A_134 : i32 to index
      %get3A_151 = arith.constant 48 : index
      %get3A_152 = tpu.vector_load %arg7[%get3A_150, %get3A_151] {strides = array<i32>} : memref<128x128xf32, #tpu.memory_space<vmem>>, vector<1x16xf32>,
      %get3A_153 = vector.shape_cast %get3A_152 : vector<1x16xf32> to vector<16xf32>
      %add3A_154 = arith.addf %add3A_110, %get3A_153 : vector<16xf32>
      %get3A_155 = arith.index_cast %add3A_134 : i32 to index
      %get3A_156 = arith.constant 64 : index
      %get3A_157 = tpu.vector_load %arg7[%get3A_155, %get3A_156] {strides = array<i32>} : memref<128x128xf32, #tpu.memory_space<vmem>>, vector<1x16xf32>,
      %get3A_158 = vector.shape_cast %get3A_157 : vector<1x16xf32> to vector<16xf32>
      %add3A_159 = arith.addf %add3A_115, %get3A_158 : vector<16xf32>
      %get3A_160 = arith.index_cast %add3A_134 : i32 to index
      %get3A_161 = arith.constant 80 : index
      %get3A_162 = tpu.vector_load %arg7[%get3A_160, %get3A_161] {strides = array<i32>} : memref<128x128xf32, #tpu.memory_space<vmem>>, vector<1x16xf32>,
      %get3A_163 = vector.shape_cast %get3A_162 : vector<1x16xf32> to vector<16xf32>
      %add3A_164 = arith.addf %add3A_120, %get3A_163 : vector<16xf32>
      %get3A_165 = arith.index_cast %add3A_134 : i32 to index
      %get3A_166 = arith.constant 96 : index
      %get3A_167 = tpu.vector_load %arg7[%get3A_165, %get3A_166] {strides = array<i32>} : memref<128x128xf32, #tpu.memory_space<vmem>>, vector<1x16xf32>,
      %get3A_168 = vector.shape_cast %get3A_167 : vector<1x16xf32> to vector<16xf32>
      %add3A_169 = arith.addf %add3A_125, %get3A_168 : vector<16xf32>
      %get3A_170 = arith.index_cast %add3A_134 : i32 to index
      %get3A_171 = arith.constant 112 : index
      %get3A_172 = tpu.vector_load %arg7[%get3A_170, %get3A_171] {strides = array<i32>} : memref<128x128xf32, #tpu.memory_space<vmem>>, vector<1x16xf32>,
      %get3A_173 = vector.shape_cast %get3A_172 : vector<1x16xf32> to vector<16xf32>
      %add3A_174 = arith.addf %add3A_130, %get3A_173 : vector<16xf32>
      %mul3A_175 = arith.constant 8 : i32
      %mul3A_176 = arith.muli %scan3A_50, %mul3A_175 : i32
      %add3A_177 = arith.constant 3 : i32
      %add3A_178 = arith.addi %mul3A_176, %add3A_177 : i32
      %get3A_179 = arith.index_cast %add3A_178 : i32 to index
      %get3A_180 = arith.constant 0 : index
      %get3A_181 = tpu.vector_load %arg7[%get3A_179, %get3A_180] {strides = array<i32>} : memref<128x128xf32, #tpu.memory_space<vmem>>, vector<1x16xf32>,
      %get3A_182 = vector.shape_cast %get3A_181 : vector<1x16xf32> to vector<16xf32>
      %add3A_183 = arith.addf %add3A_139, %get3A_182 : vector<16xf32>
      %get3A_184 = arith.index_cast %add3A_178 : i32 to index
      %get3A_185 = arith.constant 16 : index
      %get3A_186 = tpu.vector_load %arg7[%get3A_184, %get3A_185] {strides = array<i32>} : memref<128x128xf32, #tpu.memory_space<vmem>>, vector<1x16xf32>,
      %get3A_187 = vector.shape_cast %get3A_186 : vector<1x16xf32> to vector<16xf32>
      %add3A_188 = arith.addf %add3A_144, %get3A_187 : vector<16xf32>
      %get3A_189 = arith.index_cast %add3A_178 : i32 to index
      %get3A_190 = arith.constant 32 : index
      %get3A_191 = tpu.vector_load %arg7[%get3A_189, %get3A_190] {strides = array<i32>} : memref<128x128xf32, #tpu.memory_space<vmem>>, vector<1x16xf32>,
      %get3A_192 = vector.shape_cast %get3A_191 : vector<1x16xf32> to vector<16xf32>
      %add3A_193 = arith.addf %add3A_149, %get3A_192 : vector<16xf32>
      %get3A_194 = arith.index_cast %add3A_178 : i32 to index
      %get3A_195 = arith.constant 48 : index
      %get3A_196 = tpu.vector_load %arg7[%get3A_194, %get3A_195] {strides = array<i32>} : memref<128x128xf32, #tpu.memory_space<vmem>>, vector<1x16xf32>,
      %get3A_197 = vector.shape_cast %get3A_196 : vector<1x16xf32> to vector<16xf32>
      %add3A_198 = arith.addf %add3A_154, %get3A_197 : vector<16xf32>
      %get3A_199 = arith.index_cast %add3A_178 : i32 to index
      %get3A_200 = arith.constant 64 : index
      %get3A_201 = tpu.vector_load %arg7[%get3A_199, %get3A_200] {strides = array<i32>} : memref<128x128xf32, #tpu.memory_space<vmem>>, vector<1x16xf32>,
      %get3A_202 = vector.shape_cast %get3A_201 : vector<1x16xf32> to vector<16xf32>
      %add3A_203 = arith.addf %add3A_159, %get3A_202 : vector<16xf32>
      %get3A_204 = arith.index_cast %add3A_178 : i32 to index
      %get3A_205 = arith.constant 80 : index
      %get3A_206 = tpu.vector_load %arg7[%get3A_204, %get3A_205] {strides = array<i32>} : memref<128x128xf32, #tpu.memory_space<vmem>>, vector<1x16xf32>,
      %get3A_207 = vector.shape_cast %get3A_206 : vector<1x16xf32> to vector<16xf32>
      %add3A_208 = arith.addf %add3A_164, %get3A_207 : vector<16xf32>
      %get3A_209 = arith.index_cast %add3A_178 : i32 to index
      %get3A_210 = arith.constant 96 : index
      %get3A_211 = tpu.vector_load %arg7[%get3A_209, %get3A_210] {strides = array<i32>} : memref<128x128xf32, #tpu.memory_space<vmem>>, vector<1x16xf32>,
      %get3A_212 = vector.shape_cast %get3A_211 : vector<1x16xf32> to vector<16xf32>
      %add3A_213 = arith.addf %add3A_169, %get3A_212 : vector<16xf32>
      %get3A_214 = arith.index_cast %add3A_178 : i32 to index
      %get3A_215 = arith.constant 112 : index
      %get3A_216 = tpu.vector_load %arg7[%get3A_214, %get3A_215] {strides = array<i32>} : memref<128x128xf32, #tpu.memory_space<vmem>>, vector<1x16xf32>,
      %get3A_217 = vector.shape_cast %get3A_216 : vector<1x16xf32> to vector<16xf32>
      %add3A_218 = arith.addf %add3A_174, %get3A_217 : vector<16xf32>
      %mul3A_219 = arith.constant 8 : i32
      %mul3A_220 = arith.muli %scan3A_50, %mul3A_219 : i32
      %add3A_221 = arith.constant 4 : i32
      %add3A_222 = arith.addi %mul3A_220, %add3A_221 : i32
      %get3A_223 = arith.index_cast %add3A_222 : i32 to index
      %get3A_224 = arith.constant 0 : index
      %get3A_225 = tpu.vector_load %arg7[%get3A_223, %get3A_224] {strides = array<i32>} : memref<128x128xf32, #tpu.memory_space<vmem>>, vector<1x16xf32>,
      %get3A_226 = vector.shape_cast %get3A_225 : vector<1x16xf32> to vector<16xf32>
      %add3A_227 = arith.addf %add3A_183, %get3A_226 : vector<16xf32>
      %get3A_228 = arith.index_cast %add3A_222 : i32 to index
      %get3A_229 = arith.constant 16 : index
      %get3A_230 = tpu.vector_load %arg7[%get3A_228, %get3A_229] {strides = array<i32>} : memref<128x128xf32, #tpu.memory_space<vmem>>, vector<1x16xf32>,
      %get3A_231 = vector.shape_cast %get3A_230 : vector<1x16xf32> to vector<16xf32>
      %add3A_232 = arith.addf %add3A_188, %get3A_231 : vector<16xf32>
      %get3A_233 = arith.index_cast %add3A_222 : i32 to index
      %get3A_234 = arith.constant 32 : index
      %get3A_235 = tpu.vector_load %arg7[%get3A_233, %get3A_234] {strides = array<i32>} : memref<128x128xf32, #tpu.memory_space<vmem>>, vector<1x16xf32>,
      %get3A_236 = vector.shape_cast %get3A_235 : vector<1x16xf32> to vector<16xf32>
      %add3A_237 = arith.addf %add3A_193, %get3A_236 : vector<16xf32>
      %get3A_238 = arith.index_cast %add3A_222 : i32 to index
      %get3A_239 = arith.constant 48 : index
      %get3A_240 = tpu.vector_load %arg7[%get3A_238, %get3A_239] {strides = array<i32>} : memref<128x128xf32, #tpu.memory_space<vmem>>, vector<1x16xf32>,
      %get3A_241 = vector.shape_cast %get3A_240 : vector<1x16xf32> to vector<16xf32>
      %add3A_242 = arith.addf %add3A_198, %get3A_241 : vector<16xf32>
      %get3A_243 = arith.index_cast %add3A_222 : i32 to index
      %get3A_244 = arith.constant 64 : index
      %get3A_245 = tpu.vector_load %arg7[%get3A_243, %get3A_244] {strides = array<i32>} : memref<128x128xf32, #tpu.memory_space<vmem>>, vector<1x16xf32>,
      %get3A_246 = vector.shape_cast %get3A_245 : vector<1x16xf32> to vector<16xf32>
      %add3A_247 = arith.addf %add3A_203, %get3A_246 : vector<16xf32>
      %get3A_248 = arith.index_cast %add3A_222 : i32 to index
      %get3A_249 = arith.constant 80 : index
      %get3A_250 = tpu.vector_load %arg7[%get3A_248, %get3A_249] {strides = array<i32>} : memref<128x128xf32, #tpu.memory_space<vmem>>, vector<1x16xf32>,
      %get3A_251 = vector.shape_cast %get3A_250 : vector<1x16xf32> to vector<16xf32>
      %add3A_252 = arith.addf %add3A_208, %get3A_251 : vector<16xf32>
      %get3A_253 = arith.index_cast %add3A_222 : i32 to index
      %get3A_254 = arith.constant 96 : index
      %get3A_255 = tpu.vector_load %arg7[%get3A_253, %get3A_254] {strides = array<i32>} : memref<128x128xf32, #tpu.memory_space<vmem>>, vector<1x16xf32>,
      %get3A_256 = vector.shape_cast %get3A_255 : vector<1x16xf32> to vector<16xf32>
      %add3A_257 = arith.addf %add3A_213, %get3A_256 : vector<16xf32>
      %get3A_258 = arith.index_cast %add3A_222 : i32 to index
      %get3A_259 = arith.constant 112 : index
      %get3A_260 = tpu.vector_load %arg7[%get3A_258, %get3A_259] {strides = array<i32>} : memref<128x128xf32, #tpu.memory_space<vmem>>, vector<1x16xf32>,
      %get3A_261 = vector.shape_cast %get3A_260 : vector<1x16xf32> to vector<16xf32>
      %add3A_262 = arith.addf %add3A_218, %get3A_261 : vector<16xf32>
      %mul3A_263 = arith.constant 8 : i32
      %mul3A_264 = arith.muli %scan3A_50, %mul3A_263 : i32
      %add3A_265 = arith.constant 5 : i32
      %add3A_266 = arith.addi %mul3A_264, %add3A_265 : i32
      %get3A_267 = arith.index_cast %add3A_266 : i32 to index
      %get3A_268 = arith.constant 0 : index
      %get3A_269 = tpu.vector_load %arg7[%get3A_267, %get3A_268] {strides = array<i32>} : memref<128x128xf32, #tpu.memory_space<vmem>>, vector<1x16xf32>,
      %get3A_270 = vector.shape_cast %get3A_269 : vector<1x16xf32> to vector<16xf32>
      %add3A_271 = arith.addf %add3A_227, %get3A_270 : vector<16xf32>
      %get3A_272 = arith.index_cast %add3A_266 : i32 to index
      %get3A_273 = arith.constant 16 : index
      %get3A_274 = tpu.vector_load %arg7[%get3A_272, %get3A_273] {strides = array<i32>} : memref<128x128xf32, #tpu.memory_space<vmem>>, vector<1x16xf32>,
      %get3A_275 = vector.shape_cast %get3A_274 : vector<1x16xf32> to vector<16xf32>
      %add3A_276 = arith.addf %add3A_232, %get3A_275 : vector<16xf32>
      %get3A_277 = arith.index_cast %add3A_266 : i32 to index
      %get3A_278 = arith.constant 32 : index
      %get3A_279 = tpu.vector_load %arg7[%get3A_277, %get3A_278] {strides = array<i32>} : memref<128x128xf32, #tpu.memory_space<vmem>>, vector<1x16xf32>,
      %get3A_280 = vector.shape_cast %get3A_279 : vector<1x16xf32> to vector<16xf32>
      %add3A_281 = arith.addf %add3A_237, %get3A_280 : vector<16xf32>
      %get3A_282 = arith.index_cast %add3A_266 : i32 to index
      %get3A_283 = arith.constant 48 : index
      %get3A_284 = tpu.vector_load %arg7[%get3A_282, %get3A_283] {strides = array<i32>} : memref<128x128xf32, #tpu.memory_space<vmem>>, vector<1x16xf32>,
      %get3A_285 = vector.shape_cast %get3A_284 : vector<1x16xf32> to vector<16xf32>
      %add3A_286 = arith.addf %add3A_242, %get3A_285 : vector<16xf32>
      %get3A_287 = arith.index_cast %add3A_266 : i32 to index
      %get3A_288 = arith.constant 64 : index
      %get3A_289 = tpu.vector_load %arg7[%get3A_287, %get3A_288] {strides = array<i32>} : memref<128x128xf32, #tpu.memory_space<vmem>>, vector<1x16xf32>,
      %get3A_290 = vector.shape_cast %get3A_289 : vector<1x16xf32> to vector<16xf32>
      %add3A_291 = arith.addf %add3A_247, %get3A_290 : vector<16xf32>
      %get3A_292 = arith.index_cast %add3A_266 : i32 to index
      %get3A_293 = arith.constant 80 : index
      %get3A_294 = tpu.vector_load %arg7[%get3A_292, %get3A_293] {strides = array<i32>} : memref<128x128xf32, #tpu.memory_space<vmem>>, vector<1x16xf32>,
      %get3A_295 = vector.shape_cast %get3A_294 : vector<1x16xf32> to vector<16xf32>
      %add3A_296 = arith.addf %add3A_252, %get3A_295 : vector<16xf32>
      %get3A_297 = arith.index_cast %add3A_266 : i32 to index
      %get3A_298 = arith.constant 96 : index
      %get3A_299 = tpu.vector_load %arg7[%get3A_297, %get3A_298] {strides = array<i32>} : memref<128x128xf32, #tpu.memory_space<vmem>>, vector<1x16xf32>,
      %get3A_300 = vector.shape_cast %get3A_299 : vector<1x16xf32> to vector<16xf32>
      %add3A_301 = arith.addf %add3A_257, %get3A_300 : vector<16xf32>
      %get3A_302 = arith.index_cast %add3A_266 : i32 to index
      %get3A_303 = arith.constant 112 : index
      %get3A_304 = tpu.vector_load %arg7[%get3A_302, %get3A_303] {strides = array<i32>} : memref<128x128xf32, #tpu.memory_space<vmem>>, vector<1x16xf32>,
      %get3A_305 = vector.shape_cast %get3A_304 : vector<1x16xf32> to vector<16xf32>
      %add3A_306 = arith.addf %add3A_262, %get3A_305 : vector<16xf32>
      %mul3A_307 = arith.constant 8 : i32
      %mul3A_308 = arith.muli %scan3A_50, %mul3A_307 : i32
      %add3A_309 = arith.constant 6 : i32
      %add3A_310 = arith.addi %mul3A_308, %add3A_309 : i32
      %get3A_311 = arith.index_cast %add3A_310 : i32 to index
      %get3A_312 = arith.constant 0 : index
      %get3A_313 = tpu.vector_load %arg7[%get3A_311, %get3A_312] {strides = array<i32>} : memref<128x128xf32, #tpu.memory_space<vmem>>, vector<1x16xf32>,
      %get3A_314 = vector.shape_cast %get3A_313 : vector<1x16xf32> to vector<16xf32>
      %add3A_315 = arith.addf %add3A_271, %get3A_314 : vector<16xf32>
      %get3A_316 = arith.index_cast %add3A_310 : i32 to index
      %get3A_317 = arith.constant 16 : index
      %get3A_318 = tpu.vector_load %arg7[%get3A_316, %get3A_317] {strides = array<i32>} : memref<128x128xf32, #tpu.memory_space<vmem>>, vector<1x16xf32>,
      %get3A_319 = vector.shape_cast %get3A_318 : vector<1x16xf32> to vector<16xf32>
      %add3A_320 = arith.addf %add3A_276, %get3A_319 : vector<16xf32>
      %get3A_321 = arith.index_cast %add3A_310 : i32 to index
      %get3A_322 = arith.constant 32 : index
      %get3A_323 = tpu.vector_load %arg7[%get3A_321, %get3A_322] {strides = array<i32>} : memref<128x128xf32, #tpu.memory_space<vmem>>, vector<1x16xf32>,
      %get3A_324 = vector.shape_cast %get3A_323 : vector<1x16xf32> to vector<16xf32>
      %add3A_325 = arith.addf %add3A_281, %get3A_324 : vector<16xf32>
      %get3A_326 = arith.index_cast %add3A_310 : i32 to index
      %get3A_327 = arith.constant 48 : index
      %get3A_328 = tpu.vector_load %arg7[%get3A_326, %get3A_327] {strides = array<i32>} : memref<128x128xf32, #tpu.memory_space<vmem>>, vector<1x16xf32>,
      %get3A_329 = vector.shape_cast %get3A_328 : vector<1x16xf32> to vector<16xf32>
      %add3A_330 = arith.addf %add3A_286, %get3A_329 : vector<16xf32>
      %get3A_331 = arith.index_cast %add3A_310 : i32 to index
      %get3A_332 = arith.constant 64 : index
      %get3A_333 = tpu.vector_load %arg7[%get3A_331, %get3A_332] {strides = array<i32>} : memref<128x128xf32, #tpu.memory_space<vmem>>, vector<1x16xf32>,
      %get3A_334 = vector.shape_cast %get3A_333 : vector<1x16xf32> to vector<16xf32>
      %add3A_335 = arith.addf %add3A_291, %get3A_334 : vector<16xf32>
      %get3A_336 = arith.index_cast %add3A_310 : i32 to index
      %get3A_337 = arith.constant 80 : index
      %get3A_338 = tpu.vector_load %arg7[%get3A_336, %get3A_337] {strides = array<i32>} : memref<128x128xf32, #tpu.memory_space<vmem>>, vector<1x16xf32>,
      %get3A_339 = vector.shape_cast %get3A_338 : vector<1x16xf32> to vector<16xf32>
      %add3A_340 = arith.addf %add3A_296, %get3A_339 : vector<16xf32>
      %get3A_341 = arith.index_cast %add3A_310 : i32 to index
      %get3A_342 = arith.constant 96 : index
      %get3A_343 = tpu.vector_load %arg7[%get3A_341, %get3A_342] {strides = array<i32>} : memref<128x128xf32, #tpu.memory_space<vmem>>, vector<1x16xf32>,
      %get3A_344 = vector.shape_cast %get3A_343 : vector<1x16xf32> to vector<16xf32>
      %add3A_345 = arith.addf %add3A_301, %get3A_344 : vector<16xf32>
      %get3A_346 = arith.index_cast %add3A_310 : i32 to index
      %get3A_347 = arith.constant 112 : index
      %get3A_348 = tpu.vector_load %arg7[%get3A_346, %get3A_347] {strides = array<i32>} : memref<128x128xf32, #tpu.memory_space<vmem>>, vector<1x16xf32>,
      %get3A_349 = vector.shape_cast %get3A_348 : vector<1x16xf32> to vector<16xf32>
      %add3A_350 = arith.addf %add3A_306, %get3A_349 : vector<16xf32>
      %mul3A_351 = arith.constant 8 : i32
      %mul3A_352 = arith.muli %scan3A_50, %mul3A_351 : i32
      %add3A_353 = arith.constant 7 : i32
      %add3A_354 = arith.addi %mul3A_352, %add3A_353 : i32
      %get3A_355 = arith.index_cast %add3A_354 : i32 to index
      %get3A_356 = arith.constant 0 : index
      %get3A_357 = tpu.vector_load %arg7[%get3A_355, %get3A_356] {strides = array<i32>} : memref<128x128xf32, #tpu.memory_space<vmem>>, vector<1x16xf32>,
      %get3A_358 = vector.shape_cast %get3A_357 : vector<1x16xf32> to vector<16xf32>
      %add3A_359 = arith.addf %add3A_315, %get3A_358 : vector<16xf32>
      %get3A_360 = arith.index_cast %add3A_354 : i32 to index
      %get3A_361 = arith.constant 16 : index
      %get3A_362 = tpu.vector_load %arg7[%get3A_360, %get3A_361] {strides = array<i32>} : memref<128x128xf32, #tpu.memory_space<vmem>>, vector<1x16xf32>,
      %get3A_363 = vector.shape_cast %get3A_362 : vector<1x16xf32> to vector<16xf32>
      %add3A_364 = arith.addf %add3A_320, %get3A_363 : vector<16xf32>
      %get3A_365 = arith.index_cast %add3A_354 : i32 to index
      %get3A_366 = arith.constant 32 : index
      %get3A_367 = tpu.vector_load %arg7[%get3A_365, %get3A_366] {strides = array<i32>} : memref<128x128xf32, #tpu.memory_space<vmem>>, vector<1x16xf32>,
      %get3A_368 = vector.shape_cast %get3A_367 : vector<1x16xf32> to vector<16xf32>
      %add3A_369 = arith.addf %add3A_325, %get3A_368 : vector<16xf32>
      %get3A_370 = arith.index_cast %add3A_354 : i32 to index
      %get3A_371 = arith.constant 48 : index
      %get3A_372 = tpu.vector_load %arg7[%get3A_370, %get3A_371] {strides = array<i32>} : memref<128x128xf32, #tpu.memory_space<vmem>>, vector<1x16xf32>,
      %get3A_373 = vector.shape_cast %get3A_372 : vector<1x16xf32> to vector<16xf32>
      %add3A_374 = arith.addf %add3A_330, %get3A_373 : vector<16xf32>
      %get3A_375 = arith.index_cast %add3A_354 : i32 to index
      %get3A_376 = arith.constant 64 : index
      %get3A_377 = tpu.vector_load %arg7[%get3A_375, %get3A_376] {strides = array<i32>} : memref<128x128xf32, #tpu.memory_space<vmem>>, vector<1x16xf32>,
      %get3A_378 = vector.shape_cast %get3A_377 : vector<1x16xf32> to vector<16xf32>
      %add3A_379 = arith.addf %add3A_335, %get3A_378 : vector<16xf32>
      %get3A_380 = arith.index_cast %add3A_354 : i32 to index
      %get3A_381 = arith.constant 80 : index
      %get3A_382 = tpu.vector_load %arg7[%get3A_380, %get3A_381] {strides = array<i32>} : memref<128x128xf32, #tpu.memory_space<vmem>>, vector<1x16xf32>,
      %get3A_383 = vector.shape_cast %get3A_382 : vector<1x16xf32> to vector<16xf32>
      %add3A_384 = arith.addf %add3A_340, %get3A_383 : vector<16xf32>
      %get3A_385 = arith.index_cast %add3A_354 : i32 to index
      %get3A_386 = arith.constant 96 : index
      %get3A_387 = tpu.vector_load %arg7[%get3A_385, %get3A_386] {strides = array<i32>} : memref<128x128xf32, #tpu.memory_space<vmem>>, vector<1x16xf32>,
      %get3A_388 = vector.shape_cast %get3A_387 : vector<1x16xf32> to vector<16xf32>
      %add3A_389 = arith.addf %add3A_345, %get3A_388 : vector<16xf32>
      %get3A_390 = arith.index_cast %add3A_354 : i32 to index
      %get3A_391 = arith.constant 112 : index
      %get3A_392 = tpu.vector_load %arg7[%get3A_390, %get3A_391] {strides = array<i32>} : memref<128x128xf32, #tpu.memory_space<vmem>>, vector<1x16xf32>,
      %get3A_393 = vector.shape_cast %get3A_392 : vector<1x16xf32> to vector<16xf32>
      %add3A_394 = arith.addf %add3A_350, %get3A_393 : vector<16xf32>
      %add3A_395 = arith.constant 304 : i32
      %add3A_396 = arith.addi %add3A_395, %scan3A_50 : i32
      %swap3A = arith.index_cast %add3A_396 : i32 to index
      %swap3A_397 = arith.constant 0 : index
      %swap3A_398 = tpu.vector_load %arg8[%swap3A, %swap3A_397] {strides = array<i32>} : memref<320x128xf32, #tpu.memory_space<vmem>>, vector<1x16xf32>,
      %swap3A_399 = vector.shape_cast %swap3A_398 : vector<1x16xf32> to vector<16xf32>
      %swap3A_400 = vector.shape_cast %add3A_359 : vector<16xf32> to vector<1x16xf32>
      tpu.vector_store %arg8[%swap3A, %swap3A_397], %swap3A_400 {strides = array<i32>} : memref<320x128xf32, #tpu.memory_space<vmem>>, vector<1x16xf32>,
      %add3A_401 = arith.constant 304 : i32
      %add3A_402 = arith.addi %add3A_401, %scan3A_50 : i32
      %swap3A_403 = arith.index_cast %add3A_402 : i32 to index
      %swap3A_404 = arith.constant 16 : index
      %swap3A_405 = tpu.vector_load %arg8[%swap3A_403, %swap3A_404] {strides = array<i32>} : memref<320x128xf32, #tpu.memory_space<vmem>>, vector<1x16xf32>,
      %swap3A_406 = vector.shape_cast %swap3A_405 : vector<1x16xf32> to vector<16xf32>
      %swap3A_407 = vector.shape_cast %add3A_364 : vector<16xf32> to vector<1x16xf32>
      tpu.vector_store %arg8[%swap3A_403, %swap3A_404], %swap3A_407 {strides = array<i32>} : memref<320x128xf32, #tpu.memory_space<vmem>>, vector<1x16xf32>,
      %add3A_408 = arith.constant 304 : i32
      %add3A_409 = arith.addi %add3A_408, %scan3A_50 : i32
      %swap3A_410 = arith.index_cast %add3A_409 : i32 to index
      %swap3A_411 = arith.constant 32 : index
      %swap3A_412 = tpu.vector_load %arg8[%swap3A_410, %swap3A_411] {strides = array<i32>} : memref<320x128xf32, #tpu.memory_space<vmem>>, vector<1x16xf32>,
      %swap3A_413 = vector.shape_cast %swap3A_412 : vector<1x16xf32> to vector<16xf32>
      %swap3A_414 = vector.shape_cast %add3A_369 : vector<16xf32> to vector<1x16xf32>
      tpu.vector_store %arg8[%swap3A_410, %swap3A_411], %swap3A_414 {strides = array<i32>} : memref<320x128xf32, #tpu.memory_space<vmem>>, vector<1x16xf32>,
      %add3A_415 = arith.constant 304 : i32
      %add3A_416 = arith.addi %add3A_415, %scan3A_50 : i32
      %swap3A_417 = arith.index_cast %add3A_416 : i32 to index
      %swap3A_418 = arith.constant 48 : index
      %swap3A_419 = tpu.vector_load %arg8[%swap3A_417, %swap3A_418] {strides = array<i32>} : memref<320x128xf32, #tpu.memory_space<vmem>>, vector<1x16xf32>,
      %swap3A_420 = vector.shape_cast %swap3A_419 : vector<1x16xf32> to vector<16xf32>
      %swap3A_421 = vector.shape_cast %add3A_374 : vector<16xf32> to vector<1x16xf32>
      tpu.vector_store %arg8[%swap3A_417, %swap3A_418], %swap3A_421 {strides = array<i32>} : memref<320x128xf32, #tpu.memory_space<vmem>>, vector<1x16xf32>,
      %add3A_422 = arith.constant 304 : i32
      %add3A_423 = arith.addi %add3A_422, %scan3A_50 : i32
      %swap3A_424 = arith.index_cast %add3A_423 : i32 to index
      %swap3A_425 = arith.constant 64 : index
      %swap3A_426 = tpu.vector_load %arg8[%swap3A_424, %swap3A_425] {strides = array<i32>} : memref<320x128xf32, #tpu.memory_space<vmem>>, vector<1x16xf32>,
      %swap3A_427 = vector.shape_cast %swap3A_426 : vector<1x16xf32> to vector<16xf32>
      %swap3A_428 = vector.shape_cast %add3A_379 : vector<16xf32> to vector<1x16xf32>
      tpu.vector_store %arg8[%swap3A_424, %swap3A_425], %swap3A_428 {strides = array<i32>} : memref<320x128xf32, #tpu.memory_space<vmem>>, vector<1x16xf32>,
      %add3A_429 = arith.constant 304 : i32
      %add3A_430 = arith.addi %add3A_429, %scan3A_50 : i32
      %swap3A_431 = arith.index_cast %add3A_430 : i32 to index
      %swap3A_432 = arith.constant 80 : index
      %swap3A_433 = tpu.vector_load %arg8[%swap3A_431, %swap3A_432] {strides = array<i32>} : memref<320x128xf32, #tpu.memory_space<vmem>>, vector<1x16xf32>,
      %swap3A_434 = vector.shape_cast %swap3A_433 : vector<1x16xf32> to vector<16xf32>
      %swap3A_435 = vector.shape_cast %add3A_384 : vector<16xf32> to vector<1x16xf32>
      tpu.vector_store %arg8[%swap3A_431, %swap3A_432], %swap3A_435 {strides = array<i32>} : memref<320x128xf32, #tpu.memory_space<vmem>>, vector<1x16xf32>,
      %add3A_436 = arith.constant 304 : i32
      %add3A_437 = arith.addi %add3A_436, %scan3A_50 : i32
      %swap3A_438 = arith.index_cast %add3A_437 : i32 to index
      %swap3A_439 = arith.constant 96 : index
      %swap3A_440 = tpu.vector_load %arg8[%swap3A_438, %swap3A_439] {strides = array<i32>} : memref<320x128xf32, #tpu.memory_space<vmem>>, vector<1x16xf32>,
      %swap3A_441 = vector.shape_cast %swap3A_440 : vector<1x16xf32> to vector<16xf32>
      %swap3A_442 = vector.shape_cast %add3A_389 : vector<16xf32> to vector<1x16xf32>
      tpu.vector_store %arg8[%swap3A_438, %swap3A_439], %swap3A_442 {strides = array<i32>} : memref<320x128xf32, #tpu.memory_space<vmem>>, vector<1x16xf32>,
      %add3A_443 = arith.constant 304 : i32
      %add3A_444 = arith.addi %add3A_443, %scan3A_50 : i32
      %swap3A_445 = arith.index_cast %add3A_444 : i32 to index
      %swap3A_446 = arith.constant 112 : index
      %swap3A_447 = tpu.vector_load %arg8[%swap3A_445, %swap3A_446] {strides = array<i32>} : memref<320x128xf32, #tpu.memory_space<vmem>>, vector<1x16xf32>,
      %swap3A_448 = vector.shape_cast %swap3A_447 : vector<1x16xf32> to vector<16xf32>
      %swap3A_449 = vector.shape_cast %add3A_394 : vector<16xf32> to vector<1x16xf32>
      tpu.vector_store %arg8[%swap3A_445, %swap3A_446], %swap3A_449 {strides = array<i32>} : memref<320x128xf32, #tpu.memory_space<vmem>>, vector<1x16xf32>,
      %scan3A_450 = arith.constant 0 : i32
      scf.yield %scan3A_450 : i32
    }
    %scan3A_49 = arith.constant 16 : i32
    "tpu.region"() ({
      %run_scoped3A = tpu.sem_alloc : memref<!tpu.dma_semaphore, #tpu.memory_space<semaphore_mem>>
      %dma_start3A_50 = arith.constant 0 : i32
      %dma_start3A_51 = tpu.memref_slice %arg4[%mul3A_2, %dma_start3A_50] : memref<10240x128xf32, #tpu.memory_space<hbm>> -> memref<320x128xf32, #tpu.memory_space<hbm>>
      %dma_start3A_52 = arith.constant 0 : i32
      %dma_start3A_53 = tpu.memref_slice %arg4[%mul3A_2, %dma_start3A_52] : memref<10240x128xf32, #tpu.memory_space<hbm>> -> memref<320x128xf32, #tpu.memory_space<hbm>>
      tpu.enqueue_dma source(%arg8 : memref<320x128xf32, #tpu.memory_space<vmem>>) target(%dma_start3A_53 : memref<320x128xf32, #tpu.memory_space<hbm>>) target_semaphore(%run_scoped3A : memref<!tpu.dma_semaphore, #tpu.memory_space<semaphore_mem>>)
      %dma_wait3A_54 = arith.constant 0 : i32
      %dma_wait3A_55 = tpu.memref_slice %arg4[%mul3A_2, %dma_wait3A_54] : memref<10240x128xf32, #tpu.memory_space<hbm>> -> memref<320x128xf32, #tpu.memory_space<hbm>>
      %dma_wait3A_56 = arith.constant 0 : i32
      %dma_wait3A_57 = tpu.memref_slice %arg4[%mul3A_2, %dma_wait3A_56] : memref<10240x128xf32, #tpu.memory_space<hbm>> -> memref<320x128xf32, #tpu.memory_space<hbm>>
      tpu.wait_dma2 semaphore(%run_scoped3A : memref<!tpu.dma_semaphore, #tpu.memory_space<semaphore_mem>>) src(%arg8 : memref<320x128xf32, #tpu.memory_space<vmem>>) dst(%dma_wait3A_57 : memref<320x128xf32, #tpu.memory_space<hbm>>)
      tpu.yield
    }) : () -> ()
    return
  }
}

#map = affine_map<(d0, d1) -> (0, 0)>
#map1 = affine_map<(d0, d1) -> (0, 0, 0)>
module attributes {stable_mosaic.version = 14 : i64} {
  func.func @sc_conv1_gather(%arg0: i32, %arg1: i32, %arg2: memref<10240x128xf32, #tpu.memory_space<hbm>>, %arg3: memref<32x1x8704xi32, #tpu.memory_space<hbm>>, %arg4: memref<27x10240x128xf32, #tpu.memory_space<hbm>>, %arg5: memref<8704xi32, #tpu.memory_space<vmem>>, %arg6: memref<80x128xf32, #tpu.memory_space<vmem>>, %arg7: memref<80x128xf32, #tpu.memory_space<vmem>>, %arg8: memref<80x128xf32, #tpu.memory_space<vmem>>, %arg9: memref<80x128xf32, #tpu.memory_space<vmem>>, %arg10: memref<!tpu.dma_semaphore, #tpu.memory_space<semaphore_mem>>, %arg11: memref<!tpu.dma_semaphore, #tpu.memory_space<semaphore_mem>>, %arg12: memref<!tpu.dma_semaphore, #tpu.memory_space<semaphore_mem>>, %arg13: memref<!tpu.dma_semaphore, #tpu.memory_space<semaphore_mem>>, %arg14: memref<!tpu.dma_semaphore, #tpu.memory_space<semaphore_mem>>, %arg15: memref<!tpu.dma_semaphore, #tpu.memory_space<semaphore_mem>>, %arg16: memref<!tpu.dma_semaphore, #tpu.memory_space<semaphore_mem>>, %arg17: memref<!tpu.dma_semaphore, #tpu.memory_space<semaphore_mem>>) attributes {dimension_semantics = [#tpu.dimension_semantics<core_parallel>, #tpu.dimension_semantics<subcore_parallel>], iteration_bounds = array<i64: 2, 16>, scalar_prefetch = 0 : i64, scratch_operands = 13 : i64, tpu.core_type = #tpu.core_type<sc_vector_subcore>, window_params = [{transform_indices = #map}, {transform_indices = #map1}, {transform_indices = #map1}]} {
    %mul3A = arith.constant 2 : i32
    %mul3A_0 = arith.muli %arg1, %mul3A : i32
    %add3A = arith.addi %mul3A_0, %arg0 : i32
    %mul3A_1 = arith.constant 320 : i32
    %mul3A_2 = arith.muli %add3A, %mul3A_1 : i32
    %run_scoped3A = arith.constant 0 : i32
    "tpu.region"() ({
      %run_scoped3A_119 = tpu.sem_alloc : memref<!tpu.dma_semaphore, #tpu.memory_space<semaphore_mem>>
      %dma_start3A_120 = arith.constant 0 : i32
      %dma_start3A_121 = tpu.memref_slice %arg3[%add3A, %run_scoped3A, %dma_start3A_120] : memref<32x1x8704xi32, #tpu.memory_space<hbm>> -> memref<1x1x8704xi32, #tpu.memory_space<hbm>>
      %dma_start3A_122 = tpu.memref_squeeze %dma_start3A_121 : memref<1x1x8704xi32, #tpu.memory_space<hbm>> -> memref<8704xi32, #tpu.memory_space<hbm>>
      %dma_start3A_123 = arith.constant 0 : i32
      %dma_start3A_124 = tpu.memref_slice %arg3[%add3A, %run_scoped3A, %dma_start3A_123] : memref<32x1x8704xi32, #tpu.memory_space<hbm>> -> memref<1x1x8704xi32, #tpu.memory_space<hbm>>
      %dma_start3A_125 = tpu.memref_squeeze %dma_start3A_124 : memref<1x1x8704xi32, #tpu.memory_space<hbm>> -> memref<8704xi32, #tpu.memory_space<hbm>>
      tpu.enqueue_dma source(%dma_start3A_125 : memref<8704xi32, #tpu.memory_space<hbm>>) target(%arg5 : memref<8704xi32, #tpu.memory_space<vmem>>) target_semaphore(%run_scoped3A_119 : memref<!tpu.dma_semaphore, #tpu.memory_space<semaphore_mem>>)
      %dma_wait3A_126 = arith.constant 0 : i32
      %dma_wait3A_127 = tpu.memref_slice %arg3[%add3A, %run_scoped3A, %dma_wait3A_126] : memref<32x1x8704xi32, #tpu.memory_space<hbm>> -> memref<1x1x8704xi32, #tpu.memory_space<hbm>>
      %dma_wait3A_128 = tpu.memref_squeeze %dma_wait3A_127 : memref<1x1x8704xi32, #tpu.memory_space<hbm>> -> memref<8704xi32, #tpu.memory_space<hbm>>
      %dma_wait3A_129 = arith.constant 0 : i32
      %dma_wait3A_130 = tpu.memref_slice %arg3[%add3A, %run_scoped3A, %dma_wait3A_129] : memref<32x1x8704xi32, #tpu.memory_space<hbm>> -> memref<1x1x8704xi32, #tpu.memory_space<hbm>>
      %dma_wait3A_131 = tpu.memref_squeeze %dma_wait3A_130 : memref<1x1x8704xi32, #tpu.memory_space<hbm>> -> memref<8704xi32, #tpu.memory_space<hbm>>
      tpu.wait_dma2 semaphore(%run_scoped3A_119 : memref<!tpu.dma_semaphore, #tpu.memory_space<semaphore_mem>>) src(%dma_wait3A_131 : memref<8704xi32, #tpu.memory_space<hbm>>) dst(%arg5 : memref<8704xi32, #tpu.memory_space<vmem>>)
      tpu.yield
    }) : () -> ()
    %dma_start3A = arith.constant 0 : i32
    %dma_start3A_3 = tpu.memref_slice %arg5[%dma_start3A] : memref<8704xi32, #tpu.memory_space<vmem>> -> memref<80xi32, #tpu.memory_space<vmem>>
    %dma_start3A_4 = arith.constant 0 : i32
    %dma_start3A_5 = arith.constant 0 : i32
    %dma_start3A_6 = tpu.memref_slice %arg2[%dma_start3A_4, %dma_start3A_5] : memref<10240x128xf32, #tpu.memory_space<hbm>> -> memref<10240x128xf32, #tpu.memory_space<hbm>>
    tpu.enqueue_indirect_dma source(%dma_start3A_6 : memref<10240x128xf32, #tpu.memory_space<hbm>>) target(%arg6 : memref<80x128xf32, #tpu.memory_space<vmem>>) offsets(%dma_start3A_3 : memref<80xi32, #tpu.memory_space<vmem>>) semaphore(%arg10 : memref<!tpu.dma_semaphore, #tpu.memory_space<semaphore_mem>>)
    %dma_start3A_7 = arith.constant 80 : i32
    %dma_start3A_8 = tpu.memref_slice %arg5[%dma_start3A_7] : memref<8704xi32, #tpu.memory_space<vmem>> -> memref<80xi32, #tpu.memory_space<vmem>>
    %dma_start3A_9 = arith.constant 0 : i32
    %dma_start3A_10 = arith.constant 0 : i32
    %dma_start3A_11 = tpu.memref_slice %arg2[%dma_start3A_9, %dma_start3A_10] : memref<10240x128xf32, #tpu.memory_space<hbm>> -> memref<10240x128xf32, #tpu.memory_space<hbm>>
    tpu.enqueue_indirect_dma source(%dma_start3A_11 : memref<10240x128xf32, #tpu.memory_space<hbm>>) target(%arg7 : memref<80x128xf32, #tpu.memory_space<vmem>>) offsets(%dma_start3A_8 : memref<80xi32, #tpu.memory_space<vmem>>) semaphore(%arg11 : memref<!tpu.dma_semaphore, #tpu.memory_space<semaphore_mem>>)
    %dma_start3A_12 = arith.constant 160 : i32
    %dma_start3A_13 = tpu.memref_slice %arg5[%dma_start3A_12] : memref<8704xi32, #tpu.memory_space<vmem>> -> memref<80xi32, #tpu.memory_space<vmem>>
    %dma_start3A_14 = arith.constant 0 : i32
    %dma_start3A_15 = arith.constant 0 : i32
    %dma_start3A_16 = tpu.memref_slice %arg2[%dma_start3A_14, %dma_start3A_15] : memref<10240x128xf32, #tpu.memory_space<hbm>> -> memref<10240x128xf32, #tpu.memory_space<hbm>>
    tpu.enqueue_indirect_dma source(%dma_start3A_16 : memref<10240x128xf32, #tpu.memory_space<hbm>>) target(%arg8 : memref<80x128xf32, #tpu.memory_space<vmem>>) offsets(%dma_start3A_13 : memref<80xi32, #tpu.memory_space<vmem>>) semaphore(%arg12 : memref<!tpu.dma_semaphore, #tpu.memory_space<semaphore_mem>>)
    %dma_start3A_17 = arith.constant 240 : i32
    %dma_start3A_18 = tpu.memref_slice %arg5[%dma_start3A_17] : memref<8704xi32, #tpu.memory_space<vmem>> -> memref<80xi32, #tpu.memory_space<vmem>>
    %dma_start3A_19 = arith.constant 0 : i32
    %dma_start3A_20 = arith.constant 0 : i32
    %dma_start3A_21 = tpu.memref_slice %arg2[%dma_start3A_19, %dma_start3A_20] : memref<10240x128xf32, #tpu.memory_space<hbm>> -> memref<10240x128xf32, #tpu.memory_space<hbm>>
    tpu.enqueue_indirect_dma source(%dma_start3A_21 : memref<10240x128xf32, #tpu.memory_space<hbm>>) target(%arg9 : memref<80x128xf32, #tpu.memory_space<vmem>>) offsets(%dma_start3A_18 : memref<80xi32, #tpu.memory_space<vmem>>) semaphore(%arg13 : memref<!tpu.dma_semaphore, #tpu.memory_space<semaphore_mem>>)
    %scan3A = arith.constant 0 : i32
    %scan3A_22 = arith.constant 0 : i32
    %scan3A_23 = arith.constant 26 : i32
    %scan3A_24 = arith.addi %scan3A_22, %scan3A_23 : i32
    %scan3A_25 = arith.constant 1 : i32
    %scan3A_26 = scf.for %scan3A_119 = %scan3A_22 to %scan3A_24 step %scan3A_25 iter_args(%scan3A_120 = %scan3A) -> (i32)  : i32 {
      %mul3A_121 = arith.constant 4 : i32
      %mul3A_122 = arith.muli %scan3A_119, %mul3A_121 : i32
      %add3A_123 = arith.constant 0 : i32
      %add3A_124 = arith.addi %mul3A_122, %add3A_123 : i32
      %mul3A_125 = arith.constant 80 : i32
      %mul3A_126 = arith.muli %add3A_124, %mul3A_125 : i32
      %dma_wait3A_127 = tpu.memref_slice %arg5[%mul3A_126] : memref<8704xi32, #tpu.memory_space<vmem>> -> memref<80xi32, #tpu.memory_space<vmem>>
      %dma_wait3A_128 = arith.constant 0 : i32
      %dma_wait3A_129 = arith.constant 0 : i32
      %dma_wait3A_130 = tpu.memref_slice %arg2[%dma_wait3A_128, %dma_wait3A_129] : memref<10240x128xf32, #tpu.memory_space<hbm>> -> memref<10240x128xf32, #tpu.memory_space<hbm>>
      tpu.wait_indirect_dma semaphore(%arg10 : memref<!tpu.dma_semaphore, #tpu.memory_space<semaphore_mem>>) src(%dma_wait3A_130 : memref<10240x128xf32, #tpu.memory_space<hbm>>) dst(%arg6 : memref<80x128xf32, #tpu.memory_space<vmem>>)
      %add3A_131 = arith.constant 0 : i32
      %add3A_132 = arith.addi %mul3A_122, %add3A_131 : i32
      %jit3A = arith.constant 4 : i32
      %div3A = arith.divsi %add3A_132, %jit3A : i32
      %sign3A = arith.constant 0 : i32
      %sign3A_133 = arith.cmpi sgt, %add3A_132, %sign3A : i32
      %sign3A_134 = arith.extui %sign3A_133 : i1 to i32
      %sign3A_135 = arith.constant 0 : i32
      %sign3A_136 = arith.cmpi slt, %add3A_132, %sign3A_135 : i32
      %sign3A_137 = arith.extui %sign3A_136 : i1 to i32
      %sign3A_138 = arith.subi %sign3A_134, %sign3A_137 : i32
      %sign3A_139 = arith.constant 0 : i32
      %sign3A_140 = arith.cmpi sgt, %jit3A, %sign3A_139 : i32
      %sign3A_141 = arith.extui %sign3A_140 : i1 to i32
      %sign3A_142 = arith.constant 0 : i32
      %sign3A_143 = arith.cmpi slt, %jit3A, %sign3A_142 : i32
      %sign3A_144 = arith.extui %sign3A_143 : i1 to i32
      %sign3A_145 = arith.subi %sign3A_141, %sign3A_144 : i32
      %ne3A = arith.cmpi ne, %sign3A_138, %sign3A_145 : i32
      %rem3A = arith.remsi %add3A_132, %jit3A : i32
      %ne3A_146 = arith.constant 0 : i32
      %ne3A_147 = arith.cmpi ne, %rem3A, %ne3A_146 : i32
      %and3A = arith.andi %ne3A, %ne3A_147 : i1
      %sub3A = arith.constant 1 : i32
      %sub3A_148 = arith.subi %div3A, %sub3A : i32
      %select_n3A = arith.select %and3A, %sub3A_148, %div3A : i32
      %mul3A_149 = arith.constant 4 : i32
      %mul3A_150 = arith.muli %select_n3A, %mul3A_149 : i32
      %sub3A_151 = arith.subi %add3A_132, %mul3A_150 : i32
      %mul3A_152 = arith.constant 80 : i32
      %mul3A_153 = arith.muli %sub3A_151, %mul3A_152 : i32
      %add3A_154 = arith.addi %mul3A_2, %mul3A_153 : i32
      %dma_start3A_155 = arith.constant 0 : i32
      %dma_start3A_156 = tpu.memref_slice %arg4[%select_n3A, %add3A_154, %dma_start3A_155] : memref<27x10240x128xf32, #tpu.memory_space<hbm>> -> memref<1x80x128xf32, #tpu.memory_space<hbm>>
      %dma_start3A_157 = tpu.memref_squeeze %dma_start3A_156 : memref<1x80x128xf32, #tpu.memory_space<hbm>> -> memref<80x128xf32, #tpu.memory_space<hbm>>
      %dma_start3A_158 = arith.constant 0 : i32
      %dma_start3A_159 = tpu.memref_slice %arg4[%select_n3A, %add3A_154, %dma_start3A_158] : memref<27x10240x128xf32, #tpu.memory_space<hbm>> -> memref<1x80x128xf32, #tpu.memory_space<hbm>>
      %dma_start3A_160 = tpu.memref_squeeze %dma_start3A_159 : memref<1x80x128xf32, #tpu.memory_space<hbm>> -> memref<80x128xf32, #tpu.memory_space<hbm>>
      tpu.enqueue_dma source(%arg6 : memref<80x128xf32, #tpu.memory_space<vmem>>) target(%dma_start3A_160 : memref<80x128xf32, #tpu.memory_space<hbm>>) target_semaphore(%arg14 : memref<!tpu.dma_semaphore, #tpu.memory_space<semaphore_mem>>)
      %add3A_161 = arith.constant 1 : i32
      %add3A_162 = arith.addi %mul3A_122, %add3A_161 : i32
      %mul3A_163 = arith.constant 80 : i32
      %mul3A_164 = arith.muli %add3A_162, %mul3A_163 : i32
      %dma_wait3A_165 = tpu.memref_slice %arg5[%mul3A_164] : memref<8704xi32, #tpu.memory_space<vmem>> -> memref<80xi32, #tpu.memory_space<vmem>>
      %dma_wait3A_166 = arith.constant 0 : i32
      %dma_wait3A_167 = arith.constant 0 : i32
      %dma_wait3A_168 = tpu.memref_slice %arg2[%dma_wait3A_166, %dma_wait3A_167] : memref<10240x128xf32, #tpu.memory_space<hbm>> -> memref<10240x128xf32, #tpu.memory_space<hbm>>
      tpu.wait_indirect_dma semaphore(%arg11 : memref<!tpu.dma_semaphore, #tpu.memory_space<semaphore_mem>>) src(%dma_wait3A_168 : memref<10240x128xf32, #tpu.memory_space<hbm>>) dst(%arg7 : memref<80x128xf32, #tpu.memory_space<vmem>>)
      %add3A_169 = arith.constant 1 : i32
      %add3A_170 = arith.addi %mul3A_122, %add3A_169 : i32
      %jit3A_171 = arith.constant 4 : i32
      %div3A_172 = arith.divsi %add3A_170, %jit3A_171 : i32
      %sign3A_173 = arith.constant 0 : i32
      %sign3A_174 = arith.cmpi sgt, %add3A_170, %sign3A_173 : i32
      %sign3A_175 = arith.extui %sign3A_174 : i1 to i32
      %sign3A_176 = arith.constant 0 : i32
      %sign3A_177 = arith.cmpi slt, %add3A_170, %sign3A_176 : i32
      %sign3A_178 = arith.extui %sign3A_177 : i1 to i32
      %sign3A_179 = arith.subi %sign3A_175, %sign3A_178 : i32
      %sign3A_180 = arith.constant 0 : i32
      %sign3A_181 = arith.cmpi sgt, %jit3A_171, %sign3A_180 : i32
      %sign3A_182 = arith.extui %sign3A_181 : i1 to i32
      %sign3A_183 = arith.constant 0 : i32
      %sign3A_184 = arith.cmpi slt, %jit3A_171, %sign3A_183 : i32
      %sign3A_185 = arith.extui %sign3A_184 : i1 to i32
      %sign3A_186 = arith.subi %sign3A_182, %sign3A_185 : i32
      %ne3A_187 = arith.cmpi ne, %sign3A_179, %sign3A_186 : i32
      %rem3A_188 = arith.remsi %add3A_170, %jit3A_171 : i32
      %ne3A_189 = arith.constant 0 : i32
      %ne3A_190 = arith.cmpi ne, %rem3A_188, %ne3A_189 : i32
      %and3A_191 = arith.andi %ne3A_187, %ne3A_190 : i1
      %sub3A_192 = arith.constant 1 : i32
      %sub3A_193 = arith.subi %div3A_172, %sub3A_192 : i32
      %select_n3A_194 = arith.select %and3A_191, %sub3A_193, %div3A_172 : i32
      %mul3A_195 = arith.constant 4 : i32
      %mul3A_196 = arith.muli %select_n3A_194, %mul3A_195 : i32
      %sub3A_197 = arith.subi %add3A_170, %mul3A_196 : i32
      %mul3A_198 = arith.constant 80 : i32
      %mul3A_199 = arith.muli %sub3A_197, %mul3A_198 : i32
      %add3A_200 = arith.addi %mul3A_2, %mul3A_199 : i32
      %dma_start3A_201 = arith.constant 0 : i32
      %dma_start3A_202 = tpu.memref_slice %arg4[%select_n3A_194, %add3A_200, %dma_start3A_201] : memref<27x10240x128xf32, #tpu.memory_space<hbm>> -> memref<1x80x128xf32, #tpu.memory_space<hbm>>
      %dma_start3A_203 = tpu.memref_squeeze %dma_start3A_202 : memref<1x80x128xf32, #tpu.memory_space<hbm>> -> memref<80x128xf32, #tpu.memory_space<hbm>>
      %dma_start3A_204 = arith.constant 0 : i32
      %dma_start3A_205 = tpu.memref_slice %arg4[%select_n3A_194, %add3A_200, %dma_start3A_204] : memref<27x10240x128xf32, #tpu.memory_space<hbm>> -> memref<1x80x128xf32, #tpu.memory_space<hbm>>
      %dma_start3A_206 = tpu.memref_squeeze %dma_start3A_205 : memref<1x80x128xf32, #tpu.memory_space<hbm>> -> memref<80x128xf32, #tpu.memory_space<hbm>>
      tpu.enqueue_dma source(%arg7 : memref<80x128xf32, #tpu.memory_space<vmem>>) target(%dma_start3A_206 : memref<80x128xf32, #tpu.memory_space<hbm>>) target_semaphore(%arg15 : memref<!tpu.dma_semaphore, #tpu.memory_space<semaphore_mem>>)
      %add3A_207 = arith.constant 2 : i32
      %add3A_208 = arith.addi %mul3A_122, %add3A_207 : i32
      %mul3A_209 = arith.constant 80 : i32
      %mul3A_210 = arith.muli %add3A_208, %mul3A_209 : i32
      %dma_wait3A_211 = tpu.memref_slice %arg5[%mul3A_210] : memref<8704xi32, #tpu.memory_space<vmem>> -> memref<80xi32, #tpu.memory_space<vmem>>
      %dma_wait3A_212 = arith.constant 0 : i32
      %dma_wait3A_213 = arith.constant 0 : i32
      %dma_wait3A_214 = tpu.memref_slice %arg2[%dma_wait3A_212, %dma_wait3A_213] : memref<10240x128xf32, #tpu.memory_space<hbm>> -> memref<10240x128xf32, #tpu.memory_space<hbm>>
      tpu.wait_indirect_dma semaphore(%arg12 : memref<!tpu.dma_semaphore, #tpu.memory_space<semaphore_mem>>) src(%dma_wait3A_214 : memref<10240x128xf32, #tpu.memory_space<hbm>>) dst(%arg8 : memref<80x128xf32, #tpu.memory_space<vmem>>)
      %add3A_215 = arith.constant 2 : i32
      %add3A_216 = arith.addi %mul3A_122, %add3A_215 : i32
      %jit3A_217 = arith.constant 4 : i32
      %div3A_218 = arith.divsi %add3A_216, %jit3A_217 : i32
      %sign3A_219 = arith.constant 0 : i32
      %sign3A_220 = arith.cmpi sgt, %add3A_216, %sign3A_219 : i32
      %sign3A_221 = arith.extui %sign3A_220 : i1 to i32
      %sign3A_222 = arith.constant 0 : i32
      %sign3A_223 = arith.cmpi slt, %add3A_216, %sign3A_222 : i32
      %sign3A_224 = arith.extui %sign3A_223 : i1 to i32
      %sign3A_225 = arith.subi %sign3A_221, %sign3A_224 : i32
      %sign3A_226 = arith.constant 0 : i32
      %sign3A_227 = arith.cmpi sgt, %jit3A_217, %sign3A_226 : i32
      %sign3A_228 = arith.extui %sign3A_227 : i1 to i32
      %sign3A_229 = arith.constant 0 : i32
      %sign3A_230 = arith.cmpi slt, %jit3A_217, %sign3A_229 : i32
      %sign3A_231 = arith.extui %sign3A_230 : i1 to i32
      %sign3A_232 = arith.subi %sign3A_228, %sign3A_231 : i32
      %ne3A_233 = arith.cmpi ne, %sign3A_225, %sign3A_232 : i32
      %rem3A_234 = arith.remsi %add3A_216, %jit3A_217 : i32
      %ne3A_235 = arith.constant 0 : i32
      %ne3A_236 = arith.cmpi ne, %rem3A_234, %ne3A_235 : i32
      %and3A_237 = arith.andi %ne3A_233, %ne3A_236 : i1
      %sub3A_238 = arith.constant 1 : i32
      %sub3A_239 = arith.subi %div3A_218, %sub3A_238 : i32
      %select_n3A_240 = arith.select %and3A_237, %sub3A_239, %div3A_218 : i32
      %mul3A_241 = arith.constant 4 : i32
      %mul3A_242 = arith.muli %select_n3A_240, %mul3A_241 : i32
      %sub3A_243 = arith.subi %add3A_216, %mul3A_242 : i32
      %mul3A_244 = arith.constant 80 : i32
      %mul3A_245 = arith.muli %sub3A_243, %mul3A_244 : i32
      %add3A_246 = arith.addi %mul3A_2, %mul3A_245 : i32
      %dma_start3A_247 = arith.constant 0 : i32
      %dma_start3A_248 = tpu.memref_slice %arg4[%select_n3A_240, %add3A_246, %dma_start3A_247] : memref<27x10240x128xf32, #tpu.memory_space<hbm>> -> memref<1x80x128xf32, #tpu.memory_space<hbm>>
      %dma_start3A_249 = tpu.memref_squeeze %dma_start3A_248 : memref<1x80x128xf32, #tpu.memory_space<hbm>> -> memref<80x128xf32, #tpu.memory_space<hbm>>
      %dma_start3A_250 = arith.constant 0 : i32
      %dma_start3A_251 = tpu.memref_slice %arg4[%select_n3A_240, %add3A_246, %dma_start3A_250] : memref<27x10240x128xf32, #tpu.memory_space<hbm>> -> memref<1x80x128xf32, #tpu.memory_space<hbm>>
      %dma_start3A_252 = tpu.memref_squeeze %dma_start3A_251 : memref<1x80x128xf32, #tpu.memory_space<hbm>> -> memref<80x128xf32, #tpu.memory_space<hbm>>
      tpu.enqueue_dma source(%arg8 : memref<80x128xf32, #tpu.memory_space<vmem>>) target(%dma_start3A_252 : memref<80x128xf32, #tpu.memory_space<hbm>>) target_semaphore(%arg16 : memref<!tpu.dma_semaphore, #tpu.memory_space<semaphore_mem>>)
      %add3A_253 = arith.constant 3 : i32
      %add3A_254 = arith.addi %mul3A_122, %add3A_253 : i32
      %mul3A_255 = arith.constant 80 : i32
      %mul3A_256 = arith.muli %add3A_254, %mul3A_255 : i32
      %dma_wait3A_257 = tpu.memref_slice %arg5[%mul3A_256] : memref<8704xi32, #tpu.memory_space<vmem>> -> memref<80xi32, #tpu.memory_space<vmem>>
      %dma_wait3A_258 = arith.constant 0 : i32
      %dma_wait3A_259 = arith.constant 0 : i32
      %dma_wait3A_260 = tpu.memref_slice %arg2[%dma_wait3A_258, %dma_wait3A_259] : memref<10240x128xf32, #tpu.memory_space<hbm>> -> memref<10240x128xf32, #tpu.memory_space<hbm>>
      tpu.wait_indirect_dma semaphore(%arg13 : memref<!tpu.dma_semaphore, #tpu.memory_space<semaphore_mem>>) src(%dma_wait3A_260 : memref<10240x128xf32, #tpu.memory_space<hbm>>) dst(%arg9 : memref<80x128xf32, #tpu.memory_space<vmem>>)
      %add3A_261 = arith.constant 3 : i32
      %add3A_262 = arith.addi %mul3A_122, %add3A_261 : i32
      %jit3A_263 = arith.constant 4 : i32
      %div3A_264 = arith.divsi %add3A_262, %jit3A_263 : i32
      %sign3A_265 = arith.constant 0 : i32
      %sign3A_266 = arith.cmpi sgt, %add3A_262, %sign3A_265 : i32
      %sign3A_267 = arith.extui %sign3A_266 : i1 to i32
      %sign3A_268 = arith.constant 0 : i32
      %sign3A_269 = arith.cmpi slt, %add3A_262, %sign3A_268 : i32
      %sign3A_270 = arith.extui %sign3A_269 : i1 to i32
      %sign3A_271 = arith.subi %sign3A_267, %sign3A_270 : i32
      %sign3A_272 = arith.constant 0 : i32
      %sign3A_273 = arith.cmpi sgt, %jit3A_263, %sign3A_272 : i32
      %sign3A_274 = arith.extui %sign3A_273 : i1 to i32
      %sign3A_275 = arith.constant 0 : i32
      %sign3A_276 = arith.cmpi slt, %jit3A_263, %sign3A_275 : i32
      %sign3A_277 = arith.extui %sign3A_276 : i1 to i32
      %sign3A_278 = arith.subi %sign3A_274, %sign3A_277 : i32
      %ne3A_279 = arith.cmpi ne, %sign3A_271, %sign3A_278 : i32
      %rem3A_280 = arith.remsi %add3A_262, %jit3A_263 : i32
      %ne3A_281 = arith.constant 0 : i32
      %ne3A_282 = arith.cmpi ne, %rem3A_280, %ne3A_281 : i32
      %and3A_283 = arith.andi %ne3A_279, %ne3A_282 : i1
      %sub3A_284 = arith.constant 1 : i32
      %sub3A_285 = arith.subi %div3A_264, %sub3A_284 : i32
      %select_n3A_286 = arith.select %and3A_283, %sub3A_285, %div3A_264 : i32
      %mul3A_287 = arith.constant 4 : i32
      %mul3A_288 = arith.muli %select_n3A_286, %mul3A_287 : i32
      %sub3A_289 = arith.subi %add3A_262, %mul3A_288 : i32
      %mul3A_290 = arith.constant 80 : i32
      %mul3A_291 = arith.muli %sub3A_289, %mul3A_290 : i32
      %add3A_292 = arith.addi %mul3A_2, %mul3A_291 : i32
      %dma_start3A_293 = arith.constant 0 : i32
      %dma_start3A_294 = tpu.memref_slice %arg4[%select_n3A_286, %add3A_292, %dma_start3A_293] : memref<27x10240x128xf32, #tpu.memory_space<hbm>> -> memref<1x80x128xf32, #tpu.memory_space<hbm>>
      %dma_start3A_295 = tpu.memref_squeeze %dma_start3A_294 : memref<1x80x128xf32, #tpu.memory_space<hbm>> -> memref<80x128xf32, #tpu.memory_space<hbm>>
      %dma_start3A_296 = arith.constant 0 : i32
      %dma_start3A_297 = tpu.memref_slice %arg4[%select_n3A_286, %add3A_292, %dma_start3A_296] : memref<27x10240x128xf32, #tpu.memory_space<hbm>> -> memref<1x80x128xf32, #tpu.memory_space<hbm>>
      %dma_start3A_298 = tpu.memref_squeeze %dma_start3A_297 : memref<1x80x128xf32, #tpu.memory_space<hbm>> -> memref<80x128xf32, #tpu.memory_space<hbm>>
      tpu.enqueue_dma source(%arg9 : memref<80x128xf32, #tpu.memory_space<vmem>>) target(%dma_start3A_298 : memref<80x128xf32, #tpu.memory_space<hbm>>) target_semaphore(%arg17 : memref<!tpu.dma_semaphore, #tpu.memory_space<semaphore_mem>>)
      %add3A_299 = arith.constant 0 : i32
      %add3A_300 = arith.addi %mul3A_122, %add3A_299 : i32
      %jit3A_301 = arith.constant 4 : i32
      %div3A_302 = arith.divsi %add3A_300, %jit3A_301 : i32
      %sign3A_303 = arith.constant 0 : i32
      %sign3A_304 = arith.cmpi sgt, %add3A_300, %sign3A_303 : i32
      %sign3A_305 = arith.extui %sign3A_304 : i1 to i32
      %sign3A_306 = arith.constant 0 : i32
      %sign3A_307 = arith.cmpi slt, %add3A_300, %sign3A_306 : i32
      %sign3A_308 = arith.extui %sign3A_307 : i1 to i32
      %sign3A_309 = arith.subi %sign3A_305, %sign3A_308 : i32
      %sign3A_310 = arith.constant 0 : i32
      %sign3A_311 = arith.cmpi sgt, %jit3A_301, %sign3A_310 : i32
      %sign3A_312 = arith.extui %sign3A_311 : i1 to i32
      %sign3A_313 = arith.constant 0 : i32
      %sign3A_314 = arith.cmpi slt, %jit3A_301, %sign3A_313 : i32
      %sign3A_315 = arith.extui %sign3A_314 : i1 to i32
      %sign3A_316 = arith.subi %sign3A_312, %sign3A_315 : i32
      %ne3A_317 = arith.cmpi ne, %sign3A_309, %sign3A_316 : i32
      %rem3A_318 = arith.remsi %add3A_300, %jit3A_301 : i32
      %ne3A_319 = arith.constant 0 : i32
      %ne3A_320 = arith.cmpi ne, %rem3A_318, %ne3A_319 : i32
      %and3A_321 = arith.andi %ne3A_317, %ne3A_320 : i1
      %sub3A_322 = arith.constant 1 : i32
      %sub3A_323 = arith.subi %div3A_302, %sub3A_322 : i32
      %select_n3A_324 = arith.select %and3A_321, %sub3A_323, %div3A_302 : i32
      %mul3A_325 = arith.constant 4 : i32
      %mul3A_326 = arith.muli %select_n3A_324, %mul3A_325 : i32
      %sub3A_327 = arith.subi %add3A_300, %mul3A_326 : i32
      %mul3A_328 = arith.constant 80 : i32
      %mul3A_329 = arith.muli %sub3A_327, %mul3A_328 : i32
      %add3A_330 = arith.addi %mul3A_2, %mul3A_329 : i32
      %dma_wait3A_331 = arith.constant 0 : i32
      %dma_wait3A_332 = tpu.memref_slice %arg4[%select_n3A_324, %add3A_330, %dma_wait3A_331] : memref<27x10240x128xf32, #tpu.memory_space<hbm>> -> memref<1x80x128xf32, #tpu.memory_space<hbm>>
      %dma_wait3A_333 = tpu.memref_squeeze %dma_wait3A_332 : memref<1x80x128xf32, #tpu.memory_space<hbm>> -> memref<80x128xf32, #tpu.memory_space<hbm>>
      %dma_wait3A_334 = arith.constant 0 : i32
      %dma_wait3A_335 = tpu.memref_slice %arg4[%select_n3A_324, %add3A_330, %dma_wait3A_334] : memref<27x10240x128xf32, #tpu.memory_space<hbm>> -> memref<1x80x128xf32, #tpu.memory_space<hbm>>
      %dma_wait3A_336 = tpu.memref_squeeze %dma_wait3A_335 : memref<1x80x128xf32, #tpu.memory_space<hbm>> -> memref<80x128xf32, #tpu.memory_space<hbm>>
      tpu.wait_dma2 semaphore(%arg14 : memref<!tpu.dma_semaphore, #tpu.memory_space<semaphore_mem>>) src(%arg6 : memref<80x128xf32, #tpu.memory_space<vmem>>) dst(%dma_wait3A_336 : memref<80x128xf32, #tpu.memory_space<hbm>>)
      %add3A_337 = arith.constant 4 : i32
      %add3A_338 = arith.addi %mul3A_122, %add3A_337 : i32
      %add3A_339 = arith.constant 0 : i32
      %add3A_340 = arith.addi %add3A_338, %add3A_339 : i32
      %mul3A_341 = arith.constant 80 : i32
      %mul3A_342 = arith.muli %add3A_340, %mul3A_341 : i32
      %dma_start3A_343 = tpu.memref_slice %arg5[%mul3A_342] : memref<8704xi32, #tpu.memory_space<vmem>> -> memref<80xi32, #tpu.memory_space<vmem>>
      %dma_start3A_344 = arith.constant 0 : i32
      %dma_start3A_345 = arith.constant 0 : i32
      %dma_start3A_346 = tpu.memref_slice %arg2[%dma_start3A_344, %dma_start3A_345] : memref<10240x128xf32, #tpu.memory_space<hbm>> -> memref<10240x128xf32, #tpu.memory_space<hbm>>
      tpu.enqueue_indirect_dma source(%dma_start3A_346 : memref<10240x128xf32, #tpu.memory_space<hbm>>) target(%arg6 : memref<80x128xf32, #tpu.memory_space<vmem>>) offsets(%dma_start3A_343 : memref<80xi32, #tpu.memory_space<vmem>>) semaphore(%arg10 : memref<!tpu.dma_semaphore, #tpu.memory_space<semaphore_mem>>)
      %add3A_347 = arith.constant 1 : i32
      %add3A_348 = arith.addi %mul3A_122, %add3A_347 : i32
      %jit3A_349 = arith.constant 4 : i32
      %div3A_350 = arith.divsi %add3A_348, %jit3A_349 : i32
      %sign3A_351 = arith.constant 0 : i32
      %sign3A_352 = arith.cmpi sgt, %add3A_348, %sign3A_351 : i32
      %sign3A_353 = arith.extui %sign3A_352 : i1 to i32
      %sign3A_354 = arith.constant 0 : i32
      %sign3A_355 = arith.cmpi slt, %add3A_348, %sign3A_354 : i32
      %sign3A_356 = arith.extui %sign3A_355 : i1 to i32
      %sign3A_357 = arith.subi %sign3A_353, %sign3A_356 : i32
      %sign3A_358 = arith.constant 0 : i32
      %sign3A_359 = arith.cmpi sgt, %jit3A_349, %sign3A_358 : i32
      %sign3A_360 = arith.extui %sign3A_359 : i1 to i32
      %sign3A_361 = arith.constant 0 : i32
      %sign3A_362 = arith.cmpi slt, %jit3A_349, %sign3A_361 : i32
      %sign3A_363 = arith.extui %sign3A_362 : i1 to i32
      %sign3A_364 = arith.subi %sign3A_360, %sign3A_363 : i32
      %ne3A_365 = arith.cmpi ne, %sign3A_357, %sign3A_364 : i32
      %rem3A_366 = arith.remsi %add3A_348, %jit3A_349 : i32
      %ne3A_367 = arith.constant 0 : i32
      %ne3A_368 = arith.cmpi ne, %rem3A_366, %ne3A_367 : i32
      %and3A_369 = arith.andi %ne3A_365, %ne3A_368 : i1
      %sub3A_370 = arith.constant 1 : i32
      %sub3A_371 = arith.subi %div3A_350, %sub3A_370 : i32
      %select_n3A_372 = arith.select %and3A_369, %sub3A_371, %div3A_350 : i32
      %mul3A_373 = arith.constant 4 : i32
      %mul3A_374 = arith.muli %select_n3A_372, %mul3A_373 : i32
      %sub3A_375 = arith.subi %add3A_348, %mul3A_374 : i32
      %mul3A_376 = arith.constant 80 : i32
      %mul3A_377 = arith.muli %sub3A_375, %mul3A_376 : i32
      %add3A_378 = arith.addi %mul3A_2, %mul3A_377 : i32
      %dma_wait3A_379 = arith.constant 0 : i32
      %dma_wait3A_380 = tpu.memref_slice %arg4[%select_n3A_372, %add3A_378, %dma_wait3A_379] : memref<27x10240x128xf32, #tpu.memory_space<hbm>> -> memref<1x80x128xf32, #tpu.memory_space<hbm>>
      %dma_wait3A_381 = tpu.memref_squeeze %dma_wait3A_380 : memref<1x80x128xf32, #tpu.memory_space<hbm>> -> memref<80x128xf32, #tpu.memory_space<hbm>>
      %dma_wait3A_382 = arith.constant 0 : i32
      %dma_wait3A_383 = tpu.memref_slice %arg4[%select_n3A_372, %add3A_378, %dma_wait3A_382] : memref<27x10240x128xf32, #tpu.memory_space<hbm>> -> memref<1x80x128xf32, #tpu.memory_space<hbm>>
      %dma_wait3A_384 = tpu.memref_squeeze %dma_wait3A_383 : memref<1x80x128xf32, #tpu.memory_space<hbm>> -> memref<80x128xf32, #tpu.memory_space<hbm>>
      tpu.wait_dma2 semaphore(%arg15 : memref<!tpu.dma_semaphore, #tpu.memory_space<semaphore_mem>>) src(%arg7 : memref<80x128xf32, #tpu.memory_space<vmem>>) dst(%dma_wait3A_384 : memref<80x128xf32, #tpu.memory_space<hbm>>)
      %add3A_385 = arith.constant 4 : i32
      %add3A_386 = arith.addi %mul3A_122, %add3A_385 : i32
      %add3A_387 = arith.constant 1 : i32
      %add3A_388 = arith.addi %add3A_386, %add3A_387 : i32
      %mul3A_389 = arith.constant 80 : i32
      %mul3A_390 = arith.muli %add3A_388, %mul3A_389 : i32
      %dma_start3A_391 = tpu.memref_slice %arg5[%mul3A_390] : memref<8704xi32, #tpu.memory_space<vmem>> -> memref<80xi32, #tpu.memory_space<vmem>>
      %dma_start3A_392 = arith.constant 0 : i32
      %dma_start3A_393 = arith.constant 0 : i32
      %dma_start3A_394 = tpu.memref_slice %arg2[%dma_start3A_392, %dma_start3A_393] : memref<10240x128xf32, #tpu.memory_space<hbm>> -> memref<10240x128xf32, #tpu.memory_space<hbm>>
      tpu.enqueue_indirect_dma source(%dma_start3A_394 : memref<10240x128xf32, #tpu.memory_space<hbm>>) target(%arg7 : memref<80x128xf32, #tpu.memory_space<vmem>>) offsets(%dma_start3A_391 : memref<80xi32, #tpu.memory_space<vmem>>) semaphore(%arg11 : memref<!tpu.dma_semaphore, #tpu.memory_space<semaphore_mem>>)
      %add3A_395 = arith.constant 2 : i32
      %add3A_396 = arith.addi %mul3A_122, %add3A_395 : i32
      %jit3A_397 = arith.constant 4 : i32
      %div3A_398 = arith.divsi %add3A_396, %jit3A_397 : i32
      %sign3A_399 = arith.constant 0 : i32
      %sign3A_400 = arith.cmpi sgt, %add3A_396, %sign3A_399 : i32
      %sign3A_401 = arith.extui %sign3A_400 : i1 to i32
      %sign3A_402 = arith.constant 0 : i32
      %sign3A_403 = arith.cmpi slt, %add3A_396, %sign3A_402 : i32
      %sign3A_404 = arith.extui %sign3A_403 : i1 to i32
      %sign3A_405 = arith.subi %sign3A_401, %sign3A_404 : i32
      %sign3A_406 = arith.constant 0 : i32
      %sign3A_407 = arith.cmpi sgt, %jit3A_397, %sign3A_406 : i32
      %sign3A_408 = arith.extui %sign3A_407 : i1 to i32
      %sign3A_409 = arith.constant 0 : i32
      %sign3A_410 = arith.cmpi slt, %jit3A_397, %sign3A_409 : i32
      %sign3A_411 = arith.extui %sign3A_410 : i1 to i32
      %sign3A_412 = arith.subi %sign3A_408, %sign3A_411 : i32
      %ne3A_413 = arith.cmpi ne, %sign3A_405, %sign3A_412 : i32
      %rem3A_414 = arith.remsi %add3A_396, %jit3A_397 : i32
      %ne3A_415 = arith.constant 0 : i32
      %ne3A_416 = arith.cmpi ne, %rem3A_414, %ne3A_415 : i32
      %and3A_417 = arith.andi %ne3A_413, %ne3A_416 : i1
      %sub3A_418 = arith.constant 1 : i32
      %sub3A_419 = arith.subi %div3A_398, %sub3A_418 : i32
      %select_n3A_420 = arith.select %and3A_417, %sub3A_419, %div3A_398 : i32
      %mul3A_421 = arith.constant 4 : i32
      %mul3A_422 = arith.muli %select_n3A_420, %mul3A_421 : i32
      %sub3A_423 = arith.subi %add3A_396, %mul3A_422 : i32
      %mul3A_424 = arith.constant 80 : i32
      %mul3A_425 = arith.muli %sub3A_423, %mul3A_424 : i32
      %add3A_426 = arith.addi %mul3A_2, %mul3A_425 : i32
      %dma_wait3A_427 = arith.constant 0 : i32
      %dma_wait3A_428 = tpu.memref_slice %arg4[%select_n3A_420, %add3A_426, %dma_wait3A_427] : memref<27x10240x128xf32, #tpu.memory_space<hbm>> -> memref<1x80x128xf32, #tpu.memory_space<hbm>>
      %dma_wait3A_429 = tpu.memref_squeeze %dma_wait3A_428 : memref<1x80x128xf32, #tpu.memory_space<hbm>> -> memref<80x128xf32, #tpu.memory_space<hbm>>
      %dma_wait3A_430 = arith.constant 0 : i32
      %dma_wait3A_431 = tpu.memref_slice %arg4[%select_n3A_420, %add3A_426, %dma_wait3A_430] : memref<27x10240x128xf32, #tpu.memory_space<hbm>> -> memref<1x80x128xf32, #tpu.memory_space<hbm>>
      %dma_wait3A_432 = tpu.memref_squeeze %dma_wait3A_431 : memref<1x80x128xf32, #tpu.memory_space<hbm>> -> memref<80x128xf32, #tpu.memory_space<hbm>>
      tpu.wait_dma2 semaphore(%arg16 : memref<!tpu.dma_semaphore, #tpu.memory_space<semaphore_mem>>) src(%arg8 : memref<80x128xf32, #tpu.memory_space<vmem>>) dst(%dma_wait3A_432 : memref<80x128xf32, #tpu.memory_space<hbm>>)
      %add3A_433 = arith.constant 4 : i32
      %add3A_434 = arith.addi %mul3A_122, %add3A_433 : i32
      %add3A_435 = arith.constant 2 : i32
      %add3A_436 = arith.addi %add3A_434, %add3A_435 : i32
      %mul3A_437 = arith.constant 80 : i32
      %mul3A_438 = arith.muli %add3A_436, %mul3A_437 : i32
      %dma_start3A_439 = tpu.memref_slice %arg5[%mul3A_438] : memref<8704xi32, #tpu.memory_space<vmem>> -> memref<80xi32, #tpu.memory_space<vmem>>
      %dma_start3A_440 = arith.constant 0 : i32
      %dma_start3A_441 = arith.constant 0 : i32
      %dma_start3A_442 = tpu.memref_slice %arg2[%dma_start3A_440, %dma_start3A_441] : memref<10240x128xf32, #tpu.memory_space<hbm>> -> memref<10240x128xf32, #tpu.memory_space<hbm>>
      tpu.enqueue_indirect_dma source(%dma_start3A_442 : memref<10240x128xf32, #tpu.memory_space<hbm>>) target(%arg8 : memref<80x128xf32, #tpu.memory_space<vmem>>) offsets(%dma_start3A_439 : memref<80xi32, #tpu.memory_space<vmem>>) semaphore(%arg12 : memref<!tpu.dma_semaphore, #tpu.memory_space<semaphore_mem>>)
      %add3A_443 = arith.constant 3 : i32
      %add3A_444 = arith.addi %mul3A_122, %add3A_443 : i32
      %jit3A_445 = arith.constant 4 : i32
      %div3A_446 = arith.divsi %add3A_444, %jit3A_445 : i32
      %sign3A_447 = arith.constant 0 : i32
      %sign3A_448 = arith.cmpi sgt, %add3A_444, %sign3A_447 : i32
      %sign3A_449 = arith.extui %sign3A_448 : i1 to i32
      %sign3A_450 = arith.constant 0 : i32
      %sign3A_451 = arith.cmpi slt, %add3A_444, %sign3A_450 : i32
      %sign3A_452 = arith.extui %sign3A_451 : i1 to i32
      %sign3A_453 = arith.subi %sign3A_449, %sign3A_452 : i32
      %sign3A_454 = arith.constant 0 : i32
      %sign3A_455 = arith.cmpi sgt, %jit3A_445, %sign3A_454 : i32
      %sign3A_456 = arith.extui %sign3A_455 : i1 to i32
      %sign3A_457 = arith.constant 0 : i32
      %sign3A_458 = arith.cmpi slt, %jit3A_445, %sign3A_457 : i32
      %sign3A_459 = arith.extui %sign3A_458 : i1 to i32
      %sign3A_460 = arith.subi %sign3A_456, %sign3A_459 : i32
      %ne3A_461 = arith.cmpi ne, %sign3A_453, %sign3A_460 : i32
      %rem3A_462 = arith.remsi %add3A_444, %jit3A_445 : i32
      %ne3A_463 = arith.constant 0 : i32
      %ne3A_464 = arith.cmpi ne, %rem3A_462, %ne3A_463 : i32
      %and3A_465 = arith.andi %ne3A_461, %ne3A_464 : i1
      %sub3A_466 = arith.constant 1 : i32
      %sub3A_467 = arith.subi %div3A_446, %sub3A_466 : i32
      %select_n3A_468 = arith.select %and3A_465, %sub3A_467, %div3A_446 : i32
      %mul3A_469 = arith.constant 4 : i32
      %mul3A_470 = arith.muli %select_n3A_468, %mul3A_469 : i32
      %sub3A_471 = arith.subi %add3A_444, %mul3A_470 : i32
      %mul3A_472 = arith.constant 80 : i32
      %mul3A_473 = arith.muli %sub3A_471, %mul3A_472 : i32
      %add3A_474 = arith.addi %mul3A_2, %mul3A_473 : i32
      %dma_wait3A_475 = arith.constant 0 : i32
      %dma_wait3A_476 = tpu.memref_slice %arg4[%select_n3A_468, %add3A_474, %dma_wait3A_475] : memref<27x10240x128xf32, #tpu.memory_space<hbm>> -> memref<1x80x128xf32, #tpu.memory_space<hbm>>
      %dma_wait3A_477 = tpu.memref_squeeze %dma_wait3A_476 : memref<1x80x128xf32, #tpu.memory_space<hbm>> -> memref<80x128xf32, #tpu.memory_space<hbm>>
      %dma_wait3A_478 = arith.constant 0 : i32
      %dma_wait3A_479 = tpu.memref_slice %arg4[%select_n3A_468, %add3A_474, %dma_wait3A_478] : memref<27x10240x128xf32, #tpu.memory_space<hbm>> -> memref<1x80x128xf32, #tpu.memory_space<hbm>>
      %dma_wait3A_480 = tpu.memref_squeeze %dma_wait3A_479 : memref<1x80x128xf32, #tpu.memory_space<hbm>> -> memref<80x128xf32, #tpu.memory_space<hbm>>
      tpu.wait_dma2 semaphore(%arg17 : memref<!tpu.dma_semaphore, #tpu.memory_space<semaphore_mem>>) src(%arg9 : memref<80x128xf32, #tpu.memory_space<vmem>>) dst(%dma_wait3A_480 : memref<80x128xf32, #tpu.memory_space<hbm>>)
      %add3A_481 = arith.constant 4 : i32
      %add3A_482 = arith.addi %mul3A_122, %add3A_481 : i32
      %add3A_483 = arith.constant 3 : i32
      %add3A_484 = arith.addi %add3A_482, %add3A_483 : i32
      %mul3A_485 = arith.constant 80 : i32
      %mul3A_486 = arith.muli %add3A_484, %mul3A_485 : i32
      %dma_start3A_487 = tpu.memref_slice %arg5[%mul3A_486] : memref<8704xi32, #tpu.memory_space<vmem>> -> memref<80xi32, #tpu.memory_space<vmem>>
      %dma_start3A_488 = arith.constant 0 : i32
      %dma_start3A_489 = arith.constant 0 : i32
      %dma_start3A_490 = tpu.memref_slice %arg2[%dma_start3A_488, %dma_start3A_489] : memref<10240x128xf32, #tpu.memory_space<hbm>> -> memref<10240x128xf32, #tpu.memory_space<hbm>>
      tpu.enqueue_indirect_dma source(%dma_start3A_490 : memref<10240x128xf32, #tpu.memory_space<hbm>>) target(%arg9 : memref<80x128xf32, #tpu.memory_space<vmem>>) offsets(%dma_start3A_487 : memref<80xi32, #tpu.memory_space<vmem>>) semaphore(%arg13 : memref<!tpu.dma_semaphore, #tpu.memory_space<semaphore_mem>>)
      %scan3A_491 = arith.constant 0 : i32
      scf.yield %scan3A_491 : i32
    }
    %scan3A_27 = arith.constant 26 : i32
    %dma_wait3A = arith.constant 8320 : i32
    %dma_wait3A_28 = tpu.memref_slice %arg5[%dma_wait3A] : memref<8704xi32, #tpu.memory_space<vmem>> -> memref<80xi32, #tpu.memory_space<vmem>>
    %dma_wait3A_29 = arith.constant 0 : i32
    %dma_wait3A_30 = arith.constant 0 : i32
    %dma_wait3A_31 = tpu.memref_slice %arg2[%dma_wait3A_29, %dma_wait3A_30] : memref<10240x128xf32, #tpu.memory_space<hbm>> -> memref<10240x128xf32, #tpu.memory_space<hbm>>
    tpu.wait_indirect_dma semaphore(%arg10 : memref<!tpu.dma_semaphore, #tpu.memory_space<semaphore_mem>>) src(%dma_wait3A_31 : memref<10240x128xf32, #tpu.memory_space<hbm>>) dst(%arg6 : memref<80x128xf32, #tpu.memory_space<vmem>>)
    %add3A_32 = arith.constant 0 : i32
    %add3A_33 = arith.addi %mul3A_2, %add3A_32 : i32
    %dma_start3A_34 = arith.constant 26 : i32
    %dma_start3A_35 = arith.constant 0 : i32
    %dma_start3A_36 = tpu.memref_slice %arg4[%dma_start3A_34, %add3A_33, %dma_start3A_35] : memref<27x10240x128xf32, #tpu.memory_space<hbm>> -> memref<1x80x128xf32, #tpu.memory_space<hbm>>
    %dma_start3A_37 = tpu.memref_squeeze %dma_start3A_36 : memref<1x80x128xf32, #tpu.memory_space<hbm>> -> memref<80x128xf32, #tpu.memory_space<hbm>>
    %dma_start3A_38 = arith.constant 0 : i32
    %dma_start3A_39 = tpu.memref_slice %arg4[%dma_start3A_34, %add3A_33, %dma_start3A_38] : memref<27x10240x128xf32, #tpu.memory_space<hbm>> -> memref<1x80x128xf32, #tpu.memory_space<hbm>>
    %dma_start3A_40 = tpu.memref_squeeze %dma_start3A_39 : memref<1x80x128xf32, #tpu.memory_space<hbm>> -> memref<80x128xf32, #tpu.memory_space<hbm>>
    tpu.enqueue_dma source(%arg6 : memref<80x128xf32, #tpu.memory_space<vmem>>) target(%dma_start3A_40 : memref<80x128xf32, #tpu.memory_space<hbm>>) target_semaphore(%arg14 : memref<!tpu.dma_semaphore, #tpu.memory_space<semaphore_mem>>)
    %dma_wait3A_41 = arith.constant 8400 : i32
    %dma_wait3A_42 = tpu.memref_slice %arg5[%dma_wait3A_41] : memref<8704xi32, #tpu.memory_space<vmem>> -> memref<80xi32, #tpu.memory_space<vmem>>
    %dma_wait3A_43 = arith.constant 0 : i32
    %dma_wait3A_44 = arith.constant 0 : i32
    %dma_wait3A_45 = tpu.memref_slice %arg2[%dma_wait3A_43, %dma_wait3A_44] : memref<10240x128xf32, #tpu.memory_space<hbm>> -> memref<10240x128xf32, #tpu.memory_space<hbm>>
    tpu.wait_indirect_dma semaphore(%arg11 : memref<!tpu.dma_semaphore, #tpu.memory_space<semaphore_mem>>) src(%dma_wait3A_45 : memref<10240x128xf32, #tpu.memory_space<hbm>>) dst(%arg7 : memref<80x128xf32, #tpu.memory_space<vmem>>)
    %add3A_46 = arith.constant 80 : i32
    %add3A_47 = arith.addi %mul3A_2, %add3A_46 : i32
    %dma_start3A_48 = arith.constant 26 : i32
    %dma_start3A_49 = arith.constant 0 : i32
    %dma_start3A_50 = tpu.memref_slice %arg4[%dma_start3A_48, %add3A_47, %dma_start3A_49] : memref<27x10240x128xf32, #tpu.memory_space<hbm>> -> memref<1x80x128xf32, #tpu.memory_space<hbm>>
    %dma_start3A_51 = tpu.memref_squeeze %dma_start3A_50 : memref<1x80x128xf32, #tpu.memory_space<hbm>> -> memref<80x128xf32, #tpu.memory_space<hbm>>
    %dma_start3A_52 = arith.constant 0 : i32
    %dma_start3A_53 = tpu.memref_slice %arg4[%dma_start3A_48, %add3A_47, %dma_start3A_52] : memref<27x10240x128xf32, #tpu.memory_space<hbm>> -> memref<1x80x128xf32, #tpu.memory_space<hbm>>
    %dma_start3A_54 = tpu.memref_squeeze %dma_start3A_53 : memref<1x80x128xf32, #tpu.memory_space<hbm>> -> memref<80x128xf32, #tpu.memory_space<hbm>>
    tpu.enqueue_dma source(%arg7 : memref<80x128xf32, #tpu.memory_space<vmem>>) target(%dma_start3A_54 : memref<80x128xf32, #tpu.memory_space<hbm>>) target_semaphore(%arg15 : memref<!tpu.dma_semaphore, #tpu.memory_space<semaphore_mem>>)
    %dma_wait3A_55 = arith.constant 8480 : i32
    %dma_wait3A_56 = tpu.memref_slice %arg5[%dma_wait3A_55] : memref<8704xi32, #tpu.memory_space<vmem>> -> memref<80xi32, #tpu.memory_space<vmem>>
    %dma_wait3A_57 = arith.constant 0 : i32
    %dma_wait3A_58 = arith.constant 0 : i32
    %dma_wait3A_59 = tpu.memref_slice %arg2[%dma_wait3A_57, %dma_wait3A_58] : memref<10240x128xf32, #tpu.memory_space<hbm>> -> memref<10240x128xf32, #tpu.memory_space<hbm>>
    tpu.wait_indirect_dma semaphore(%arg12 : memref<!tpu.dma_semaphore, #tpu.memory_space<semaphore_mem>>) src(%dma_wait3A_59 : memref<10240x128xf32, #tpu.memory_space<hbm>>) dst(%arg8 : memref<80x128xf32, #tpu.memory_space<vmem>>)
    %add3A_60 = arith.constant 160 : i32
    %add3A_61 = arith.addi %mul3A_2, %add3A_60 : i32
    %dma_start3A_62 = arith.constant 26 : i32
    %dma_start3A_63 = arith.constant 0 : i32
    %dma_start3A_64 = tpu.memref_slice %arg4[%dma_start3A_62, %add3A_61, %dma_start3A_63] : memref<27x10240x128xf32, #tpu.memory_space<hbm>> -> memref<1x80x128xf32, #tpu.memory_space<hbm>>
    %dma_start3A_65 = tpu.memref_squeeze %dma_start3A_64 : memref<1x80x128xf32, #tpu.memory_space<hbm>> -> memref<80x128xf32, #tpu.memory_space<hbm>>
    %dma_start3A_66 = arith.constant 0 : i32
    %dma_start3A_67 = tpu.memref_slice %arg4[%dma_start3A_62, %add3A_61, %dma_start3A_66] : memref<27x10240x128xf32, #tpu.memory_space<hbm>> -> memref<1x80x128xf32, #tpu.memory_space<hbm>>
    %dma_start3A_68 = tpu.memref_squeeze %dma_start3A_67 : memref<1x80x128xf32, #tpu.memory_space<hbm>> -> memref<80x128xf32, #tpu.memory_space<hbm>>
    tpu.enqueue_dma source(%arg8 : memref<80x128xf32, #tpu.memory_space<vmem>>) target(%dma_start3A_68 : memref<80x128xf32, #tpu.memory_space<hbm>>) target_semaphore(%arg16 : memref<!tpu.dma_semaphore, #tpu.memory_space<semaphore_mem>>)
    %dma_wait3A_69 = arith.constant 8560 : i32
    %dma_wait3A_70 = tpu.memref_slice %arg5[%dma_wait3A_69] : memref<8704xi32, #tpu.memory_space<vmem>> -> memref<80xi32, #tpu.memory_space<vmem>>
    %dma_wait3A_71 = arith.constant 0 : i32
    %dma_wait3A_72 = arith.constant 0 : i32
    %dma_wait3A_73 = tpu.memref_slice %arg2[%dma_wait3A_71, %dma_wait3A_72] : memref<10240x128xf32, #tpu.memory_space<hbm>> -> memref<10240x128xf32, #tpu.memory_space<hbm>>
    tpu.wait_indirect_dma semaphore(%arg13 : memref<!tpu.dma_semaphore, #tpu.memory_space<semaphore_mem>>) src(%dma_wait3A_73 : memref<10240x128xf32, #tpu.memory_space<hbm>>) dst(%arg9 : memref<80x128xf32, #tpu.memory_space<vmem>>)
    %add3A_74 = arith.constant 240 : i32
    %add3A_75 = arith.addi %mul3A_2, %add3A_74 : i32
    %dma_start3A_76 = arith.constant 26 : i32
    %dma_start3A_77 = arith.constant 0 : i32
    %dma_start3A_78 = tpu.memref_slice %arg4[%dma_start3A_76, %add3A_75, %dma_start3A_77] : memref<27x10240x128xf32, #tpu.memory_space<hbm>> -> memref<1x80x128xf32, #tpu.memory_space<hbm>>
    %dma_start3A_79 = tpu.memref_squeeze %dma_start3A_78 : memref<1x80x128xf32, #tpu.memory_space<hbm>> -> memref<80x128xf32, #tpu.memory_space<hbm>>
    %dma_start3A_80 = arith.constant 0 : i32
    %dma_start3A_81 = tpu.memref_slice %arg4[%dma_start3A_76, %add3A_75, %dma_start3A_80] : memref<27x10240x128xf32, #tpu.memory_space<hbm>> -> memref<1x80x128xf32, #tpu.memory_space<hbm>>
    %dma_start3A_82 = tpu.memref_squeeze %dma_start3A_81 : memref<1x80x128xf32, #tpu.memory_space<hbm>> -> memref<80x128xf32, #tpu.memory_space<hbm>>
    tpu.enqueue_dma source(%arg9 : memref<80x128xf32, #tpu.memory_space<vmem>>) target(%dma_start3A_82 : memref<80x128xf32, #tpu.memory_space<hbm>>) target_semaphore(%arg17 : memref<!tpu.dma_semaphore, #tpu.memory_space<semaphore_mem>>)
    %add3A_83 = arith.constant 0 : i32
    %add3A_84 = arith.addi %mul3A_2, %add3A_83 : i32
    %dma_wait3A_85 = arith.constant 26 : i32
    %dma_wait3A_86 = arith.constant 0 : i32
    %dma_wait3A_87 = tpu.memref_slice %arg4[%dma_wait3A_85, %add3A_84, %dma_wait3A_86] : memref<27x10240x128xf32, #tpu.memory_space<hbm>> -> memref<1x80x128xf32, #tpu.memory_space<hbm>>
    %dma_wait3A_88 = tpu.memref_squeeze %dma_wait3A_87 : memref<1x80x128xf32, #tpu.memory_space<hbm>> -> memref<80x128xf32, #tpu.memory_space<hbm>>
    %dma_wait3A_89 = arith.constant 0 : i32
    %dma_wait3A_90 = tpu.memref_slice %arg4[%dma_wait3A_85, %add3A_84, %dma_wait3A_89] : memref<27x10240x128xf32, #tpu.memory_space<hbm>> -> memref<1x80x128xf32, #tpu.memory_space<hbm>>
    %dma_wait3A_91 = tpu.memref_squeeze %dma_wait3A_90 : memref<1x80x128xf32, #tpu.memory_space<hbm>> -> memref<80x128xf32, #tpu.memory_space<hbm>>
    tpu.wait_dma2 semaphore(%arg14 : memref<!tpu.dma_semaphore, #tpu.memory_space<semaphore_mem>>) src(%arg6 : memref<80x128xf32, #tpu.memory_space<vmem>>) dst(%dma_wait3A_91 : memref<80x128xf32, #tpu.memory_space<hbm>>)
    %add3A_92 = arith.constant 80 : i32
    %add3A_93 = arith.addi %mul3A_2, %add3A_92 : i32
    %dma_wait3A_94 = arith.constant 26 : i32
    %dma_wait3A_95 = arith.constant 0 : i32
    %dma_wait3A_96 = tpu.memref_slice %arg4[%dma_wait3A_94, %add3A_93, %dma_wait3A_95] : memref<27x10240x128xf32, #tpu.memory_space<hbm>> -> memref<1x80x128xf32, #tpu.memory_space<hbm>>
    %dma_wait3A_97 = tpu.memref_squeeze %dma_wait3A_96 : memref<1x80x128xf32, #tpu.memory_space<hbm>> -> memref<80x128xf32, #tpu.memory_space<hbm>>
    %dma_wait3A_98 = arith.constant 0 : i32
    %dma_wait3A_99 = tpu.memref_slice %arg4[%dma_wait3A_94, %add3A_93, %dma_wait3A_98] : memref<27x10240x128xf32, #tpu.memory_space<hbm>> -> memref<1x80x128xf32, #tpu.memory_space<hbm>>
    %dma_wait3A_100 = tpu.memref_squeeze %dma_wait3A_99 : memref<1x80x128xf32, #tpu.memory_space<hbm>> -> memref<80x128xf32, #tpu.memory_space<hbm>>
    tpu.wait_dma2 semaphore(%arg15 : memref<!tpu.dma_semaphore, #tpu.memory_space<semaphore_mem>>) src(%arg7 : memref<80x128xf32, #tpu.memory_space<vmem>>) dst(%dma_wait3A_100 : memref<80x128xf32, #tpu.memory_space<hbm>>)
    %add3A_101 = arith.constant 160 : i32
    %add3A_102 = arith.addi %mul3A_2, %add3A_101 : i32
    %dma_wait3A_103 = arith.constant 26 : i32
    %dma_wait3A_104 = arith.constant 0 : i32
    %dma_wait3A_105 = tpu.memref_slice %arg4[%dma_wait3A_103, %add3A_102, %dma_wait3A_104] : memref<27x10240x128xf32, #tpu.memory_space<hbm>> -> memref<1x80x128xf32, #tpu.memory_space<hbm>>
    %dma_wait3A_106 = tpu.memref_squeeze %dma_wait3A_105 : memref<1x80x128xf32, #tpu.memory_space<hbm>> -> memref<80x128xf32, #tpu.memory_space<hbm>>
    %dma_wait3A_107 = arith.constant 0 : i32
    %dma_wait3A_108 = tpu.memref_slice %arg4[%dma_wait3A_103, %add3A_102, %dma_wait3A_107] : memref<27x10240x128xf32, #tpu.memory_space<hbm>> -> memref<1x80x128xf32, #tpu.memory_space<hbm>>
    %dma_wait3A_109 = tpu.memref_squeeze %dma_wait3A_108 : memref<1x80x128xf32, #tpu.memory_space<hbm>> -> memref<80x128xf32, #tpu.memory_space<hbm>>
    tpu.wait_dma2 semaphore(%arg16 : memref<!tpu.dma_semaphore, #tpu.memory_space<semaphore_mem>>) src(%arg8 : memref<80x128xf32, #tpu.memory_space<vmem>>) dst(%dma_wait3A_109 : memref<80x128xf32, #tpu.memory_space<hbm>>)
    %add3A_110 = arith.constant 240 : i32
    %add3A_111 = arith.addi %mul3A_2, %add3A_110 : i32
    %dma_wait3A_112 = arith.constant 26 : i32
    %dma_wait3A_113 = arith.constant 0 : i32
    %dma_wait3A_114 = tpu.memref_slice %arg4[%dma_wait3A_112, %add3A_111, %dma_wait3A_113] : memref<27x10240x128xf32, #tpu.memory_space<hbm>> -> memref<1x80x128xf32, #tpu.memory_space<hbm>>
    %dma_wait3A_115 = tpu.memref_squeeze %dma_wait3A_114 : memref<1x80x128xf32, #tpu.memory_space<hbm>> -> memref<80x128xf32, #tpu.memory_space<hbm>>
    %dma_wait3A_116 = arith.constant 0 : i32
    %dma_wait3A_117 = tpu.memref_slice %arg4[%dma_wait3A_112, %add3A_111, %dma_wait3A_116] : memref<27x10240x128xf32, #tpu.memory_space<hbm>> -> memref<1x80x128xf32, #tpu.memory_space<hbm>>
    %dma_wait3A_118 = tpu.memref_squeeze %dma_wait3A_117 : memref<1x80x128xf32, #tpu.memory_space<hbm>> -> memref<80x128xf32, #tpu.memory_space<hbm>>
    tpu.wait_dma2 semaphore(%arg17 : memref<!tpu.dma_semaphore, #tpu.memory_space<semaphore_mem>>) src(%arg9 : memref<80x128xf32, #tpu.memory_space<vmem>>) dst(%dma_wait3A_118 : memref<80x128xf32, #tpu.memory_space<hbm>>)
    return
  }
}

#map = affine_map<(d0, d1) -> (0, 0)>
#map1 = affine_map<(d0, d1) -> (0, 0, 0)>
module attributes {stable_mosaic.version = 14 : i64} {
  func.func @sc_conv2_gather(%arg0: i32, %arg1: i32, %arg2: memref<10240x128xf32, #tpu.memory_space<hbm>>, %arg3: memref<32x1x8704xi32, #tpu.memory_space<hbm>>, %arg4: memref<27x10240x128xf32, #tpu.memory_space<hbm>>, %arg5: memref<8704xi32, #tpu.memory_space<vmem>>, %arg6: memref<80x128xf32, #tpu.memory_space<vmem>>, %arg7: memref<80x128xf32, #tpu.memory_space<vmem>>, %arg8: memref<80x128xf32, #tpu.memory_space<vmem>>, %arg9: memref<80x128xf32, #tpu.memory_space<vmem>>, %arg10: memref<!tpu.dma_semaphore, #tpu.memory_space<semaphore_mem>>, %arg11: memref<!tpu.dma_semaphore, #tpu.memory_space<semaphore_mem>>, %arg12: memref<!tpu.dma_semaphore, #tpu.memory_space<semaphore_mem>>, %arg13: memref<!tpu.dma_semaphore, #tpu.memory_space<semaphore_mem>>, %arg14: memref<!tpu.dma_semaphore, #tpu.memory_space<semaphore_mem>>, %arg15: memref<!tpu.dma_semaphore, #tpu.memory_space<semaphore_mem>>, %arg16: memref<!tpu.dma_semaphore, #tpu.memory_space<semaphore_mem>>, %arg17: memref<!tpu.dma_semaphore, #tpu.memory_space<semaphore_mem>>) attributes {dimension_semantics = [#tpu.dimension_semantics<core_parallel>, #tpu.dimension_semantics<subcore_parallel>], iteration_bounds = array<i64: 2, 16>, scalar_prefetch = 0 : i64, scratch_operands = 13 : i64, tpu.core_type = #tpu.core_type<sc_vector_subcore>, window_params = [{transform_indices = #map}, {transform_indices = #map1}, {transform_indices = #map1}]} {
    %mul3A = arith.constant 2 : i32
    %mul3A_0 = arith.muli %arg1, %mul3A : i32
    %add3A = arith.addi %mul3A_0, %arg0 : i32
    %mul3A_1 = arith.constant 320 : i32
    %mul3A_2 = arith.muli %add3A, %mul3A_1 : i32
    %run_scoped3A = arith.constant 0 : i32
    "tpu.region"() ({
      %run_scoped3A_119 = tpu.sem_alloc : memref<!tpu.dma_semaphore, #tpu.memory_space<semaphore_mem>>
      %dma_start3A_120 = arith.constant 0 : i32
      %dma_start3A_121 = tpu.memref_slice %arg3[%add3A, %run_scoped3A, %dma_start3A_120] : memref<32x1x8704xi32, #tpu.memory_space<hbm>> -> memref<1x1x8704xi32, #tpu.memory_space<hbm>>
      %dma_start3A_122 = tpu.memref_squeeze %dma_start3A_121 : memref<1x1x8704xi32, #tpu.memory_space<hbm>> -> memref<8704xi32, #tpu.memory_space<hbm>>
      %dma_start3A_123 = arith.constant 0 : i32
      %dma_start3A_124 = tpu.memref_slice %arg3[%add3A, %run_scoped3A, %dma_start3A_123] : memref<32x1x8704xi32, #tpu.memory_space<hbm>> -> memref<1x1x8704xi32, #tpu.memory_space<hbm>>
      %dma_start3A_125 = tpu.memref_squeeze %dma_start3A_124 : memref<1x1x8704xi32, #tpu.memory_space<hbm>> -> memref<8704xi32, #tpu.memory_space<hbm>>
      tpu.enqueue_dma source(%dma_start3A_125 : memref<8704xi32, #tpu.memory_space<hbm>>) target(%arg5 : memref<8704xi32, #tpu.memory_space<vmem>>) target_semaphore(%run_scoped3A_119 : memref<!tpu.dma_semaphore, #tpu.memory_space<semaphore_mem>>)
      %dma_wait3A_126 = arith.constant 0 : i32
      %dma_wait3A_127 = tpu.memref_slice %arg3[%add3A, %run_scoped3A, %dma_wait3A_126] : memref<32x1x8704xi32, #tpu.memory_space<hbm>> -> memref<1x1x8704xi32, #tpu.memory_space<hbm>>
      %dma_wait3A_128 = tpu.memref_squeeze %dma_wait3A_127 : memref<1x1x8704xi32, #tpu.memory_space<hbm>> -> memref<8704xi32, #tpu.memory_space<hbm>>
      %dma_wait3A_129 = arith.constant 0 : i32
      %dma_wait3A_130 = tpu.memref_slice %arg3[%add3A, %run_scoped3A, %dma_wait3A_129] : memref<32x1x8704xi32, #tpu.memory_space<hbm>> -> memref<1x1x8704xi32, #tpu.memory_space<hbm>>
      %dma_wait3A_131 = tpu.memref_squeeze %dma_wait3A_130 : memref<1x1x8704xi32, #tpu.memory_space<hbm>> -> memref<8704xi32, #tpu.memory_space<hbm>>
      tpu.wait_dma2 semaphore(%run_scoped3A_119 : memref<!tpu.dma_semaphore, #tpu.memory_space<semaphore_mem>>) src(%dma_wait3A_131 : memref<8704xi32, #tpu.memory_space<hbm>>) dst(%arg5 : memref<8704xi32, #tpu.memory_space<vmem>>)
      tpu.yield
    }) : () -> ()
    %dma_start3A = arith.constant 0 : i32
    %dma_start3A_3 = tpu.memref_slice %arg5[%dma_start3A] : memref<8704xi32, #tpu.memory_space<vmem>> -> memref<80xi32, #tpu.memory_space<vmem>>
    %dma_start3A_4 = arith.constant 0 : i32
    %dma_start3A_5 = arith.constant 0 : i32
    %dma_start3A_6 = tpu.memref_slice %arg2[%dma_start3A_4, %dma_start3A_5] : memref<10240x128xf32, #tpu.memory_space<hbm>> -> memref<10240x128xf32, #tpu.memory_space<hbm>>
    tpu.enqueue_indirect_dma source(%dma_start3A_6 : memref<10240x128xf32, #tpu.memory_space<hbm>>) target(%arg6 : memref<80x128xf32, #tpu.memory_space<vmem>>) offsets(%dma_start3A_3 : memref<80xi32, #tpu.memory_space<vmem>>) semaphore(%arg10 : memref<!tpu.dma_semaphore, #tpu.memory_space<semaphore_mem>>)
    %dma_start3A_7 = arith.constant 80 : i32
    %dma_start3A_8 = tpu.memref_slice %arg5[%dma_start3A_7] : memref<8704xi32, #tpu.memory_space<vmem>> -> memref<80xi32, #tpu.memory_space<vmem>>
    %dma_start3A_9 = arith.constant 0 : i32
    %dma_start3A_10 = arith.constant 0 : i32
    %dma_start3A_11 = tpu.memref_slice %arg2[%dma_start3A_9, %dma_start3A_10] : memref<10240x128xf32, #tpu.memory_space<hbm>> -> memref<10240x128xf32, #tpu.memory_space<hbm>>
    tpu.enqueue_indirect_dma source(%dma_start3A_11 : memref<10240x128xf32, #tpu.memory_space<hbm>>) target(%arg7 : memref<80x128xf32, #tpu.memory_space<vmem>>) offsets(%dma_start3A_8 : memref<80xi32, #tpu.memory_space<vmem>>) semaphore(%arg11 : memref<!tpu.dma_semaphore, #tpu.memory_space<semaphore_mem>>)
    %dma_start3A_12 = arith.constant 160 : i32
    %dma_start3A_13 = tpu.memref_slice %arg5[%dma_start3A_12] : memref<8704xi32, #tpu.memory_space<vmem>> -> memref<80xi32, #tpu.memory_space<vmem>>
    %dma_start3A_14 = arith.constant 0 : i32
    %dma_start3A_15 = arith.constant 0 : i32
    %dma_start3A_16 = tpu.memref_slice %arg2[%dma_start3A_14, %dma_start3A_15] : memref<10240x128xf32, #tpu.memory_space<hbm>> -> memref<10240x128xf32, #tpu.memory_space<hbm>>
    tpu.enqueue_indirect_dma source(%dma_start3A_16 : memref<10240x128xf32, #tpu.memory_space<hbm>>) target(%arg8 : memref<80x128xf32, #tpu.memory_space<vmem>>) offsets(%dma_start3A_13 : memref<80xi32, #tpu.memory_space<vmem>>) semaphore(%arg12 : memref<!tpu.dma_semaphore, #tpu.memory_space<semaphore_mem>>)
    %dma_start3A_17 = arith.constant 240 : i32
    %dma_start3A_18 = tpu.memref_slice %arg5[%dma_start3A_17] : memref<8704xi32, #tpu.memory_space<vmem>> -> memref<80xi32, #tpu.memory_space<vmem>>
    %dma_start3A_19 = arith.constant 0 : i32
    %dma_start3A_20 = arith.constant 0 : i32
    %dma_start3A_21 = tpu.memref_slice %arg2[%dma_start3A_19, %dma_start3A_20] : memref<10240x128xf32, #tpu.memory_space<hbm>> -> memref<10240x128xf32, #tpu.memory_space<hbm>>
    tpu.enqueue_indirect_dma source(%dma_start3A_21 : memref<10240x128xf32, #tpu.memory_space<hbm>>) target(%arg9 : memref<80x128xf32, #tpu.memory_space<vmem>>) offsets(%dma_start3A_18 : memref<80xi32, #tpu.memory_space<vmem>>) semaphore(%arg13 : memref<!tpu.dma_semaphore, #tpu.memory_space<semaphore_mem>>)
    %scan3A = arith.constant 0 : i32
    %scan3A_22 = arith.constant 0 : i32
    %scan3A_23 = arith.constant 26 : i32
    %scan3A_24 = arith.addi %scan3A_22, %scan3A_23 : i32
    %scan3A_25 = arith.constant 1 : i32
    %scan3A_26 = scf.for %scan3A_119 = %scan3A_22 to %scan3A_24 step %scan3A_25 iter_args(%scan3A_120 = %scan3A) -> (i32)  : i32 {
      %mul3A_121 = arith.constant 4 : i32
      %mul3A_122 = arith.muli %scan3A_119, %mul3A_121 : i32
      %add3A_123 = arith.constant 0 : i32
      %add3A_124 = arith.addi %mul3A_122, %add3A_123 : i32
      %mul3A_125 = arith.constant 80 : i32
      %mul3A_126 = arith.muli %add3A_124, %mul3A_125 : i32
      %dma_wait3A_127 = tpu.memref_slice %arg5[%mul3A_126] : memref<8704xi32, #tpu.memory_space<vmem>> -> memref<80xi32, #tpu.memory_space<vmem>>
      %dma_wait3A_128 = arith.constant 0 : i32
      %dma_wait3A_129 = arith.constant 0 : i32
      %dma_wait3A_130 = tpu.memref_slice %arg2[%dma_wait3A_128, %dma_wait3A_129] : memref<10240x128xf32, #tpu.memory_space<hbm>> -> memref<10240x128xf32, #tpu.memory_space<hbm>>
      tpu.wait_indirect_dma semaphore(%arg10 : memref<!tpu.dma_semaphore, #tpu.memory_space<semaphore_mem>>) src(%dma_wait3A_130 : memref<10240x128xf32, #tpu.memory_space<hbm>>) dst(%arg6 : memref<80x128xf32, #tpu.memory_space<vmem>>)
      %add3A_131 = arith.constant 0 : i32
      %add3A_132 = arith.addi %mul3A_122, %add3A_131 : i32
      %jit3A = arith.constant 4 : i32
      %div3A = arith.divsi %add3A_132, %jit3A : i32
      %sign3A = arith.constant 0 : i32
      %sign3A_133 = arith.cmpi sgt, %add3A_132, %sign3A : i32
      %sign3A_134 = arith.extui %sign3A_133 : i1 to i32
      %sign3A_135 = arith.constant 0 : i32
      %sign3A_136 = arith.cmpi slt, %add3A_132, %sign3A_135 : i32
      %sign3A_137 = arith.extui %sign3A_136 : i1 to i32
      %sign3A_138 = arith.subi %sign3A_134, %sign3A_137 : i32
      %sign3A_139 = arith.constant 0 : i32
      %sign3A_140 = arith.cmpi sgt, %jit3A, %sign3A_139 : i32
      %sign3A_141 = arith.extui %sign3A_140 : i1 to i32
      %sign3A_142 = arith.constant 0 : i32
      %sign3A_143 = arith.cmpi slt, %jit3A, %sign3A_142 : i32
      %sign3A_144 = arith.extui %sign3A_143 : i1 to i32
      %sign3A_145 = arith.subi %sign3A_141, %sign3A_144 : i32
      %ne3A = arith.cmpi ne, %sign3A_138, %sign3A_145 : i32
      %rem3A = arith.remsi %add3A_132, %jit3A : i32
      %ne3A_146 = arith.constant 0 : i32
      %ne3A_147 = arith.cmpi ne, %rem3A, %ne3A_146 : i32
      %and3A = arith.andi %ne3A, %ne3A_147 : i1
      %sub3A = arith.constant 1 : i32
      %sub3A_148 = arith.subi %div3A, %sub3A : i32
      %select_n3A = arith.select %and3A, %sub3A_148, %div3A : i32
      %mul3A_149 = arith.constant 4 : i32
      %mul3A_150 = arith.muli %select_n3A, %mul3A_149 : i32
      %sub3A_151 = arith.subi %add3A_132, %mul3A_150 : i32
      %mul3A_152 = arith.constant 80 : i32
      %mul3A_153 = arith.muli %sub3A_151, %mul3A_152 : i32
      %add3A_154 = arith.addi %mul3A_2, %mul3A_153 : i32
      %dma_start3A_155 = arith.constant 0 : i32
      %dma_start3A_156 = tpu.memref_slice %arg4[%select_n3A, %add3A_154, %dma_start3A_155] : memref<27x10240x128xf32, #tpu.memory_space<hbm>> -> memref<1x80x128xf32, #tpu.memory_space<hbm>>
      %dma_start3A_157 = tpu.memref_squeeze %dma_start3A_156 : memref<1x80x128xf32, #tpu.memory_space<hbm>> -> memref<80x128xf32, #tpu.memory_space<hbm>>
      %dma_start3A_158 = arith.constant 0 : i32
      %dma_start3A_159 = tpu.memref_slice %arg4[%select_n3A, %add3A_154, %dma_start3A_158] : memref<27x10240x128xf32, #tpu.memory_space<hbm>> -> memref<1x80x128xf32, #tpu.memory_space<hbm>>
      %dma_start3A_160 = tpu.memref_squeeze %dma_start3A_159 : memref<1x80x128xf32, #tpu.memory_space<hbm>> -> memref<80x128xf32, #tpu.memory_space<hbm>>
      tpu.enqueue_dma source(%arg6 : memref<80x128xf32, #tpu.memory_space<vmem>>) target(%dma_start3A_160 : memref<80x128xf32, #tpu.memory_space<hbm>>) target_semaphore(%arg14 : memref<!tpu.dma_semaphore, #tpu.memory_space<semaphore_mem>>)
      %add3A_161 = arith.constant 1 : i32
      %add3A_162 = arith.addi %mul3A_122, %add3A_161 : i32
      %mul3A_163 = arith.constant 80 : i32
      %mul3A_164 = arith.muli %add3A_162, %mul3A_163 : i32
      %dma_wait3A_165 = tpu.memref_slice %arg5[%mul3A_164] : memref<8704xi32, #tpu.memory_space<vmem>> -> memref<80xi32, #tpu.memory_space<vmem>>
      %dma_wait3A_166 = arith.constant 0 : i32
      %dma_wait3A_167 = arith.constant 0 : i32
      %dma_wait3A_168 = tpu.memref_slice %arg2[%dma_wait3A_166, %dma_wait3A_167] : memref<10240x128xf32, #tpu.memory_space<hbm>> -> memref<10240x128xf32, #tpu.memory_space<hbm>>
      tpu.wait_indirect_dma semaphore(%arg11 : memref<!tpu.dma_semaphore, #tpu.memory_space<semaphore_mem>>) src(%dma_wait3A_168 : memref<10240x128xf32, #tpu.memory_space<hbm>>) dst(%arg7 : memref<80x128xf32, #tpu.memory_space<vmem>>)
      %add3A_169 = arith.constant 1 : i32
      %add3A_170 = arith.addi %mul3A_122, %add3A_169 : i32
      %jit3A_171 = arith.constant 4 : i32
      %div3A_172 = arith.divsi %add3A_170, %jit3A_171 : i32
      %sign3A_173 = arith.constant 0 : i32
      %sign3A_174 = arith.cmpi sgt, %add3A_170, %sign3A_173 : i32
      %sign3A_175 = arith.extui %sign3A_174 : i1 to i32
      %sign3A_176 = arith.constant 0 : i32
      %sign3A_177 = arith.cmpi slt, %add3A_170, %sign3A_176 : i32
      %sign3A_178 = arith.extui %sign3A_177 : i1 to i32
      %sign3A_179 = arith.subi %sign3A_175, %sign3A_178 : i32
      %sign3A_180 = arith.constant 0 : i32
      %sign3A_181 = arith.cmpi sgt, %jit3A_171, %sign3A_180 : i32
      %sign3A_182 = arith.extui %sign3A_181 : i1 to i32
      %sign3A_183 = arith.constant 0 : i32
      %sign3A_184 = arith.cmpi slt, %jit3A_171, %sign3A_183 : i32
      %sign3A_185 = arith.extui %sign3A_184 : i1 to i32
      %sign3A_186 = arith.subi %sign3A_182, %sign3A_185 : i32
      %ne3A_187 = arith.cmpi ne, %sign3A_179, %sign3A_186 : i32
      %rem3A_188 = arith.remsi %add3A_170, %jit3A_171 : i32
      %ne3A_189 = arith.constant 0 : i32
      %ne3A_190 = arith.cmpi ne, %rem3A_188, %ne3A_189 : i32
      %and3A_191 = arith.andi %ne3A_187, %ne3A_190 : i1
      %sub3A_192 = arith.constant 1 : i32
      %sub3A_193 = arith.subi %div3A_172, %sub3A_192 : i32
      %select_n3A_194 = arith.select %and3A_191, %sub3A_193, %div3A_172 : i32
      %mul3A_195 = arith.constant 4 : i32
      %mul3A_196 = arith.muli %select_n3A_194, %mul3A_195 : i32
      %sub3A_197 = arith.subi %add3A_170, %mul3A_196 : i32
      %mul3A_198 = arith.constant 80 : i32
      %mul3A_199 = arith.muli %sub3A_197, %mul3A_198 : i32
      %add3A_200 = arith.addi %mul3A_2, %mul3A_199 : i32
      %dma_start3A_201 = arith.constant 0 : i32
      %dma_start3A_202 = tpu.memref_slice %arg4[%select_n3A_194, %add3A_200, %dma_start3A_201] : memref<27x10240x128xf32, #tpu.memory_space<hbm>> -> memref<1x80x128xf32, #tpu.memory_space<hbm>>
      %dma_start3A_203 = tpu.memref_squeeze %dma_start3A_202 : memref<1x80x128xf32, #tpu.memory_space<hbm>> -> memref<80x128xf32, #tpu.memory_space<hbm>>
      %dma_start3A_204 = arith.constant 0 : i32
      %dma_start3A_205 = tpu.memref_slice %arg4[%select_n3A_194, %add3A_200, %dma_start3A_204] : memref<27x10240x128xf32, #tpu.memory_space<hbm>> -> memref<1x80x128xf32, #tpu.memory_space<hbm>>
      %dma_start3A_206 = tpu.memref_squeeze %dma_start3A_205 : memref<1x80x128xf32, #tpu.memory_space<hbm>> -> memref<80x128xf32, #tpu.memory_space<hbm>>
      tpu.enqueue_dma source(%arg7 : memref<80x128xf32, #tpu.memory_space<vmem>>) target(%dma_start3A_206 : memref<80x128xf32, #tpu.memory_space<hbm>>) target_semaphore(%arg15 : memref<!tpu.dma_semaphore, #tpu.memory_space<semaphore_mem>>)
      %add3A_207 = arith.constant 2 : i32
      %add3A_208 = arith.addi %mul3A_122, %add3A_207 : i32
      %mul3A_209 = arith.constant 80 : i32
      %mul3A_210 = arith.muli %add3A_208, %mul3A_209 : i32
      %dma_wait3A_211 = tpu.memref_slice %arg5[%mul3A_210] : memref<8704xi32, #tpu.memory_space<vmem>> -> memref<80xi32, #tpu.memory_space<vmem>>
      %dma_wait3A_212 = arith.constant 0 : i32
      %dma_wait3A_213 = arith.constant 0 : i32
      %dma_wait3A_214 = tpu.memref_slice %arg2[%dma_wait3A_212, %dma_wait3A_213] : memref<10240x128xf32, #tpu.memory_space<hbm>> -> memref<10240x128xf32, #tpu.memory_space<hbm>>
      tpu.wait_indirect_dma semaphore(%arg12 : memref<!tpu.dma_semaphore, #tpu.memory_space<semaphore_mem>>) src(%dma_wait3A_214 : memref<10240x128xf32, #tpu.memory_space<hbm>>) dst(%arg8 : memref<80x128xf32, #tpu.memory_space<vmem>>)
      %add3A_215 = arith.constant 2 : i32
      %add3A_216 = arith.addi %mul3A_122, %add3A_215 : i32
      %jit3A_217 = arith.constant 4 : i32
      %div3A_218 = arith.divsi %add3A_216, %jit3A_217 : i32
      %sign3A_219 = arith.constant 0 : i32
      %sign3A_220 = arith.cmpi sgt, %add3A_216, %sign3A_219 : i32
      %sign3A_221 = arith.extui %sign3A_220 : i1 to i32
      %sign3A_222 = arith.constant 0 : i32
      %sign3A_223 = arith.cmpi slt, %add3A_216, %sign3A_222 : i32
      %sign3A_224 = arith.extui %sign3A_223 : i1 to i32
      %sign3A_225 = arith.subi %sign3A_221, %sign3A_224 : i32
      %sign3A_226 = arith.constant 0 : i32
      %sign3A_227 = arith.cmpi sgt, %jit3A_217, %sign3A_226 : i32
      %sign3A_228 = arith.extui %sign3A_227 : i1 to i32
      %sign3A_229 = arith.constant 0 : i32
      %sign3A_230 = arith.cmpi slt, %jit3A_217, %sign3A_229 : i32
      %sign3A_231 = arith.extui %sign3A_230 : i1 to i32
      %sign3A_232 = arith.subi %sign3A_228, %sign3A_231 : i32
      %ne3A_233 = arith.cmpi ne, %sign3A_225, %sign3A_232 : i32
      %rem3A_234 = arith.remsi %add3A_216, %jit3A_217 : i32
      %ne3A_235 = arith.constant 0 : i32
      %ne3A_236 = arith.cmpi ne, %rem3A_234, %ne3A_235 : i32
      %and3A_237 = arith.andi %ne3A_233, %ne3A_236 : i1
      %sub3A_238 = arith.constant 1 : i32
      %sub3A_239 = arith.subi %div3A_218, %sub3A_238 : i32
      %select_n3A_240 = arith.select %and3A_237, %sub3A_239, %div3A_218 : i32
      %mul3A_241 = arith.constant 4 : i32
      %mul3A_242 = arith.muli %select_n3A_240, %mul3A_241 : i32
      %sub3A_243 = arith.subi %add3A_216, %mul3A_242 : i32
      %mul3A_244 = arith.constant 80 : i32
      %mul3A_245 = arith.muli %sub3A_243, %mul3A_244 : i32
      %add3A_246 = arith.addi %mul3A_2, %mul3A_245 : i32
      %dma_start3A_247 = arith.constant 0 : i32
      %dma_start3A_248 = tpu.memref_slice %arg4[%select_n3A_240, %add3A_246, %dma_start3A_247] : memref<27x10240x128xf32, #tpu.memory_space<hbm>> -> memref<1x80x128xf32, #tpu.memory_space<hbm>>
      %dma_start3A_249 = tpu.memref_squeeze %dma_start3A_248 : memref<1x80x128xf32, #tpu.memory_space<hbm>> -> memref<80x128xf32, #tpu.memory_space<hbm>>
      %dma_start3A_250 = arith.constant 0 : i32
      %dma_start3A_251 = tpu.memref_slice %arg4[%select_n3A_240, %add3A_246, %dma_start3A_250] : memref<27x10240x128xf32, #tpu.memory_space<hbm>> -> memref<1x80x128xf32, #tpu.memory_space<hbm>>
      %dma_start3A_252 = tpu.memref_squeeze %dma_start3A_251 : memref<1x80x128xf32, #tpu.memory_space<hbm>> -> memref<80x128xf32, #tpu.memory_space<hbm>>
      tpu.enqueue_dma source(%arg8 : memref<80x128xf32, #tpu.memory_space<vmem>>) target(%dma_start3A_252 : memref<80x128xf32, #tpu.memory_space<hbm>>) target_semaphore(%arg16 : memref<!tpu.dma_semaphore, #tpu.memory_space<semaphore_mem>>)
      %add3A_253 = arith.constant 3 : i32
      %add3A_254 = arith.addi %mul3A_122, %add3A_253 : i32
      %mul3A_255 = arith.constant 80 : i32
      %mul3A_256 = arith.muli %add3A_254, %mul3A_255 : i32
      %dma_wait3A_257 = tpu.memref_slice %arg5[%mul3A_256] : memref<8704xi32, #tpu.memory_space<vmem>> -> memref<80xi32, #tpu.memory_space<vmem>>
      %dma_wait3A_258 = arith.constant 0 : i32
      %dma_wait3A_259 = arith.constant 0 : i32
      %dma_wait3A_260 = tpu.memref_slice %arg2[%dma_wait3A_258, %dma_wait3A_259] : memref<10240x128xf32, #tpu.memory_space<hbm>> -> memref<10240x128xf32, #tpu.memory_space<hbm>>
      tpu.wait_indirect_dma semaphore(%arg13 : memref<!tpu.dma_semaphore, #tpu.memory_space<semaphore_mem>>) src(%dma_wait3A_260 : memref<10240x128xf32, #tpu.memory_space<hbm>>) dst(%arg9 : memref<80x128xf32, #tpu.memory_space<vmem>>)
      %add3A_261 = arith.constant 3 : i32
      %add3A_262 = arith.addi %mul3A_122, %add3A_261 : i32
      %jit3A_263 = arith.constant 4 : i32
      %div3A_264 = arith.divsi %add3A_262, %jit3A_263 : i32
      %sign3A_265 = arith.constant 0 : i32
      %sign3A_266 = arith.cmpi sgt, %add3A_262, %sign3A_265 : i32
      %sign3A_267 = arith.extui %sign3A_266 : i1 to i32
      %sign3A_268 = arith.constant 0 : i32
      %sign3A_269 = arith.cmpi slt, %add3A_262, %sign3A_268 : i32
      %sign3A_270 = arith.extui %sign3A_269 : i1 to i32
      %sign3A_271 = arith.subi %sign3A_267, %sign3A_270 : i32
      %sign3A_272 = arith.constant 0 : i32
      %sign3A_273 = arith.cmpi sgt, %jit3A_263, %sign3A_272 : i32
      %sign3A_274 = arith.extui %sign3A_273 : i1 to i32
      %sign3A_275 = arith.constant 0 : i32
      %sign3A_276 = arith.cmpi slt, %jit3A_263, %sign3A_275 : i32
      %sign3A_277 = arith.extui %sign3A_276 : i1 to i32
      %sign3A_278 = arith.subi %sign3A_274, %sign3A_277 : i32
      %ne3A_279 = arith.cmpi ne, %sign3A_271, %sign3A_278 : i32
      %rem3A_280 = arith.remsi %add3A_262, %jit3A_263 : i32
      %ne3A_281 = arith.constant 0 : i32
      %ne3A_282 = arith.cmpi ne, %rem3A_280, %ne3A_281 : i32
      %and3A_283 = arith.andi %ne3A_279, %ne3A_282 : i1
      %sub3A_284 = arith.constant 1 : i32
      %sub3A_285 = arith.subi %div3A_264, %sub3A_284 : i32
      %select_n3A_286 = arith.select %and3A_283, %sub3A_285, %div3A_264 : i32
      %mul3A_287 = arith.constant 4 : i32
      %mul3A_288 = arith.muli %select_n3A_286, %mul3A_287 : i32
      %sub3A_289 = arith.subi %add3A_262, %mul3A_288 : i32
      %mul3A_290 = arith.constant 80 : i32
      %mul3A_291 = arith.muli %sub3A_289, %mul3A_290 : i32
      %add3A_292 = arith.addi %mul3A_2, %mul3A_291 : i32
      %dma_start3A_293 = arith.constant 0 : i32
      %dma_start3A_294 = tpu.memref_slice %arg4[%select_n3A_286, %add3A_292, %dma_start3A_293] : memref<27x10240x128xf32, #tpu.memory_space<hbm>> -> memref<1x80x128xf32, #tpu.memory_space<hbm>>
      %dma_start3A_295 = tpu.memref_squeeze %dma_start3A_294 : memref<1x80x128xf32, #tpu.memory_space<hbm>> -> memref<80x128xf32, #tpu.memory_space<hbm>>
      %dma_start3A_296 = arith.constant 0 : i32
      %dma_start3A_297 = tpu.memref_slice %arg4[%select_n3A_286, %add3A_292, %dma_start3A_296] : memref<27x10240x128xf32, #tpu.memory_space<hbm>> -> memref<1x80x128xf32, #tpu.memory_space<hbm>>
      %dma_start3A_298 = tpu.memref_squeeze %dma_start3A_297 : memref<1x80x128xf32, #tpu.memory_space<hbm>> -> memref<80x128xf32, #tpu.memory_space<hbm>>
      tpu.enqueue_dma source(%arg9 : memref<80x128xf32, #tpu.memory_space<vmem>>) target(%dma_start3A_298 : memref<80x128xf32, #tpu.memory_space<hbm>>) target_semaphore(%arg17 : memref<!tpu.dma_semaphore, #tpu.memory_space<semaphore_mem>>)
      %add3A_299 = arith.constant 0 : i32
      %add3A_300 = arith.addi %mul3A_122, %add3A_299 : i32
      %jit3A_301 = arith.constant 4 : i32
      %div3A_302 = arith.divsi %add3A_300, %jit3A_301 : i32
      %sign3A_303 = arith.constant 0 : i32
      %sign3A_304 = arith.cmpi sgt, %add3A_300, %sign3A_303 : i32
      %sign3A_305 = arith.extui %sign3A_304 : i1 to i32
      %sign3A_306 = arith.constant 0 : i32
      %sign3A_307 = arith.cmpi slt, %add3A_300, %sign3A_306 : i32
      %sign3A_308 = arith.extui %sign3A_307 : i1 to i32
      %sign3A_309 = arith.subi %sign3A_305, %sign3A_308 : i32
      %sign3A_310 = arith.constant 0 : i32
      %sign3A_311 = arith.cmpi sgt, %jit3A_301, %sign3A_310 : i32
      %sign3A_312 = arith.extui %sign3A_311 : i1 to i32
      %sign3A_313 = arith.constant 0 : i32
      %sign3A_314 = arith.cmpi slt, %jit3A_301, %sign3A_313 : i32
      %sign3A_315 = arith.extui %sign3A_314 : i1 to i32
      %sign3A_316 = arith.subi %sign3A_312, %sign3A_315 : i32
      %ne3A_317 = arith.cmpi ne, %sign3A_309, %sign3A_316 : i32
      %rem3A_318 = arith.remsi %add3A_300, %jit3A_301 : i32
      %ne3A_319 = arith.constant 0 : i32
      %ne3A_320 = arith.cmpi ne, %rem3A_318, %ne3A_319 : i32
      %and3A_321 = arith.andi %ne3A_317, %ne3A_320 : i1
      %sub3A_322 = arith.constant 1 : i32
      %sub3A_323 = arith.subi %div3A_302, %sub3A_322 : i32
      %select_n3A_324 = arith.select %and3A_321, %sub3A_323, %div3A_302 : i32
      %mul3A_325 = arith.constant 4 : i32
      %mul3A_326 = arith.muli %select_n3A_324, %mul3A_325 : i32
      %sub3A_327 = arith.subi %add3A_300, %mul3A_326 : i32
      %mul3A_328 = arith.constant 80 : i32
      %mul3A_329 = arith.muli %sub3A_327, %mul3A_328 : i32
      %add3A_330 = arith.addi %mul3A_2, %mul3A_329 : i32
      %dma_wait3A_331 = arith.constant 0 : i32
      %dma_wait3A_332 = tpu.memref_slice %arg4[%select_n3A_324, %add3A_330, %dma_wait3A_331] : memref<27x10240x128xf32, #tpu.memory_space<hbm>> -> memref<1x80x128xf32, #tpu.memory_space<hbm>>
      %dma_wait3A_333 = tpu.memref_squeeze %dma_wait3A_332 : memref<1x80x128xf32, #tpu.memory_space<hbm>> -> memref<80x128xf32, #tpu.memory_space<hbm>>
      %dma_wait3A_334 = arith.constant 0 : i32
      %dma_wait3A_335 = tpu.memref_slice %arg4[%select_n3A_324, %add3A_330, %dma_wait3A_334] : memref<27x10240x128xf32, #tpu.memory_space<hbm>> -> memref<1x80x128xf32, #tpu.memory_space<hbm>>
      %dma_wait3A_336 = tpu.memref_squeeze %dma_wait3A_335 : memref<1x80x128xf32, #tpu.memory_space<hbm>> -> memref<80x128xf32, #tpu.memory_space<hbm>>
      tpu.wait_dma2 semaphore(%arg14 : memref<!tpu.dma_semaphore, #tpu.memory_space<semaphore_mem>>) src(%arg6 : memref<80x128xf32, #tpu.memory_space<vmem>>) dst(%dma_wait3A_336 : memref<80x128xf32, #tpu.memory_space<hbm>>)
      %add3A_337 = arith.constant 4 : i32
      %add3A_338 = arith.addi %mul3A_122, %add3A_337 : i32
      %add3A_339 = arith.constant 0 : i32
      %add3A_340 = arith.addi %add3A_338, %add3A_339 : i32
      %mul3A_341 = arith.constant 80 : i32
      %mul3A_342 = arith.muli %add3A_340, %mul3A_341 : i32
      %dma_start3A_343 = tpu.memref_slice %arg5[%mul3A_342] : memref<8704xi32, #tpu.memory_space<vmem>> -> memref<80xi32, #tpu.memory_space<vmem>>
      %dma_start3A_344 = arith.constant 0 : i32
      %dma_start3A_345 = arith.constant 0 : i32
      %dma_start3A_346 = tpu.memref_slice %arg2[%dma_start3A_344, %dma_start3A_345] : memref<10240x128xf32, #tpu.memory_space<hbm>> -> memref<10240x128xf32, #tpu.memory_space<hbm>>
      tpu.enqueue_indirect_dma source(%dma_start3A_346 : memref<10240x128xf32, #tpu.memory_space<hbm>>) target(%arg6 : memref<80x128xf32, #tpu.memory_space<vmem>>) offsets(%dma_start3A_343 : memref<80xi32, #tpu.memory_space<vmem>>) semaphore(%arg10 : memref<!tpu.dma_semaphore, #tpu.memory_space<semaphore_mem>>)
      %add3A_347 = arith.constant 1 : i32
      %add3A_348 = arith.addi %mul3A_122, %add3A_347 : i32
      %jit3A_349 = arith.constant 4 : i32
      %div3A_350 = arith.divsi %add3A_348, %jit3A_349 : i32
      %sign3A_351 = arith.constant 0 : i32
      %sign3A_352 = arith.cmpi sgt, %add3A_348, %sign3A_351 : i32
      %sign3A_353 = arith.extui %sign3A_352 : i1 to i32
      %sign3A_354 = arith.constant 0 : i32
      %sign3A_355 = arith.cmpi slt, %add3A_348, %sign3A_354 : i32
      %sign3A_356 = arith.extui %sign3A_355 : i1 to i32
      %sign3A_357 = arith.subi %sign3A_353, %sign3A_356 : i32
      %sign3A_358 = arith.constant 0 : i32
      %sign3A_359 = arith.cmpi sgt, %jit3A_349, %sign3A_358 : i32
      %sign3A_360 = arith.extui %sign3A_359 : i1 to i32
      %sign3A_361 = arith.constant 0 : i32
      %sign3A_362 = arith.cmpi slt, %jit3A_349, %sign3A_361 : i32
      %sign3A_363 = arith.extui %sign3A_362 : i1 to i32
      %sign3A_364 = arith.subi %sign3A_360, %sign3A_363 : i32
      %ne3A_365 = arith.cmpi ne, %sign3A_357, %sign3A_364 : i32
      %rem3A_366 = arith.remsi %add3A_348, %jit3A_349 : i32
      %ne3A_367 = arith.constant 0 : i32
      %ne3A_368 = arith.cmpi ne, %rem3A_366, %ne3A_367 : i32
      %and3A_369 = arith.andi %ne3A_365, %ne3A_368 : i1
      %sub3A_370 = arith.constant 1 : i32
      %sub3A_371 = arith.subi %div3A_350, %sub3A_370 : i32
      %select_n3A_372 = arith.select %and3A_369, %sub3A_371, %div3A_350 : i32
      %mul3A_373 = arith.constant 4 : i32
      %mul3A_374 = arith.muli %select_n3A_372, %mul3A_373 : i32
      %sub3A_375 = arith.subi %add3A_348, %mul3A_374 : i32
      %mul3A_376 = arith.constant 80 : i32
      %mul3A_377 = arith.muli %sub3A_375, %mul3A_376 : i32
      %add3A_378 = arith.addi %mul3A_2, %mul3A_377 : i32
      %dma_wait3A_379 = arith.constant 0 : i32
      %dma_wait3A_380 = tpu.memref_slice %arg4[%select_n3A_372, %add3A_378, %dma_wait3A_379] : memref<27x10240x128xf32, #tpu.memory_space<hbm>> -> memref<1x80x128xf32, #tpu.memory_space<hbm>>
      %dma_wait3A_381 = tpu.memref_squeeze %dma_wait3A_380 : memref<1x80x128xf32, #tpu.memory_space<hbm>> -> memref<80x128xf32, #tpu.memory_space<hbm>>
      %dma_wait3A_382 = arith.constant 0 : i32
      %dma_wait3A_383 = tpu.memref_slice %arg4[%select_n3A_372, %add3A_378, %dma_wait3A_382] : memref<27x10240x128xf32, #tpu.memory_space<hbm>> -> memref<1x80x128xf32, #tpu.memory_space<hbm>>
      %dma_wait3A_384 = tpu.memref_squeeze %dma_wait3A_383 : memref<1x80x128xf32, #tpu.memory_space<hbm>> -> memref<80x128xf32, #tpu.memory_space<hbm>>
      tpu.wait_dma2 semaphore(%arg15 : memref<!tpu.dma_semaphore, #tpu.memory_space<semaphore_mem>>) src(%arg7 : memref<80x128xf32, #tpu.memory_space<vmem>>) dst(%dma_wait3A_384 : memref<80x128xf32, #tpu.memory_space<hbm>>)
      %add3A_385 = arith.constant 4 : i32
      %add3A_386 = arith.addi %mul3A_122, %add3A_385 : i32
      %add3A_387 = arith.constant 1 : i32
      %add3A_388 = arith.addi %add3A_386, %add3A_387 : i32
      %mul3A_389 = arith.constant 80 : i32
      %mul3A_390 = arith.muli %add3A_388, %mul3A_389 : i32
      %dma_start3A_391 = tpu.memref_slice %arg5[%mul3A_390] : memref<8704xi32, #tpu.memory_space<vmem>> -> memref<80xi32, #tpu.memory_space<vmem>>
      %dma_start3A_392 = arith.constant 0 : i32
      %dma_start3A_393 = arith.constant 0 : i32
      %dma_start3A_394 = tpu.memref_slice %arg2[%dma_start3A_392, %dma_start3A_393] : memref<10240x128xf32, #tpu.memory_space<hbm>> -> memref<10240x128xf32, #tpu.memory_space<hbm>>
      tpu.enqueue_indirect_dma source(%dma_start3A_394 : memref<10240x128xf32, #tpu.memory_space<hbm>>) target(%arg7 : memref<80x128xf32, #tpu.memory_space<vmem>>) offsets(%dma_start3A_391 : memref<80xi32, #tpu.memory_space<vmem>>) semaphore(%arg11 : memref<!tpu.dma_semaphore, #tpu.memory_space<semaphore_mem>>)
      %add3A_395 = arith.constant 2 : i32
      %add3A_396 = arith.addi %mul3A_122, %add3A_395 : i32
      %jit3A_397 = arith.constant 4 : i32
      %div3A_398 = arith.divsi %add3A_396, %jit3A_397 : i32
      %sign3A_399 = arith.constant 0 : i32
      %sign3A_400 = arith.cmpi sgt, %add3A_396, %sign3A_399 : i32
      %sign3A_401 = arith.extui %sign3A_400 : i1 to i32
      %sign3A_402 = arith.constant 0 : i32
      %sign3A_403 = arith.cmpi slt, %add3A_396, %sign3A_402 : i32
      %sign3A_404 = arith.extui %sign3A_403 : i1 to i32
      %sign3A_405 = arith.subi %sign3A_401, %sign3A_404 : i32
      %sign3A_406 = arith.constant 0 : i32
      %sign3A_407 = arith.cmpi sgt, %jit3A_397, %sign3A_406 : i32
      %sign3A_408 = arith.extui %sign3A_407 : i1 to i32
      %sign3A_409 = arith.constant 0 : i32
      %sign3A_410 = arith.cmpi slt, %jit3A_397, %sign3A_409 : i32
      %sign3A_411 = arith.extui %sign3A_410 : i1 to i32
      %sign3A_412 = arith.subi %sign3A_408, %sign3A_411 : i32
      %ne3A_413 = arith.cmpi ne, %sign3A_405, %sign3A_412 : i32
      %rem3A_414 = arith.remsi %add3A_396, %jit3A_397 : i32
      %ne3A_415 = arith.constant 0 : i32
      %ne3A_416 = arith.cmpi ne, %rem3A_414, %ne3A_415 : i32
      %and3A_417 = arith.andi %ne3A_413, %ne3A_416 : i1
      %sub3A_418 = arith.constant 1 : i32
      %sub3A_419 = arith.subi %div3A_398, %sub3A_418 : i32
      %select_n3A_420 = arith.select %and3A_417, %sub3A_419, %div3A_398 : i32
      %mul3A_421 = arith.constant 4 : i32
      %mul3A_422 = arith.muli %select_n3A_420, %mul3A_421 : i32
      %sub3A_423 = arith.subi %add3A_396, %mul3A_422 : i32
      %mul3A_424 = arith.constant 80 : i32
      %mul3A_425 = arith.muli %sub3A_423, %mul3A_424 : i32
      %add3A_426 = arith.addi %mul3A_2, %mul3A_425 : i32
      %dma_wait3A_427 = arith.constant 0 : i32
      %dma_wait3A_428 = tpu.memref_slice %arg4[%select_n3A_420, %add3A_426, %dma_wait3A_427] : memref<27x10240x128xf32, #tpu.memory_space<hbm>> -> memref<1x80x128xf32, #tpu.memory_space<hbm>>
      %dma_wait3A_429 = tpu.memref_squeeze %dma_wait3A_428 : memref<1x80x128xf32, #tpu.memory_space<hbm>> -> memref<80x128xf32, #tpu.memory_space<hbm>>
      %dma_wait3A_430 = arith.constant 0 : i32
      %dma_wait3A_431 = tpu.memref_slice %arg4[%select_n3A_420, %add3A_426, %dma_wait3A_430] : memref<27x10240x128xf32, #tpu.memory_space<hbm>> -> memref<1x80x128xf32, #tpu.memory_space<hbm>>
      %dma_wait3A_432 = tpu.memref_squeeze %dma_wait3A_431 : memref<1x80x128xf32, #tpu.memory_space<hbm>> -> memref<80x128xf32, #tpu.memory_space<hbm>>
      tpu.wait_dma2 semaphore(%arg16 : memref<!tpu.dma_semaphore, #tpu.memory_space<semaphore_mem>>) src(%arg8 : memref<80x128xf32, #tpu.memory_space<vmem>>) dst(%dma_wait3A_432 : memref<80x128xf32, #tpu.memory_space<hbm>>)
      %add3A_433 = arith.constant 4 : i32
      %add3A_434 = arith.addi %mul3A_122, %add3A_433 : i32
      %add3A_435 = arith.constant 2 : i32
      %add3A_436 = arith.addi %add3A_434, %add3A_435 : i32
      %mul3A_437 = arith.constant 80 : i32
      %mul3A_438 = arith.muli %add3A_436, %mul3A_437 : i32
      %dma_start3A_439 = tpu.memref_slice %arg5[%mul3A_438] : memref<8704xi32, #tpu.memory_space<vmem>> -> memref<80xi32, #tpu.memory_space<vmem>>
      %dma_start3A_440 = arith.constant 0 : i32
      %dma_start3A_441 = arith.constant 0 : i32
      %dma_start3A_442 = tpu.memref_slice %arg2[%dma_start3A_440, %dma_start3A_441] : memref<10240x128xf32, #tpu.memory_space<hbm>> -> memref<10240x128xf32, #tpu.memory_space<hbm>>
      tpu.enqueue_indirect_dma source(%dma_start3A_442 : memref<10240x128xf32, #tpu.memory_space<hbm>>) target(%arg8 : memref<80x128xf32, #tpu.memory_space<vmem>>) offsets(%dma_start3A_439 : memref<80xi32, #tpu.memory_space<vmem>>) semaphore(%arg12 : memref<!tpu.dma_semaphore, #tpu.memory_space<semaphore_mem>>)
      %add3A_443 = arith.constant 3 : i32
      %add3A_444 = arith.addi %mul3A_122, %add3A_443 : i32
      %jit3A_445 = arith.constant 4 : i32
      %div3A_446 = arith.divsi %add3A_444, %jit3A_445 : i32
      %sign3A_447 = arith.constant 0 : i32
      %sign3A_448 = arith.cmpi sgt, %add3A_444, %sign3A_447 : i32
      %sign3A_449 = arith.extui %sign3A_448 : i1 to i32
      %sign3A_450 = arith.constant 0 : i32
      %sign3A_451 = arith.cmpi slt, %add3A_444, %sign3A_450 : i32
      %sign3A_452 = arith.extui %sign3A_451 : i1 to i32
      %sign3A_453 = arith.subi %sign3A_449, %sign3A_452 : i32
      %sign3A_454 = arith.constant 0 : i32
      %sign3A_455 = arith.cmpi sgt, %jit3A_445, %sign3A_454 : i32
      %sign3A_456 = arith.extui %sign3A_455 : i1 to i32
      %sign3A_457 = arith.constant 0 : i32
      %sign3A_458 = arith.cmpi slt, %jit3A_445, %sign3A_457 : i32
      %sign3A_459 = arith.extui %sign3A_458 : i1 to i32
      %sign3A_460 = arith.subi %sign3A_456, %sign3A_459 : i32
      %ne3A_461 = arith.cmpi ne, %sign3A_453, %sign3A_460 : i32
      %rem3A_462 = arith.remsi %add3A_444, %jit3A_445 : i32
      %ne3A_463 = arith.constant 0 : i32
      %ne3A_464 = arith.cmpi ne, %rem3A_462, %ne3A_463 : i32
      %and3A_465 = arith.andi %ne3A_461, %ne3A_464 : i1
      %sub3A_466 = arith.constant 1 : i32
      %sub3A_467 = arith.subi %div3A_446, %sub3A_466 : i32
      %select_n3A_468 = arith.select %and3A_465, %sub3A_467, %div3A_446 : i32
      %mul3A_469 = arith.constant 4 : i32
      %mul3A_470 = arith.muli %select_n3A_468, %mul3A_469 : i32
      %sub3A_471 = arith.subi %add3A_444, %mul3A_470 : i32
      %mul3A_472 = arith.constant 80 : i32
      %mul3A_473 = arith.muli %sub3A_471, %mul3A_472 : i32
      %add3A_474 = arith.addi %mul3A_2, %mul3A_473 : i32
      %dma_wait3A_475 = arith.constant 0 : i32
      %dma_wait3A_476 = tpu.memref_slice %arg4[%select_n3A_468, %add3A_474, %dma_wait3A_475] : memref<27x10240x128xf32, #tpu.memory_space<hbm>> -> memref<1x80x128xf32, #tpu.memory_space<hbm>>
      %dma_wait3A_477 = tpu.memref_squeeze %dma_wait3A_476 : memref<1x80x128xf32, #tpu.memory_space<hbm>> -> memref<80x128xf32, #tpu.memory_space<hbm>>
      %dma_wait3A_478 = arith.constant 0 : i32
      %dma_wait3A_479 = tpu.memref_slice %arg4[%select_n3A_468, %add3A_474, %dma_wait3A_478] : memref<27x10240x128xf32, #tpu.memory_space<hbm>> -> memref<1x80x128xf32, #tpu.memory_space<hbm>>
      %dma_wait3A_480 = tpu.memref_squeeze %dma_wait3A_479 : memref<1x80x128xf32, #tpu.memory_space<hbm>> -> memref<80x128xf32, #tpu.memory_space<hbm>>
      tpu.wait_dma2 semaphore(%arg17 : memref<!tpu.dma_semaphore, #tpu.memory_space<semaphore_mem>>) src(%arg9 : memref<80x128xf32, #tpu.memory_space<vmem>>) dst(%dma_wait3A_480 : memref<80x128xf32, #tpu.memory_space<hbm>>)
      %add3A_481 = arith.constant 4 : i32
      %add3A_482 = arith.addi %mul3A_122, %add3A_481 : i32
      %add3A_483 = arith.constant 3 : i32
      %add3A_484 = arith.addi %add3A_482, %add3A_483 : i32
      %mul3A_485 = arith.constant 80 : i32
      %mul3A_486 = arith.muli %add3A_484, %mul3A_485 : i32
      %dma_start3A_487 = tpu.memref_slice %arg5[%mul3A_486] : memref<8704xi32, #tpu.memory_space<vmem>> -> memref<80xi32, #tpu.memory_space<vmem>>
      %dma_start3A_488 = arith.constant 0 : i32
      %dma_start3A_489 = arith.constant 0 : i32
      %dma_start3A_490 = tpu.memref_slice %arg2[%dma_start3A_488, %dma_start3A_489] : memref<10240x128xf32, #tpu.memory_space<hbm>> -> memref<10240x128xf32, #tpu.memory_space<hbm>>
      tpu.enqueue_indirect_dma source(%dma_start3A_490 : memref<10240x128xf32, #tpu.memory_space<hbm>>) target(%arg9 : memref<80x128xf32, #tpu.memory_space<vmem>>) offsets(%dma_start3A_487 : memref<80xi32, #tpu.memory_space<vmem>>) semaphore(%arg13 : memref<!tpu.dma_semaphore, #tpu.memory_space<semaphore_mem>>)
      %scan3A_491 = arith.constant 0 : i32
      scf.yield %scan3A_491 : i32
    }
    %scan3A_27 = arith.constant 26 : i32
    %dma_wait3A = arith.constant 8320 : i32
    %dma_wait3A_28 = tpu.memref_slice %arg5[%dma_wait3A] : memref<8704xi32, #tpu.memory_space<vmem>> -> memref<80xi32, #tpu.memory_space<vmem>>
    %dma_wait3A_29 = arith.constant 0 : i32
    %dma_wait3A_30 = arith.constant 0 : i32
    %dma_wait3A_31 = tpu.memref_slice %arg2[%dma_wait3A_29, %dma_wait3A_30] : memref<10240x128xf32, #tpu.memory_space<hbm>> -> memref<10240x128xf32, #tpu.memory_space<hbm>>
    tpu.wait_indirect_dma semaphore(%arg10 : memref<!tpu.dma_semaphore, #tpu.memory_space<semaphore_mem>>) src(%dma_wait3A_31 : memref<10240x128xf32, #tpu.memory_space<hbm>>) dst(%arg6 : memref<80x128xf32, #tpu.memory_space<vmem>>)
    %add3A_32 = arith.constant 0 : i32
    %add3A_33 = arith.addi %mul3A_2, %add3A_32 : i32
    %dma_start3A_34 = arith.constant 26 : i32
    %dma_start3A_35 = arith.constant 0 : i32
    %dma_start3A_36 = tpu.memref_slice %arg4[%dma_start3A_34, %add3A_33, %dma_start3A_35] : memref<27x10240x128xf32, #tpu.memory_space<hbm>> -> memref<1x80x128xf32, #tpu.memory_space<hbm>>
    %dma_start3A_37 = tpu.memref_squeeze %dma_start3A_36 : memref<1x80x128xf32, #tpu.memory_space<hbm>> -> memref<80x128xf32, #tpu.memory_space<hbm>>
    %dma_start3A_38 = arith.constant 0 : i32
    %dma_start3A_39 = tpu.memref_slice %arg4[%dma_start3A_34, %add3A_33, %dma_start3A_38] : memref<27x10240x128xf32, #tpu.memory_space<hbm>> -> memref<1x80x128xf32, #tpu.memory_space<hbm>>
    %dma_start3A_40 = tpu.memref_squeeze %dma_start3A_39 : memref<1x80x128xf32, #tpu.memory_space<hbm>> -> memref<80x128xf32, #tpu.memory_space<hbm>>
    tpu.enqueue_dma source(%arg6 : memref<80x128xf32, #tpu.memory_space<vmem>>) target(%dma_start3A_40 : memref<80x128xf32, #tpu.memory_space<hbm>>) target_semaphore(%arg14 : memref<!tpu.dma_semaphore, #tpu.memory_space<semaphore_mem>>)
    %dma_wait3A_41 = arith.constant 8400 : i32
    %dma_wait3A_42 = tpu.memref_slice %arg5[%dma_wait3A_41] : memref<8704xi32, #tpu.memory_space<vmem>> -> memref<80xi32, #tpu.memory_space<vmem>>
    %dma_wait3A_43 = arith.constant 0 : i32
    %dma_wait3A_44 = arith.constant 0 : i32
    %dma_wait3A_45 = tpu.memref_slice %arg2[%dma_wait3A_43, %dma_wait3A_44] : memref<10240x128xf32, #tpu.memory_space<hbm>> -> memref<10240x128xf32, #tpu.memory_space<hbm>>
    tpu.wait_indirect_dma semaphore(%arg11 : memref<!tpu.dma_semaphore, #tpu.memory_space<semaphore_mem>>) src(%dma_wait3A_45 : memref<10240x128xf32, #tpu.memory_space<hbm>>) dst(%arg7 : memref<80x128xf32, #tpu.memory_space<vmem>>)
    %add3A_46 = arith.constant 80 : i32
    %add3A_47 = arith.addi %mul3A_2, %add3A_46 : i32
    %dma_start3A_48 = arith.constant 26 : i32
    %dma_start3A_49 = arith.constant 0 : i32
    %dma_start3A_50 = tpu.memref_slice %arg4[%dma_start3A_48, %add3A_47, %dma_start3A_49] : memref<27x10240x128xf32, #tpu.memory_space<hbm>> -> memref<1x80x128xf32, #tpu.memory_space<hbm>>
    %dma_start3A_51 = tpu.memref_squeeze %dma_start3A_50 : memref<1x80x128xf32, #tpu.memory_space<hbm>> -> memref<80x128xf32, #tpu.memory_space<hbm>>
    %dma_start3A_52 = arith.constant 0 : i32
    %dma_start3A_53 = tpu.memref_slice %arg4[%dma_start3A_48, %add3A_47, %dma_start3A_52] : memref<27x10240x128xf32, #tpu.memory_space<hbm>> -> memref<1x80x128xf32, #tpu.memory_space<hbm>>
    %dma_start3A_54 = tpu.memref_squeeze %dma_start3A_53 : memref<1x80x128xf32, #tpu.memory_space<hbm>> -> memref<80x128xf32, #tpu.memory_space<hbm>>
    tpu.enqueue_dma source(%arg7 : memref<80x128xf32, #tpu.memory_space<vmem>>) target(%dma_start3A_54 : memref<80x128xf32, #tpu.memory_space<hbm>>) target_semaphore(%arg15 : memref<!tpu.dma_semaphore, #tpu.memory_space<semaphore_mem>>)
    %dma_wait3A_55 = arith.constant 8480 : i32
    %dma_wait3A_56 = tpu.memref_slice %arg5[%dma_wait3A_55] : memref<8704xi32, #tpu.memory_space<vmem>> -> memref<80xi32, #tpu.memory_space<vmem>>
    %dma_wait3A_57 = arith.constant 0 : i32
    %dma_wait3A_58 = arith.constant 0 : i32
    %dma_wait3A_59 = tpu.memref_slice %arg2[%dma_wait3A_57, %dma_wait3A_58] : memref<10240x128xf32, #tpu.memory_space<hbm>> -> memref<10240x128xf32, #tpu.memory_space<hbm>>
    tpu.wait_indirect_dma semaphore(%arg12 : memref<!tpu.dma_semaphore, #tpu.memory_space<semaphore_mem>>) src(%dma_wait3A_59 : memref<10240x128xf32, #tpu.memory_space<hbm>>) dst(%arg8 : memref<80x128xf32, #tpu.memory_space<vmem>>)
    %add3A_60 = arith.constant 160 : i32
    %add3A_61 = arith.addi %mul3A_2, %add3A_60 : i32
    %dma_start3A_62 = arith.constant 26 : i32
    %dma_start3A_63 = arith.constant 0 : i32
    %dma_start3A_64 = tpu.memref_slice %arg4[%dma_start3A_62, %add3A_61, %dma_start3A_63] : memref<27x10240x128xf32, #tpu.memory_space<hbm>> -> memref<1x80x128xf32, #tpu.memory_space<hbm>>
    %dma_start3A_65 = tpu.memref_squeeze %dma_start3A_64 : memref<1x80x128xf32, #tpu.memory_space<hbm>> -> memref<80x128xf32, #tpu.memory_space<hbm>>
    %dma_start3A_66 = arith.constant 0 : i32
    %dma_start3A_67 = tpu.memref_slice %arg4[%dma_start3A_62, %add3A_61, %dma_start3A_66] : memref<27x10240x128xf32, #tpu.memory_space<hbm>> -> memref<1x80x128xf32, #tpu.memory_space<hbm>>
    %dma_start3A_68 = tpu.memref_squeeze %dma_start3A_67 : memref<1x80x128xf32, #tpu.memory_space<hbm>> -> memref<80x128xf32, #tpu.memory_space<hbm>>
    tpu.enqueue_dma source(%arg8 : memref<80x128xf32, #tpu.memory_space<vmem>>) target(%dma_start3A_68 : memref<80x128xf32, #tpu.memory_space<hbm>>) target_semaphore(%arg16 : memref<!tpu.dma_semaphore, #tpu.memory_space<semaphore_mem>>)
    %dma_wait3A_69 = arith.constant 8560 : i32
    %dma_wait3A_70 = tpu.memref_slice %arg5[%dma_wait3A_69] : memref<8704xi32, #tpu.memory_space<vmem>> -> memref<80xi32, #tpu.memory_space<vmem>>
    %dma_wait3A_71 = arith.constant 0 : i32
    %dma_wait3A_72 = arith.constant 0 : i32
    %dma_wait3A_73 = tpu.memref_slice %arg2[%dma_wait3A_71, %dma_wait3A_72] : memref<10240x128xf32, #tpu.memory_space<hbm>> -> memref<10240x128xf32, #tpu.memory_space<hbm>>
    tpu.wait_indirect_dma semaphore(%arg13 : memref<!tpu.dma_semaphore, #tpu.memory_space<semaphore_mem>>) src(%dma_wait3A_73 : memref<10240x128xf32, #tpu.memory_space<hbm>>) dst(%arg9 : memref<80x128xf32, #tpu.memory_space<vmem>>)
    %add3A_74 = arith.constant 240 : i32
    %add3A_75 = arith.addi %mul3A_2, %add3A_74 : i32
    %dma_start3A_76 = arith.constant 26 : i32
    %dma_start3A_77 = arith.constant 0 : i32
    %dma_start3A_78 = tpu.memref_slice %arg4[%dma_start3A_76, %add3A_75, %dma_start3A_77] : memref<27x10240x128xf32, #tpu.memory_space<hbm>> -> memref<1x80x128xf32, #tpu.memory_space<hbm>>
    %dma_start3A_79 = tpu.memref_squeeze %dma_start3A_78 : memref<1x80x128xf32, #tpu.memory_space<hbm>> -> memref<80x128xf32, #tpu.memory_space<hbm>>
    %dma_start3A_80 = arith.constant 0 : i32
    %dma_start3A_81 = tpu.memref_slice %arg4[%dma_start3A_76, %add3A_75, %dma_start3A_80] : memref<27x10240x128xf32, #tpu.memory_space<hbm>> -> memref<1x80x128xf32, #tpu.memory_space<hbm>>
    %dma_start3A_82 = tpu.memref_squeeze %dma_start3A_81 : memref<1x80x128xf32, #tpu.memory_space<hbm>> -> memref<80x128xf32, #tpu.memory_space<hbm>>
    tpu.enqueue_dma source(%arg9 : memref<80x128xf32, #tpu.memory_space<vmem>>) target(%dma_start3A_82 : memref<80x128xf32, #tpu.memory_space<hbm>>) target_semaphore(%arg17 : memref<!tpu.dma_semaphore, #tpu.memory_space<semaphore_mem>>)
    %add3A_83 = arith.constant 0 : i32
    %add3A_84 = arith.addi %mul3A_2, %add3A_83 : i32
    %dma_wait3A_85 = arith.constant 26 : i32
    %dma_wait3A_86 = arith.constant 0 : i32
    %dma_wait3A_87 = tpu.memref_slice %arg4[%dma_wait3A_85, %add3A_84, %dma_wait3A_86] : memref<27x10240x128xf32, #tpu.memory_space<hbm>> -> memref<1x80x128xf32, #tpu.memory_space<hbm>>
    %dma_wait3A_88 = tpu.memref_squeeze %dma_wait3A_87 : memref<1x80x128xf32, #tpu.memory_space<hbm>> -> memref<80x128xf32, #tpu.memory_space<hbm>>
    %dma_wait3A_89 = arith.constant 0 : i32
    %dma_wait3A_90 = tpu.memref_slice %arg4[%dma_wait3A_85, %add3A_84, %dma_wait3A_89] : memref<27x10240x128xf32, #tpu.memory_space<hbm>> -> memref<1x80x128xf32, #tpu.memory_space<hbm>>
    %dma_wait3A_91 = tpu.memref_squeeze %dma_wait3A_90 : memref<1x80x128xf32, #tpu.memory_space<hbm>> -> memref<80x128xf32, #tpu.memory_space<hbm>>
    tpu.wait_dma2 semaphore(%arg14 : memref<!tpu.dma_semaphore, #tpu.memory_space<semaphore_mem>>) src(%arg6 : memref<80x128xf32, #tpu.memory_space<vmem>>) dst(%dma_wait3A_91 : memref<80x128xf32, #tpu.memory_space<hbm>>)
    %add3A_92 = arith.constant 80 : i32
    %add3A_93 = arith.addi %mul3A_2, %add3A_92 : i32
    %dma_wait3A_94 = arith.constant 26 : i32
    %dma_wait3A_95 = arith.constant 0 : i32
    %dma_wait3A_96 = tpu.memref_slice %arg4[%dma_wait3A_94, %add3A_93, %dma_wait3A_95] : memref<27x10240x128xf32, #tpu.memory_space<hbm>> -> memref<1x80x128xf32, #tpu.memory_space<hbm>>
    %dma_wait3A_97 = tpu.memref_squeeze %dma_wait3A_96 : memref<1x80x128xf32, #tpu.memory_space<hbm>> -> memref<80x128xf32, #tpu.memory_space<hbm>>
    %dma_wait3A_98 = arith.constant 0 : i32
    %dma_wait3A_99 = tpu.memref_slice %arg4[%dma_wait3A_94, %add3A_93, %dma_wait3A_98] : memref<27x10240x128xf32, #tpu.memory_space<hbm>> -> memref<1x80x128xf32, #tpu.memory_space<hbm>>
    %dma_wait3A_100 = tpu.memref_squeeze %dma_wait3A_99 : memref<1x80x128xf32, #tpu.memory_space<hbm>> -> memref<80x128xf32, #tpu.memory_space<hbm>>
    tpu.wait_dma2 semaphore(%arg15 : memref<!tpu.dma_semaphore, #tpu.memory_space<semaphore_mem>>) src(%arg7 : memref<80x128xf32, #tpu.memory_space<vmem>>) dst(%dma_wait3A_100 : memref<80x128xf32, #tpu.memory_space<hbm>>)
    %add3A_101 = arith.constant 160 : i32
    %add3A_102 = arith.addi %mul3A_2, %add3A_101 : i32
    %dma_wait3A_103 = arith.constant 26 : i32
    %dma_wait3A_104 = arith.constant 0 : i32
    %dma_wait3A_105 = tpu.memref_slice %arg4[%dma_wait3A_103, %add3A_102, %dma_wait3A_104] : memref<27x10240x128xf32, #tpu.memory_space<hbm>> -> memref<1x80x128xf32, #tpu.memory_space<hbm>>
    %dma_wait3A_106 = tpu.memref_squeeze %dma_wait3A_105 : memref<1x80x128xf32, #tpu.memory_space<hbm>> -> memref<80x128xf32, #tpu.memory_space<hbm>>
    %dma_wait3A_107 = arith.constant 0 : i32
    %dma_wait3A_108 = tpu.memref_slice %arg4[%dma_wait3A_103, %add3A_102, %dma_wait3A_107] : memref<27x10240x128xf32, #tpu.memory_space<hbm>> -> memref<1x80x128xf32, #tpu.memory_space<hbm>>
    %dma_wait3A_109 = tpu.memref_squeeze %dma_wait3A_108 : memref<1x80x128xf32, #tpu.memory_space<hbm>> -> memref<80x128xf32, #tpu.memory_space<hbm>>
    tpu.wait_dma2 semaphore(%arg16 : memref<!tpu.dma_semaphore, #tpu.memory_space<semaphore_mem>>) src(%arg8 : memref<80x128xf32, #tpu.memory_space<vmem>>) dst(%dma_wait3A_109 : memref<80x128xf32, #tpu.memory_space<hbm>>)
    %add3A_110 = arith.constant 240 : i32
    %add3A_111 = arith.addi %mul3A_2, %add3A_110 : i32
    %dma_wait3A_112 = arith.constant 26 : i32
    %dma_wait3A_113 = arith.constant 0 : i32
    %dma_wait3A_114 = tpu.memref_slice %arg4[%dma_wait3A_112, %add3A_111, %dma_wait3A_113] : memref<27x10240x128xf32, #tpu.memory_space<hbm>> -> memref<1x80x128xf32, #tpu.memory_space<hbm>>
    %dma_wait3A_115 = tpu.memref_squeeze %dma_wait3A_114 : memref<1x80x128xf32, #tpu.memory_space<hbm>> -> memref<80x128xf32, #tpu.memory_space<hbm>>
    %dma_wait3A_116 = arith.constant 0 : i32
    %dma_wait3A_117 = tpu.memref_slice %arg4[%dma_wait3A_112, %add3A_111, %dma_wait3A_116] : memref<27x10240x128xf32, #tpu.memory_space<hbm>> -> memref<1x80x128xf32, #tpu.memory_space<hbm>>
    %dma_wait3A_118 = tpu.memref_squeeze %dma_wait3A_117 : memref<1x80x128xf32, #tpu.memory_space<hbm>> -> memref<80x128xf32, #tpu.memory_space<hbm>>
    tpu.wait_dma2 semaphore(%arg17 : memref<!tpu.dma_semaphore, #tpu.memory_space<semaphore_mem>>) src(%arg9 : memref<80x128xf32, #tpu.memory_space<vmem>>) dst(%dma_wait3A_118 : memref<80x128xf32, #tpu.memory_space<hbm>>)
    return
  }
}

module attributes {stable_mosaic.version = 14 : i64} {
  func.func @body(%arg0: memref<1280x128xf32, #tpu.memory_space<vmem>>, %arg1: memref<128x1024xf32, #tpu.memory_space<vmem>>, %arg2: memref<1280x1024xf32, #tpu.memory_space<vmem>>) attributes {dimension_semantics = [], scalar_prefetch = 0 : i64, scratch_operands = 0 : i64, tpu.core_type = #tpu.core_type<tc>} {
    %get3A = arith.constant 0 : index
    %get3A_0 = arith.constant 0 : index
    %get3A_1 = vector.load %arg0[%get3A, %get3A_0] : memref<1280x128xf32, #tpu.memory_space<vmem>>, vector<1280x128xf32>
    %get3A_2 = arith.constant 0 : index
    %get3A_3 = arith.constant 0 : index
    %get3A_4 = vector.load %arg1[%get3A_2, %get3A_3] : memref<128x1024xf32, #tpu.memory_space<vmem>>, vector<128x1024xf32>
    %dot_general3A = arith.constant dense<0.000000e+00> : vector<1280x1024xf32>
    %dot_general3A_5 = tpu.matmul %get3A_1, %get3A_4, %dot_general3A {dimension_numbers = #tpu.dot_dimension_numbers<[1], [0], [0], [1], [0, 0, 1, 1], [], []>, transpose_lhs_hint = false} : vector<1280x128xf32>, vector<128x1024xf32>, vector<1280x1024xf32> -> vector<1280x1024xf32>
    %swap3A = arith.constant 0 : index
    %swap3A_6 = arith.constant 0 : index
    %swap3A_7 = vector.load %arg2[%swap3A, %swap3A_6] : memref<1280x1024xf32, #tpu.memory_space<vmem>>, vector<1280x1024xf32>
    tpu.vector_store %arg2[%swap3A, %swap3A_6], %dot_general3A_5 {strides = array<i32>} : memref<1280x1024xf32, #tpu.memory_space<vmem>>, vector<1280x1024xf32>,
    return
  }
}

module attributes {stable_mosaic.version = 14 : i64} {
  func.func @body(%arg0: memref<10240x128xf32, #tpu.memory_space<vmem>>, %arg1: memref<1x128xf32, #tpu.memory_space<vmem>>, %arg2: memref<1x128xf32, #tpu.memory_space<vmem>>, %arg3: memref<1x128xf32, #tpu.memory_space<vmem>>, %arg4: memref<1x128xf32, #tpu.memory_space<vmem>>) attributes {dimension_semantics = [], scalar_prefetch = 0 : i64, scratch_operands = 0 : i64, tpu.core_type = #tpu.core_type<tc>} {
    %get3A = arith.constant 0 : index
    %get3A_0 = arith.constant 0 : index
    %get3A_1 = vector.load %arg0[%get3A, %get3A_0] : memref<10240x128xf32, #tpu.memory_space<vmem>>, vector<10240x128xf32>
    %iota3A = tpu.iota {dimensions = array<i32: 0>} : vector<10240x128xi32>
    %lt3A = arith.constant 10000 : i32
    %lt3A_2 = vector.broadcast %lt3A : i32 to vector<10240x128xi32>
    %lt3A_3 = arith.cmpi slt, %iota3A, %lt3A_2 : vector<10240x128xi32>
    %jit3A = arith.constant 0.000000e+00 : f32
    %broadcast_in_dim3A = vector.broadcast %jit3A : f32 to vector<10240x128xf32>
    %select_n3A = arith.select %lt3A_3, %get3A_1, %broadcast_in_dim3A : vector<10240x128xi1>, vector<10240x128xf32>
    %reduce_sum3A = arith.constant dense<0.000000e+00> : vector<128xf32>
    %reduce_sum3A_4 = vector.multi_reduction <add>, %select_n3A, %reduce_sum3A [0] : vector<10240x128xf32> to vector<128xf32>
    %broadcast_in_dim3A_5 = vector.shape_cast %reduce_sum3A_4 : vector<128xf32> to vector<1x128xf32>
    %mul3A = arith.constant 9.99999974E-5 : f32
    %mul3A_6 = vector.broadcast %mul3A : f32 to vector<1x128xf32>
    %mul3A_7 = arith.mulf %broadcast_in_dim3A_5, %mul3A_6 : vector<1x128xf32>
    %mul3A_8 = arith.mulf %select_n3A, %select_n3A : vector<10240x128xf32>
    %reduce_sum3A_9 = arith.constant dense<0.000000e+00> : vector<128xf32>
    %reduce_sum3A_10 = vector.multi_reduction <add>, %mul3A_8, %reduce_sum3A_9 [0] : vector<10240x128xf32> to vector<128xf32>
    %broadcast_in_dim3A_11 = vector.shape_cast %reduce_sum3A_10 : vector<128xf32> to vector<1x128xf32>
    %mul3A_12 = arith.constant 9.99999974E-5 : f32
    %mul3A_13 = vector.broadcast %mul3A_12 : f32 to vector<1x128xf32>
    %mul3A_14 = arith.mulf %broadcast_in_dim3A_11, %mul3A_13 : vector<1x128xf32>
    %mul3A_15 = arith.mulf %mul3A_7, %mul3A_7 : vector<1x128xf32>
    %sub3A = arith.subf %mul3A_14, %mul3A_15 : vector<1x128xf32>
    %get3A_16 = arith.constant 0 : index
    %get3A_17 = arith.constant 0 : index
    %get3A_18 = vector.load %arg1[%get3A_16, %get3A_17] : memref<1x128xf32, #tpu.memory_space<vmem>>, vector<1x128xf32>
    %add3A = arith.constant 9.99999974E-6 : f32
    %add3A_19 = vector.broadcast %add3A : f32 to vector<1x128xf32>
    %add3A_20 = arith.addf %sub3A, %add3A_19 : vector<1x128xf32>
    %rsqrt3A = math.rsqrt %add3A_20 : vector<1x128xf32>
    %mul3A_21 = arith.mulf %get3A_18, %rsqrt3A : vector<1x128xf32>
    %swap3A = arith.constant 0 : index
    %swap3A_22 = arith.constant 0 : index
    %swap3A_23 = vector.load %arg3[%swap3A, %swap3A_22] : memref<1x128xf32, #tpu.memory_space<vmem>>, vector<1x128xf32>
    tpu.vector_store %arg3[%swap3A, %swap3A_22], %mul3A_21 {strides = array<i32>} : memref<1x128xf32, #tpu.memory_space<vmem>>, vector<1x128xf32>,
    %get3A_24 = arith.constant 0 : index
    %get3A_25 = arith.constant 0 : index
    %get3A_26 = vector.load %arg2[%get3A_24, %get3A_25] : memref<1x128xf32, #tpu.memory_space<vmem>>, vector<1x128xf32>
    %mul3A_27 = arith.mulf %mul3A_7, %mul3A_21 : vector<1x128xf32>
    %sub3A_28 = arith.subf %get3A_26, %mul3A_27 : vector<1x128xf32>
    %swap3A_29 = arith.constant 0 : index
    %swap3A_30 = arith.constant 0 : index
    %swap3A_31 = vector.load %arg4[%swap3A_29, %swap3A_30] : memref<1x128xf32, #tpu.memory_space<vmem>>, vector<1x128xf32>
    tpu.vector_store %arg4[%swap3A_29, %swap3A_30], %sub3A_28 {strides = array<i32>} : memref<1x128xf32, #tpu.memory_space<vmem>>, vector<1x128xf32>,
    return
  }
}

module attributes {stable_mosaic.version = 14 : i64} {
  func.func @body(%arg0: i32, %arg1: memref<1024x128xf32, #tpu.memory_space<vmem>>, %arg2: memref<1x128xf32, #tpu.memory_space<vmem>>, %arg3: memref<1x128xf32, #tpu.memory_space<vmem>>, %arg4: memref<1024x128xf32, #tpu.memory_space<vmem>>, %arg5: memref<1024x128xf32, #tpu.memory_space<vmem>>) attributes {dimension_semantics = [#tpu.dimension_semantics<arbitrary>], iteration_bounds = array<i64: 10>, scalar_prefetch = 0 : i64, scratch_operands = 0 : i64, tpu.core_type = #tpu.core_type<tc>, window_params = [{transform_indices = @transform_0, window_bounds = array<i64: 1024, 128>}, {pipeline_mode = #tpu.pipeline_mode<synchronous>, transform_indices = @transform_1, window_bounds = array<i64: 1, 128>}, {pipeline_mode = #tpu.pipeline_mode<synchronous>, transform_indices = @transform_2, window_bounds = array<i64: 1, 128>}, {transform_indices = @transform_3, window_bounds = array<i64: 1024, 128>}, {transform_indices = @transform_4, window_bounds = array<i64: 1024, 128>}]} {
    %get3A = arith.constant 0 : index
    %get3A_0 = arith.constant 0 : index
    %get3A_1 = vector.load %arg1[%get3A, %get3A_0] : memref<1024x128xf32, #tpu.memory_space<vmem>>, vector<1024x128xf32>
    %get3A_2 = arith.constant 0 : index
    %get3A_3 = arith.constant 0 : index
    %get3A_4 = vector.load %arg2[%get3A_2, %get3A_3] : memref<1x128xf32, #tpu.memory_space<vmem>>, vector<1x128xf32>
    %mul3A = vector.broadcast %get3A_4 : vector<1x128xf32> to vector<1024x128xf32>
    %mul3A_5 = arith.mulf %get3A_1, %mul3A : vector<1024x128xf32>
    %get3A_6 = arith.constant 0 : index
    %get3A_7 = arith.constant 0 : index
    %get3A_8 = vector.load %arg3[%get3A_6, %get3A_7] : memref<1x128xf32, #tpu.memory_space<vmem>>, vector<1x128xf32>
    %add3A = vector.broadcast %get3A_8 : vector<1x128xf32> to vector<1024x128xf32>
    %add3A_9 = arith.addf %mul3A_5, %add3A : vector<1024x128xf32>
    %max3A = arith.constant 0.000000e+00 : f32
    %max3A_10 = vector.broadcast %max3A : f32 to vector<1024x128xf32>
    %max3A_11 = arith.maximumf %add3A_9, %max3A_10 : vector<1024x128xf32>
    %get3A_12 = arith.constant 0 : index
    %get3A_13 = arith.constant 0 : index
    %get3A_14 = vector.load %arg4[%get3A_12, %get3A_13] : memref<1024x128xf32, #tpu.memory_space<vmem>>, vector<1024x128xf32>
    %convert_element_type3A = arith.truncf %max3A_11 : vector<1024x128xf32> to vector<1024x128xbf16>
    %convert_element_type3A_15 = arith.extf %convert_element_type3A : vector<1024x128xbf16> to vector<1024x128xf32>
    %bitcast_convert_type3A = tpu.bitcast %convert_element_type3A_15 : vector<1024x128xf32> -> vector<1024x128xi32>
    %convert_element_type3A_16 = arith.truncf %get3A_14 : vector<1024x128xf32> to vector<1024x128xbf16>
    %convert_element_type3A_17 = arith.extf %convert_element_type3A_16 : vector<1024x128xbf16> to vector<1024x128xf32>
    %bitcast_convert_type3A_18 = tpu.bitcast %convert_element_type3A_17 : vector<1024x128xf32> -> vector<1024x128xi32>
    %shift_right_logical3A = arith.constant 16 : i32
    %shift_right_logical3A_19 = vector.broadcast %shift_right_logical3A : i32 to vector<1024x128xi32>
    %shift_right_logical3A_20 = arith.shrui %bitcast_convert_type3A, %shift_right_logical3A_19 : vector<1024x128xi32>
    %or3A = arith.ori %bitcast_convert_type3A_18, %shift_right_logical3A_20 : vector<1024x128xi32>
    %bitcast_convert_type3A_21 = tpu.bitcast %or3A : vector<1024x128xi32> -> vector<1024x128xf32>
    %swap3A = arith.constant 0 : index
    %swap3A_22 = arith.constant 0 : index
    %swap3A_23 = vector.load %arg5[%swap3A, %swap3A_22] : memref<1024x128xf32, #tpu.memory_space<vmem>>, vector<1024x128xf32>
    tpu.vector_store %arg5[%swap3A, %swap3A_22], %bitcast_convert_type3A_21 {strides = array<i32>} : memref<1024x128xf32, #tpu.memory_space<vmem>>, vector<1024x128xf32>,
    return
  }
  func.func @transform_0(%arg0: i32) -> (i32, i32) {
    %c0_i32 = arith.constant 0 : i32
    %c0_i32_0 = arith.constant 0 : i32
    return %arg0, %c0_i32 : i32, i32
  }
  func.func @transform_1(%arg0: i32) -> (i32, i32) {
    %c0_i32 = arith.constant 0 : i32
    %c0_i32_0 = arith.constant 0 : i32
    %c0_i32_1 = arith.constant 0 : i32
    return %c0_i32, %c0_i32_0 : i32, i32
  }
  func.func @transform_2(%arg0: i32) -> (i32, i32) {
    %c0_i32 = arith.constant 0 : i32
    %c0_i32_0 = arith.constant 0 : i32
    %c0_i32_1 = arith.constant 0 : i32
    return %c0_i32, %c0_i32_0 : i32, i32
  }
  func.func @transform_3(%arg0: i32) -> (i32, i32) {
    %c0_i32 = arith.constant 0 : i32
    %c0_i32_0 = arith.constant 0 : i32
    return %arg0, %c0_i32 : i32, i32
  }
  func.func @transform_4(%arg0: i32) -> (i32, i32) {
    %c0_i32 = arith.constant 0 : i32
    %c0_i32_0 = arith.constant 0 : i32
    return %arg0, %c0_i32 : i32, i32
  }
}

module attributes {stable_mosaic.version = 14 : i64} {
  func.func @body(%arg0: i32, %arg1: memref<27x512x128xf32, #tpu.memory_space<vmem>>, %arg2: memref<27x256x128xbf16, #tpu.memory_space<vmem>>, %arg3: memref<512x128xf32, #tpu.memory_space<vmem>>) attributes {dimension_semantics = [#tpu.dimension_semantics<arbitrary>], iteration_bounds = array<i64: 20>, scalar_prefetch = 0 : i64, scratch_operands = 0 : i64, tpu.core_type = #tpu.core_type<tc>, window_params = [{transform_indices = @transform_0, window_bounds = array<i64: 27, 512, 128>}, {pipeline_mode = #tpu.pipeline_mode<synchronous>, transform_indices = @transform_1, window_bounds = array<i64: 27, 256, 128>}, {transform_indices = @transform_2, window_bounds = array<i64: 512, 128>}]} {
    %broadcast_in_dim3A = arith.constant 0.000000e+00 : f32
    %broadcast_in_dim3A_0 = vector.broadcast %broadcast_in_dim3A : f32 to vector<512x128xf32>
    %get3A = arith.constant 0 : index
    %get3A_1 = arith.constant 0 : index
    %get3A_2 = arith.constant 0 : index
    %get3A_3 = vector.load %arg2[%get3A, %get3A_1, %get3A_2] : memref<27x256x128xbf16, #tpu.memory_space<vmem>>, vector<1x256x128xbf16>
    %get3A_4 = vector.shape_cast %get3A_3 : vector<1x256x128xbf16> to vector<256x128xbf16>
    %get3A_5 = arith.constant 0 : index
    %get3A_6 = arith.constant 0 : index
    %get3A_7 = arith.constant 0 : index
    %get3A_8 = vector.load %arg1[%get3A_5, %get3A_6, %get3A_7] : memref<27x512x128xf32, #tpu.memory_space<vmem>>, vector<1x512x128xf32>
    %get3A_9 = vector.shape_cast %get3A_8 : vector<1x512x128xf32> to vector<512x128xf32>
    %bitcast_convert_type3A = tpu.bitcast %get3A_9 : vector<512x128xf32> -> vector<512x128xi32>
    %and3A = arith.constant -65536 : i32
    %and3A_10 = vector.broadcast %and3A : i32 to vector<512x128xi32>
    %and3A_11 = arith.andi %bitcast_convert_type3A, %and3A_10 : vector<512x128xi32>
    %bitcast_convert_type3A_12 = tpu.bitcast %and3A_11 : vector<512x128xi32> -> vector<512x128xf32>
    %shift_left3A = arith.constant 16 : i32
    %shift_left3A_13 = vector.broadcast %shift_left3A : i32 to vector<512x128xi32>
    %shift_left3A_14 = arith.shli %bitcast_convert_type3A, %shift_left3A_13 : vector<512x128xi32>
    %bitcast_convert_type3A_15 = tpu.bitcast %shift_left3A_14 : vector<512x128xi32> -> vector<512x128xf32>
    %convert_element_type3A = arith.truncf %bitcast_convert_type3A_15 : vector<512x128xf32> to vector<512x128xbf16>
    %slice3A = vector.extract_strided_slice %get3A_4 {offsets = [0, 0], sizes = [128, 128], strides = [1, 1]} : vector<256x128xbf16> to vector<128x128xbf16>
    %dot_general3A = arith.constant dense<0.000000e+00> : vector<512x128xf32>
    %dot_general3A_16 = tpu.matmul %convert_element_type3A, %slice3A, %dot_general3A {dimension_numbers = #tpu.dot_dimension_numbers<[1], [0], [0], [1], [0, 0, 1, 1], [], []>, transpose_lhs_hint = false} : vector<512x128xbf16>, vector<128x128xbf16>, vector<512x128xf32> -> vector<512x128xf32>
    %add3A = arith.addf %broadcast_in_dim3A_0, %dot_general3A_16 : vector<512x128xf32>
    %convert_element_type3A_17 = arith.truncf %bitcast_convert_type3A_12 : vector<512x128xf32> to vector<512x128xbf16>
    %slice3A_18 = vector.extract_strided_slice %get3A_4 {offsets = [128, 0], sizes = [128, 128], strides = [1, 1]} : vector<256x128xbf16> to vector<128x128xbf16>
    %dot_general3A_19 = arith.constant dense<0.000000e+00> : vector<512x128xf32>
    %dot_general3A_20 = tpu.matmul %convert_element_type3A_17, %slice3A_18, %dot_general3A_19 {dimension_numbers = #tpu.dot_dimension_numbers<[1], [0], [0], [1], [0, 0, 1, 1], [], []>, transpose_lhs_hint = false} : vector<512x128xbf16>, vector<128x128xbf16>, vector<512x128xf32> -> vector<512x128xf32>
    %add3A_21 = arith.addf %add3A, %dot_general3A_20 : vector<512x128xf32>
    %get3A_22 = arith.constant 1 : index
    %get3A_23 = arith.constant 0 : index
    %get3A_24 = arith.constant 0 : index
    %get3A_25 = vector.load %arg2[%get3A_22, %get3A_23, %get3A_24] : memref<27x256x128xbf16, #tpu.memory_space<vmem>>, vector<1x256x128xbf16>
    %get3A_26 = vector.shape_cast %get3A_25 : vector<1x256x128xbf16> to vector<256x128xbf16>
    %get3A_27 = arith.constant 1 : index
    %get3A_28 = arith.constant 0 : index
    %get3A_29 = arith.constant 0 : index
    %get3A_30 = vector.load %arg1[%get3A_27, %get3A_28, %get3A_29] : memref<27x512x128xf32, #tpu.memory_space<vmem>>, vector<1x512x128xf32>
    %get3A_31 = vector.shape_cast %get3A_30 : vector<1x512x128xf32> to vector<512x128xf32>
    %bitcast_convert_type3A_32 = tpu.bitcast %get3A_31 : vector<512x128xf32> -> vector<512x128xi32>
    %and3A_33 = arith.constant -65536 : i32
    %and3A_34 = vector.broadcast %and3A_33 : i32 to vector<512x128xi32>
    %and3A_35 = arith.andi %bitcast_convert_type3A_32, %and3A_34 : vector<512x128xi32>
    %bitcast_convert_type3A_36 = tpu.bitcast %and3A_35 : vector<512x128xi32> -> vector<512x128xf32>
    %shift_left3A_37 = arith.constant 16 : i32
    %shift_left3A_38 = vector.broadcast %shift_left3A_37 : i32 to vector<512x128xi32>
    %shift_left3A_39 = arith.shli %bitcast_convert_type3A_32, %shift_left3A_38 : vector<512x128xi32>
    %bitcast_convert_type3A_40 = tpu.bitcast %shift_left3A_39 : vector<512x128xi32> -> vector<512x128xf32>
    %convert_element_type3A_41 = arith.truncf %bitcast_convert_type3A_40 : vector<512x128xf32> to vector<512x128xbf16>
    %slice3A_42 = vector.extract_strided_slice %get3A_26 {offsets = [0, 0], sizes = [128, 128], strides = [1, 1]} : vector<256x128xbf16> to vector<128x128xbf16>
    %dot_general3A_43 = arith.constant dense<0.000000e+00> : vector<512x128xf32>
    %dot_general3A_44 = tpu.matmul %convert_element_type3A_41, %slice3A_42, %dot_general3A_43 {dimension_numbers = #tpu.dot_dimension_numbers<[1], [0], [0], [1], [0, 0, 1, 1], [], []>, transpose_lhs_hint = false} : vector<512x128xbf16>, vector<128x128xbf16>, vector<512x128xf32> -> vector<512x128xf32>
    %add3A_45 = arith.addf %add3A_21, %dot_general3A_44 : vector<512x128xf32>
    %convert_element_type3A_46 = arith.truncf %bitcast_convert_type3A_36 : vector<512x128xf32> to vector<512x128xbf16>
    %slice3A_47 = vector.extract_strided_slice %get3A_26 {offsets = [128, 0], sizes = [128, 128], strides = [1, 1]} : vector<256x128xbf16> to vector<128x128xbf16>
    %dot_general3A_48 = arith.constant dense<0.000000e+00> : vector<512x128xf32>
    %dot_general3A_49 = tpu.matmul %convert_element_type3A_46, %slice3A_47, %dot_general3A_48 {dimension_numbers = #tpu.dot_dimension_numbers<[1], [0], [0], [1], [0, 0, 1, 1], [], []>, transpose_lhs_hint = false} : vector<512x128xbf16>, vector<128x128xbf16>, vector<512x128xf32> -> vector<512x128xf32>
    %add3A_50 = arith.addf %add3A_45, %dot_general3A_49 : vector<512x128xf32>
    %get3A_51 = arith.constant 2 : index
    %get3A_52 = arith.constant 0 : index
    %get3A_53 = arith.constant 0 : index
    %get3A_54 = vector.load %arg2[%get3A_51, %get3A_52, %get3A_53] : memref<27x256x128xbf16, #tpu.memory_space<vmem>>, vector<1x256x128xbf16>
    %get3A_55 = vector.shape_cast %get3A_54 : vector<1x256x128xbf16> to vector<256x128xbf16>
    %get3A_56 = arith.constant 2 : index
    %get3A_57 = arith.constant 0 : index
    %get3A_58 = arith.constant 0 : index
    %get3A_59 = vector.load %arg1[%get3A_56, %get3A_57, %get3A_58] : memref<27x512x128xf32, #tpu.memory_space<vmem>>, vector<1x512x128xf32>
    %get3A_60 = vector.shape_cast %get3A_59 : vector<1x512x128xf32> to vector<512x128xf32>
    %bitcast_convert_type3A_61 = tpu.bitcast %get3A_60 : vector<512x128xf32> -> vector<512x128xi32>
    %and3A_62 = arith.constant -65536 : i32
    %and3A_63 = vector.broadcast %and3A_62 : i32 to vector<512x128xi32>
    %and3A_64 = arith.andi %bitcast_convert_type3A_61, %and3A_63 : vector<512x128xi32>
    %bitcast_convert_type3A_65 = tpu.bitcast %and3A_64 : vector<512x128xi32> -> vector<512x128xf32>
    %shift_left3A_66 = arith.constant 16 : i32
    %shift_left3A_67 = vector.broadcast %shift_left3A_66 : i32 to vector<512x128xi32>
    %shift_left3A_68 = arith.shli %bitcast_convert_type3A_61, %shift_left3A_67 : vector<512x128xi32>
    %bitcast_convert_type3A_69 = tpu.bitcast %shift_left3A_68 : vector<512x128xi32> -> vector<512x128xf32>
    %convert_element_type3A_70 = arith.truncf %bitcast_convert_type3A_69 : vector<512x128xf32> to vector<512x128xbf16>
    %slice3A_71 = vector.extract_strided_slice %get3A_55 {offsets = [0, 0], sizes = [128, 128], strides = [1, 1]} : vector<256x128xbf16> to vector<128x128xbf16>
    %dot_general3A_72 = arith.constant dense<0.000000e+00> : vector<512x128xf32>
    %dot_general3A_73 = tpu.matmul %convert_element_type3A_70, %slice3A_71, %dot_general3A_72 {dimension_numbers = #tpu.dot_dimension_numbers<[1], [0], [0], [1], [0, 0, 1, 1], [], []>, transpose_lhs_hint = false} : vector<512x128xbf16>, vector<128x128xbf16>, vector<512x128xf32> -> vector<512x128xf32>
    %add3A_74 = arith.addf %add3A_50, %dot_general3A_73 : vector<512x128xf32>
    %convert_element_type3A_75 = arith.truncf %bitcast_convert_type3A_65 : vector<512x128xf32> to vector<512x128xbf16>
    %slice3A_76 = vector.extract_strided_slice %get3A_55 {offsets = [128, 0], sizes = [128, 128], strides = [1, 1]} : vector<256x128xbf16> to vector<128x128xbf16>
    %dot_general3A_77 = arith.constant dense<0.000000e+00> : vector<512x128xf32>
    %dot_general3A_78 = tpu.matmul %convert_element_type3A_75, %slice3A_76, %dot_general3A_77 {dimension_numbers = #tpu.dot_dimension_numbers<[1], [0], [0], [1], [0, 0, 1, 1], [], []>, transpose_lhs_hint = false} : vector<512x128xbf16>, vector<128x128xbf16>, vector<512x128xf32> -> vector<512x128xf32>
    %add3A_79 = arith.addf %add3A_74, %dot_general3A_78 : vector<512x128xf32>
    %get3A_80 = arith.constant 3 : index
    %get3A_81 = arith.constant 0 : index
    %get3A_82 = arith.constant 0 : index
    %get3A_83 = vector.load %arg2[%get3A_80, %get3A_81, %get3A_82] : memref<27x256x128xbf16, #tpu.memory_space<vmem>>, vector<1x256x128xbf16>
    %get3A_84 = vector.shape_cast %get3A_83 : vector<1x256x128xbf16> to vector<256x128xbf16>
    %get3A_85 = arith.constant 3 : index
    %get3A_86 = arith.constant 0 : index
    %get3A_87 = arith.constant 0 : index
    %get3A_88 = vector.load %arg1[%get3A_85, %get3A_86, %get3A_87] : memref<27x512x128xf32, #tpu.memory_space<vmem>>, vector<1x512x128xf32>
    %get3A_89 = vector.shape_cast %get3A_88 : vector<1x512x128xf32> to vector<512x128xf32>
    %bitcast_convert_type3A_90 = tpu.bitcast %get3A_89 : vector<512x128xf32> -> vector<512x128xi32>
    %and3A_91 = arith.constant -65536 : i32
    %and3A_92 = vector.broadcast %and3A_91 : i32 to vector<512x128xi32>
    %and3A_93 = arith.andi %bitcast_convert_type3A_90, %and3A_92 : vector<512x128xi32>
    %bitcast_convert_type3A_94 = tpu.bitcast %and3A_93 : vector<512x128xi32> -> vector<512x128xf32>
    %shift_left3A_95 = arith.constant 16 : i32
    %shift_left3A_96 = vector.broadcast %shift_left3A_95 : i32 to vector<512x128xi32>
    %shift_left3A_97 = arith.shli %bitcast_convert_type3A_90, %shift_left3A_96 : vector<512x128xi32>
    %bitcast_convert_type3A_98 = tpu.bitcast %shift_left3A_97 : vector<512x128xi32> -> vector<512x128xf32>
    %convert_element_type3A_99 = arith.truncf %bitcast_convert_type3A_98 : vector<512x128xf32> to vector<512x128xbf16>
    %slice3A_100 = vector.extract_strided_slice %get3A_84 {offsets = [0, 0], sizes = [128, 128], strides = [1, 1]} : vector<256x128xbf16> to vector<128x128xbf16>
    %dot_general3A_101 = arith.constant dense<0.000000e+00> : vector<512x128xf32>
    %dot_general3A_102 = tpu.matmul %convert_element_type3A_99, %slice3A_100, %dot_general3A_101 {dimension_numbers = #tpu.dot_dimension_numbers<[1], [0], [0], [1], [0, 0, 1, 1], [], []>, transpose_lhs_hint = false} : vector<512x128xbf16>, vector<128x128xbf16>, vector<512x128xf32> -> vector<512x128xf32>
    %add3A_103 = arith.addf %add3A_79, %dot_general3A_102 : vector<512x128xf32>
    %convert_element_type3A_104 = arith.truncf %bitcast_convert_type3A_94 : vector<512x128xf32> to vector<512x128xbf16>
    %slice3A_105 = vector.extract_strided_slice %get3A_84 {offsets = [128, 0], sizes = [128, 128], strides = [1, 1]} : vector<256x128xbf16> to vector<128x128xbf16>
    %dot_general3A_106 = arith.constant dense<0.000000e+00> : vector<512x128xf32>
    %dot_general3A_107 = tpu.matmul %convert_element_type3A_104, %slice3A_105, %dot_general3A_106 {dimension_numbers = #tpu.dot_dimension_numbers<[1], [0], [0], [1], [0, 0, 1, 1], [], []>, transpose_lhs_hint = false} : vector<512x128xbf16>, vector<128x128xbf16>, vector<512x128xf32> -> vector<512x128xf32>
    %add3A_108 = arith.addf %add3A_103, %dot_general3A_107 : vector<512x128xf32>
    %get3A_109 = arith.constant 4 : index
    %get3A_110 = arith.constant 0 : index
    %get3A_111 = arith.constant 0 : index
    %get3A_112 = vector.load %arg2[%get3A_109, %get3A_110, %get3A_111] : memref<27x256x128xbf16, #tpu.memory_space<vmem>>, vector<1x256x128xbf16>
    %get3A_113 = vector.shape_cast %get3A_112 : vector<1x256x128xbf16> to vector<256x128xbf16>
    %get3A_114 = arith.constant 4 : index
    %get3A_115 = arith.constant 0 : index
    %get3A_116 = arith.constant 0 : index
    %get3A_117 = vector.load %arg1[%get3A_114, %get3A_115, %get3A_116] : memref<27x512x128xf32, #tpu.memory_space<vmem>>, vector<1x512x128xf32>
    %get3A_118 = vector.shape_cast %get3A_117 : vector<1x512x128xf32> to vector<512x128xf32>
    %bitcast_convert_type3A_119 = tpu.bitcast %get3A_118 : vector<512x128xf32> -> vector<512x128xi32>
    %and3A_120 = arith.constant -65536 : i32
    %and3A_121 = vector.broadcast %and3A_120 : i32 to vector<512x128xi32>
    %and3A_122 = arith.andi %bitcast_convert_type3A_119, %and3A_121 : vector<512x128xi32>
    %bitcast_convert_type3A_123 = tpu.bitcast %and3A_122 : vector<512x128xi32> -> vector<512x128xf32>
    %shift_left3A_124 = arith.constant 16 : i32
    %shift_left3A_125 = vector.broadcast %shift_left3A_124 : i32 to vector<512x128xi32>
    %shift_left3A_126 = arith.shli %bitcast_convert_type3A_119, %shift_left3A_125 : vector<512x128xi32>
    %bitcast_convert_type3A_127 = tpu.bitcast %shift_left3A_126 : vector<512x128xi32> -> vector<512x128xf32>
    %convert_element_type3A_128 = arith.truncf %bitcast_convert_type3A_127 : vector<512x128xf32> to vector<512x128xbf16>
    %slice3A_129 = vector.extract_strided_slice %get3A_113 {offsets = [0, 0], sizes = [128, 128], strides = [1, 1]} : vector<256x128xbf16> to vector<128x128xbf16>
    %dot_general3A_130 = arith.constant dense<0.000000e+00> : vector<512x128xf32>
    %dot_general3A_131 = tpu.matmul %convert_element_type3A_128, %slice3A_129, %dot_general3A_130 {dimension_numbers = #tpu.dot_dimension_numbers<[1], [0], [0], [1], [0, 0, 1, 1], [], []>, transpose_lhs_hint = false} : vector<512x128xbf16>, vector<128x128xbf16>, vector<512x128xf32> -> vector<512x128xf32>
    %add3A_132 = arith.addf %add3A_108, %dot_general3A_131 : vector<512x128xf32>
    %convert_element_type3A_133 = arith.truncf %bitcast_convert_type3A_123 : vector<512x128xf32> to vector<512x128xbf16>
    %slice3A_134 = vector.extract_strided_slice %get3A_113 {offsets = [128, 0], sizes = [128, 128], strides = [1, 1]} : vector<256x128xbf16> to vector<128x128xbf16>
    %dot_general3A_135 = arith.constant dense<0.000000e+00> : vector<512x128xf32>
    %dot_general3A_136 = tpu.matmul %convert_element_type3A_133, %slice3A_134, %dot_general3A_135 {dimension_numbers = #tpu.dot_dimension_numbers<[1], [0], [0], [1], [0, 0, 1, 1], [], []>, transpose_lhs_hint = false} : vector<512x128xbf16>, vector<128x128xbf16>, vector<512x128xf32> -> vector<512x128xf32>
    %add3A_137 = arith.addf %add3A_132, %dot_general3A_136 : vector<512x128xf32>
    %get3A_138 = arith.constant 5 : index
    %get3A_139 = arith.constant 0 : index
    %get3A_140 = arith.constant 0 : index
    %get3A_141 = vector.load %arg2[%get3A_138, %get3A_139, %get3A_140] : memref<27x256x128xbf16, #tpu.memory_space<vmem>>, vector<1x256x128xbf16>
    %get3A_142 = vector.shape_cast %get3A_141 : vector<1x256x128xbf16> to vector<256x128xbf16>
    %get3A_143 = arith.constant 5 : index
    %get3A_144 = arith.constant 0 : index
    %get3A_145 = arith.constant 0 : index
    %get3A_146 = vector.load %arg1[%get3A_143, %get3A_144, %get3A_145] : memref<27x512x128xf32, #tpu.memory_space<vmem>>, vector<1x512x128xf32>
    %get3A_147 = vector.shape_cast %get3A_146 : vector<1x512x128xf32> to vector<512x128xf32>
    %bitcast_convert_type3A_148 = tpu.bitcast %get3A_147 : vector<512x128xf32> -> vector<512x128xi32>
    %and3A_149 = arith.constant -65536 : i32
    %and3A_150 = vector.broadcast %and3A_149 : i32 to vector<512x128xi32>
    %and3A_151 = arith.andi %bitcast_convert_type3A_148, %and3A_150 : vector<512x128xi32>
    %bitcast_convert_type3A_152 = tpu.bitcast %and3A_151 : vector<512x128xi32> -> vector<512x128xf32>
    %shift_left3A_153 = arith.constant 16 : i32
    %shift_left3A_154 = vector.broadcast %shift_left3A_153 : i32 to vector<512x128xi32>
    %shift_left3A_155 = arith.shli %bitcast_convert_type3A_148, %shift_left3A_154 : vector<512x128xi32>
    %bitcast_convert_type3A_156 = tpu.bitcast %shift_left3A_155 : vector<512x128xi32> -> vector<512x128xf32>
    %convert_element_type3A_157 = arith.truncf %bitcast_convert_type3A_156 : vector<512x128xf32> to vector<512x128xbf16>
    %slice3A_158 = vector.extract_strided_slice %get3A_142 {offsets = [0, 0], sizes = [128, 128], strides = [1, 1]} : vector<256x128xbf16> to vector<128x128xbf16>
    %dot_general3A_159 = arith.constant dense<0.000000e+00> : vector<512x128xf32>
    %dot_general3A_160 = tpu.matmul %convert_element_type3A_157, %slice3A_158, %dot_general3A_159 {dimension_numbers = #tpu.dot_dimension_numbers<[1], [0], [0], [1], [0, 0, 1, 1], [], []>, transpose_lhs_hint = false} : vector<512x128xbf16>, vector<128x128xbf16>, vector<512x128xf32> -> vector<512x128xf32>
    %add3A_161 = arith.addf %add3A_137, %dot_general3A_160 : vector<512x128xf32>
    %convert_element_type3A_162 = arith.truncf %bitcast_convert_type3A_152 : vector<512x128xf32> to vector<512x128xbf16>
    %slice3A_163 = vector.extract_strided_slice %get3A_142 {offsets = [128, 0], sizes = [128, 128], strides = [1, 1]} : vector<256x128xbf16> to vector<128x128xbf16>
    %dot_general3A_164 = arith.constant dense<0.000000e+00> : vector<512x128xf32>
    %dot_general3A_165 = tpu.matmul %convert_element_type3A_162, %slice3A_163, %dot_general3A_164 {dimension_numbers = #tpu.dot_dimension_numbers<[1], [0], [0], [1], [0, 0, 1, 1], [], []>, transpose_lhs_hint = false} : vector<512x128xbf16>, vector<128x128xbf16>, vector<512x128xf32> -> vector<512x128xf32>
    %add3A_166 = arith.addf %add3A_161, %dot_general3A_165 : vector<512x128xf32>
    %get3A_167 = arith.constant 6 : index
    %get3A_168 = arith.constant 0 : index
    %get3A_169 = arith.constant 0 : index
    %get3A_170 = vector.load %arg2[%get3A_167, %get3A_168, %get3A_169] : memref<27x256x128xbf16, #tpu.memory_space<vmem>>, vector<1x256x128xbf16>
    %get3A_171 = vector.shape_cast %get3A_170 : vector<1x256x128xbf16> to vector<256x128xbf16>
    %get3A_172 = arith.constant 6 : index
    %get3A_173 = arith.constant 0 : index
    %get3A_174 = arith.constant 0 : index
    %get3A_175 = vector.load %arg1[%get3A_172, %get3A_173, %get3A_174] : memref<27x512x128xf32, #tpu.memory_space<vmem>>, vector<1x512x128xf32>
    %get3A_176 = vector.shape_cast %get3A_175 : vector<1x512x128xf32> to vector<512x128xf32>
    %bitcast_convert_type3A_177 = tpu.bitcast %get3A_176 : vector<512x128xf32> -> vector<512x128xi32>
    %and3A_178 = arith.constant -65536 : i32
    %and3A_179 = vector.broadcast %and3A_178 : i32 to vector<512x128xi32>
    %and3A_180 = arith.andi %bitcast_convert_type3A_177, %and3A_179 : vector<512x128xi32>
    %bitcast_convert_type3A_181 = tpu.bitcast %and3A_180 : vector<512x128xi32> -> vector<512x128xf32>
    %shift_left3A_182 = arith.constant 16 : i32
    %shift_left3A_183 = vector.broadcast %shift_left3A_182 : i32 to vector<512x128xi32>
    %shift_left3A_184 = arith.shli %bitcast_convert_type3A_177, %shift_left3A_183 : vector<512x128xi32>
    %bitcast_convert_type3A_185 = tpu.bitcast %shift_left3A_184 : vector<512x128xi32> -> vector<512x128xf32>
    %convert_element_type3A_186 = arith.truncf %bitcast_convert_type3A_185 : vector<512x128xf32> to vector<512x128xbf16>
    %slice3A_187 = vector.extract_strided_slice %get3A_171 {offsets = [0, 0], sizes = [128, 128], strides = [1, 1]} : vector<256x128xbf16> to vector<128x128xbf16>
    %dot_general3A_188 = arith.constant dense<0.000000e+00> : vector<512x128xf32>
    %dot_general3A_189 = tpu.matmul %convert_element_type3A_186, %slice3A_187, %dot_general3A_188 {dimension_numbers = #tpu.dot_dimension_numbers<[1], [0], [0], [1], [0, 0, 1, 1], [], []>, transpose_lhs_hint = false} : vector<512x128xbf16>, vector<128x128xbf16>, vector<512x128xf32> -> vector<512x128xf32>
    %add3A_190 = arith.addf %add3A_166, %dot_general3A_189 : vector<512x128xf32>
    %convert_element_type3A_191 = arith.truncf %bitcast_convert_type3A_181 : vector<512x128xf32> to vector<512x128xbf16>
    %slice3A_192 = vector.extract_strided_slice %get3A_171 {offsets = [128, 0], sizes = [128, 128], strides = [1, 1]} : vector<256x128xbf16> to vector<128x128xbf16>
    %dot_general3A_193 = arith.constant dense<0.000000e+00> : vector<512x128xf32>
    %dot_general3A_194 = tpu.matmul %convert_element_type3A_191, %slice3A_192, %dot_general3A_193 {dimension_numbers = #tpu.dot_dimension_numbers<[1], [0], [0], [1], [0, 0, 1, 1], [], []>, transpose_lhs_hint = false} : vector<512x128xbf16>, vector<128x128xbf16>, vector<512x128xf32> -> vector<512x128xf32>
    %add3A_195 = arith.addf %add3A_190, %dot_general3A_194 : vector<512x128xf32>
    %get3A_196 = arith.constant 7 : index
    %get3A_197 = arith.constant 0 : index
    %get3A_198 = arith.constant 0 : index
    %get3A_199 = vector.load %arg2[%get3A_196, %get3A_197, %get3A_198] : memref<27x256x128xbf16, #tpu.memory_space<vmem>>, vector<1x256x128xbf16>
    %get3A_200 = vector.shape_cast %get3A_199 : vector<1x256x128xbf16> to vector<256x128xbf16>
    %get3A_201 = arith.constant 7 : index
    %get3A_202 = arith.constant 0 : index
    %get3A_203 = arith.constant 0 : index
    %get3A_204 = vector.load %arg1[%get3A_201, %get3A_202, %get3A_203] : memref<27x512x128xf32, #tpu.memory_space<vmem>>, vector<1x512x128xf32>
    %get3A_205 = vector.shape_cast %get3A_204 : vector<1x512x128xf32> to vector<512x128xf32>
    %bitcast_convert_type3A_206 = tpu.bitcast %get3A_205 : vector<512x128xf32> -> vector<512x128xi32>
    %and3A_207 = arith.constant -65536 : i32
    %and3A_208 = vector.broadcast %and3A_207 : i32 to vector<512x128xi32>
    %and3A_209 = arith.andi %bitcast_convert_type3A_206, %and3A_208 : vector<512x128xi32>
    %bitcast_convert_type3A_210 = tpu.bitcast %and3A_209 : vector<512x128xi32> -> vector<512x128xf32>
    %shift_left3A_211 = arith.constant 16 : i32
    %shift_left3A_212 = vector.broadcast %shift_left3A_211 : i32 to vector<512x128xi32>
    %shift_left3A_213 = arith.shli %bitcast_convert_type3A_206, %shift_left3A_212 : vector<512x128xi32>
    %bitcast_convert_type3A_214 = tpu.bitcast %shift_left3A_213 : vector<512x128xi32> -> vector<512x128xf32>
    %convert_element_type3A_215 = arith.truncf %bitcast_convert_type3A_214 : vector<512x128xf32> to vector<512x128xbf16>
    %slice3A_216 = vector.extract_strided_slice %get3A_200 {offsets = [0, 0], sizes = [128, 128], strides = [1, 1]} : vector<256x128xbf16> to vector<128x128xbf16>
    %dot_general3A_217 = arith.constant dense<0.000000e+00> : vector<512x128xf32>
    %dot_general3A_218 = tpu.matmul %convert_element_type3A_215, %slice3A_216, %dot_general3A_217 {dimension_numbers = #tpu.dot_dimension_numbers<[1], [0], [0], [1], [0, 0, 1, 1], [], []>, transpose_lhs_hint = false} : vector<512x128xbf16>, vector<128x128xbf16>, vector<512x128xf32> -> vector<512x128xf32>
    %add3A_219 = arith.addf %add3A_195, %dot_general3A_218 : vector<512x128xf32>
    %convert_element_type3A_220 = arith.truncf %bitcast_convert_type3A_210 : vector<512x128xf32> to vector<512x128xbf16>
    %slice3A_221 = vector.extract_strided_slice %get3A_200 {offsets = [128, 0], sizes = [128, 128], strides = [1, 1]} : vector<256x128xbf16> to vector<128x128xbf16>
    %dot_general3A_222 = arith.constant dense<0.000000e+00> : vector<512x128xf32>
    %dot_general3A_223 = tpu.matmul %convert_element_type3A_220, %slice3A_221, %dot_general3A_222 {dimension_numbers = #tpu.dot_dimension_numbers<[1], [0], [0], [1], [0, 0, 1, 1], [], []>, transpose_lhs_hint = false} : vector<512x128xbf16>, vector<128x128xbf16>, vector<512x128xf32> -> vector<512x128xf32>
    %add3A_224 = arith.addf %add3A_219, %dot_general3A_223 : vector<512x128xf32>
    %get3A_225 = arith.constant 8 : index
    %get3A_226 = arith.constant 0 : index
    %get3A_227 = arith.constant 0 : index
    %get3A_228 = vector.load %arg2[%get3A_225, %get3A_226, %get3A_227] : memref<27x256x128xbf16, #tpu.memory_space<vmem>>, vector<1x256x128xbf16>
    %get3A_229 = vector.shape_cast %get3A_228 : vector<1x256x128xbf16> to vector<256x128xbf16>
    %get3A_230 = arith.constant 8 : index
    %get3A_231 = arith.constant 0 : index
    %get3A_232 = arith.constant 0 : index
    %get3A_233 = vector.load %arg1[%get3A_230, %get3A_231, %get3A_232] : memref<27x512x128xf32, #tpu.memory_space<vmem>>, vector<1x512x128xf32>
    %get3A_234 = vector.shape_cast %get3A_233 : vector<1x512x128xf32> to vector<512x128xf32>
    %bitcast_convert_type3A_235 = tpu.bitcast %get3A_234 : vector<512x128xf32> -> vector<512x128xi32>
    %and3A_236 = arith.constant -65536 : i32
    %and3A_237 = vector.broadcast %and3A_236 : i32 to vector<512x128xi32>
    %and3A_238 = arith.andi %bitcast_convert_type3A_235, %and3A_237 : vector<512x128xi32>
    %bitcast_convert_type3A_239 = tpu.bitcast %and3A_238 : vector<512x128xi32> -> vector<512x128xf32>
    %shift_left3A_240 = arith.constant 16 : i32
    %shift_left3A_241 = vector.broadcast %shift_left3A_240 : i32 to vector<512x128xi32>
    %shift_left3A_242 = arith.shli %bitcast_convert_type3A_235, %shift_left3A_241 : vector<512x128xi32>
    %bitcast_convert_type3A_243 = tpu.bitcast %shift_left3A_242 : vector<512x128xi32> -> vector<512x128xf32>
    %convert_element_type3A_244 = arith.truncf %bitcast_convert_type3A_243 : vector<512x128xf32> to vector<512x128xbf16>
    %slice3A_245 = vector.extract_strided_slice %get3A_229 {offsets = [0, 0], sizes = [128, 128], strides = [1, 1]} : vector<256x128xbf16> to vector<128x128xbf16>
    %dot_general3A_246 = arith.constant dense<0.000000e+00> : vector<512x128xf32>
    %dot_general3A_247 = tpu.matmul %convert_element_type3A_244, %slice3A_245, %dot_general3A_246 {dimension_numbers = #tpu.dot_dimension_numbers<[1], [0], [0], [1], [0, 0, 1, 1], [], []>, transpose_lhs_hint = false} : vector<512x128xbf16>, vector<128x128xbf16>, vector<512x128xf32> -> vector<512x128xf32>
    %add3A_248 = arith.addf %add3A_224, %dot_general3A_247 : vector<512x128xf32>
    %convert_element_type3A_249 = arith.truncf %bitcast_convert_type3A_239 : vector<512x128xf32> to vector<512x128xbf16>
    %slice3A_250 = vector.extract_strided_slice %get3A_229 {offsets = [128, 0], sizes = [128, 128], strides = [1, 1]} : vector<256x128xbf16> to vector<128x128xbf16>
    %dot_general3A_251 = arith.constant dense<0.000000e+00> : vector<512x128xf32>
    %dot_general3A_252 = tpu.matmul %convert_element_type3A_249, %slice3A_250, %dot_general3A_251 {dimension_numbers = #tpu.dot_dimension_numbers<[1], [0], [0], [1], [0, 0, 1, 1], [], []>, transpose_lhs_hint = false} : vector<512x128xbf16>, vector<128x128xbf16>, vector<512x128xf32> -> vector<512x128xf32>
    %add3A_253 = arith.addf %add3A_248, %dot_general3A_252 : vector<512x128xf32>
    %get3A_254 = arith.constant 9 : index
    %get3A_255 = arith.constant 0 : index
    %get3A_256 = arith.constant 0 : index
    %get3A_257 = vector.load %arg2[%get3A_254, %get3A_255, %get3A_256] : memref<27x256x128xbf16, #tpu.memory_space<vmem>>, vector<1x256x128xbf16>
    %get3A_258 = vector.shape_cast %get3A_257 : vector<1x256x128xbf16> to vector<256x128xbf16>
    %get3A_259 = arith.constant 9 : index
    %get3A_260 = arith.constant 0 : index
    %get3A_261 = arith.constant 0 : index
    %get3A_262 = vector.load %arg1[%get3A_259, %get3A_260, %get3A_261] : memref<27x512x128xf32, #tpu.memory_space<vmem>>, vector<1x512x128xf32>
    %get3A_263 = vector.shape_cast %get3A_262 : vector<1x512x128xf32> to vector<512x128xf32>
    %bitcast_convert_type3A_264 = tpu.bitcast %get3A_263 : vector<512x128xf32> -> vector<512x128xi32>
    %and3A_265 = arith.constant -65536 : i32
    %and3A_266 = vector.broadcast %and3A_265 : i32 to vector<512x128xi32>
    %and3A_267 = arith.andi %bitcast_convert_type3A_264, %and3A_266 : vector<512x128xi32>
    %bitcast_convert_type3A_268 = tpu.bitcast %and3A_267 : vector<512x128xi32> -> vector<512x128xf32>
    %shift_left3A_269 = arith.constant 16 : i32
    %shift_left3A_270 = vector.broadcast %shift_left3A_269 : i32 to vector<512x128xi32>
    %shift_left3A_271 = arith.shli %bitcast_convert_type3A_264, %shift_left3A_270 : vector<512x128xi32>
    %bitcast_convert_type3A_272 = tpu.bitcast %shift_left3A_271 : vector<512x128xi32> -> vector<512x128xf32>
    %convert_element_type3A_273 = arith.truncf %bitcast_convert_type3A_272 : vector<512x128xf32> to vector<512x128xbf16>
    %slice3A_274 = vector.extract_strided_slice %get3A_258 {offsets = [0, 0], sizes = [128, 128], strides = [1, 1]} : vector<256x128xbf16> to vector<128x128xbf16>
    %dot_general3A_275 = arith.constant dense<0.000000e+00> : vector<512x128xf32>
    %dot_general3A_276 = tpu.matmul %convert_element_type3A_273, %slice3A_274, %dot_general3A_275 {dimension_numbers = #tpu.dot_dimension_numbers<[1], [0], [0], [1], [0, 0, 1, 1], [], []>, transpose_lhs_hint = false} : vector<512x128xbf16>, vector<128x128xbf16>, vector<512x128xf32> -> vector<512x128xf32>
    %add3A_277 = arith.addf %add3A_253, %dot_general3A_276 : vector<512x128xf32>
    %convert_element_type3A_278 = arith.truncf %bitcast_convert_type3A_268 : vector<512x128xf32> to vector<512x128xbf16>
    %slice3A_279 = vector.extract_strided_slice %get3A_258 {offsets = [128, 0], sizes = [128, 128], strides = [1, 1]} : vector<256x128xbf16> to vector<128x128xbf16>
    %dot_general3A_280 = arith.constant dense<0.000000e+00> : vector<512x128xf32>
    %dot_general3A_281 = tpu.matmul %convert_element_type3A_278, %slice3A_279, %dot_general3A_280 {dimension_numbers = #tpu.dot_dimension_numbers<[1], [0], [0], [1], [0, 0, 1, 1], [], []>, transpose_lhs_hint = false} : vector<512x128xbf16>, vector<128x128xbf16>, vector<512x128xf32> -> vector<512x128xf32>
    %add3A_282 = arith.addf %add3A_277, %dot_general3A_281 : vector<512x128xf32>
    %get3A_283 = arith.constant 10 : index
    %get3A_284 = arith.constant 0 : index
    %get3A_285 = arith.constant 0 : index
    %get3A_286 = vector.load %arg2[%get3A_283, %get3A_284, %get3A_285] : memref<27x256x128xbf16, #tpu.memory_space<vmem>>, vector<1x256x128xbf16>
    %get3A_287 = vector.shape_cast %get3A_286 : vector<1x256x128xbf16> to vector<256x128xbf16>
    %get3A_288 = arith.constant 10 : index
    %get3A_289 = arith.constant 0 : index
    %get3A_290 = arith.constant 0 : index
    %get3A_291 = vector.load %arg1[%get3A_288, %get3A_289, %get3A_290] : memref<27x512x128xf32, #tpu.memory_space<vmem>>, vector<1x512x128xf32>
    %get3A_292 = vector.shape_cast %get3A_291 : vector<1x512x128xf32> to vector<512x128xf32>
    %bitcast_convert_type3A_293 = tpu.bitcast %get3A_292 : vector<512x128xf32> -> vector<512x128xi32>
    %and3A_294 = arith.constant -65536 : i32
    %and3A_295 = vector.broadcast %and3A_294 : i32 to vector<512x128xi32>
    %and3A_296 = arith.andi %bitcast_convert_type3A_293, %and3A_295 : vector<512x128xi32>
    %bitcast_convert_type3A_297 = tpu.bitcast %and3A_296 : vector<512x128xi32> -> vector<512x128xf32>
    %shift_left3A_298 = arith.constant 16 : i32
    %shift_left3A_299 = vector.broadcast %shift_left3A_298 : i32 to vector<512x128xi32>
    %shift_left3A_300 = arith.shli %bitcast_convert_type3A_293, %shift_left3A_299 : vector<512x128xi32>
    %bitcast_convert_type3A_301 = tpu.bitcast %shift_left3A_300 : vector<512x128xi32> -> vector<512x128xf32>
    %convert_element_type3A_302 = arith.truncf %bitcast_convert_type3A_301 : vector<512x128xf32> to vector<512x128xbf16>
    %slice3A_303 = vector.extract_strided_slice %get3A_287 {offsets = [0, 0], sizes = [128, 128], strides = [1, 1]} : vector<256x128xbf16> to vector<128x128xbf16>
    %dot_general3A_304 = arith.constant dense<0.000000e+00> : vector<512x128xf32>
    %dot_general3A_305 = tpu.matmul %convert_element_type3A_302, %slice3A_303, %dot_general3A_304 {dimension_numbers = #tpu.dot_dimension_numbers<[1], [0], [0], [1], [0, 0, 1, 1], [], []>, transpose_lhs_hint = false} : vector<512x128xbf16>, vector<128x128xbf16>, vector<512x128xf32> -> vector<512x128xf32>
    %add3A_306 = arith.addf %add3A_282, %dot_general3A_305 : vector<512x128xf32>
    %convert_element_type3A_307 = arith.truncf %bitcast_convert_type3A_297 : vector<512x128xf32> to vector<512x128xbf16>
    %slice3A_308 = vector.extract_strided_slice %get3A_287 {offsets = [128, 0], sizes = [128, 128], strides = [1, 1]} : vector<256x128xbf16> to vector<128x128xbf16>
    %dot_general3A_309 = arith.constant dense<0.000000e+00> : vector<512x128xf32>
    %dot_general3A_310 = tpu.matmul %convert_element_type3A_307, %slice3A_308, %dot_general3A_309 {dimension_numbers = #tpu.dot_dimension_numbers<[1], [0], [0], [1], [0, 0, 1, 1], [], []>, transpose_lhs_hint = false} : vector<512x128xbf16>, vector<128x128xbf16>, vector<512x128xf32> -> vector<512x128xf32>
    %add3A_311 = arith.addf %add3A_306, %dot_general3A_310 : vector<512x128xf32>
    %get3A_312 = arith.constant 11 : index
    %get3A_313 = arith.constant 0 : index
    %get3A_314 = arith.constant 0 : index
    %get3A_315 = vector.load %arg2[%get3A_312, %get3A_313, %get3A_314] : memref<27x256x128xbf16, #tpu.memory_space<vmem>>, vector<1x256x128xbf16>
    %get3A_316 = vector.shape_cast %get3A_315 : vector<1x256x128xbf16> to vector<256x128xbf16>
    %get3A_317 = arith.constant 11 : index
    %get3A_318 = arith.constant 0 : index
    %get3A_319 = arith.constant 0 : index
    %get3A_320 = vector.load %arg1[%get3A_317, %get3A_318, %get3A_319] : memref<27x512x128xf32, #tpu.memory_space<vmem>>, vector<1x512x128xf32>
    %get3A_321 = vector.shape_cast %get3A_320 : vector<1x512x128xf32> to vector<512x128xf32>
    %bitcast_convert_type3A_322 = tpu.bitcast %get3A_321 : vector<512x128xf32> -> vector<512x128xi32>
    %and3A_323 = arith.constant -65536 : i32
    %and3A_324 = vector.broadcast %and3A_323 : i32 to vector<512x128xi32>
    %and3A_325 = arith.andi %bitcast_convert_type3A_322, %and3A_324 : vector<512x128xi32>
    %bitcast_convert_type3A_326 = tpu.bitcast %and3A_325 : vector<512x128xi32> -> vector<512x128xf32>
    %shift_left3A_327 = arith.constant 16 : i32
    %shift_left3A_328 = vector.broadcast %shift_left3A_327 : i32 to vector<512x128xi32>
    %shift_left3A_329 = arith.shli %bitcast_convert_type3A_322, %shift_left3A_328 : vector<512x128xi32>
    %bitcast_convert_type3A_330 = tpu.bitcast %shift_left3A_329 : vector<512x128xi32> -> vector<512x128xf32>
    %convert_element_type3A_331 = arith.truncf %bitcast_convert_type3A_330 : vector<512x128xf32> to vector<512x128xbf16>
    %slice3A_332 = vector.extract_strided_slice %get3A_316 {offsets = [0, 0], sizes = [128, 128], strides = [1, 1]} : vector<256x128xbf16> to vector<128x128xbf16>
    %dot_general3A_333 = arith.constant dense<0.000000e+00> : vector<512x128xf32>
    %dot_general3A_334 = tpu.matmul %convert_element_type3A_331, %slice3A_332, %dot_general3A_333 {dimension_numbers = #tpu.dot_dimension_numbers<[1], [0], [0], [1], [0, 0, 1, 1], [], []>, transpose_lhs_hint = false} : vector<512x128xbf16>, vector<128x128xbf16>, vector<512x128xf32> -> vector<512x128xf32>
    %add3A_335 = arith.addf %add3A_311, %dot_general3A_334 : vector<512x128xf32>
    %convert_element_type3A_336 = arith.truncf %bitcast_convert_type3A_326 : vector<512x128xf32> to vector<512x128xbf16>
    %slice3A_337 = vector.extract_strided_slice %get3A_316 {offsets = [128, 0], sizes = [128, 128], strides = [1, 1]} : vector<256x128xbf16> to vector<128x128xbf16>
    %dot_general3A_338 = arith.constant dense<0.000000e+00> : vector<512x128xf32>
    %dot_general3A_339 = tpu.matmul %convert_element_type3A_336, %slice3A_337, %dot_general3A_338 {dimension_numbers = #tpu.dot_dimension_numbers<[1], [0], [0], [1], [0, 0, 1, 1], [], []>, transpose_lhs_hint = false} : vector<512x128xbf16>, vector<128x128xbf16>, vector<512x128xf32> -> vector<512x128xf32>
    %add3A_340 = arith.addf %add3A_335, %dot_general3A_339 : vector<512x128xf32>
    %get3A_341 = arith.constant 12 : index
    %get3A_342 = arith.constant 0 : index
    %get3A_343 = arith.constant 0 : index
    %get3A_344 = vector.load %arg2[%get3A_341, %get3A_342, %get3A_343] : memref<27x256x128xbf16, #tpu.memory_space<vmem>>, vector<1x256x128xbf16>
    %get3A_345 = vector.shape_cast %get3A_344 : vector<1x256x128xbf16> to vector<256x128xbf16>
    %get3A_346 = arith.constant 12 : index
    %get3A_347 = arith.constant 0 : index
    %get3A_348 = arith.constant 0 : index
    %get3A_349 = vector.load %arg1[%get3A_346, %get3A_347, %get3A_348] : memref<27x512x128xf32, #tpu.memory_space<vmem>>, vector<1x512x128xf32>
    %get3A_350 = vector.shape_cast %get3A_349 : vector<1x512x128xf32> to vector<512x128xf32>
    %bitcast_convert_type3A_351 = tpu.bitcast %get3A_350 : vector<512x128xf32> -> vector<512x128xi32>
    %and3A_352 = arith.constant -65536 : i32
    %and3A_353 = vector.broadcast %and3A_352 : i32 to vector<512x128xi32>
    %and3A_354 = arith.andi %bitcast_convert_type3A_351, %and3A_353 : vector<512x128xi32>
    %bitcast_convert_type3A_355 = tpu.bitcast %and3A_354 : vector<512x128xi32> -> vector<512x128xf32>
    %shift_left3A_356 = arith.constant 16 : i32
    %shift_left3A_357 = vector.broadcast %shift_left3A_356 : i32 to vector<512x128xi32>
    %shift_left3A_358 = arith.shli %bitcast_convert_type3A_351, %shift_left3A_357 : vector<512x128xi32>
    %bitcast_convert_type3A_359 = tpu.bitcast %shift_left3A_358 : vector<512x128xi32> -> vector<512x128xf32>
    %convert_element_type3A_360 = arith.truncf %bitcast_convert_type3A_359 : vector<512x128xf32> to vector<512x128xbf16>
    %slice3A_361 = vector.extract_strided_slice %get3A_345 {offsets = [0, 0], sizes = [128, 128], strides = [1, 1]} : vector<256x128xbf16> to vector<128x128xbf16>
    %dot_general3A_362 = arith.constant dense<0.000000e+00> : vector<512x128xf32>
    %dot_general3A_363 = tpu.matmul %convert_element_type3A_360, %slice3A_361, %dot_general3A_362 {dimension_numbers = #tpu.dot_dimension_numbers<[1], [0], [0], [1], [0, 0, 1, 1], [], []>, transpose_lhs_hint = false} : vector<512x128xbf16>, vector<128x128xbf16>, vector<512x128xf32> -> vector<512x128xf32>
    %add3A_364 = arith.addf %add3A_340, %dot_general3A_363 : vector<512x128xf32>
    %convert_element_type3A_365 = arith.truncf %bitcast_convert_type3A_355 : vector<512x128xf32> to vector<512x128xbf16>
    %slice3A_366 = vector.extract_strided_slice %get3A_345 {offsets = [128, 0], sizes = [128, 128], strides = [1, 1]} : vector<256x128xbf16> to vector<128x128xbf16>
    %dot_general3A_367 = arith.constant dense<0.000000e+00> : vector<512x128xf32>
    %dot_general3A_368 = tpu.matmul %convert_element_type3A_365, %slice3A_366, %dot_general3A_367 {dimension_numbers = #tpu.dot_dimension_numbers<[1], [0], [0], [1], [0, 0, 1, 1], [], []>, transpose_lhs_hint = false} : vector<512x128xbf16>, vector<128x128xbf16>, vector<512x128xf32> -> vector<512x128xf32>
    %add3A_369 = arith.addf %add3A_364, %dot_general3A_368 : vector<512x128xf32>
    %get3A_370 = arith.constant 13 : index
    %get3A_371 = arith.constant 0 : index
    %get3A_372 = arith.constant 0 : index
    %get3A_373 = vector.load %arg2[%get3A_370, %get3A_371, %get3A_372] : memref<27x256x128xbf16, #tpu.memory_space<vmem>>, vector<1x256x128xbf16>
    %get3A_374 = vector.shape_cast %get3A_373 : vector<1x256x128xbf16> to vector<256x128xbf16>
    %get3A_375 = arith.constant 13 : index
    %get3A_376 = arith.constant 0 : index
    %get3A_377 = arith.constant 0 : index
    %get3A_378 = vector.load %arg1[%get3A_375, %get3A_376, %get3A_377] : memref<27x512x128xf32, #tpu.memory_space<vmem>>, vector<1x512x128xf32>
    %get3A_379 = vector.shape_cast %get3A_378 : vector<1x512x128xf32> to vector<512x128xf32>
    %bitcast_convert_type3A_380 = tpu.bitcast %get3A_379 : vector<512x128xf32> -> vector<512x128xi32>
    %and3A_381 = arith.constant -65536 : i32
    %and3A_382 = vector.broadcast %and3A_381 : i32 to vector<512x128xi32>
    %and3A_383 = arith.andi %bitcast_convert_type3A_380, %and3A_382 : vector<512x128xi32>
    %bitcast_convert_type3A_384 = tpu.bitcast %and3A_383 : vector<512x128xi32> -> vector<512x128xf32>
    %shift_left3A_385 = arith.constant 16 : i32
    %shift_left3A_386 = vector.broadcast %shift_left3A_385 : i32 to vector<512x128xi32>
    %shift_left3A_387 = arith.shli %bitcast_convert_type3A_380, %shift_left3A_386 : vector<512x128xi32>
    %bitcast_convert_type3A_388 = tpu.bitcast %shift_left3A_387 : vector<512x128xi32> -> vector<512x128xf32>
    %convert_element_type3A_389 = arith.truncf %bitcast_convert_type3A_388 : vector<512x128xf32> to vector<512x128xbf16>
    %slice3A_390 = vector.extract_strided_slice %get3A_374 {offsets = [0, 0], sizes = [128, 128], strides = [1, 1]} : vector<256x128xbf16> to vector<128x128xbf16>
    %dot_general3A_391 = arith.constant dense<0.000000e+00> : vector<512x128xf32>
    %dot_general3A_392 = tpu.matmul %convert_element_type3A_389, %slice3A_390, %dot_general3A_391 {dimension_numbers = #tpu.dot_dimension_numbers<[1], [0], [0], [1], [0, 0, 1, 1], [], []>, transpose_lhs_hint = false} : vector<512x128xbf16>, vector<128x128xbf16>, vector<512x128xf32> -> vector<512x128xf32>
    %add3A_393 = arith.addf %add3A_369, %dot_general3A_392 : vector<512x128xf32>
    %convert_element_type3A_394 = arith.truncf %bitcast_convert_type3A_384 : vector<512x128xf32> to vector<512x128xbf16>
    %slice3A_395 = vector.extract_strided_slice %get3A_374 {offsets = [128, 0], sizes = [128, 128], strides = [1, 1]} : vector<256x128xbf16> to vector<128x128xbf16>
    %dot_general3A_396 = arith.constant dense<0.000000e+00> : vector<512x128xf32>
    %dot_general3A_397 = tpu.matmul %convert_element_type3A_394, %slice3A_395, %dot_general3A_396 {dimension_numbers = #tpu.dot_dimension_numbers<[1], [0], [0], [1], [0, 0, 1, 1], [], []>, transpose_lhs_hint = false} : vector<512x128xbf16>, vector<128x128xbf16>, vector<512x128xf32> -> vector<512x128xf32>
    %add3A_398 = arith.addf %add3A_393, %dot_general3A_397 : vector<512x128xf32>
    %get3A_399 = arith.constant 14 : index
    %get3A_400 = arith.constant 0 : index
    %get3A_401 = arith.constant 0 : index
    %get3A_402 = vector.load %arg2[%get3A_399, %get3A_400, %get3A_401] : memref<27x256x128xbf16, #tpu.memory_space<vmem>>, vector<1x256x128xbf16>
    %get3A_403 = vector.shape_cast %get3A_402 : vector<1x256x128xbf16> to vector<256x128xbf16>
    %get3A_404 = arith.constant 14 : index
    %get3A_405 = arith.constant 0 : index
    %get3A_406 = arith.constant 0 : index
    %get3A_407 = vector.load %arg1[%get3A_404, %get3A_405, %get3A_406] : memref<27x512x128xf32, #tpu.memory_space<vmem>>, vector<1x512x128xf32>
    %get3A_408 = vector.shape_cast %get3A_407 : vector<1x512x128xf32> to vector<512x128xf32>
    %bitcast_convert_type3A_409 = tpu.bitcast %get3A_408 : vector<512x128xf32> -> vector<512x128xi32>
    %and3A_410 = arith.constant -65536 : i32
    %and3A_411 = vector.broadcast %and3A_410 : i32 to vector<512x128xi32>
    %and3A_412 = arith.andi %bitcast_convert_type3A_409, %and3A_411 : vector<512x128xi32>
    %bitcast_convert_type3A_413 = tpu.bitcast %and3A_412 : vector<512x128xi32> -> vector<512x128xf32>
    %shift_left3A_414 = arith.constant 16 : i32
    %shift_left3A_415 = vector.broadcast %shift_left3A_414 : i32 to vector<512x128xi32>
    %shift_left3A_416 = arith.shli %bitcast_convert_type3A_409, %shift_left3A_415 : vector<512x128xi32>
    %bitcast_convert_type3A_417 = tpu.bitcast %shift_left3A_416 : vector<512x128xi32> -> vector<512x128xf32>
    %convert_element_type3A_418 = arith.truncf %bitcast_convert_type3A_417 : vector<512x128xf32> to vector<512x128xbf16>
    %slice3A_419 = vector.extract_strided_slice %get3A_403 {offsets = [0, 0], sizes = [128, 128], strides = [1, 1]} : vector<256x128xbf16> to vector<128x128xbf16>
    %dot_general3A_420 = arith.constant dense<0.000000e+00> : vector<512x128xf32>
    %dot_general3A_421 = tpu.matmul %convert_element_type3A_418, %slice3A_419, %dot_general3A_420 {dimension_numbers = #tpu.dot_dimension_numbers<[1], [0], [0], [1], [0, 0, 1, 1], [], []>, transpose_lhs_hint = false} : vector<512x128xbf16>, vector<128x128xbf16>, vector<512x128xf32> -> vector<512x128xf32>
    %add3A_422 = arith.addf %add3A_398, %dot_general3A_421 : vector<512x128xf32>
    %convert_element_type3A_423 = arith.truncf %bitcast_convert_type3A_413 : vector<512x128xf32> to vector<512x128xbf16>
    %slice3A_424 = vector.extract_strided_slice %get3A_403 {offsets = [128, 0], sizes = [128, 128], strides = [1, 1]} : vector<256x128xbf16> to vector<128x128xbf16>
    %dot_general3A_425 = arith.constant dense<0.000000e+00> : vector<512x128xf32>
    %dot_general3A_426 = tpu.matmul %convert_element_type3A_423, %slice3A_424, %dot_general3A_425 {dimension_numbers = #tpu.dot_dimension_numbers<[1], [0], [0], [1], [0, 0, 1, 1], [], []>, transpose_lhs_hint = false} : vector<512x128xbf16>, vector<128x128xbf16>, vector<512x128xf32> -> vector<512x128xf32>
    %add3A_427 = arith.addf %add3A_422, %dot_general3A_426 : vector<512x128xf32>
    %get3A_428 = arith.constant 15 : index
    %get3A_429 = arith.constant 0 : index
    %get3A_430 = arith.constant 0 : index
    %get3A_431 = vector.load %arg2[%get3A_428, %get3A_429, %get3A_430] : memref<27x256x128xbf16, #tpu.memory_space<vmem>>, vector<1x256x128xbf16>
    %get3A_432 = vector.shape_cast %get3A_431 : vector<1x256x128xbf16> to vector<256x128xbf16>
    %get3A_433 = arith.constant 15 : index
    %get3A_434 = arith.constant 0 : index
    %get3A_435 = arith.constant 0 : index
    %get3A_436 = vector.load %arg1[%get3A_433, %get3A_434, %get3A_435] : memref<27x512x128xf32, #tpu.memory_space<vmem>>, vector<1x512x128xf32>
    %get3A_437 = vector.shape_cast %get3A_436 : vector<1x512x128xf32> to vector<512x128xf32>
    %bitcast_convert_type3A_438 = tpu.bitcast %get3A_437 : vector<512x128xf32> -> vector<512x128xi32>
    %and3A_439 = arith.constant -65536 : i32
    %and3A_440 = vector.broadcast %and3A_439 : i32 to vector<512x128xi32>
    %and3A_441 = arith.andi %bitcast_convert_type3A_438, %and3A_440 : vector<512x128xi32>
    %bitcast_convert_type3A_442 = tpu.bitcast %and3A_441 : vector<512x128xi32> -> vector<512x128xf32>
    %shift_left3A_443 = arith.constant 16 : i32
    %shift_left3A_444 = vector.broadcast %shift_left3A_443 : i32 to vector<512x128xi32>
    %shift_left3A_445 = arith.shli %bitcast_convert_type3A_438, %shift_left3A_444 : vector<512x128xi32>
    %bitcast_convert_type3A_446 = tpu.bitcast %shift_left3A_445 : vector<512x128xi32> -> vector<512x128xf32>
    %convert_element_type3A_447 = arith.truncf %bitcast_convert_type3A_446 : vector<512x128xf32> to vector<512x128xbf16>
    %slice3A_448 = vector.extract_strided_slice %get3A_432 {offsets = [0, 0], sizes = [128, 128], strides = [1, 1]} : vector<256x128xbf16> to vector<128x128xbf16>
    %dot_general3A_449 = arith.constant dense<0.000000e+00> : vector<512x128xf32>
    %dot_general3A_450 = tpu.matmul %convert_element_type3A_447, %slice3A_448, %dot_general3A_449 {dimension_numbers = #tpu.dot_dimension_numbers<[1], [0], [0], [1], [0, 0, 1, 1], [], []>, transpose_lhs_hint = false} : vector<512x128xbf16>, vector<128x128xbf16>, vector<512x128xf32> -> vector<512x128xf32>
    %add3A_451 = arith.addf %add3A_427, %dot_general3A_450 : vector<512x128xf32>
    %convert_element_type3A_452 = arith.truncf %bitcast_convert_type3A_442 : vector<512x128xf32> to vector<512x128xbf16>
    %slice3A_453 = vector.extract_strided_slice %get3A_432 {offsets = [128, 0], sizes = [128, 128], strides = [1, 1]} : vector<256x128xbf16> to vector<128x128xbf16>
    %dot_general3A_454 = arith.constant dense<0.000000e+00> : vector<512x128xf32>
    %dot_general3A_455 = tpu.matmul %convert_element_type3A_452, %slice3A_453, %dot_general3A_454 {dimension_numbers = #tpu.dot_dimension_numbers<[1], [0], [0], [1], [0, 0, 1, 1], [], []>, transpose_lhs_hint = false} : vector<512x128xbf16>, vector<128x128xbf16>, vector<512x128xf32> -> vector<512x128xf32>
    %add3A_456 = arith.addf %add3A_451, %dot_general3A_455 : vector<512x128xf32>
    %get3A_457 = arith.constant 16 : index
    %get3A_458 = arith.constant 0 : index
    %get3A_459 = arith.constant 0 : index
    %get3A_460 = vector.load %arg2[%get3A_457, %get3A_458, %get3A_459] : memref<27x256x128xbf16, #tpu.memory_space<vmem>>, vector<1x256x128xbf16>
    %get3A_461 = vector.shape_cast %get3A_460 : vector<1x256x128xbf16> to vector<256x128xbf16>
    %get3A_462 = arith.constant 16 : index
    %get3A_463 = arith.constant 0 : index
    %get3A_464 = arith.constant 0 : index
    %get3A_465 = vector.load %arg1[%get3A_462, %get3A_463, %get3A_464] : memref<27x512x128xf32, #tpu.memory_space<vmem>>, vector<1x512x128xf32>
    %get3A_466 = vector.shape_cast %get3A_465 : vector<1x512x128xf32> to vector<512x128xf32>
    %bitcast_convert_type3A_467 = tpu.bitcast %get3A_466 : vector<512x128xf32> -> vector<512x128xi32>
    %and3A_468 = arith.constant -65536 : i32
    %and3A_469 = vector.broadcast %and3A_468 : i32 to vector<512x128xi32>
    %and3A_470 = arith.andi %bitcast_convert_type3A_467, %and3A_469 : vector<512x128xi32>
    %bitcast_convert_type3A_471 = tpu.bitcast %and3A_470 : vector<512x128xi32> -> vector<512x128xf32>
    %shift_left3A_472 = arith.constant 16 : i32
    %shift_left3A_473 = vector.broadcast %shift_left3A_472 : i32 to vector<512x128xi32>
    %shift_left3A_474 = arith.shli %bitcast_convert_type3A_467, %shift_left3A_473 : vector<512x128xi32>
    %bitcast_convert_type3A_475 = tpu.bitcast %shift_left3A_474 : vector<512x128xi32> -> vector<512x128xf32>
    %convert_element_type3A_476 = arith.truncf %bitcast_convert_type3A_475 : vector<512x128xf32> to vector<512x128xbf16>
    %slice3A_477 = vector.extract_strided_slice %get3A_461 {offsets = [0, 0], sizes = [128, 128], strides = [1, 1]} : vector<256x128xbf16> to vector<128x128xbf16>
    %dot_general3A_478 = arith.constant dense<0.000000e+00> : vector<512x128xf32>
    %dot_general3A_479 = tpu.matmul %convert_element_type3A_476, %slice3A_477, %dot_general3A_478 {dimension_numbers = #tpu.dot_dimension_numbers<[1], [0], [0], [1], [0, 0, 1, 1], [], []>, transpose_lhs_hint = false} : vector<512x128xbf16>, vector<128x128xbf16>, vector<512x128xf32> -> vector<512x128xf32>
    %add3A_480 = arith.addf %add3A_456, %dot_general3A_479 : vector<512x128xf32>
    %convert_element_type3A_481 = arith.truncf %bitcast_convert_type3A_471 : vector<512x128xf32> to vector<512x128xbf16>
    %slice3A_482 = vector.extract_strided_slice %get3A_461 {offsets = [128, 0], sizes = [128, 128], strides = [1, 1]} : vector<256x128xbf16> to vector<128x128xbf16>
    %dot_general3A_483 = arith.constant dense<0.000000e+00> : vector<512x128xf32>
    %dot_general3A_484 = tpu.matmul %convert_element_type3A_481, %slice3A_482, %dot_general3A_483 {dimension_numbers = #tpu.dot_dimension_numbers<[1], [0], [0], [1], [0, 0, 1, 1], [], []>, transpose_lhs_hint = false} : vector<512x128xbf16>, vector<128x128xbf16>, vector<512x128xf32> -> vector<512x128xf32>
    %add3A_485 = arith.addf %add3A_480, %dot_general3A_484 : vector<512x128xf32>
    %get3A_486 = arith.constant 17 : index
    %get3A_487 = arith.constant 0 : index
    %get3A_488 = arith.constant 0 : index
    %get3A_489 = vector.load %arg2[%get3A_486, %get3A_487, %get3A_488] : memref<27x256x128xbf16, #tpu.memory_space<vmem>>, vector<1x256x128xbf16>
    %get3A_490 = vector.shape_cast %get3A_489 : vector<1x256x128xbf16> to vector<256x128xbf16>
    %get3A_491 = arith.constant 17 : index
    %get3A_492 = arith.constant 0 : index
    %get3A_493 = arith.constant 0 : index
    %get3A_494 = vector.load %arg1[%get3A_491, %get3A_492, %get3A_493] : memref<27x512x128xf32, #tpu.memory_space<vmem>>, vector<1x512x128xf32>
    %get3A_495 = vector.shape_cast %get3A_494 : vector<1x512x128xf32> to vector<512x128xf32>
    %bitcast_convert_type3A_496 = tpu.bitcast %get3A_495 : vector<512x128xf32> -> vector<512x128xi32>
    %and3A_497 = arith.constant -65536 : i32
    %and3A_498 = vector.broadcast %and3A_497 : i32 to vector<512x128xi32>
    %and3A_499 = arith.andi %bitcast_convert_type3A_496, %and3A_498 : vector<512x128xi32>
    %bitcast_convert_type3A_500 = tpu.bitcast %and3A_499 : vector<512x128xi32> -> vector<512x128xf32>
    %shift_left3A_501 = arith.constant 16 : i32
    %shift_left3A_502 = vector.broadcast %shift_left3A_501 : i32 to vector<512x128xi32>
    %shift_left3A_503 = arith.shli %bitcast_convert_type3A_496, %shift_left3A_502 : vector<512x128xi32>
    %bitcast_convert_type3A_504 = tpu.bitcast %shift_left3A_503 : vector<512x128xi32> -> vector<512x128xf32>
    %convert_element_type3A_505 = arith.truncf %bitcast_convert_type3A_504 : vector<512x128xf32> to vector<512x128xbf16>
    %slice3A_506 = vector.extract_strided_slice %get3A_490 {offsets = [0, 0], sizes = [128, 128], strides = [1, 1]} : vector<256x128xbf16> to vector<128x128xbf16>
    %dot_general3A_507 = arith.constant dense<0.000000e+00> : vector<512x128xf32>
    %dot_general3A_508 = tpu.matmul %convert_element_type3A_505, %slice3A_506, %dot_general3A_507 {dimension_numbers = #tpu.dot_dimension_numbers<[1], [0], [0], [1], [0, 0, 1, 1], [], []>, transpose_lhs_hint = false} : vector<512x128xbf16>, vector<128x128xbf16>, vector<512x128xf32> -> vector<512x128xf32>
    %add3A_509 = arith.addf %add3A_485, %dot_general3A_508 : vector<512x128xf32>
    %convert_element_type3A_510 = arith.truncf %bitcast_convert_type3A_500 : vector<512x128xf32> to vector<512x128xbf16>
    %slice3A_511 = vector.extract_strided_slice %get3A_490 {offsets = [128, 0], sizes = [128, 128], strides = [1, 1]} : vector<256x128xbf16> to vector<128x128xbf16>
    %dot_general3A_512 = arith.constant dense<0.000000e+00> : vector<512x128xf32>
    %dot_general3A_513 = tpu.matmul %convert_element_type3A_510, %slice3A_511, %dot_general3A_512 {dimension_numbers = #tpu.dot_dimension_numbers<[1], [0], [0], [1], [0, 0, 1, 1], [], []>, transpose_lhs_hint = false} : vector<512x128xbf16>, vector<128x128xbf16>, vector<512x128xf32> -> vector<512x128xf32>
    %add3A_514 = arith.addf %add3A_509, %dot_general3A_513 : vector<512x128xf32>
    %get3A_515 = arith.constant 18 : index
    %get3A_516 = arith.constant 0 : index
    %get3A_517 = arith.constant 0 : index
    %get3A_518 = vector.load %arg2[%get3A_515, %get3A_516, %get3A_517] : memref<27x256x128xbf16, #tpu.memory_space<vmem>>, vector<1x256x128xbf16>
    %get3A_519 = vector.shape_cast %get3A_518 : vector<1x256x128xbf16> to vector<256x128xbf16>
    %get3A_520 = arith.constant 18 : index
    %get3A_521 = arith.constant 0 : index
    %get3A_522 = arith.constant 0 : index
    %get3A_523 = vector.load %arg1[%get3A_520, %get3A_521, %get3A_522] : memref<27x512x128xf32, #tpu.memory_space<vmem>>, vector<1x512x128xf32>
    %get3A_524 = vector.shape_cast %get3A_523 : vector<1x512x128xf32> to vector<512x128xf32>
    %bitcast_convert_type3A_525 = tpu.bitcast %get3A_524 : vector<512x128xf32> -> vector<512x128xi32>
    %and3A_526 = arith.constant -65536 : i32
    %and3A_527 = vector.broadcast %and3A_526 : i32 to vector<512x128xi32>
    %and3A_528 = arith.andi %bitcast_convert_type3A_525, %and3A_527 : vector<512x128xi32>
    %bitcast_convert_type3A_529 = tpu.bitcast %and3A_528 : vector<512x128xi32> -> vector<512x128xf32>
    %shift_left3A_530 = arith.constant 16 : i32
    %shift_left3A_531 = vector.broadcast %shift_left3A_530 : i32 to vector<512x128xi32>
    %shift_left3A_532 = arith.shli %bitcast_convert_type3A_525, %shift_left3A_531 : vector<512x128xi32>
    %bitcast_convert_type3A_533 = tpu.bitcast %shift_left3A_532 : vector<512x128xi32> -> vector<512x128xf32>
    %convert_element_type3A_534 = arith.truncf %bitcast_convert_type3A_533 : vector<512x128xf32> to vector<512x128xbf16>
    %slice3A_535 = vector.extract_strided_slice %get3A_519 {offsets = [0, 0], sizes = [128, 128], strides = [1, 1]} : vector<256x128xbf16> to vector<128x128xbf16>
    %dot_general3A_536 = arith.constant dense<0.000000e+00> : vector<512x128xf32>
    %dot_general3A_537 = tpu.matmul %convert_element_type3A_534, %slice3A_535, %dot_general3A_536 {dimension_numbers = #tpu.dot_dimension_numbers<[1], [0], [0], [1], [0, 0, 1, 1], [], []>, transpose_lhs_hint = false} : vector<512x128xbf16>, vector<128x128xbf16>, vector<512x128xf32> -> vector<512x128xf32>
    %add3A_538 = arith.addf %add3A_514, %dot_general3A_537 : vector<512x128xf32>
    %convert_element_type3A_539 = arith.truncf %bitcast_convert_type3A_529 : vector<512x128xf32> to vector<512x128xbf16>
    %slice3A_540 = vector.extract_strided_slice %get3A_519 {offsets = [128, 0], sizes = [128, 128], strides = [1, 1]} : vector<256x128xbf16> to vector<128x128xbf16>
    %dot_general3A_541 = arith.constant dense<0.000000e+00> : vector<512x128xf32>
    %dot_general3A_542 = tpu.matmul %convert_element_type3A_539, %slice3A_540, %dot_general3A_541 {dimension_numbers = #tpu.dot_dimension_numbers<[1], [0], [0], [1], [0, 0, 1, 1], [], []>, transpose_lhs_hint = false} : vector<512x128xbf16>, vector<128x128xbf16>, vector<512x128xf32> -> vector<512x128xf32>
    %add3A_543 = arith.addf %add3A_538, %dot_general3A_542 : vector<512x128xf32>
    %get3A_544 = arith.constant 19 : index
    %get3A_545 = arith.constant 0 : index
    %get3A_546 = arith.constant 0 : index
    %get3A_547 = vector.load %arg2[%get3A_544, %get3A_545, %get3A_546] : memref<27x256x128xbf16, #tpu.memory_space<vmem>>, vector<1x256x128xbf16>
    %get3A_548 = vector.shape_cast %get3A_547 : vector<1x256x128xbf16> to vector<256x128xbf16>
    %get3A_549 = arith.constant 19 : index
    %get3A_550 = arith.constant 0 : index
    %get3A_551 = arith.constant 0 : index
    %get3A_552 = vector.load %arg1[%get3A_549, %get3A_550, %get3A_551] : memref<27x512x128xf32, #tpu.memory_space<vmem>>, vector<1x512x128xf32>
    %get3A_553 = vector.shape_cast %get3A_552 : vector<1x512x128xf32> to vector<512x128xf32>
    %bitcast_convert_type3A_554 = tpu.bitcast %get3A_553 : vector<512x128xf32> -> vector<512x128xi32>
    %and3A_555 = arith.constant -65536 : i32
    %and3A_556 = vector.broadcast %and3A_555 : i32 to vector<512x128xi32>
    %and3A_557 = arith.andi %bitcast_convert_type3A_554, %and3A_556 : vector<512x128xi32>
    %bitcast_convert_type3A_558 = tpu.bitcast %and3A_557 : vector<512x128xi32> -> vector<512x128xf32>
    %shift_left3A_559 = arith.constant 16 : i32
    %shift_left3A_560 = vector.broadcast %shift_left3A_559 : i32 to vector<512x128xi32>
    %shift_left3A_561 = arith.shli %bitcast_convert_type3A_554, %shift_left3A_560 : vector<512x128xi32>
    %bitcast_convert_type3A_562 = tpu.bitcast %shift_left3A_561 : vector<512x128xi32> -> vector<512x128xf32>
    %convert_element_type3A_563 = arith.truncf %bitcast_convert_type3A_562 : vector<512x128xf32> to vector<512x128xbf16>
    %slice3A_564 = vector.extract_strided_slice %get3A_548 {offsets = [0, 0], sizes = [128, 128], strides = [1, 1]} : vector<256x128xbf16> to vector<128x128xbf16>
    %dot_general3A_565 = arith.constant dense<0.000000e+00> : vector<512x128xf32>
    %dot_general3A_566 = tpu.matmul %convert_element_type3A_563, %slice3A_564, %dot_general3A_565 {dimension_numbers = #tpu.dot_dimension_numbers<[1], [0], [0], [1], [0, 0, 1, 1], [], []>, transpose_lhs_hint = false} : vector<512x128xbf16>, vector<128x128xbf16>, vector<512x128xf32> -> vector<512x128xf32>
    %add3A_567 = arith.addf %add3A_543, %dot_general3A_566 : vector<512x128xf32>
    %convert_element_type3A_568 = arith.truncf %bitcast_convert_type3A_558 : vector<512x128xf32> to vector<512x128xbf16>
    %slice3A_569 = vector.extract_strided_slice %get3A_548 {offsets = [128, 0], sizes = [128, 128], strides = [1, 1]} : vector<256x128xbf16> to vector<128x128xbf16>
    %dot_general3A_570 = arith.constant dense<0.000000e+00> : vector<512x128xf32>
    %dot_general3A_571 = tpu.matmul %convert_element_type3A_568, %slice3A_569, %dot_general3A_570 {dimension_numbers = #tpu.dot_dimension_numbers<[1], [0], [0], [1], [0, 0, 1, 1], [], []>, transpose_lhs_hint = false} : vector<512x128xbf16>, vector<128x128xbf16>, vector<512x128xf32> -> vector<512x128xf32>
    %add3A_572 = arith.addf %add3A_567, %dot_general3A_571 : vector<512x128xf32>
    %get3A_573 = arith.constant 20 : index
    %get3A_574 = arith.constant 0 : index
    %get3A_575 = arith.constant 0 : index
    %get3A_576 = vector.load %arg2[%get3A_573, %get3A_574, %get3A_575] : memref<27x256x128xbf16, #tpu.memory_space<vmem>>, vector<1x256x128xbf16>
    %get3A_577 = vector.shape_cast %get3A_576 : vector<1x256x128xbf16> to vector<256x128xbf16>
    %get3A_578 = arith.constant 20 : index
    %get3A_579 = arith.constant 0 : index
    %get3A_580 = arith.constant 0 : index
    %get3A_581 = vector.load %arg1[%get3A_578, %get3A_579, %get3A_580] : memref<27x512x128xf32, #tpu.memory_space<vmem>>, vector<1x512x128xf32>
    %get3A_582 = vector.shape_cast %get3A_581 : vector<1x512x128xf32> to vector<512x128xf32>
    %bitcast_convert_type3A_583 = tpu.bitcast %get3A_582 : vector<512x128xf32> -> vector<512x128xi32>
    %and3A_584 = arith.constant -65536 : i32
    %and3A_585 = vector.broadcast %and3A_584 : i32 to vector<512x128xi32>
    %and3A_586 = arith.andi %bitcast_convert_type3A_583, %and3A_585 : vector<512x128xi32>
    %bitcast_convert_type3A_587 = tpu.bitcast %and3A_586 : vector<512x128xi32> -> vector<512x128xf32>
    %shift_left3A_588 = arith.constant 16 : i32
    %shift_left3A_589 = vector.broadcast %shift_left3A_588 : i32 to vector<512x128xi32>
    %shift_left3A_590 = arith.shli %bitcast_convert_type3A_583, %shift_left3A_589 : vector<512x128xi32>
    %bitcast_convert_type3A_591 = tpu.bitcast %shift_left3A_590 : vector<512x128xi32> -> vector<512x128xf32>
    %convert_element_type3A_592 = arith.truncf %bitcast_convert_type3A_591 : vector<512x128xf32> to vector<512x128xbf16>
    %slice3A_593 = vector.extract_strided_slice %get3A_577 {offsets = [0, 0], sizes = [128, 128], strides = [1, 1]} : vector<256x128xbf16> to vector<128x128xbf16>
    %dot_general3A_594 = arith.constant dense<0.000000e+00> : vector<512x128xf32>
    %dot_general3A_595 = tpu.matmul %convert_element_type3A_592, %slice3A_593, %dot_general3A_594 {dimension_numbers = #tpu.dot_dimension_numbers<[1], [0], [0], [1], [0, 0, 1, 1], [], []>, transpose_lhs_hint = false} : vector<512x128xbf16>, vector<128x128xbf16>, vector<512x128xf32> -> vector<512x128xf32>
    %add3A_596 = arith.addf %add3A_572, %dot_general3A_595 : vector<512x128xf32>
    %convert_element_type3A_597 = arith.truncf %bitcast_convert_type3A_587 : vector<512x128xf32> to vector<512x128xbf16>
    %slice3A_598 = vector.extract_strided_slice %get3A_577 {offsets = [128, 0], sizes = [128, 128], strides = [1, 1]} : vector<256x128xbf16> to vector<128x128xbf16>
    %dot_general3A_599 = arith.constant dense<0.000000e+00> : vector<512x128xf32>
    %dot_general3A_600 = tpu.matmul %convert_element_type3A_597, %slice3A_598, %dot_general3A_599 {dimension_numbers = #tpu.dot_dimension_numbers<[1], [0], [0], [1], [0, 0, 1, 1], [], []>, transpose_lhs_hint = false} : vector<512x128xbf16>, vector<128x128xbf16>, vector<512x128xf32> -> vector<512x128xf32>
    %add3A_601 = arith.addf %add3A_596, %dot_general3A_600 : vector<512x128xf32>
    %get3A_602 = arith.constant 21 : index
    %get3A_603 = arith.constant 0 : index
    %get3A_604 = arith.constant 0 : index
    %get3A_605 = vector.load %arg2[%get3A_602, %get3A_603, %get3A_604] : memref<27x256x128xbf16, #tpu.memory_space<vmem>>, vector<1x256x128xbf16>
    %get3A_606 = vector.shape_cast %get3A_605 : vector<1x256x128xbf16> to vector<256x128xbf16>
    %get3A_607 = arith.constant 21 : index
    %get3A_608 = arith.constant 0 : index
    %get3A_609 = arith.constant 0 : index
    %get3A_610 = vector.load %arg1[%get3A_607, %get3A_608, %get3A_609] : memref<27x512x128xf32, #tpu.memory_space<vmem>>, vector<1x512x128xf32>
    %get3A_611 = vector.shape_cast %get3A_610 : vector<1x512x128xf32> to vector<512x128xf32>
    %bitcast_convert_type3A_612 = tpu.bitcast %get3A_611 : vector<512x128xf32> -> vector<512x128xi32>
    %and3A_613 = arith.constant -65536 : i32
    %and3A_614 = vector.broadcast %and3A_613 : i32 to vector<512x128xi32>
    %and3A_615 = arith.andi %bitcast_convert_type3A_612, %and3A_614 : vector<512x128xi32>
    %bitcast_convert_type3A_616 = tpu.bitcast %and3A_615 : vector<512x128xi32> -> vector<512x128xf32>
    %shift_left3A_617 = arith.constant 16 : i32
    %shift_left3A_618 = vector.broadcast %shift_left3A_617 : i32 to vector<512x128xi32>
    %shift_left3A_619 = arith.shli %bitcast_convert_type3A_612, %shift_left3A_618 : vector<512x128xi32>
    %bitcast_convert_type3A_620 = tpu.bitcast %shift_left3A_619 : vector<512x128xi32> -> vector<512x128xf32>
    %convert_element_type3A_621 = arith.truncf %bitcast_convert_type3A_620 : vector<512x128xf32> to vector<512x128xbf16>
    %slice3A_622 = vector.extract_strided_slice %get3A_606 {offsets = [0, 0], sizes = [128, 128], strides = [1, 1]} : vector<256x128xbf16> to vector<128x128xbf16>
    %dot_general3A_623 = arith.constant dense<0.000000e+00> : vector<512x128xf32>
    %dot_general3A_624 = tpu.matmul %convert_element_type3A_621, %slice3A_622, %dot_general3A_623 {dimension_numbers = #tpu.dot_dimension_numbers<[1], [0], [0], [1], [0, 0, 1, 1], [], []>, transpose_lhs_hint = false} : vector<512x128xbf16>, vector<128x128xbf16>, vector<512x128xf32> -> vector<512x128xf32>
    %add3A_625 = arith.addf %add3A_601, %dot_general3A_624 : vector<512x128xf32>
    %convert_element_type3A_626 = arith.truncf %bitcast_convert_type3A_616 : vector<512x128xf32> to vector<512x128xbf16>
    %slice3A_627 = vector.extract_strided_slice %get3A_606 {offsets = [128, 0], sizes = [128, 128], strides = [1, 1]} : vector<256x128xbf16> to vector<128x128xbf16>
    %dot_general3A_628 = arith.constant dense<0.000000e+00> : vector<512x128xf32>
    %dot_general3A_629 = tpu.matmul %convert_element_type3A_626, %slice3A_627, %dot_general3A_628 {dimension_numbers = #tpu.dot_dimension_numbers<[1], [0], [0], [1], [0, 0, 1, 1], [], []>, transpose_lhs_hint = false} : vector<512x128xbf16>, vector<128x128xbf16>, vector<512x128xf32> -> vector<512x128xf32>
    %add3A_630 = arith.addf %add3A_625, %dot_general3A_629 : vector<512x128xf32>
    %get3A_631 = arith.constant 22 : index
    %get3A_632 = arith.constant 0 : index
    %get3A_633 = arith.constant 0 : index
    %get3A_634 = vector.load %arg2[%get3A_631, %get3A_632, %get3A_633] : memref<27x256x128xbf16, #tpu.memory_space<vmem>>, vector<1x256x128xbf16>
    %get3A_635 = vector.shape_cast %get3A_634 : vector<1x256x128xbf16> to vector<256x128xbf16>
    %get3A_636 = arith.constant 22 : index
    %get3A_637 = arith.constant 0 : index
    %get3A_638 = arith.constant 0 : index
    %get3A_639 = vector.load %arg1[%get3A_636, %get3A_637, %get3A_638] : memref<27x512x128xf32, #tpu.memory_space<vmem>>, vector<1x512x128xf32>
    %get3A_640 = vector.shape_cast %get3A_639 : vector<1x512x128xf32> to vector<512x128xf32>
    %bitcast_convert_type3A_641 = tpu.bitcast %get3A_640 : vector<512x128xf32> -> vector<512x128xi32>
    %and3A_642 = arith.constant -65536 : i32
    %and3A_643 = vector.broadcast %and3A_642 : i32 to vector<512x128xi32>
    %and3A_644 = arith.andi %bitcast_convert_type3A_641, %and3A_643 : vector<512x128xi32>
    %bitcast_convert_type3A_645 = tpu.bitcast %and3A_644 : vector<512x128xi32> -> vector<512x128xf32>
    %shift_left3A_646 = arith.constant 16 : i32
    %shift_left3A_647 = vector.broadcast %shift_left3A_646 : i32 to vector<512x128xi32>
    %shift_left3A_648 = arith.shli %bitcast_convert_type3A_641, %shift_left3A_647 : vector<512x128xi32>
    %bitcast_convert_type3A_649 = tpu.bitcast %shift_left3A_648 : vector<512x128xi32> -> vector<512x128xf32>
    %convert_element_type3A_650 = arith.truncf %bitcast_convert_type3A_649 : vector<512x128xf32> to vector<512x128xbf16>
    %slice3A_651 = vector.extract_strided_slice %get3A_635 {offsets = [0, 0], sizes = [128, 128], strides = [1, 1]} : vector<256x128xbf16> to vector<128x128xbf16>
    %dot_general3A_652 = arith.constant dense<0.000000e+00> : vector<512x128xf32>
    %dot_general3A_653 = tpu.matmul %convert_element_type3A_650, %slice3A_651, %dot_general3A_652 {dimension_numbers = #tpu.dot_dimension_numbers<[1], [0], [0], [1], [0, 0, 1, 1], [], []>, transpose_lhs_hint = false} : vector<512x128xbf16>, vector<128x128xbf16>, vector<512x128xf32> -> vector<512x128xf32>
    %add3A_654 = arith.addf %add3A_630, %dot_general3A_653 : vector<512x128xf32>
    %convert_element_type3A_655 = arith.truncf %bitcast_convert_type3A_645 : vector<512x128xf32> to vector<512x128xbf16>
    %slice3A_656 = vector.extract_strided_slice %get3A_635 {offsets = [128, 0], sizes = [128, 128], strides = [1, 1]} : vector<256x128xbf16> to vector<128x128xbf16>
    %dot_general3A_657 = arith.constant dense<0.000000e+00> : vector<512x128xf32>
    %dot_general3A_658 = tpu.matmul %convert_element_type3A_655, %slice3A_656, %dot_general3A_657 {dimension_numbers = #tpu.dot_dimension_numbers<[1], [0], [0], [1], [0, 0, 1, 1], [], []>, transpose_lhs_hint = false} : vector<512x128xbf16>, vector<128x128xbf16>, vector<512x128xf32> -> vector<512x128xf32>
    %add3A_659 = arith.addf %add3A_654, %dot_general3A_658 : vector<512x128xf32>
    %get3A_660 = arith.constant 23 : index
    %get3A_661 = arith.constant 0 : index
    %get3A_662 = arith.constant 0 : index
    %get3A_663 = vector.load %arg2[%get3A_660, %get3A_661, %get3A_662] : memref<27x256x128xbf16, #tpu.memory_space<vmem>>, vector<1x256x128xbf16>
    %get3A_664 = vector.shape_cast %get3A_663 : vector<1x256x128xbf16> to vector<256x128xbf16>
    %get3A_665 = arith.constant 23 : index
    %get3A_666 = arith.constant 0 : index
    %get3A_667 = arith.constant 0 : index
    %get3A_668 = vector.load %arg1[%get3A_665, %get3A_666, %get3A_667] : memref<27x512x128xf32, #tpu.memory_space<vmem>>, vector<1x512x128xf32>
    %get3A_669 = vector.shape_cast %get3A_668 : vector<1x512x128xf32> to vector<512x128xf32>
    %bitcast_convert_type3A_670 = tpu.bitcast %get3A_669 : vector<512x128xf32> -> vector<512x128xi32>
    %and3A_671 = arith.constant -65536 : i32
    %and3A_672 = vector.broadcast %and3A_671 : i32 to vector<512x128xi32>
    %and3A_673 = arith.andi %bitcast_convert_type3A_670, %and3A_672 : vector<512x128xi32>
    %bitcast_convert_type3A_674 = tpu.bitcast %and3A_673 : vector<512x128xi32> -> vector<512x128xf32>
    %shift_left3A_675 = arith.constant 16 : i32
    %shift_left3A_676 = vector.broadcast %shift_left3A_675 : i32 to vector<512x128xi32>
    %shift_left3A_677 = arith.shli %bitcast_convert_type3A_670, %shift_left3A_676 : vector<512x128xi32>
    %bitcast_convert_type3A_678 = tpu.bitcast %shift_left3A_677 : vector<512x128xi32> -> vector<512x128xf32>
    %convert_element_type3A_679 = arith.truncf %bitcast_convert_type3A_678 : vector<512x128xf32> to vector<512x128xbf16>
    %slice3A_680 = vector.extract_strided_slice %get3A_664 {offsets = [0, 0], sizes = [128, 128], strides = [1, 1]} : vector<256x128xbf16> to vector<128x128xbf16>
    %dot_general3A_681 = arith.constant dense<0.000000e+00> : vector<512x128xf32>
    %dot_general3A_682 = tpu.matmul %convert_element_type3A_679, %slice3A_680, %dot_general3A_681 {dimension_numbers = #tpu.dot_dimension_numbers<[1], [0], [0], [1], [0, 0, 1, 1], [], []>, transpose_lhs_hint = false} : vector<512x128xbf16>, vector<128x128xbf16>, vector<512x128xf32> -> vector<512x128xf32>
    %add3A_683 = arith.addf %add3A_659, %dot_general3A_682 : vector<512x128xf32>
    %convert_element_type3A_684 = arith.truncf %bitcast_convert_type3A_674 : vector<512x128xf32> to vector<512x128xbf16>
    %slice3A_685 = vector.extract_strided_slice %get3A_664 {offsets = [128, 0], sizes = [128, 128], strides = [1, 1]} : vector<256x128xbf16> to vector<128x128xbf16>
    %dot_general3A_686 = arith.constant dense<0.000000e+00> : vector<512x128xf32>
    %dot_general3A_687 = tpu.matmul %convert_element_type3A_684, %slice3A_685, %dot_general3A_686 {dimension_numbers = #tpu.dot_dimension_numbers<[1], [0], [0], [1], [0, 0, 1, 1], [], []>, transpose_lhs_hint = false} : vector<512x128xbf16>, vector<128x128xbf16>, vector<512x128xf32> -> vector<512x128xf32>
    %add3A_688 = arith.addf %add3A_683, %dot_general3A_687 : vector<512x128xf32>
    %get3A_689 = arith.constant 24 : index
    %get3A_690 = arith.constant 0 : index
    %get3A_691 = arith.constant 0 : index
    %get3A_692 = vector.load %arg2[%get3A_689, %get3A_690, %get3A_691] : memref<27x256x128xbf16, #tpu.memory_space<vmem>>, vector<1x256x128xbf16>
    %get3A_693 = vector.shape_cast %get3A_692 : vector<1x256x128xbf16> to vector<256x128xbf16>
    %get3A_694 = arith.constant 24 : index
    %get3A_695 = arith.constant 0 : index
    %get3A_696 = arith.constant 0 : index
    %get3A_697 = vector.load %arg1[%get3A_694, %get3A_695, %get3A_696] : memref<27x512x128xf32, #tpu.memory_space<vmem>>, vector<1x512x128xf32>
    %get3A_698 = vector.shape_cast %get3A_697 : vector<1x512x128xf32> to vector<512x128xf32>
    %bitcast_convert_type3A_699 = tpu.bitcast %get3A_698 : vector<512x128xf32> -> vector<512x128xi32>
    %and3A_700 = arith.constant -65536 : i32
    %and3A_701 = vector.broadcast %and3A_700 : i32 to vector<512x128xi32>
    %and3A_702 = arith.andi %bitcast_convert_type3A_699, %and3A_701 : vector<512x128xi32>
    %bitcast_convert_type3A_703 = tpu.bitcast %and3A_702 : vector<512x128xi32> -> vector<512x128xf32>
    %shift_left3A_704 = arith.constant 16 : i32
    %shift_left3A_705 = vector.broadcast %shift_left3A_704 : i32 to vector<512x128xi32>
    %shift_left3A_706 = arith.shli %bitcast_convert_type3A_699, %shift_left3A_705 : vector<512x128xi32>
    %bitcast_convert_type3A_707 = tpu.bitcast %shift_left3A_706 : vector<512x128xi32> -> vector<512x128xf32>
    %convert_element_type3A_708 = arith.truncf %bitcast_convert_type3A_707 : vector<512x128xf32> to vector<512x128xbf16>
    %slice3A_709 = vector.extract_strided_slice %get3A_693 {offsets = [0, 0], sizes = [128, 128], strides = [1, 1]} : vector<256x128xbf16> to vector<128x128xbf16>
    %dot_general3A_710 = arith.constant dense<0.000000e+00> : vector<512x128xf32>
    %dot_general3A_711 = tpu.matmul %convert_element_type3A_708, %slice3A_709, %dot_general3A_710 {dimension_numbers = #tpu.dot_dimension_numbers<[1], [0], [0], [1], [0, 0, 1, 1], [], []>, transpose_lhs_hint = false} : vector<512x128xbf16>, vector<128x128xbf16>, vector<512x128xf32> -> vector<512x128xf32>
    %add3A_712 = arith.addf %add3A_688, %dot_general3A_711 : vector<512x128xf32>
    %convert_element_type3A_713 = arith.truncf %bitcast_convert_type3A_703 : vector<512x128xf32> to vector<512x128xbf16>
    %slice3A_714 = vector.extract_strided_slice %get3A_693 {offsets = [128, 0], sizes = [128, 128], strides = [1, 1]} : vector<256x128xbf16> to vector<128x128xbf16>
    %dot_general3A_715 = arith.constant dense<0.000000e+00> : vector<512x128xf32>
    %dot_general3A_716 = tpu.matmul %convert_element_type3A_713, %slice3A_714, %dot_general3A_715 {dimension_numbers = #tpu.dot_dimension_numbers<[1], [0], [0], [1], [0, 0, 1, 1], [], []>, transpose_lhs_hint = false} : vector<512x128xbf16>, vector<128x128xbf16>, vector<512x128xf32> -> vector<512x128xf32>
    %add3A_717 = arith.addf %add3A_712, %dot_general3A_716 : vector<512x128xf32>
    %get3A_718 = arith.constant 25 : index
    %get3A_719 = arith.constant 0 : index
    %get3A_720 = arith.constant 0 : index
    %get3A_721 = vector.load %arg2[%get3A_718, %get3A_719, %get3A_720] : memref<27x256x128xbf16, #tpu.memory_space<vmem>>, vector<1x256x128xbf16>
    %get3A_722 = vector.shape_cast %get3A_721 : vector<1x256x128xbf16> to vector<256x128xbf16>
    %get3A_723 = arith.constant 25 : index
    %get3A_724 = arith.constant 0 : index
    %get3A_725 = arith.constant 0 : index
    %get3A_726 = vector.load %arg1[%get3A_723, %get3A_724, %get3A_725] : memref<27x512x128xf32, #tpu.memory_space<vmem>>, vector<1x512x128xf32>
    %get3A_727 = vector.shape_cast %get3A_726 : vector<1x512x128xf32> to vector<512x128xf32>
    %bitcast_convert_type3A_728 = tpu.bitcast %get3A_727 : vector<512x128xf32> -> vector<512x128xi32>
    %and3A_729 = arith.constant -65536 : i32
    %and3A_730 = vector.broadcast %and3A_729 : i32 to vector<512x128xi32>
    %and3A_731 = arith.andi %bitcast_convert_type3A_728, %and3A_730 : vector<512x128xi32>
    %bitcast_convert_type3A_732 = tpu.bitcast %and3A_731 : vector<512x128xi32> -> vector<512x128xf32>
    %shift_left3A_733 = arith.constant 16 : i32
    %shift_left3A_734 = vector.broadcast %shift_left3A_733 : i32 to vector<512x128xi32>
    %shift_left3A_735 = arith.shli %bitcast_convert_type3A_728, %shift_left3A_734 : vector<512x128xi32>
    %bitcast_convert_type3A_736 = tpu.bitcast %shift_left3A_735 : vector<512x128xi32> -> vector<512x128xf32>
    %convert_element_type3A_737 = arith.truncf %bitcast_convert_type3A_736 : vector<512x128xf32> to vector<512x128xbf16>
    %slice3A_738 = vector.extract_strided_slice %get3A_722 {offsets = [0, 0], sizes = [128, 128], strides = [1, 1]} : vector<256x128xbf16> to vector<128x128xbf16>
    %dot_general3A_739 = arith.constant dense<0.000000e+00> : vector<512x128xf32>
    %dot_general3A_740 = tpu.matmul %convert_element_type3A_737, %slice3A_738, %dot_general3A_739 {dimension_numbers = #tpu.dot_dimension_numbers<[1], [0], [0], [1], [0, 0, 1, 1], [], []>, transpose_lhs_hint = false} : vector<512x128xbf16>, vector<128x128xbf16>, vector<512x128xf32> -> vector<512x128xf32>
    %add3A_741 = arith.addf %add3A_717, %dot_general3A_740 : vector<512x128xf32>
    %convert_element_type3A_742 = arith.truncf %bitcast_convert_type3A_732 : vector<512x128xf32> to vector<512x128xbf16>
    %slice3A_743 = vector.extract_strided_slice %get3A_722 {offsets = [128, 0], sizes = [128, 128], strides = [1, 1]} : vector<256x128xbf16> to vector<128x128xbf16>
    %dot_general3A_744 = arith.constant dense<0.000000e+00> : vector<512x128xf32>
    %dot_general3A_745 = tpu.matmul %convert_element_type3A_742, %slice3A_743, %dot_general3A_744 {dimension_numbers = #tpu.dot_dimension_numbers<[1], [0], [0], [1], [0, 0, 1, 1], [], []>, transpose_lhs_hint = false} : vector<512x128xbf16>, vector<128x128xbf16>, vector<512x128xf32> -> vector<512x128xf32>
    %add3A_746 = arith.addf %add3A_741, %dot_general3A_745 : vector<512x128xf32>
    %get3A_747 = arith.constant 26 : index
    %get3A_748 = arith.constant 0 : index
    %get3A_749 = arith.constant 0 : index
    %get3A_750 = vector.load %arg2[%get3A_747, %get3A_748, %get3A_749] : memref<27x256x128xbf16, #tpu.memory_space<vmem>>, vector<1x256x128xbf16>
    %get3A_751 = vector.shape_cast %get3A_750 : vector<1x256x128xbf16> to vector<256x128xbf16>
    %get3A_752 = arith.constant 26 : index
    %get3A_753 = arith.constant 0 : index
    %get3A_754 = arith.constant 0 : index
    %get3A_755 = vector.load %arg1[%get3A_752, %get3A_753, %get3A_754] : memref<27x512x128xf32, #tpu.memory_space<vmem>>, vector<1x512x128xf32>
    %get3A_756 = vector.shape_cast %get3A_755 : vector<1x512x128xf32> to vector<512x128xf32>
    %bitcast_convert_type3A_757 = tpu.bitcast %get3A_756 : vector<512x128xf32> -> vector<512x128xi32>
    %and3A_758 = arith.constant -65536 : i32
    %and3A_759 = vector.broadcast %and3A_758 : i32 to vector<512x128xi32>
    %and3A_760 = arith.andi %bitcast_convert_type3A_757, %and3A_759 : vector<512x128xi32>
    %bitcast_convert_type3A_761 = tpu.bitcast %and3A_760 : vector<512x128xi32> -> vector<512x128xf32>
    %shift_left3A_762 = arith.constant 16 : i32
    %shift_left3A_763 = vector.broadcast %shift_left3A_762 : i32 to vector<512x128xi32>
    %shift_left3A_764 = arith.shli %bitcast_convert_type3A_757, %shift_left3A_763 : vector<512x128xi32>
    %bitcast_convert_type3A_765 = tpu.bitcast %shift_left3A_764 : vector<512x128xi32> -> vector<512x128xf32>
    %convert_element_type3A_766 = arith.truncf %bitcast_convert_type3A_765 : vector<512x128xf32> to vector<512x128xbf16>
    %slice3A_767 = vector.extract_strided_slice %get3A_751 {offsets = [0, 0], sizes = [128, 128], strides = [1, 1]} : vector<256x128xbf16> to vector<128x128xbf16>
    %dot_general3A_768 = arith.constant dense<0.000000e+00> : vector<512x128xf32>
    %dot_general3A_769 = tpu.matmul %convert_element_type3A_766, %slice3A_767, %dot_general3A_768 {dimension_numbers = #tpu.dot_dimension_numbers<[1], [0], [0], [1], [0, 0, 1, 1], [], []>, transpose_lhs_hint = false} : vector<512x128xbf16>, vector<128x128xbf16>, vector<512x128xf32> -> vector<512x128xf32>
    %add3A_770 = arith.addf %add3A_746, %dot_general3A_769 : vector<512x128xf32>
    %convert_element_type3A_771 = arith.truncf %bitcast_convert_type3A_761 : vector<512x128xf32> to vector<512x128xbf16>
    %slice3A_772 = vector.extract_strided_slice %get3A_751 {offsets = [128, 0], sizes = [128, 128], strides = [1, 1]} : vector<256x128xbf16> to vector<128x128xbf16>
    %dot_general3A_773 = arith.constant dense<0.000000e+00> : vector<512x128xf32>
    %dot_general3A_774 = tpu.matmul %convert_element_type3A_771, %slice3A_772, %dot_general3A_773 {dimension_numbers = #tpu.dot_dimension_numbers<[1], [0], [0], [1], [0, 0, 1, 1], [], []>, transpose_lhs_hint = false} : vector<512x128xbf16>, vector<128x128xbf16>, vector<512x128xf32> -> vector<512x128xf32>
    %add3A_775 = arith.addf %add3A_770, %dot_general3A_774 : vector<512x128xf32>
    %swap3A = arith.constant 0 : index
    %swap3A_776 = arith.constant 0 : index
    %swap3A_777 = vector.load %arg3[%swap3A, %swap3A_776] : memref<512x128xf32, #tpu.memory_space<vmem>>, vector<512x128xf32>
    tpu.vector_store %arg3[%swap3A, %swap3A_776], %add3A_775 {strides = array<i32>} : memref<512x128xf32, #tpu.memory_space<vmem>>, vector<512x128xf32>,
    return
  }
  func.func @transform_0(%arg0: i32) -> (i32, i32, i32) {
    %c0_i32 = arith.constant 0 : i32
    %c0_i32_0 = arith.constant 0 : i32
    %c0_i32_1 = arith.constant 0 : i32
    return %c0_i32, %arg0, %c0_i32_0 : i32, i32, i32
  }
  func.func @transform_1(%arg0: i32) -> (i32, i32, i32) {
    %c0_i32 = arith.constant 0 : i32
    %c0_i32_0 = arith.constant 0 : i32
    %c0_i32_1 = arith.constant 0 : i32
    %c0_i32_2 = arith.constant 0 : i32
    return %c0_i32, %c0_i32_0, %c0_i32_1 : i32, i32, i32
  }
  func.func @transform_2(%arg0: i32) -> (i32, i32) {
    %c0_i32 = arith.constant 0 : i32
    %c0_i32_0 = arith.constant 0 : i32
    return %arg0, %c0_i32 : i32, i32
  }
}

module attributes {stable_mosaic.version = 14 : i64} {
  func.func @body(%arg0: memref<10240x128xf32, #tpu.memory_space<vmem>>, %arg1: memref<1x128xf32, #tpu.memory_space<vmem>>, %arg2: memref<1x128xf32, #tpu.memory_space<vmem>>, %arg3: memref<10240x128xf32, #tpu.memory_space<vmem>>) attributes {dimension_semantics = [], scalar_prefetch = 0 : i64, scratch_operands = 0 : i64, tpu.core_type = #tpu.core_type<tc>} {
    %get3A = arith.constant 0 : index
    %get3A_0 = arith.constant 0 : index
    %get3A_1 = vector.load %arg0[%get3A, %get3A_0] : memref<10240x128xf32, #tpu.memory_space<vmem>>, vector<10240x128xf32>
    %get3A_2 = arith.constant 0 : index
    %get3A_3 = arith.constant 0 : index
    %get3A_4 = vector.load %arg1[%get3A_2, %get3A_3] : memref<1x128xf32, #tpu.memory_space<vmem>>, vector<1x128xf32>
    %mul3A = vector.broadcast %get3A_4 : vector<1x128xf32> to vector<10240x128xf32>
    %mul3A_5 = arith.mulf %get3A_1, %mul3A : vector<10240x128xf32>
    %get3A_6 = arith.constant 0 : index
    %get3A_7 = arith.constant 0 : index
    %get3A_8 = vector.load %arg2[%get3A_6, %get3A_7] : memref<1x128xf32, #tpu.memory_space<vmem>>, vector<1x128xf32>
    %add3A = vector.broadcast %get3A_8 : vector<1x128xf32> to vector<10240x128xf32>
    %add3A_9 = arith.addf %mul3A_5, %add3A : vector<10240x128xf32>
    %max3A = arith.constant 0.000000e+00 : f32
    %max3A_10 = vector.broadcast %max3A : f32 to vector<10240x128xf32>
    %max3A_11 = arith.maximumf %add3A_9, %max3A_10 : vector<10240x128xf32>
    %swap3A = arith.constant 0 : index
    %swap3A_12 = arith.constant 0 : index
    %swap3A_13 = vector.load %arg3[%swap3A, %swap3A_12] : memref<10240x128xf32, #tpu.memory_space<vmem>>, vector<10240x128xf32>
    tpu.vector_store %arg3[%swap3A, %swap3A_12], %max3A_11 {strides = array<i32>} : memref<10240x128xf32, #tpu.memory_space<vmem>>, vector<10240x128xf32>,
    return
  }
}

module attributes {stable_mosaic.version = 14 : i64} {
  func.func @body(%arg0: i32, %arg1: memref<27x512x128xf32, #tpu.memory_space<vmem>>, %arg2: memref<27x128x128xf32, #tpu.memory_space<vmem>>, %arg3: memref<512x128xf32, #tpu.memory_space<vmem>>) attributes {dimension_semantics = [#tpu.dimension_semantics<arbitrary>], iteration_bounds = array<i64: 20>, scalar_prefetch = 0 : i64, scratch_operands = 0 : i64, tpu.core_type = #tpu.core_type<tc>, window_params = [{transform_indices = @transform_0, window_bounds = array<i64: 27, 512, 128>}, {pipeline_mode = #tpu.pipeline_mode<synchronous>, transform_indices = @transform_1, window_bounds = array<i64: 27, 128, 128>}, {transform_indices = @transform_2, window_bounds = array<i64: 512, 128>}]} {
    %broadcast_in_dim3A = arith.constant 0.000000e+00 : f32
    %broadcast_in_dim3A_0 = vector.broadcast %broadcast_in_dim3A : f32 to vector<512x128xf32>
    %get3A = arith.constant 0 : index
    %get3A_1 = arith.constant 0 : index
    %get3A_2 = arith.constant 0 : index
    %get3A_3 = vector.load %arg2[%get3A, %get3A_1, %get3A_2] : memref<27x128x128xf32, #tpu.memory_space<vmem>>, vector<1x128x128xf32>
    %get3A_4 = vector.shape_cast %get3A_3 : vector<1x128x128xf32> to vector<128x128xf32>
    %get3A_5 = arith.constant 0 : index
    %get3A_6 = arith.constant 0 : index
    %get3A_7 = arith.constant 0 : index
    %get3A_8 = vector.load %arg1[%get3A_5, %get3A_6, %get3A_7] : memref<27x512x128xf32, #tpu.memory_space<vmem>>, vector<1x512x128xf32>
    %get3A_9 = vector.shape_cast %get3A_8 : vector<1x512x128xf32> to vector<512x128xf32>
    %dot_general3A = arith.constant dense<0.000000e+00> : vector<512x128xf32>
    %dot_general3A_10 = tpu.matmul %get3A_9, %get3A_4, %dot_general3A {dimension_numbers = #tpu.dot_dimension_numbers<[1], [0], [0], [1], [0, 0, 1, 1], [], []>, transpose_lhs_hint = false} : vector<512x128xf32>, vector<128x128xf32>, vector<512x128xf32> -> vector<512x128xf32>
    %add3A = arith.addf %broadcast_in_dim3A_0, %dot_general3A_10 : vector<512x128xf32>
    %get3A_11 = arith.constant 1 : index
    %get3A_12 = arith.constant 0 : index
    %get3A_13 = arith.constant 0 : index
    %get3A_14 = vector.load %arg2[%get3A_11, %get3A_12, %get3A_13] : memref<27x128x128xf32, #tpu.memory_space<vmem>>, vector<1x128x128xf32>
    %get3A_15 = vector.shape_cast %get3A_14 : vector<1x128x128xf32> to vector<128x128xf32>
    %get3A_16 = arith.constant 1 : index
    %get3A_17 = arith.constant 0 : index
    %get3A_18 = arith.constant 0 : index
    %get3A_19 = vector.load %arg1[%get3A_16, %get3A_17, %get3A_18] : memref<27x512x128xf32, #tpu.memory_space<vmem>>, vector<1x512x128xf32>
    %get3A_20 = vector.shape_cast %get3A_19 : vector<1x512x128xf32> to vector<512x128xf32>
    %dot_general3A_21 = arith.constant dense<0.000000e+00> : vector<512x128xf32>
    %dot_general3A_22 = tpu.matmul %get3A_20, %get3A_15, %dot_general3A_21 {dimension_numbers = #tpu.dot_dimension_numbers<[1], [0], [0], [1], [0, 0, 1, 1], [], []>, transpose_lhs_hint = false} : vector<512x128xf32>, vector<128x128xf32>, vector<512x128xf32> -> vector<512x128xf32>
    %add3A_23 = arith.addf %add3A, %dot_general3A_22 : vector<512x128xf32>
    %get3A_24 = arith.constant 2 : index
    %get3A_25 = arith.constant 0 : index
    %get3A_26 = arith.constant 0 : index
    %get3A_27 = vector.load %arg2[%get3A_24, %get3A_25, %get3A_26] : memref<27x128x128xf32, #tpu.memory_space<vmem>>, vector<1x128x128xf32>
    %get3A_28 = vector.shape_cast %get3A_27 : vector<1x128x128xf32> to vector<128x128xf32>
    %get3A_29 = arith.constant 2 : index
    %get3A_30 = arith.constant 0 : index
    %get3A_31 = arith.constant 0 : index
    %get3A_32 = vector.load %arg1[%get3A_29, %get3A_30, %get3A_31] : memref<27x512x128xf32, #tpu.memory_space<vmem>>, vector<1x512x128xf32>
    %get3A_33 = vector.shape_cast %get3A_32 : vector<1x512x128xf32> to vector<512x128xf32>
    %dot_general3A_34 = arith.constant dense<0.000000e+00> : vector<512x128xf32>
    %dot_general3A_35 = tpu.matmul %get3A_33, %get3A_28, %dot_general3A_34 {dimension_numbers = #tpu.dot_dimension_numbers<[1], [0], [0], [1], [0, 0, 1, 1], [], []>, transpose_lhs_hint = false} : vector<512x128xf32>, vector<128x128xf32>, vector<512x128xf32> -> vector<512x128xf32>
    %add3A_36 = arith.addf %add3A_23, %dot_general3A_35 : vector<512x128xf32>
    %get3A_37 = arith.constant 3 : index
    %get3A_38 = arith.constant 0 : index
    %get3A_39 = arith.constant 0 : index
    %get3A_40 = vector.load %arg2[%get3A_37, %get3A_38, %get3A_39] : memref<27x128x128xf32, #tpu.memory_space<vmem>>, vector<1x128x128xf32>
    %get3A_41 = vector.shape_cast %get3A_40 : vector<1x128x128xf32> to vector<128x128xf32>
    %get3A_42 = arith.constant 3 : index
    %get3A_43 = arith.constant 0 : index
    %get3A_44 = arith.constant 0 : index
    %get3A_45 = vector.load %arg1[%get3A_42, %get3A_43, %get3A_44] : memref<27x512x128xf32, #tpu.memory_space<vmem>>, vector<1x512x128xf32>
    %get3A_46 = vector.shape_cast %get3A_45 : vector<1x512x128xf32> to vector<512x128xf32>
    %dot_general3A_47 = arith.constant dense<0.000000e+00> : vector<512x128xf32>
    %dot_general3A_48 = tpu.matmul %get3A_46, %get3A_41, %dot_general3A_47 {dimension_numbers = #tpu.dot_dimension_numbers<[1], [0], [0], [1], [0, 0, 1, 1], [], []>, transpose_lhs_hint = false} : vector<512x128xf32>, vector<128x128xf32>, vector<512x128xf32> -> vector<512x128xf32>
    %add3A_49 = arith.addf %add3A_36, %dot_general3A_48 : vector<512x128xf32>
    %get3A_50 = arith.constant 4 : index
    %get3A_51 = arith.constant 0 : index
    %get3A_52 = arith.constant 0 : index
    %get3A_53 = vector.load %arg2[%get3A_50, %get3A_51, %get3A_52] : memref<27x128x128xf32, #tpu.memory_space<vmem>>, vector<1x128x128xf32>
    %get3A_54 = vector.shape_cast %get3A_53 : vector<1x128x128xf32> to vector<128x128xf32>
    %get3A_55 = arith.constant 4 : index
    %get3A_56 = arith.constant 0 : index
    %get3A_57 = arith.constant 0 : index
    %get3A_58 = vector.load %arg1[%get3A_55, %get3A_56, %get3A_57] : memref<27x512x128xf32, #tpu.memory_space<vmem>>, vector<1x512x128xf32>
    %get3A_59 = vector.shape_cast %get3A_58 : vector<1x512x128xf32> to vector<512x128xf32>
    %dot_general3A_60 = arith.constant dense<0.000000e+00> : vector<512x128xf32>
    %dot_general3A_61 = tpu.matmul %get3A_59, %get3A_54, %dot_general3A_60 {dimension_numbers = #tpu.dot_dimension_numbers<[1], [0], [0], [1], [0, 0, 1, 1], [], []>, transpose_lhs_hint = false} : vector<512x128xf32>, vector<128x128xf32>, vector<512x128xf32> -> vector<512x128xf32>
    %add3A_62 = arith.addf %add3A_49, %dot_general3A_61 : vector<512x128xf32>
    %get3A_63 = arith.constant 5 : index
    %get3A_64 = arith.constant 0 : index
    %get3A_65 = arith.constant 0 : index
    %get3A_66 = vector.load %arg2[%get3A_63, %get3A_64, %get3A_65] : memref<27x128x128xf32, #tpu.memory_space<vmem>>, vector<1x128x128xf32>
    %get3A_67 = vector.shape_cast %get3A_66 : vector<1x128x128xf32> to vector<128x128xf32>
    %get3A_68 = arith.constant 5 : index
    %get3A_69 = arith.constant 0 : index
    %get3A_70 = arith.constant 0 : index
    %get3A_71 = vector.load %arg1[%get3A_68, %get3A_69, %get3A_70] : memref<27x512x128xf32, #tpu.memory_space<vmem>>, vector<1x512x128xf32>
    %get3A_72 = vector.shape_cast %get3A_71 : vector<1x512x128xf32> to vector<512x128xf32>
    %dot_general3A_73 = arith.constant dense<0.000000e+00> : vector<512x128xf32>
    %dot_general3A_74 = tpu.matmul %get3A_72, %get3A_67, %dot_general3A_73 {dimension_numbers = #tpu.dot_dimension_numbers<[1], [0], [0], [1], [0, 0, 1, 1], [], []>, transpose_lhs_hint = false} : vector<512x128xf32>, vector<128x128xf32>, vector<512x128xf32> -> vector<512x128xf32>
    %add3A_75 = arith.addf %add3A_62, %dot_general3A_74 : vector<512x128xf32>
    %get3A_76 = arith.constant 6 : index
    %get3A_77 = arith.constant 0 : index
    %get3A_78 = arith.constant 0 : index
    %get3A_79 = vector.load %arg2[%get3A_76, %get3A_77, %get3A_78] : memref<27x128x128xf32, #tpu.memory_space<vmem>>, vector<1x128x128xf32>
    %get3A_80 = vector.shape_cast %get3A_79 : vector<1x128x128xf32> to vector<128x128xf32>
    %get3A_81 = arith.constant 6 : index
    %get3A_82 = arith.constant 0 : index
    %get3A_83 = arith.constant 0 : index
    %get3A_84 = vector.load %arg1[%get3A_81, %get3A_82, %get3A_83] : memref<27x512x128xf32, #tpu.memory_space<vmem>>, vector<1x512x128xf32>
    %get3A_85 = vector.shape_cast %get3A_84 : vector<1x512x128xf32> to vector<512x128xf32>
    %dot_general3A_86 = arith.constant dense<0.000000e+00> : vector<512x128xf32>
    %dot_general3A_87 = tpu.matmul %get3A_85, %get3A_80, %dot_general3A_86 {dimension_numbers = #tpu.dot_dimension_numbers<[1], [0], [0], [1], [0, 0, 1, 1], [], []>, transpose_lhs_hint = false} : vector<512x128xf32>, vector<128x128xf32>, vector<512x128xf32> -> vector<512x128xf32>
    %add3A_88 = arith.addf %add3A_75, %dot_general3A_87 : vector<512x128xf32>
    %get3A_89 = arith.constant 7 : index
    %get3A_90 = arith.constant 0 : index
    %get3A_91 = arith.constant 0 : index
    %get3A_92 = vector.load %arg2[%get3A_89, %get3A_90, %get3A_91] : memref<27x128x128xf32, #tpu.memory_space<vmem>>, vector<1x128x128xf32>
    %get3A_93 = vector.shape_cast %get3A_92 : vector<1x128x128xf32> to vector<128x128xf32>
    %get3A_94 = arith.constant 7 : index
    %get3A_95 = arith.constant 0 : index
    %get3A_96 = arith.constant 0 : index
    %get3A_97 = vector.load %arg1[%get3A_94, %get3A_95, %get3A_96] : memref<27x512x128xf32, #tpu.memory_space<vmem>>, vector<1x512x128xf32>
    %get3A_98 = vector.shape_cast %get3A_97 : vector<1x512x128xf32> to vector<512x128xf32>
    %dot_general3A_99 = arith.constant dense<0.000000e+00> : vector<512x128xf32>
    %dot_general3A_100 = tpu.matmul %get3A_98, %get3A_93, %dot_general3A_99 {dimension_numbers = #tpu.dot_dimension_numbers<[1], [0], [0], [1], [0, 0, 1, 1], [], []>, transpose_lhs_hint = false} : vector<512x128xf32>, vector<128x128xf32>, vector<512x128xf32> -> vector<512x128xf32>
    %add3A_101 = arith.addf %add3A_88, %dot_general3A_100 : vector<512x128xf32>
    %get3A_102 = arith.constant 8 : index
    %get3A_103 = arith.constant 0 : index
    %get3A_104 = arith.constant 0 : index
    %get3A_105 = vector.load %arg2[%get3A_102, %get3A_103, %get3A_104] : memref<27x128x128xf32, #tpu.memory_space<vmem>>, vector<1x128x128xf32>
    %get3A_106 = vector.shape_cast %get3A_105 : vector<1x128x128xf32> to vector<128x128xf32>
    %get3A_107 = arith.constant 8 : index
    %get3A_108 = arith.constant 0 : index
    %get3A_109 = arith.constant 0 : index
    %get3A_110 = vector.load %arg1[%get3A_107, %get3A_108, %get3A_109] : memref<27x512x128xf32, #tpu.memory_space<vmem>>, vector<1x512x128xf32>
    %get3A_111 = vector.shape_cast %get3A_110 : vector<1x512x128xf32> to vector<512x128xf32>
    %dot_general3A_112 = arith.constant dense<0.000000e+00> : vector<512x128xf32>
    %dot_general3A_113 = tpu.matmul %get3A_111, %get3A_106, %dot_general3A_112 {dimension_numbers = #tpu.dot_dimension_numbers<[1], [0], [0], [1], [0, 0, 1, 1], [], []>, transpose_lhs_hint = false} : vector<512x128xf32>, vector<128x128xf32>, vector<512x128xf32> -> vector<512x128xf32>
    %add3A_114 = arith.addf %add3A_101, %dot_general3A_113 : vector<512x128xf32>
    %get3A_115 = arith.constant 9 : index
    %get3A_116 = arith.constant 0 : index
    %get3A_117 = arith.constant 0 : index
    %get3A_118 = vector.load %arg2[%get3A_115, %get3A_116, %get3A_117] : memref<27x128x128xf32, #tpu.memory_space<vmem>>, vector<1x128x128xf32>
    %get3A_119 = vector.shape_cast %get3A_118 : vector<1x128x128xf32> to vector<128x128xf32>
    %get3A_120 = arith.constant 9 : index
    %get3A_121 = arith.constant 0 : index
    %get3A_122 = arith.constant 0 : index
    %get3A_123 = vector.load %arg1[%get3A_120, %get3A_121, %get3A_122] : memref<27x512x128xf32, #tpu.memory_space<vmem>>, vector<1x512x128xf32>
    %get3A_124 = vector.shape_cast %get3A_123 : vector<1x512x128xf32> to vector<512x128xf32>
    %dot_general3A_125 = arith.constant dense<0.000000e+00> : vector<512x128xf32>
    %dot_general3A_126 = tpu.matmul %get3A_124, %get3A_119, %dot_general3A_125 {dimension_numbers = #tpu.dot_dimension_numbers<[1], [0], [0], [1], [0, 0, 1, 1], [], []>, transpose_lhs_hint = false} : vector<512x128xf32>, vector<128x128xf32>, vector<512x128xf32> -> vector<512x128xf32>
    %add3A_127 = arith.addf %add3A_114, %dot_general3A_126 : vector<512x128xf32>
    %get3A_128 = arith.constant 10 : index
    %get3A_129 = arith.constant 0 : index
    %get3A_130 = arith.constant 0 : index
    %get3A_131 = vector.load %arg2[%get3A_128, %get3A_129, %get3A_130] : memref<27x128x128xf32, #tpu.memory_space<vmem>>, vector<1x128x128xf32>
    %get3A_132 = vector.shape_cast %get3A_131 : vector<1x128x128xf32> to vector<128x128xf32>
    %get3A_133 = arith.constant 10 : index
    %get3A_134 = arith.constant 0 : index
    %get3A_135 = arith.constant 0 : index
    %get3A_136 = vector.load %arg1[%get3A_133, %get3A_134, %get3A_135] : memref<27x512x128xf32, #tpu.memory_space<vmem>>, vector<1x512x128xf32>
    %get3A_137 = vector.shape_cast %get3A_136 : vector<1x512x128xf32> to vector<512x128xf32>
    %dot_general3A_138 = arith.constant dense<0.000000e+00> : vector<512x128xf32>
    %dot_general3A_139 = tpu.matmul %get3A_137, %get3A_132, %dot_general3A_138 {dimension_numbers = #tpu.dot_dimension_numbers<[1], [0], [0], [1], [0, 0, 1, 1], [], []>, transpose_lhs_hint = false} : vector<512x128xf32>, vector<128x128xf32>, vector<512x128xf32> -> vector<512x128xf32>
    %add3A_140 = arith.addf %add3A_127, %dot_general3A_139 : vector<512x128xf32>
    %get3A_141 = arith.constant 11 : index
    %get3A_142 = arith.constant 0 : index
    %get3A_143 = arith.constant 0 : index
    %get3A_144 = vector.load %arg2[%get3A_141, %get3A_142, %get3A_143] : memref<27x128x128xf32, #tpu.memory_space<vmem>>, vector<1x128x128xf32>
    %get3A_145 = vector.shape_cast %get3A_144 : vector<1x128x128xf32> to vector<128x128xf32>
    %get3A_146 = arith.constant 11 : index
    %get3A_147 = arith.constant 0 : index
    %get3A_148 = arith.constant 0 : index
    %get3A_149 = vector.load %arg1[%get3A_146, %get3A_147, %get3A_148] : memref<27x512x128xf32, #tpu.memory_space<vmem>>, vector<1x512x128xf32>
    %get3A_150 = vector.shape_cast %get3A_149 : vector<1x512x128xf32> to vector<512x128xf32>
    %dot_general3A_151 = arith.constant dense<0.000000e+00> : vector<512x128xf32>
    %dot_general3A_152 = tpu.matmul %get3A_150, %get3A_145, %dot_general3A_151 {dimension_numbers = #tpu.dot_dimension_numbers<[1], [0], [0], [1], [0, 0, 1, 1], [], []>, transpose_lhs_hint = false} : vector<512x128xf32>, vector<128x128xf32>, vector<512x128xf32> -> vector<512x128xf32>
    %add3A_153 = arith.addf %add3A_140, %dot_general3A_152 : vector<512x128xf32>
    %get3A_154 = arith.constant 12 : index
    %get3A_155 = arith.constant 0 : index
    %get3A_156 = arith.constant 0 : index
    %get3A_157 = vector.load %arg2[%get3A_154, %get3A_155, %get3A_156] : memref<27x128x128xf32, #tpu.memory_space<vmem>>, vector<1x128x128xf32>
    %get3A_158 = vector.shape_cast %get3A_157 : vector<1x128x128xf32> to vector<128x128xf32>
    %get3A_159 = arith.constant 12 : index
    %get3A_160 = arith.constant 0 : index
    %get3A_161 = arith.constant 0 : index
    %get3A_162 = vector.load %arg1[%get3A_159, %get3A_160, %get3A_161] : memref<27x512x128xf32, #tpu.memory_space<vmem>>, vector<1x512x128xf32>
    %get3A_163 = vector.shape_cast %get3A_162 : vector<1x512x128xf32> to vector<512x128xf32>
    %dot_general3A_164 = arith.constant dense<0.000000e+00> : vector<512x128xf32>
    %dot_general3A_165 = tpu.matmul %get3A_163, %get3A_158, %dot_general3A_164 {dimension_numbers = #tpu.dot_dimension_numbers<[1], [0], [0], [1], [0, 0, 1, 1], [], []>, transpose_lhs_hint = false} : vector<512x128xf32>, vector<128x128xf32>, vector<512x128xf32> -> vector<512x128xf32>
    %add3A_166 = arith.addf %add3A_153, %dot_general3A_165 : vector<512x128xf32>
    %get3A_167 = arith.constant 13 : index
    %get3A_168 = arith.constant 0 : index
    %get3A_169 = arith.constant 0 : index
    %get3A_170 = vector.load %arg2[%get3A_167, %get3A_168, %get3A_169] : memref<27x128x128xf32, #tpu.memory_space<vmem>>, vector<1x128x128xf32>
    %get3A_171 = vector.shape_cast %get3A_170 : vector<1x128x128xf32> to vector<128x128xf32>
    %get3A_172 = arith.constant 13 : index
    %get3A_173 = arith.constant 0 : index
    %get3A_174 = arith.constant 0 : index
    %get3A_175 = vector.load %arg1[%get3A_172, %get3A_173, %get3A_174] : memref<27x512x128xf32, #tpu.memory_space<vmem>>, vector<1x512x128xf32>
    %get3A_176 = vector.shape_cast %get3A_175 : vector<1x512x128xf32> to vector<512x128xf32>
    %dot_general3A_177 = arith.constant dense<0.000000e+00> : vector<512x128xf32>
    %dot_general3A_178 = tpu.matmul %get3A_176, %get3A_171, %dot_general3A_177 {dimension_numbers = #tpu.dot_dimension_numbers<[1], [0], [0], [1], [0, 0, 1, 1], [], []>, transpose_lhs_hint = false} : vector<512x128xf32>, vector<128x128xf32>, vector<512x128xf32> -> vector<512x128xf32>
    %add3A_179 = arith.addf %add3A_166, %dot_general3A_178 : vector<512x128xf32>
    %get3A_180 = arith.constant 14 : index
    %get3A_181 = arith.constant 0 : index
    %get3A_182 = arith.constant 0 : index
    %get3A_183 = vector.load %arg2[%get3A_180, %get3A_181, %get3A_182] : memref<27x128x128xf32, #tpu.memory_space<vmem>>, vector<1x128x128xf32>
    %get3A_184 = vector.shape_cast %get3A_183 : vector<1x128x128xf32> to vector<128x128xf32>
    %get3A_185 = arith.constant 14 : index
    %get3A_186 = arith.constant 0 : index
    %get3A_187 = arith.constant 0 : index
    %get3A_188 = vector.load %arg1[%get3A_185, %get3A_186, %get3A_187] : memref<27x512x128xf32, #tpu.memory_space<vmem>>, vector<1x512x128xf32>
    %get3A_189 = vector.shape_cast %get3A_188 : vector<1x512x128xf32> to vector<512x128xf32>
    %dot_general3A_190 = arith.constant dense<0.000000e+00> : vector<512x128xf32>
    %dot_general3A_191 = tpu.matmul %get3A_189, %get3A_184, %dot_general3A_190 {dimension_numbers = #tpu.dot_dimension_numbers<[1], [0], [0], [1], [0, 0, 1, 1], [], []>, transpose_lhs_hint = false} : vector<512x128xf32>, vector<128x128xf32>, vector<512x128xf32> -> vector<512x128xf32>
    %add3A_192 = arith.addf %add3A_179, %dot_general3A_191 : vector<512x128xf32>
    %get3A_193 = arith.constant 15 : index
    %get3A_194 = arith.constant 0 : index
    %get3A_195 = arith.constant 0 : index
    %get3A_196 = vector.load %arg2[%get3A_193, %get3A_194, %get3A_195] : memref<27x128x128xf32, #tpu.memory_space<vmem>>, vector<1x128x128xf32>
    %get3A_197 = vector.shape_cast %get3A_196 : vector<1x128x128xf32> to vector<128x128xf32>
    %get3A_198 = arith.constant 15 : index
    %get3A_199 = arith.constant 0 : index
    %get3A_200 = arith.constant 0 : index
    %get3A_201 = vector.load %arg1[%get3A_198, %get3A_199, %get3A_200] : memref<27x512x128xf32, #tpu.memory_space<vmem>>, vector<1x512x128xf32>
    %get3A_202 = vector.shape_cast %get3A_201 : vector<1x512x128xf32> to vector<512x128xf32>
    %dot_general3A_203 = arith.constant dense<0.000000e+00> : vector<512x128xf32>
    %dot_general3A_204 = tpu.matmul %get3A_202, %get3A_197, %dot_general3A_203 {dimension_numbers = #tpu.dot_dimension_numbers<[1], [0], [0], [1], [0, 0, 1, 1], [], []>, transpose_lhs_hint = false} : vector<512x128xf32>, vector<128x128xf32>, vector<512x128xf32> -> vector<512x128xf32>
    %add3A_205 = arith.addf %add3A_192, %dot_general3A_204 : vector<512x128xf32>
    %get3A_206 = arith.constant 16 : index
    %get3A_207 = arith.constant 0 : index
    %get3A_208 = arith.constant 0 : index
    %get3A_209 = vector.load %arg2[%get3A_206, %get3A_207, %get3A_208] : memref<27x128x128xf32, #tpu.memory_space<vmem>>, vector<1x128x128xf32>
    %get3A_210 = vector.shape_cast %get3A_209 : vector<1x128x128xf32> to vector<128x128xf32>
    %get3A_211 = arith.constant 16 : index
    %get3A_212 = arith.constant 0 : index
    %get3A_213 = arith.constant 0 : index
    %get3A_214 = vector.load %arg1[%get3A_211, %get3A_212, %get3A_213] : memref<27x512x128xf32, #tpu.memory_space<vmem>>, vector<1x512x128xf32>
    %get3A_215 = vector.shape_cast %get3A_214 : vector<1x512x128xf32> to vector<512x128xf32>
    %dot_general3A_216 = arith.constant dense<0.000000e+00> : vector<512x128xf32>
    %dot_general3A_217 = tpu.matmul %get3A_215, %get3A_210, %dot_general3A_216 {dimension_numbers = #tpu.dot_dimension_numbers<[1], [0], [0], [1], [0, 0, 1, 1], [], []>, transpose_lhs_hint = false} : vector<512x128xf32>, vector<128x128xf32>, vector<512x128xf32> -> vector<512x128xf32>
    %add3A_218 = arith.addf %add3A_205, %dot_general3A_217 : vector<512x128xf32>
    %get3A_219 = arith.constant 17 : index
    %get3A_220 = arith.constant 0 : index
    %get3A_221 = arith.constant 0 : index
    %get3A_222 = vector.load %arg2[%get3A_219, %get3A_220, %get3A_221] : memref<27x128x128xf32, #tpu.memory_space<vmem>>, vector<1x128x128xf32>
    %get3A_223 = vector.shape_cast %get3A_222 : vector<1x128x128xf32> to vector<128x128xf32>
    %get3A_224 = arith.constant 17 : index
    %get3A_225 = arith.constant 0 : index
    %get3A_226 = arith.constant 0 : index
    %get3A_227 = vector.load %arg1[%get3A_224, %get3A_225, %get3A_226] : memref<27x512x128xf32, #tpu.memory_space<vmem>>, vector<1x512x128xf32>
    %get3A_228 = vector.shape_cast %get3A_227 : vector<1x512x128xf32> to vector<512x128xf32>
    %dot_general3A_229 = arith.constant dense<0.000000e+00> : vector<512x128xf32>
    %dot_general3A_230 = tpu.matmul %get3A_228, %get3A_223, %dot_general3A_229 {dimension_numbers = #tpu.dot_dimension_numbers<[1], [0], [0], [1], [0, 0, 1, 1], [], []>, transpose_lhs_hint = false} : vector<512x128xf32>, vector<128x128xf32>, vector<512x128xf32> -> vector<512x128xf32>
    %add3A_231 = arith.addf %add3A_218, %dot_general3A_230 : vector<512x128xf32>
    %get3A_232 = arith.constant 18 : index
    %get3A_233 = arith.constant 0 : index
    %get3A_234 = arith.constant 0 : index
    %get3A_235 = vector.load %arg2[%get3A_232, %get3A_233, %get3A_234] : memref<27x128x128xf32, #tpu.memory_space<vmem>>, vector<1x128x128xf32>
    %get3A_236 = vector.shape_cast %get3A_235 : vector<1x128x128xf32> to vector<128x128xf32>
    %get3A_237 = arith.constant 18 : index
    %get3A_238 = arith.constant 0 : index
    %get3A_239 = arith.constant 0 : index
    %get3A_240 = vector.load %arg1[%get3A_237, %get3A_238, %get3A_239] : memref<27x512x128xf32, #tpu.memory_space<vmem>>, vector<1x512x128xf32>
    %get3A_241 = vector.shape_cast %get3A_240 : vector<1x512x128xf32> to vector<512x128xf32>
    %dot_general3A_242 = arith.constant dense<0.000000e+00> : vector<512x128xf32>
    %dot_general3A_243 = tpu.matmul %get3A_241, %get3A_236, %dot_general3A_242 {dimension_numbers = #tpu.dot_dimension_numbers<[1], [0], [0], [1], [0, 0, 1, 1], [], []>, transpose_lhs_hint = false} : vector<512x128xf32>, vector<128x128xf32>, vector<512x128xf32> -> vector<512x128xf32>
    %add3A_244 = arith.addf %add3A_231, %dot_general3A_243 : vector<512x128xf32>
    %get3A_245 = arith.constant 19 : index
    %get3A_246 = arith.constant 0 : index
    %get3A_247 = arith.constant 0 : index
    %get3A_248 = vector.load %arg2[%get3A_245, %get3A_246, %get3A_247] : memref<27x128x128xf32, #tpu.memory_space<vmem>>, vector<1x128x128xf32>
    %get3A_249 = vector.shape_cast %get3A_248 : vector<1x128x128xf32> to vector<128x128xf32>
    %get3A_250 = arith.constant 19 : index
    %get3A_251 = arith.constant 0 : index
    %get3A_252 = arith.constant 0 : index
    %get3A_253 = vector.load %arg1[%get3A_250, %get3A_251, %get3A_252] : memref<27x512x128xf32, #tpu.memory_space<vmem>>, vector<1x512x128xf32>
    %get3A_254 = vector.shape_cast %get3A_253 : vector<1x512x128xf32> to vector<512x128xf32>
    %dot_general3A_255 = arith.constant dense<0.000000e+00> : vector<512x128xf32>
    %dot_general3A_256 = tpu.matmul %get3A_254, %get3A_249, %dot_general3A_255 {dimension_numbers = #tpu.dot_dimension_numbers<[1], [0], [0], [1], [0, 0, 1, 1], [], []>, transpose_lhs_hint = false} : vector<512x128xf32>, vector<128x128xf32>, vector<512x128xf32> -> vector<512x128xf32>
    %add3A_257 = arith.addf %add3A_244, %dot_general3A_256 : vector<512x128xf32>
    %get3A_258 = arith.constant 20 : index
    %get3A_259 = arith.constant 0 : index
    %get3A_260 = arith.constant 0 : index
    %get3A_261 = vector.load %arg2[%get3A_258, %get3A_259, %get3A_260] : memref<27x128x128xf32, #tpu.memory_space<vmem>>, vector<1x128x128xf32>
    %get3A_262 = vector.shape_cast %get3A_261 : vector<1x128x128xf32> to vector<128x128xf32>
    %get3A_263 = arith.constant 20 : index
    %get3A_264 = arith.constant 0 : index
    %get3A_265 = arith.constant 0 : index
    %get3A_266 = vector.load %arg1[%get3A_263, %get3A_264, %get3A_265] : memref<27x512x128xf32, #tpu.memory_space<vmem>>, vector<1x512x128xf32>
    %get3A_267 = vector.shape_cast %get3A_266 : vector<1x512x128xf32> to vector<512x128xf32>
    %dot_general3A_268 = arith.constant dense<0.000000e+00> : vector<512x128xf32>
    %dot_general3A_269 = tpu.matmul %get3A_267, %get3A_262, %dot_general3A_268 {dimension_numbers = #tpu.dot_dimension_numbers<[1], [0], [0], [1], [0, 0, 1, 1], [], []>, transpose_lhs_hint = false} : vector<512x128xf32>, vector<128x128xf32>, vector<512x128xf32> -> vector<512x128xf32>
    %add3A_270 = arith.addf %add3A_257, %dot_general3A_269 : vector<512x128xf32>
    %get3A_271 = arith.constant 21 : index
    %get3A_272 = arith.constant 0 : index
    %get3A_273 = arith.constant 0 : index
    %get3A_274 = vector.load %arg2[%get3A_271, %get3A_272, %get3A_273] : memref<27x128x128xf32, #tpu.memory_space<vmem>>, vector<1x128x128xf32>
    %get3A_275 = vector.shape_cast %get3A_274 : vector<1x128x128xf32> to vector<128x128xf32>
    %get3A_276 = arith.constant 21 : index
    %get3A_277 = arith.constant 0 : index
    %get3A_278 = arith.constant 0 : index
    %get3A_279 = vector.load %arg1[%get3A_276, %get3A_277, %get3A_278] : memref<27x512x128xf32, #tpu.memory_space<vmem>>, vector<1x512x128xf32>
    %get3A_280 = vector.shape_cast %get3A_279 : vector<1x512x128xf32> to vector<512x128xf32>
    %dot_general3A_281 = arith.constant dense<0.000000e+00> : vector<512x128xf32>
    %dot_general3A_282 = tpu.matmul %get3A_280, %get3A_275, %dot_general3A_281 {dimension_numbers = #tpu.dot_dimension_numbers<[1], [0], [0], [1], [0, 0, 1, 1], [], []>, transpose_lhs_hint = false} : vector<512x128xf32>, vector<128x128xf32>, vector<512x128xf32> -> vector<512x128xf32>
    %add3A_283 = arith.addf %add3A_270, %dot_general3A_282 : vector<512x128xf32>
    %get3A_284 = arith.constant 22 : index
    %get3A_285 = arith.constant 0 : index
    %get3A_286 = arith.constant 0 : index
    %get3A_287 = vector.load %arg2[%get3A_284, %get3A_285, %get3A_286] : memref<27x128x128xf32, #tpu.memory_space<vmem>>, vector<1x128x128xf32>
    %get3A_288 = vector.shape_cast %get3A_287 : vector<1x128x128xf32> to vector<128x128xf32>
    %get3A_289 = arith.constant 22 : index
    %get3A_290 = arith.constant 0 : index
    %get3A_291 = arith.constant 0 : index
    %get3A_292 = vector.load %arg1[%get3A_289, %get3A_290, %get3A_291] : memref<27x512x128xf32, #tpu.memory_space<vmem>>, vector<1x512x128xf32>
    %get3A_293 = vector.shape_cast %get3A_292 : vector<1x512x128xf32> to vector<512x128xf32>
    %dot_general3A_294 = arith.constant dense<0.000000e+00> : vector<512x128xf32>
    %dot_general3A_295 = tpu.matmul %get3A_293, %get3A_288, %dot_general3A_294 {dimension_numbers = #tpu.dot_dimension_numbers<[1], [0], [0], [1], [0, 0, 1, 1], [], []>, transpose_lhs_hint = false} : vector<512x128xf32>, vector<128x128xf32>, vector<512x128xf32> -> vector<512x128xf32>
    %add3A_296 = arith.addf %add3A_283, %dot_general3A_295 : vector<512x128xf32>
    %get3A_297 = arith.constant 23 : index
    %get3A_298 = arith.constant 0 : index
    %get3A_299 = arith.constant 0 : index
    %get3A_300 = vector.load %arg2[%get3A_297, %get3A_298, %get3A_299] : memref<27x128x128xf32, #tpu.memory_space<vmem>>, vector<1x128x128xf32>
    %get3A_301 = vector.shape_cast %get3A_300 : vector<1x128x128xf32> to vector<128x128xf32>
    %get3A_302 = arith.constant 23 : index
    %get3A_303 = arith.constant 0 : index
    %get3A_304 = arith.constant 0 : index
    %get3A_305 = vector.load %arg1[%get3A_302, %get3A_303, %get3A_304] : memref<27x512x128xf32, #tpu.memory_space<vmem>>, vector<1x512x128xf32>
    %get3A_306 = vector.shape_cast %get3A_305 : vector<1x512x128xf32> to vector<512x128xf32>
    %dot_general3A_307 = arith.constant dense<0.000000e+00> : vector<512x128xf32>
    %dot_general3A_308 = tpu.matmul %get3A_306, %get3A_301, %dot_general3A_307 {dimension_numbers = #tpu.dot_dimension_numbers<[1], [0], [0], [1], [0, 0, 1, 1], [], []>, transpose_lhs_hint = false} : vector<512x128xf32>, vector<128x128xf32>, vector<512x128xf32> -> vector<512x128xf32>
    %add3A_309 = arith.addf %add3A_296, %dot_general3A_308 : vector<512x128xf32>
    %get3A_310 = arith.constant 24 : index
    %get3A_311 = arith.constant 0 : index
    %get3A_312 = arith.constant 0 : index
    %get3A_313 = vector.load %arg2[%get3A_310, %get3A_311, %get3A_312] : memref<27x128x128xf32, #tpu.memory_space<vmem>>, vector<1x128x128xf32>
    %get3A_314 = vector.shape_cast %get3A_313 : vector<1x128x128xf32> to vector<128x128xf32>
    %get3A_315 = arith.constant 24 : index
    %get3A_316 = arith.constant 0 : index
    %get3A_317 = arith.constant 0 : index
    %get3A_318 = vector.load %arg1[%get3A_315, %get3A_316, %get3A_317] : memref<27x512x128xf32, #tpu.memory_space<vmem>>, vector<1x512x128xf32>
    %get3A_319 = vector.shape_cast %get3A_318 : vector<1x512x128xf32> to vector<512x128xf32>
    %dot_general3A_320 = arith.constant dense<0.000000e+00> : vector<512x128xf32>
    %dot_general3A_321 = tpu.matmul %get3A_319, %get3A_314, %dot_general3A_320 {dimension_numbers = #tpu.dot_dimension_numbers<[1], [0], [0], [1], [0, 0, 1, 1], [], []>, transpose_lhs_hint = false} : vector<512x128xf32>, vector<128x128xf32>, vector<512x128xf32> -> vector<512x128xf32>
    %add3A_322 = arith.addf %add3A_309, %dot_general3A_321 : vector<512x128xf32>
    %get3A_323 = arith.constant 25 : index
    %get3A_324 = arith.constant 0 : index
    %get3A_325 = arith.constant 0 : index
    %get3A_326 = vector.load %arg2[%get3A_323, %get3A_324, %get3A_325] : memref<27x128x128xf32, #tpu.memory_space<vmem>>, vector<1x128x128xf32>
    %get3A_327 = vector.shape_cast %get3A_326 : vector<1x128x128xf32> to vector<128x128xf32>
    %get3A_328 = arith.constant 25 : index
    %get3A_329 = arith.constant 0 : index
    %get3A_330 = arith.constant 0 : index
    %get3A_331 = vector.load %arg1[%get3A_328, %get3A_329, %get3A_330] : memref<27x512x128xf32, #tpu.memory_space<vmem>>, vector<1x512x128xf32>
    %get3A_332 = vector.shape_cast %get3A_331 : vector<1x512x128xf32> to vector<512x128xf32>
    %dot_general3A_333 = arith.constant dense<0.000000e+00> : vector<512x128xf32>
    %dot_general3A_334 = tpu.matmul %get3A_332, %get3A_327, %dot_general3A_333 {dimension_numbers = #tpu.dot_dimension_numbers<[1], [0], [0], [1], [0, 0, 1, 1], [], []>, transpose_lhs_hint = false} : vector<512x128xf32>, vector<128x128xf32>, vector<512x128xf32> -> vector<512x128xf32>
    %add3A_335 = arith.addf %add3A_322, %dot_general3A_334 : vector<512x128xf32>
    %get3A_336 = arith.constant 26 : index
    %get3A_337 = arith.constant 0 : index
    %get3A_338 = arith.constant 0 : index
    %get3A_339 = vector.load %arg2[%get3A_336, %get3A_337, %get3A_338] : memref<27x128x128xf32, #tpu.memory_space<vmem>>, vector<1x128x128xf32>
    %get3A_340 = vector.shape_cast %get3A_339 : vector<1x128x128xf32> to vector<128x128xf32>
    %get3A_341 = arith.constant 26 : index
    %get3A_342 = arith.constant 0 : index
    %get3A_343 = arith.constant 0 : index
    %get3A_344 = vector.load %arg1[%get3A_341, %get3A_342, %get3A_343] : memref<27x512x128xf32, #tpu.memory_space<vmem>>, vector<1x512x128xf32>
    %get3A_345 = vector.shape_cast %get3A_344 : vector<1x512x128xf32> to vector<512x128xf32>
    %dot_general3A_346 = arith.constant dense<0.000000e+00> : vector<512x128xf32>
    %dot_general3A_347 = tpu.matmul %get3A_345, %get3A_340, %dot_general3A_346 {dimension_numbers = #tpu.dot_dimension_numbers<[1], [0], [0], [1], [0, 0, 1, 1], [], []>, transpose_lhs_hint = false} : vector<512x128xf32>, vector<128x128xf32>, vector<512x128xf32> -> vector<512x128xf32>
    %add3A_348 = arith.addf %add3A_335, %dot_general3A_347 : vector<512x128xf32>
    %swap3A = arith.constant 0 : index
    %swap3A_349 = arith.constant 0 : index
    %swap3A_350 = vector.load %arg3[%swap3A, %swap3A_349] : memref<512x128xf32, #tpu.memory_space<vmem>>, vector<512x128xf32>
    tpu.vector_store %arg3[%swap3A, %swap3A_349], %add3A_348 {strides = array<i32>} : memref<512x128xf32, #tpu.memory_space<vmem>>, vector<512x128xf32>,
    return
  }
  func.func @transform_0(%arg0: i32) -> (i32, i32, i32) {
    %c0_i32 = arith.constant 0 : i32
    %c0_i32_0 = arith.constant 0 : i32
    %c0_i32_1 = arith.constant 0 : i32
    return %c0_i32, %arg0, %c0_i32_0 : i32, i32, i32
  }
  func.func @transform_1(%arg0: i32) -> (i32, i32, i32) {
    %c0_i32 = arith.constant 0 : i32
    %c0_i32_0 = arith.constant 0 : i32
    %c0_i32_1 = arith.constant 0 : i32
    %c0_i32_2 = arith.constant 0 : i32
    return %c0_i32, %c0_i32_0, %c0_i32_1 : i32, i32, i32
  }
  func.func @transform_2(%arg0: i32) -> (i32, i32) {
    %c0_i32 = arith.constant 0 : i32
    %c0_i32_0 = arith.constant 0 : i32
    return %arg0, %c0_i32 : i32, i32
  }
}

</mosaic_0001>

<sc_bundles>
// kernel: sc_conv1_gather.3.cloned.1.call-start
scs
__scs_entry_jumppad:
0x0: {  	(pc) =	sbr.rel $0x88, $3  }
0x1: {  	(tag) =	ssettag $0x0;
	lr =	simm.s32 $0x1  }
0x2: {  	[smem:$0x3F93] =	sst lr;
	_ =	strace $0xD0000000  }
0x3: {  	_ = 	snop  }
0x4: {  	_ = 	snop  }
0x5: {  	_ = 	snop  }
0x6: {  	_ = 	snop  }
0x7: {  	_ = 	snop  }
__scs_overlays_trampoline_lowered:
0x8: {  	[smem:$0x3FA2] =	sst s0  }
0x9: {  	[smem:$0x3FA3] =	sst s1  }
0xa: {  	[smem:$0x3FA4] =	sst s2  }
0xb: {  	[smem:$0x3FA5] =	sst s3  }
0xc: {  	[smem:$0x3FA6] =	sst s4  }
0xd: {  	[smem:$0x3FA7] =	sst s5  }
0xe: {  	[smem:$0x3FA8] =	sst s6  }
0xf: {  	[smem:$0x3FA9] =	sst s7  }
0x10: {  	[smem:$0x3FAA] =	sst s8  }
0x11: {  	[smem:$0x3FAB] =	sst s9;
	s0 =	simm.s32 @!p0 $0x0  }
0x12: {  	s1 =	sld [smem:$0x3F91];
	s0 =	simm.s32 @p0 $0x1  }
0x13: {  	[smem:$0x3FAC] =	sst s0;
	s0 =	simm.s32 @!p1 $0x0  }
0x14: {  	s2 =	sld [smem:$0x3F90];
	s0 =	simm.s32 @p1 $0x1  }
0x15: {  	[smem:$0x3FAD] =	sst s0;
	s0 =	simm.s32 @!p2 $0x0  }
0x16: {  	s3 =	sld [smem:$0x3FDB];
	s0 =	simm.s32 @p2 $0x1  }
0x17: {  	s4 =	simm.s32 $0x1BF5;
	[smem:$0x3FAF] =	sst s0  }
0x18: {  	s0 =	sld [smem:$0x3F92];
	_ =	swait.ge [sflag:s4], $0x0  }
0x19: {  	s7 =	sld [smem:$0x3F93]  }
0x1a: {  	s8 =	sadd.s32 $0xFFFFE003, lr  }
0x1b: {  	s9 =	sadd.s32 $0xFFFFFEF7, lr;
	s5 =	simm.s32 $0xFFFFFFFF;
	p2 =	slt.u32 s8, $0xFFFFF086  }
0x1c: {  	p1 =	slt.u32 s9, $0xF7A;
	s5 =	simm.s32 @!p2 $0x0  }
0x1d: {  	s5 =	simm.s32 @p1 $0x1;
	p0 =	seq.s32 s7, s2  }
0x1e: {  	s7 =	smul.u32 @!p0 $0xF7A, s2;
	p2 =	seq.s32 @!p0 s5, $0x0  }
0x1f: {  	s9 =	smul.u32 $0xF7A, s1;
	s8 =	simm.s32 @!p0 $0x1BF5;
	p2 =	por !p2, p0  }
0x20: {  	[sflag:s8] =	ssyncset.s32 @!p0 $0xFFFFF086;
	s6 =	sadd.s32 @!p0 s3, s7;
	s7 =	simm.s32 @!p0 $0x108  }
0x21: {  	s3 =	sadd.s32 s3, s9;
	s6 =	sadd.s32 @!p0 $0x88, s6;
	s7 =	simm.s32 @p2 $0x1082  }
0x22: {  	[simem:s7], [sflag:s8] =	dma.local @!p0 [hbm:s6], $0xF7A  }
0x23: {  	s9 =	sor.u32 $0xD0000000, s2;
	s6 =	simm.s32 $0x108;
	_ =	swait.ge @!p0 [sflag:s8], $0x0  }
0x24: {  	s3 =	sadd.s32 $0x88, s3;
	s6 =	simm.s32 @!p1 $0x1082;
	[sflag:s4] =	ssyncset.s32 $0xFFFFF086  }
0x25: {  	[simem:s6], [sflag:s4] =	dma.local [hbm:s3], $0xF7A  }
0x26: {  	[smem:$0x3F93] =	sst s1;
	(tag) =	ssettag s2;
	_ =	strace s9  }
0x27: {  	s1 =	sld [smem:$0x3FA3]  }
0x28: {  	s2 =	sld [smem:$0x3FA4]  }
0x29: {  	s4 =	sld [smem:$0x3FA6]  }
0x2a: {  	p0 =	seq.s32 s5, $0x0;
	s5 =	sld [smem:$0x3FA7]  }
0x2b: {  	s6 =	sld [smem:$0x3FA8]  }
0x2c: {  	s7 =	sld [smem:$0x3FA9]  }
0x2d: {  	s3 =	simm.s32 $0x108;
	s8 =	sld [smem:$0x3FAA]  }
0x2e: {  	s3 =	simm.s32 @!p0 $0x1082;
	s9 =	sld [smem:$0x3FAB]  }
0x2f: {  	lr =	sadd.s32 s0, s3;
	s0 =	sld [smem:$0x3FA2]  }
0x30: {  	s3 =	sld [smem:$0x3FA5]  }
0x31: {  	[smem:$0x3FAE] =	sst s10  }
0x32: {  	s10 =	sld [smem:$0x3FAC];
	_ =	sdelay $0x3  }
0x33: {  	p0 =	seq.s32 s10, $0x1;
	s10 =	sld [smem:$0x3FAE];
	_ =	sdelay $0x3  }
0x34: {  	[smem:$0x3FAE] =	sst s10  }
0x35: {  	s10 =	sld [smem:$0x3FAD];
	_ =	sdelay $0x3  }
0x36: {  	p1 =	seq.s32 s10, $0x1;
	s10 =	sld [smem:$0x3FAE];
	_ =	sdelay $0x3  }
0x37: {  	[smem:$0x3FAE] =	sst s10  }
0x38: {  	s10 =	sld [smem:$0x3FAF]  }
0x39: {  	_ = 	snop;
	(pc) =	sbr.ind lr, $3  }
0x3a: {  	_ = 	snop  }
0x3b: {  	_ = 	snop  }
0x3c: {  	p2 =	seq.s32 s10, $0x1;
	s10 =	sld [smem:$0x3FAE]  }
0x3d: {  	_ =	shalt  }
0x3e: {  	_ =	shalt  }
0x3f: {  	_ =	shalt  }
0x40: {  	_ =	shalt  }
0x41: {  	_ =	shalt  }
0x42: {  	_ =	shalt  }
0x43: {  	_ =	shalt  }
0x44: {  	_ =	shalt  }
0x45: {  	_ =	shalt  }
0x46: {  	_ =	shalt  }
0x47: {  	_ =	shalt  }
0x48: {  	_ =	shalt  }
0x49: {  	_ =	shalt  }
0x4a: {  	_ =	shalt  }
0x4b: {  	_ =	shalt  }
0x4c: {  	_ =	shalt  }
0x4d: {  	_ =	shalt  }
0x4e: {  	_ =	shalt  }
0x4f: {  	_ =	shalt  }
0x50: {  	_ =	shalt  }
0x51: {  	_ =	shalt  }
0x52: {  	_ =	shalt  }
0x53: {  	_ =	shalt  }
0x54: {  	_ =	shalt  }
0x55: {  	_ =	shalt  }
0x56: {  	_ =	shalt  }
0x57: {  	_ =	shalt  }
0x58: {  	_ =	shalt  }
0x59: {  	_ =	shalt  }
0x5a: {  	_ =	shalt  }
0x5b: {  	_ =	shalt  }
0x5c: {  	_ =	shalt  }
0x5d: {  	_ =	shalt  }
0x5e: {  	_ =	shalt  }
0x5f: {  	_ =	shalt  }
0x60: {  	_ =	shalt  }
0x61: {  	_ =	shalt  }
0x62: {  	_ =	shalt  }
0x63: {  	_ =	shalt  }
0x64: {  	_ =	shalt  }
0x65: {  	_ =	shalt  }
0x66: {  	_ =	shalt  }
0x67: {  	_ =	shalt  }
0x68: {  	_ =	shalt  }
0x69: {  	_ =	shalt  }
0x6a: {  	_ =	shalt  }
0x6b: {  	_ =	shalt  }
0x6c: {  	_ =	shalt  }
0x6d: {  	_ =	shalt  }
0x6e: {  	_ =	shalt  }
0x6f: {  	_ =	shalt  }
0x70: {  	_ =	shalt  }
0x71: {  	_ =	shalt  }
0x72: {  	_ =	shalt  }
0x73: {  	_ =	shalt  }
0x74: {  	_ =	shalt  }
0x75: {  	_ =	shalt  }
0x76: {  	_ =	shalt  }
0x77: {  	_ =	shalt  }
0x78: {  	_ =	shalt  }
0x79: {  	_ =	shalt  }
0x7a: {  	_ =	shalt  }
0x7b: {  	_ =	shalt  }
0x7c: {  	_ =	shalt  }
0x7d: {  	_ =	shalt  }
0x7e: {  	_ =	shalt  }
0x7f: {  	_ =	shalt  }
0x80: {  	_ =	shalt  }
0x81: {  	_ =	shalt  }
0x82: {  	_ =	shalt  }
0x83: {  	_ =	shalt  }
0x84: {  	_ =	shalt  }
0x85: {  	_ =	shalt  }
0x86: {  	_ =	shalt  }
0x87: {  	_ =	shalt  }
.Lfunc_end0:
.L_simem_size_0:
called_computation.1_lowered:
.L_overlay_start_0:
0x88: {  	s2 =	sld [smem:$0x3FD9]  }
0x89: {  	s3 =	sld [smem:$0x3FFE];
	_ =	sdelay $0x1  }
0x8a: {  	s1 =	srdreg.scid  }
0x8b: {  	s0 =	sand.u32 $0x1, s1  }
0x8c: {  	s17 =	sshll.u32 s0, $0xA;
	s2 =	sadd.s32 s3, s2  }
0x8d: {  	s2 =	sadd.s32 s2, s17  }
0x8e: {  	[smem:$0x3FBA] =	sst s2  }
0x8f: {  	_ = 	snop  }
0x90: {  	s2 =	sld [smem:$0x3FD0];
	(tm) =	ssettm $0x1  }
0x91: {  	s18 =	sld [smem:$0x3FFB];
	_ =	sdelay $0x3  }
0x92: {  	_ =	strace s18  }
0x93: {  	s3 =	sld [smem:$0x3FFC];
	_ =	sdelay $0x3  }
0x94: {  	_ =	strace s3  }
0x95: {  	s3 =	sld [smem:$0x3FFD];
	_ =	sdelay $0x3  }
0x96: {  	_ =	strace s3  }
0x97: {  	_ =	strace $0x8FFFFFFF  }
0x98: {  	s19 =	sld [smem:$0x3FDB];
	_ =	sdelay $0x1  }
0x99: {  	s4 =	simm.s32 $_scs_section_size  }
0x9a: {  	s5 =	simm.s32 $_size__tile_overlayer_lowered;
	s6 =	simm.s32 $_tile_overlayer_lowered  }
0x9b: {  	s22 =	simm.s32 $0x1BFF;
	s21 =	sshll.u32 s6, $0x1;
	s3 =	sadd.s32 s4, s19  }
0x9c: {  	s7 =	simm.s32 $0x0;
	s20 =	sshll.u32 s5, $0x1;
	s5 =	sadd.s32 s21, s3  }
0x9d: {  	[timem:s7], [sflag:s22] =	dma.local [hbm:s5], s20  }
0x9e: {  	_ =	swait.ge [sflag:s22], s20  }
0x9f: {  	s4 =	ssub.s32 $0x0, s20;
	[sflag:s22] =	ssyncset.done $0x0  }
0xa0: {  	[sflag:s22] =	ssyncadd.s32 s4;
	_ =	sdelay $0x1  }
0xa1: {  	s23 =	simm.s32 $0x1B8B  }
0xa2: {  	_ =	swait.ge [sflag:s23], $0x1  }
0xa3: {  	[sflag:s23] =	ssyncset.done $0x0  }
0xa4: {  	s25 =	simm.s32 $0x1B8E;
	s24 =	sld [smem:$0x3FFE];
	[sflag:s23] =	ssyncadd.s32 $0xFFFFFFFF  }
0xa5: {  	s26 =	simm.s32 $execute0_lowered;
	[smem:$0x3FD2] =	sst s25  }
0xa6: {  	s5 =	sshll.u32 s26, $0x1;
	_ =	strace $0x80000049;
	[dreg:$0x1] =	wrdreg $0xFFFFFFFF  }
0xa7: {  	s28 =	simm.s32 $_size_execute0_lowered;
	s3 =	sadd.s32 s3, s5;
	[dreg:$0x0] =	wrdreg $0x0  }
0xa8: {  	s5 =	sshll.u32 s28, $0x1;
	[dreg:$0x2] =	wrdreg s3  }
0xa9: {  	[dreg:$0x3] =	wrdreg s5  }
0xaa: {  	[dreg:$0x4] =	wrdreg $0xC0  }
0xab: {  	_ =	task [dreg:s7], $0x5FFFF  }
0xac: {  	[dreg:$0x1] =	wrdreg $0xFFFFFFFF  }
0xad: {  	[dreg:$0x0] =	wrdreg $0x60  }
0xae: {  	[dreg:$0x2] =	wrdreg s24  }
0xaf: {  	[dreg:$0x3] =	wrdreg s2  }
0xb0: {  	[dreg:$0x4] =	wrdreg $0x9  }
0xb1: {  	_ =	task.clear_ibuf [dreg:s7], $0x5FFFF;
	_ =	strace $0x90000049  }
0xb2: {  	s29 =	simm.s32 $0x9;
	_ =	strace $0x8000004B  }
0xb3: {  	_ =	swait.ge [sflag:s29], $0x1  }
0xb4: {  	[sflag:s29] =	ssyncadd.s32 $0xFFFFFFFF  }
0xb5: {  	_ =	strace $0x9000004B  }
0xb6: {  	_ =	sfence  }
0xb7: {  	s30 =	sld [smem:$0x0];
	_ =	sdelay $0x2  }
0xb8: {  	s31 =	sshll.u32 s1, $0xD;
	s1 =	sshrl.u32 s1, $0x2  }
0xb9: {  	s3 =	sand.u32 $0x4000, s31;
	s1 =	sadd.s32 s1, s30  }
0xba: {  	s0 =	sor.u32 s3, s0;
	s1 =	sshll.u32 s1, $0x11  }
0xbb: {  	s0 =	sor.u32 s1, s0  }
0xbc: {  	s0 =	sadd.s32 $0x8F2B, s0  }
0xbd: {  	[sflag:s0] =	ssyncadd.remote.s32 $0x1  }
0xbe: {  	_ =	sfence.sel $0xFFFF  }
0xbf: {  	[dreg:$0x0] =	wrdreg $0xFFFFFFFF;
	(pc) =	sbr.abs _section_cstart, $3  }
0xc0: {  	[dreg:$0x1] =	wrdreg $0xFFFFFFFF  }
0xc1: {  	_ =	task.clear_ibuf [dreg:s7], $0x2FFFF;
	_ =	strace $0x9FFFFFFF  }
0xc2: {  	(tm) =	ssettm $0x7FFFFFFF  }
0xc3: {  	_ =	shalt  }
tec
execute0_lowered:
.L_overlay_start_1:
0x0: {  	(tag) =	ssettag $0x1  }
0x1: {  	s0 =	rddreg [dreg:$0x0]  }
0x2: {  	s1 =	rddreg [dreg:$0x1];
	s3 =	srdreg.scid  }
0x3: {  	s8 =	stileid.u32;
	s2 =	simm.s32 $0x0;
	s14 =	simm.s32 $0x9  }
0x4: {  	s15 =	simm.s32 $0x50;
	s16 =	simm.s32 $0x2200;
	s17 =	simm.s32 $0x4A00  }
0x5: {  	s19 =	simm.s32 $0x7200;
	s28 =	simm.s32 $0x6;
	s29 =	simm.s32 $0x7  }
0x6: {  	s30 =	simm.s32 $0x8;
	s31 =	simm.s32 $0x0;
	s4 =	sand.u32 $0x1, s3  }
0x7: {  	s20 =	sshll.u32 s8, $0x1;
	[smem:$0x7FF] =	sst s2;
	s8 =	smul.u32 $0x14000, s8  }
0x8: {  	s5 =	sor.u32 s4, s20;
	s7 =	ssub.s32 $0x2, s4;
	s4 =	smul.u32 $0xA000, s4  }
0x9: {  	s3 =	sadd.s32 $0x3800, s0;
	s0 =	sadd.s32 $0x2B800, s0;
	s6 =	smul.u32 $0xA000, s5  }
0xa: {  	_ =	strace $0x8000004A;
	s5 =	smul.u32 $0x440, s5;
	s9 =	sshrl.u32 s7, $0x1  }
0xb: {  	s9 =	ssub.s32 s7, s9;
	s23 =	sadd.s32 s4, s8;
	s6 =	sshrl.u32 s6, $0x3  }
0xc: {  	s1 =	sadd.s32 s1, s5;
	s9 =	smax.u32 s9, $0x1;
	s4 =	sadd.s32 $0x7800, s23  }
0xd: {  	s24 =	sadd.s32 $0x5000, s23;
	s11 =	sadd.s32 $0x2800, s23;
	s10 =	sadd.s32 s0, s6  }
0xe: {  	[dreg:$0x3] =	wrdreg s1;
	s4 =	sshrl.u32 s4, $0x3;
	s25 =	sshrl.u32 s24, $0x3  }
0xf: {  	s26 =	sshrl.u32 s11, $0x3;
	s1 =	sshrl.u32 s23, $0x3;
	s23 =	simm.s32 $0x2  }
0x10: {  	s24 =	simm.s32 $0x3;
	s21 =	sadd.s32 $0x410000, s10;
	s22 =	sadd.s32 $0x410500, s10  }
0x11: {  	s7 =	sadd.s32 $0x410A00, s10;
	s8 =	sadd.s32 $0x410F00, s10;
	s10 =	sadd.s32 s4, s0  }
0x12: {  	s11 =	sadd.s32 s25, s0;
	s12 =	sadd.s32 s26, s0;
	s13 =	sadd.s32 s1, s0  }
0x13: {  	s25 =	simm.s32 $0x4;
	s26 =	simm.s32 $0x5;
	[dreg:$0x4] =	wrdreg s21  }
0x14: {  	[dreg:$0x5] =	wrdreg s22;
	s21 =	simm.s32 $0x9A00;
	s22 =	simm.s32 $0x1  }
.LBB2_1:
0x15: {  	s0 =	rddreg [dreg:$0x3]  }
0x16: {  	[tilespmem:s2], [sflag:$0x9] =	stream.linear.gather [hbm4b:s0+s2], $0x2200, $0x38;
	[tilespmem:$0xC200] =	vst v63  }
0x17: {  	_ =	swait.ge [sflag:s14], $0x2200  }
0x18: {  	[sflag:s14] =	ssyncset.done $0x0  }
0x19: {  	[sflag:s14] =	ssyncadd.s32 $0xFFFFDE00  }
0x1a: {  	[tilespmem:s16], [sflag:$0x1] =	stream.indirect.gather [hbm4b:s3+s15], $0x80, s2, s15, $0xb8;
	[tilespmem:$0xC200] =	vst v63  }
0x1b: {  	_ = 	snop  }
0x1c: {  	[tilespmem:s17], [sflag:$0x2] =	stream.indirect.gather [hbm4b:s3+s15], $0x80, s15, s15, $0xb8;
	[tilespmem:$0xC200] =	vst v63  }
0x1d: {  	s4 =	simm.s32 $0xA0  }
0x1e: {  	[tilespmem:s19], [sflag:$0x3] =	stream.indirect.gather [hbm4b:s3+s15], $0x80, s4, s15, $0xb8;
	[tilespmem:$0xC200] =	vst v63  }
0x1f: {  	s5 =	simm.s32 $0xF0  }
0x20: {  	[tilespmem:s21], [sflag:$0x4] =	stream.indirect.gather [hbm4b:s3+s15], $0x80, s5, s15, $0xb8;
	[tilespmem:$0xC200] =	vst v63  }
0x21: {  	_ =	swait.ge [sflag:s22], $0x2800  }
0x22: {  	[sflag:s22] =	ssyncset.done $0x0  }
0x23: {  	[sflag:s22] =	ssyncadd.s32 $0xFFFFD800  }
0x24: {  	[hbm4b:s13+s2] =	stream.linear.scatter [tilespmem:s16], [sflag:$0x5], $0x2800, $0x38;
	[tilespmem:$0xC200] =	vst v63  }
0x25: {  	_ =	swait.ge [sflag:s23], $0x2800  }
0x26: {  	[sflag:s23] =	ssyncset.done $0x0  }
0x27: {  	[sflag:s23] =	ssyncadd.s32 $0xFFFFD800  }
0x28: {  	[hbm4b:s12+s2] =	stream.linear.scatter [tilespmem:s17], [sflag:$0x6], $0x2800, $0x38;
	[tilespmem:$0xC200] =	vst v63  }
0x29: {  	_ =	swait.ge [sflag:s24], $0x2800  }
0x2a: {  	[sflag:s24] =	ssyncset.done $0x0  }
0x2b: {  	[sflag:s24] =	ssyncadd.s32 $0xFFFFD800  }
0x2c: {  	[hbm4b:s11+s2] =	stream.linear.scatter [tilespmem:s19], [sflag:$0x7], $0x2800, $0x38;
	[tilespmem:$0xC200] =	vst v63  }
0x2d: {  	_ =	swait.ge [sflag:s25], $0x2800  }
0x2e: {  	[sflag:s25] =	ssyncset.done $0x0  }
0x2f: {  	[sflag:s25] =	ssyncadd.s32 $0xFFFFD800  }
0x30: {  	[hbm4b:s10+s2] =	stream.linear.scatter [tilespmem:s21], [sflag:$0x8], $0x2800, $0x38;
	[tilespmem:$0xC200] =	vst v63  }
0x31: {  	_ =	swait.ge [sflag:s26], $0x2800  }
0x32: {  	[sflag:s26] =	ssyncset.done $0x0  }
0x33: {  	s6 =	simm.s32 $0x140;
	[sflag:s26] =	ssyncadd.s32 $0xFFFFD800  }
0x34: {  	[tilespmem:s16], [sflag:$0x1] =	stream.indirect.gather [hbm4b:s3+s15], $0x80, s6, s15, $0xb8;
	[tilespmem:$0xC200] =	vst v63  }
0x35: {  	_ =	swait.ge [sflag:s28], $0x2800  }
0x36: {  	[sflag:s28] =	ssyncset.done $0x0  }
0x37: {  	s18 =	simm.s32 $0x190;
	[sflag:s28] =	ssyncadd.s32 $0xFFFFD800  }
0x38: {  	[tilespmem:s17], [sflag:$0x2] =	stream.indirect.gather [hbm4b:s3+s15], $0x80, s18, s15, $0xb8;
	[tilespmem:$0xC200] =	vst v63  }
0x39: {  	_ =	swait.ge [sflag:s29], $0x2800  }
0x3a: {  	[sflag:s29] =	ssyncset.done $0x0  }
0x3b: {  	s20 =	simm.s32 $0x1E0;
	[sflag:s29] =	ssyncadd.s32 $0xFFFFD800  }
0x3c: {  	[tilespmem:s19], [sflag:$0x3] =	stream.indirect.gather [hbm4b:s3+s15], $0x80, s20, s15, $0xb8;
	[tilespmem:$0xC200] =	vst v63  }
0x3d: {  	s1 =	sadd.s32 $0x28000, s13;
	s0 =	simm.s32 $0x500;
	_ =	swait.ge [sflag:s30], $0x2800  }
0x3e: {  	s4 =	sadd.s32 $0x28000, s10;
	s5 =	simm.s32 $0x230;
	[sflag:s30] =	ssyncset.done $0x0  }
0x3f: {  	s18 =	sadd.s32 $0x28000, s11;
	s20 =	sadd.s32 $0x28000, s12;
	[sflag:s30] =	ssyncadd.s32 $0xFFFFD800  }
.LBB2_2:
0x40: {  	[tilespmem:s21], [sflag:$0x4] =	stream.indirect.gather [hbm4b:s3+s15], $0x80, s5, s15, $0xb8;
	[tilespmem:$0xC200] =	vst v63  }
0x41: {  	s5 =	smov.u32 s0  }
0x42: {  	p0 =	sne.s32 s0, $0x7D00;
	s0 =	sadd.s32 $0x500, s0;
	_ =	swait.ge [sflag:s22], $0x2800  }
0x43: {  	[sflag:s22] =	ssyncset.done $0x0  }
0x44: {  	[sflag:s22] =	ssyncadd.s32 $0xFFFFD800  }
0x45: {  	[hbm4b:s1+s2] =	stream.linear.scatter [tilespmem:s16], [sflag:$0x5], $0x2800, $0x38;
	[tilespmem:$0xC200] =	vst v63  }
0x46: {  	_ =	swait.ge [sflag:s23], $0x2800  }
0x47: {  	[sflag:s23] =	ssyncset.done $0x0  }
0x48: {  	[sflag:s23] =	ssyncadd.s32 $0xFFFFD800  }
0x49: {  	[hbm4b:s20+s2] =	stream.linear.scatter [tilespmem:s17], [sflag:$0x6], $0x2800, $0x38;
	[tilespmem:$0xC200] =	vst v63  }
0x4a: {  	_ =	swait.ge [sflag:s24], $0x2800  }
0x4b: {  	[sflag:s24] =	ssyncset.done $0x0  }
0x4c: {  	[sflag:s24] =	ssyncadd.s32 $0xFFFFD800  }
0x4d: {  	[hbm4b:s18+s2] =	stream.linear.scatter [tilespmem:s19], [sflag:$0x7], $0x2800, $0x38;
	[tilespmem:$0xC200] =	vst v63  }
0x4e: {  	_ =	swait.ge [sflag:s25], $0x2800  }
0x4f: {  	[sflag:s25] =	ssyncset.done $0x0  }
0x50: {  	[sflag:s25] =	ssyncadd.s32 $0xFFFFD800  }
0x51: {  	[hbm4b:s4+s2] =	stream.linear.scatter [tilespmem:s21], [sflag:$0x8], $0x2800, $0x38;
	[tilespmem:$0xC200] =	vst v63  }
0x52: {  	_ =	swait.ge [sflag:s26], $0x2800  }
0x53: {  	s5 =	sshra.s32 s5, $0x2;
	[sflag:s26] =	ssyncset.done $0x0  }
0x54: {  	s6 =	sadd.s32 $0x140, s5;
	[sflag:s26] =	ssyncadd.s32 $0xFFFFD800  }
0x55: {  	[tilespmem:s16], [sflag:$0x1] =	stream.indirect.gather [hbm4b:s3+s15], $0x80, s6, s15, $0xb8;
	[tilespmem:$0xC200] =	vst v63  }
0x56: {  	_ =	swait.ge [sflag:s28], $0x2800  }
0x57: {  	[sflag:s28] =	ssyncset.done $0x0  }
0x58: {  	s6 =	sadd.s32 $0x190, s5;
	[sflag:s28] =	ssyncadd.s32 $0xFFFFD800  }
0x59: {  	[tilespmem:s17], [sflag:$0x2] =	stream.indirect.gather [hbm4b:s3+s15], $0x80, s6, s15, $0xb8;
	[tilespmem:$0xC200] =	vst v63  }
0x5a: {  	_ =	swait.ge [sflag:s29], $0x2800  }
0x5b: {  	[sflag:s29] =	ssyncset.done $0x0  }
.Ltmp0:
0x5c: {  	s6 =	sadd.s32 $0x1E0, s5;
	[sflag:s29] =	ssyncadd.s32 $0xFFFFD800;
	(pc) =	sbr.rel @p0 .LBB2_2-.Ltmp0, $4  }
0x5d: {  	[tilespmem:s19], [sflag:$0x3] =	stream.indirect.gather [hbm4b:s3+s15], $0x80, s6, s15, $0xb8;
	[tilespmem:$0xC200] =	vst v63  }
0x5e: {  	s1 =	sadd.s32 $0x28000, s1;
	_ =	swait.ge [sflag:s30], $0x2800  }
0x5f: {  	s20 =	sadd.s32 $0x28000, s20;
	s18 =	sadd.s32 $0x28000, s18;
	[sflag:s30] =	ssyncset.done $0x0  }
0x60: {  	s4 =	sadd.s32 $0x28000, s4;
	s5 =	sadd.s32 $0x230, s5;
	[sflag:s30] =	ssyncadd.s32 $0xFFFFD800  }
0x61: {  	[tilespmem:s21], [sflag:$0x4] =	stream.indirect.gather [hbm4b:s3+s15], $0x80, s5, s15, $0xb8;
	[tilespmem:$0xC200] =	vst v63  }
0x62: {  	_ =	swait.ge [sflag:s22], $0x2800  }
0x63: {  	[sflag:s22] =	ssyncset.done $0x0  }
0x64: {  	s0 =	rddreg [dreg:$0x4];
	[sflag:s22] =	ssyncadd.s32 $0xFFFFD800  }
0x65: {  	[hbm4b:s0+s2] =	stream.linear.scatter [tilespmem:s16], [sflag:$0x5], $0x2800, $0x38;
	[tilespmem:$0xC200] =	vst v63  }
0x66: {  	_ =	swait.ge [sflag:s23], $0x2800  }
0x67: {  	[sflag:s23] =	ssyncset.done $0x0  }
0x68: {  	s20 =	rddreg [dreg:$0x5];
	[sflag:s23] =	ssyncadd.s32 $0xFFFFD800  }
0x69: {  	[hbm4b:s20+s2] =	stream.linear.scatter [tilespmem:s17], [sflag:$0x6], $0x2800, $0x38;
	[tilespmem:$0xC200] =	vst v63  }
0x6a: {  	_ =	swait.ge [sflag:s24], $0x2800  }
0x6b: {  	[sflag:s24] =	ssyncset.done $0x0  }
0x6c: {  	[sflag:s24] =	ssyncadd.s32 $0xFFFFD800  }
0x6d: {  	[hbm4b:s7+s2] =	stream.linear.scatter [tilespmem:s19], [sflag:$0x7], $0x2800, $0x38;
	[tilespmem:$0xC200] =	vst v63  }
0x6e: {  	_ =	swait.ge [sflag:s25], $0x2800  }
0x6f: {  	[sflag:s25] =	ssyncset.done $0x0  }
0x70: {  	[sflag:s25] =	ssyncadd.s32 $0xFFFFD800  }
0x71: {  	[hbm4b:s8+s2] =	stream.linear.scatter [tilespmem:s21], [sflag:$0x8], $0x2800, $0x38;
	[tilespmem:$0xC200] =	vst v63  }
0x72: {  	_ =	swait.ge [sflag:s26], $0x2800  }
0x73: {  	[sflag:s26] =	ssyncset.done $0x0  }
0x74: {  	[sflag:s26] =	ssyncadd.s32 $0xFFFFD800  }
0x75: {  	_ =	swait.ge [sflag:s28], $0x2800  }
0x76: {  	[sflag:s28] =	ssyncset.done $0x0  }
0x77: {  	s31 =	sadd.s32 $0x1, s31;
	[sflag:s28] =	ssyncadd.s32 $0xFFFFD800  }
0x78: {  	p0 =	sne.s32 s31, s9;
	_ =	swait.ge [sflag:s29], $0x2800  }
.Ltmp1:
0x79: {  	[sflag:s29] =	ssyncset.done $0x0;
	(pc) =	sbr.rel @p0 .LBB2_1-.Ltmp1, $4  }
0x7a: {  	[sflag:s29] =	ssyncadd.s32 $0xFFFFD800  }
0x7b: {  	_ =	swait.ge [sflag:s30], $0x2800  }
0x7c: {  	[sflag:s30] =	ssyncset.done $0x0  }
0x7d: {  	[sflag:s30] =	ssyncadd.s32 $0xFFFFD800  }
0x7e: {  	_ =	sfence.sel $0x180000  }
0x7f: {  	[bflag:$0x0] =	sbarrier.arrive $0xFFFF  }
0x80: {  	_ =	strace $0x9000004A  }
0x81: {  	s0 =	stileid.u32;
	[bflag:$0x2] =	sbarrier.arrive $0xFFFF  }
0x82: {  	p0 =	sne.s32 s0, $0x0;
	s0 =	rddreg [dreg:$0x2]  }
0x83: {  	s0 =	sadd.s32 @!p0 $0x100000, s0  }
0x84: {  	[sflag:s0] =	ssyncadd.tile.s32 @!p0 $0x1;
	_ =	shalt  }
.Lfunc_end2:
_tile_overlayer_lowered:
.L_overlay_start_2:
0x85: {  	(tag) =	ssettag $0x2  }
0x86: {  	s0 =	rddreg [dreg:$0x0];
	s2 =	stileid.u32  }
0x87: {  	s1 =	rddreg [dreg:$0x1];
	p0 =	sne.s32 s2, $0x0  }
0x88: {  	s3 =	rddreg [dreg:$0x2];
	[bflag:$0x3] =	sbarrier.arrive $0xFFFF;
	s2 =	simm.s32 @!p0 $0x1C09  }
0x89: {  	[timem:s3], [sflag:s2] =	dma.local @!p0 [hbm:s0], s1  }
0x8a: {  	s0 =	simm.s32 @!p0 $0x9  }
0x8b: {  	_ =	swait.ge @!p0 [sflag:s0], s1  }
0x8c: {  	s1 =	ssub.s32 @!p0 $0x0, s1;
	[sflag:s0] =	ssyncset.done @!p0 $0x0  }
0x8d: {  	[sflag:s0] =	ssyncadd.s32 @!p0 s1  }
0x8e: {  	[bflag:$0x3] =	sbarrier.arrive $0xFFFF  }
0x8f: {  	_ =	shalt  }

// kernel: sc_conv2_gather.3.cloned.1.call-start
scs
__scs_entry_jumppad:
0x0: {  	(pc) =	sbr.rel $0x88, $3  }
0x1: {  	(tag) =	ssettag $0x0;
	lr =	simm.s32 $0x1  }
0x2: {  	[smem:$0x3F93] =	sst lr;
	_ =	strace $0xD0000000  }
0x3: {  	_ = 	snop  }
0x4: {  	_ = 	snop  }
0x5: {  	_ = 	snop  }
0x6: {  	_ = 	snop  }
0x7: {  	_ = 	snop  }
__scs_overlays_trampoline_lowered:
0x8: {  	[smem:$0x3FA2] =	sst s0  }
0x9: {  	[smem:$0x3FA3] =	sst s1  }
0xa: {  	[smem:$0x3FA4] =	sst s2  }
0xb: {  	[smem:$0x3FA5] =	sst s3  }
0xc: {  	[smem:$0x3FA6] =	sst s4  }
0xd: {  	[smem:$0x3FA7] =	sst s5  }
0xe: {  	[smem:$0x3FA8] =	sst s6  }
0xf: {  	[smem:$0x3FA9] =	sst s7  }
0x10: {  	[smem:$0x3FAA] =	sst s8  }
0x11: {  	[smem:$0x3FAB] =	sst s9;
	s0 =	simm.s32 @!p0 $0x0  }
0x12: {  	s1 =	sld [smem:$0x3F91];
	s0 =	simm.s32 @p0 $0x1  }
0x13: {  	[smem:$0x3FAC] =	sst s0;
	s0 =	simm.s32 @!p1 $0x0  }
0x14: {  	s2 =	sld [smem:$0x3F90];
	s0 =	simm.s32 @p1 $0x1  }
0x15: {  	[smem:$0x3FAD] =	sst s0;
	s0 =	simm.s32 @!p2 $0x0  }
0x16: {  	s3 =	sld [smem:$0x3FDB];
	s0 =	simm.s32 @p2 $0x1  }
0x17: {  	s4 =	simm.s32 $0x1BF5;
	[smem:$0x3FAF] =	sst s0  }
0x18: {  	s0 =	sld [smem:$0x3F92];
	_ =	swait.ge [sflag:s4], $0x0  }
0x19: {  	s7 =	sld [smem:$0x3F93]  }
0x1a: {  	s8 =	sadd.s32 $0xFFFFE003, lr  }
0x1b: {  	s9 =	sadd.s32 $0xFFFFFEF7, lr;
	s5 =	simm.s32 $0xFFFFFFFF;
	p2 =	slt.u32 s8, $0xFFFFF086  }
0x1c: {  	p1 =	slt.u32 s9, $0xF7A;
	s5 =	simm.s32 @!p2 $0x0  }
0x1d: {  	s5 =	simm.s32 @p1 $0x1;
	p0 =	seq.s32 s7, s2  }
0x1e: {  	s7 =	smul.u32 @!p0 $0xF7A, s2;
	p2 =	seq.s32 @!p0 s5, $0x0  }
0x1f: {  	s9 =	smul.u32 $0xF7A, s1;
	s8 =	simm.s32 @!p0 $0x1BF5;
	p2 =	por !p2, p0  }
0x20: {  	[sflag:s8] =	ssyncset.s32 @!p0 $0xFFFFF086;
	s6 =	sadd.s32 @!p0 s3, s7;
	s7 =	simm.s32 @!p0 $0x108  }
0x21: {  	s3 =	sadd.s32 s3, s9;
	s6 =	sadd.s32 @!p0 $0x88, s6;
	s7 =	simm.s32 @p2 $0x1082  }
0x22: {  	[simem:s7], [sflag:s8] =	dma.local @!p0 [hbm:s6], $0xF7A  }
0x23: {  	s9 =	sor.u32 $0xD0000000, s2;
	s6 =	simm.s32 $0x108;
	_ =	swait.ge @!p0 [sflag:s8], $0x0  }
0x24: {  	s3 =	sadd.s32 $0x88, s3;
	s6 =	simm.s32 @!p1 $0x1082;
	[sflag:s4] =	ssyncset.s32 $0xFFFFF086  }
0x25: {  	[simem:s6], [sflag:s4] =	dma.local [hbm:s3], $0xF7A  }
0x26: {  	[smem:$0x3F93] =	sst s1;
	(tag) =	ssettag s2;
	_ =	strace s9  }
0x27: {  	s1 =	sld [smem:$0x3FA3]  }
0x28: {  	s2 =	sld [smem:$0x3FA4]  }
0x29: {  	s4 =	sld [smem:$0x3FA6]  }
0x2a: {  	p0 =	seq.s32 s5, $0x0;
	s5 =	sld [smem:$0x3FA7]  }
0x2b: {  	s6 =	sld [smem:$0x3FA8]  }
0x2c: {  	s7 =	sld [smem:$0x3FA9]  }
0x2d: {  	s3 =	simm.s32 $0x108;
	s8 =	sld [smem:$0x3FAA]  }
0x2e: {  	s3 =	simm.s32 @!p0 $0x1082;
	s9 =	sld [smem:$0x3FAB]  }
0x2f: {  	lr =	sadd.s32 s0, s3;
	s0 =	sld [smem:$0x3FA2]  }
0x30: {  	s3 =	sld [smem:$0x3FA5]  }
0x31: {  	[smem:$0x3FAE] =	sst s10  }
0x32: {  	s10 =	sld [smem:$0x3FAC];
	_ =	sdelay $0x3  }
0x33: {  	p0 =	seq.s32 s10, $0x1;
	s10 =	sld [smem:$0x3FAE];
	_ =	sdelay $0x3  }
0x34: {  	[smem:$0x3FAE] =	sst s10  }
0x35: {  	s10 =	sld [smem:$0x3FAD];
	_ =	sdelay $0x3  }
0x36: {  	p1 =	seq.s32 s10, $0x1;
	s10 =	sld [smem:$0x3FAE];
	_ =	sdelay $0x3  }
0x37: {  	[smem:$0x3FAE] =	sst s10  }
0x38: {  	s10 =	sld [smem:$0x3FAF]  }
0x39: {  	_ = 	snop;
	(pc) =	sbr.ind lr, $3  }
0x3a: {  	_ = 	snop  }
0x3b: {  	_ = 	snop  }
0x3c: {  	p2 =	seq.s32 s10, $0x1;
	s10 =	sld [smem:$0x3FAE]  }
0x3d: {  	_ =	shalt  }
0x3e: {  	_ =	shalt  }
0x3f: {  	_ =	shalt  }
0x40: {  	_ =	shalt  }
0x41: {  	_ =	shalt  }
0x42: {  	_ =	shalt  }
0x43: {  	_ =	shalt  }
0x44: {  	_ =	shalt  }
0x45: {  	_ =	shalt  }
0x46: {  	_ =	shalt  }
0x47: {  	_ =	shalt  }
0x48: {  	_ =	shalt  }
0x49: {  	_ =	shalt  }
0x4a: {  	_ =	shalt  }
0x4b: {  	_ =	shalt  }
0x4c: {  	_ =	shalt  }
0x4d: {  	_ =	shalt  }
0x4e: {  	_ =	shalt  }
0x4f: {  	_ =	shalt  }
0x50: {  	_ =	shalt  }
0x51: {  	_ =	shalt  }
0x52: {  	_ =	shalt  }
0x53: {  	_ =	shalt  }
0x54: {  	_ =	shalt  }
0x55: {  	_ =	shalt  }
0x56: {  	_ =	shalt  }
0x57: {  	_ =	shalt  }
0x58: {  	_ =	shalt  }
0x59: {  	_ =	shalt  }
0x5a: {  	_ =	shalt  }
0x5b: {  	_ =	shalt  }
0x5c: {  	_ =	shalt  }
0x5d: {  	_ =	shalt  }
0x5e: {  	_ =	shalt  }
0x5f: {  	_ =	shalt  }
0x60: {  	_ =	shalt  }
0x61: {  	_ =	shalt  }
0x62: {  	_ =	shalt  }
0x63: {  	_ =	shalt  }
0x64: {  	_ =	shalt  }
0x65: {  	_ =	shalt  }
0x66: {  	_ =	shalt  }
0x67: {  	_ =	shalt  }
0x68: {  	_ =	shalt  }
0x69: {  	_ =	shalt  }
0x6a: {  	_ =	shalt  }
0x6b: {  	_ =	shalt  }
0x6c: {  	_ =	shalt  }
0x6d: {  	_ =	shalt  }
0x6e: {  	_ =	shalt  }
0x6f: {  	_ =	shalt  }
0x70: {  	_ =	shalt  }
0x71: {  	_ =	shalt  }
0x72: {  	_ =	shalt  }
0x73: {  	_ =	shalt  }
0x74: {  	_ =	shalt  }
0x75: {  	_ =	shalt  }
0x76: {  	_ =	shalt  }
0x77: {  	_ =	shalt  }
0x78: {  	_ =	shalt  }
0x79: {  	_ =	shalt  }
0x7a: {  	_ =	shalt  }
0x7b: {  	_ =	shalt  }
0x7c: {  	_ =	shalt  }
0x7d: {  	_ =	shalt  }
0x7e: {  	_ =	shalt  }
0x7f: {  	_ =	shalt  }
0x80: {  	_ =	shalt  }
0x81: {  	_ =	shalt  }
0x82: {  	_ =	shalt  }
0x83: {  	_ =	shalt  }
0x84: {  	_ =	shalt  }
0x85: {  	_ =	shalt  }
0x86: {  	_ =	shalt  }
0x87: {  	_ =	shalt  }
.Lfunc_end0:
.L_simem_size_0:
called_computation.2_lowered:
.L_overlay_start_0:
0x88: {  	s2 =	sld [smem:$0x3FD9]  }
0x89: {  	s3 =	sld [smem:$0x3FFE];
	_ =	sdelay $0x1  }
0x8a: {  	s1 =	srdreg.scid  }
0x8b: {  	s0 =	sand.u32 $0x1, s1  }
0x8c: {  	s16 =	sshll.u32 s0, $0xA;
	s2 =	sadd.s32 s3, s2  }
0x8d: {  	s2 =	sadd.s32 s2, s16  }
0x8e: {  	[smem:$0x3FBA] =	sst s2  }
0x8f: {  	_ = 	snop  }
0x90: {  	(tm) =	ssettm $0x1  }
0x91: {  	s17 =	sld [smem:$0x3FFB];
	_ =	sdelay $0x3  }
0x92: {  	_ =	strace s17  }
0x93: {  	s2 =	sld [smem:$0x3FFC];
	_ =	sdelay $0x3  }
0x94: {  	_ =	strace s2  }
0x95: {  	s2 =	sld [smem:$0x3FFD];
	_ =	sdelay $0x3  }
0x96: {  	_ =	strace s2  }
0x97: {  	_ =	strace $0x8FFFFFFF  }
0x98: {  	s18 =	sld [smem:$0x3FDB];
	_ =	sdelay $0x1  }
0x99: {  	s19 =	simm.s32 $_scs_section_size  }
0x9a: {  	s4 =	simm.s32 $_size__tile_overlayer_lowered;
	s5 =	simm.s32 $_tile_overlayer_lowered  }
0x9b: {  	s22 =	simm.s32 $0x1BFF;
	s21 =	sshll.u32 s5, $0x1;
	s2 =	sadd.s32 s19, s18  }
0x9c: {  	s6 =	simm.s32 $0x0;
	s20 =	sshll.u32 s4, $0x1;
	s4 =	sadd.s32 s21, s2  }
0x9d: {  	[timem:s6], [sflag:s22] =	dma.local [hbm:s4], s20  }
0x9e: {  	_ =	swait.ge [sflag:s22], s20  }
0x9f: {  	s3 =	ssub.s32 $0x0, s20;
	[sflag:s22] =	ssyncset.done $0x0  }
0xa0: {  	[sflag:s22] =	ssyncadd.s32 s3;
	_ =	sdelay $0x1  }
0xa1: {  	s23 =	simm.s32 $0x1B8B  }
0xa2: {  	_ =	swait.ge [sflag:s23], $0x1  }
0xa3: {  	[sflag:s23] =	ssyncset.done $0x0  }
0xa4: {  	s25 =	simm.s32 $0x1B8E;
	s24 =	sld [smem:$0x3FFE];
	[sflag:s23] =	ssyncadd.s32 $0xFFFFFFFF  }
0xa5: {  	s26 =	simm.s32 $execute0_lowered;
	[smem:$0x3FD2] =	sst s25  }
0xa6: {  	s4 =	sshll.u32 s26, $0x1;
	_ =	strace $0x8000004C;
	[dreg:$0x1] =	wrdreg $0xFFFFFFFF  }
0xa7: {  	s28 =	simm.s32 $_size_execute0_lowered;
	s2 =	sadd.s32 s2, s4;
	[dreg:$0x0] =	wrdreg $0x0  }
0xa8: {  	s4 =	sshll.u32 s28, $0x1;
	[dreg:$0x2] =	wrdreg s2  }
0xa9: {  	[dreg:$0x3] =	wrdreg s4  }
0xaa: {  	[dreg:$0x4] =	wrdreg $0xC0  }
0xab: {  	_ =	task [dreg:s6], $0x5FFFF  }
0xac: {  	[dreg:$0x1] =	wrdreg $0xFFFFFFFF  }
0xad: {  	[dreg:$0x0] =	wrdreg $0x60  }
0xae: {  	[dreg:$0x2] =	wrdreg s24  }
0xaf: {  	[dreg:$0x3] =	wrdreg $0x9  }
0xb0: {  	_ =	task.clear_ibuf [dreg:s6], $0x4FFFF;
	_ =	strace $0x9000004C  }
0xb1: {  	s29 =	simm.s32 $0x9;
	_ =	strace $0x8000004E  }
0xb2: {  	_ =	swait.ge [sflag:s29], $0x1  }
0xb3: {  	[sflag:s29] =	ssyncadd.s32 $0xFFFFFFFF  }
0xb4: {  	_ =	strace $0x9000004E  }
0xb5: {  	_ =	sfence  }
0xb6: {  	s30 =	sld [smem:$0x0];
	_ =	sdelay $0x2  }
0xb7: {  	s31 =	sshll.u32 s1, $0xD;
	s1 =	sshrl.u32 s1, $0x2  }
0xb8: {  	s3 =	sand.u32 $0x4000, s31;
	s1 =	sadd.s32 s1, s30  }
0xb9: {  	s0 =	sor.u32 s3, s0;
	s1 =	sshll.u32 s1, $0x11  }
0xba: {  	s0 =	sor.u32 s1, s0  }
0xbb: {  	s0 =	sadd.s32 $0x8F2B, s0  }
0xbc: {  	[sflag:s0] =	ssyncadd.remote.s32 $0x1  }
0xbd: {  	_ =	sfence.sel $0xFFFF  }
0xbe: {  	[dreg:$0x0] =	wrdreg $0xFFFFFFFF;
	(pc) =	sbr.abs _section_cstart, $3  }
0xbf: {  	[dreg:$0x1] =	wrdreg $0xFFFFFFFF  }
0xc0: {  	_ =	task.clear_ibuf [dreg:s6], $0x2FFFF;
	_ =	strace $0x9FFFFFFF  }
0xc1: {  	(tm) =	ssettm $0x7FFFFFFF  }
tec
execute0_lowered:
.L_overlay_start_1:
0x0: {  	(tag) =	ssettag $0x1  }
0x1: {  	s0 =	srdreg.scid  }
0x2: {  	s7 =	stileid.u32;
	s1 =	rddreg [dreg:$0x0]  }
0x3: {  	s2 =	simm.s32 $0x0;
	s14 =	simm.s32 $0x9;
	s15 =	simm.s32 $0x50  }
0x4: {  	s16 =	simm.s32 $0x2200;
	s17 =	simm.s32 $0x4A00;
	s19 =	simm.s32 $0x7200  }
0x5: {  	s28 =	simm.s32 $0x6;
	s29 =	simm.s32 $0x7;
	s30 =	simm.s32 $0x8  }
0x6: {  	s0 =	sand.u32 $0x1, s0;
	s3 =	sshll.u32 s7, $0x1;
	s8 =	smul.u32 $0x14000, s7  }
0x7: {  	s3 =	sor.u32 s0, s3;
	s6 =	ssub.s32 $0x2, s0;
	s0 =	smul.u32 $0xA000, s0  }
0x8: {  	s31 =	simm.s32 $0x0;
	[smem:$0x7FF] =	sst s2;
	s4 =	smul.u32 $0x440, s3  }
0x9: {  	_ =	strace $0x8000004D;
	s5 =	smul.u32 $0xA000, s3;
	s20 =	sshrl.u32 s6, $0x1  }
0xa: {  	s3 =	sadd.s32 $0x3800, s1;
	s9 =	ssub.s32 s6, s20;
	s0 =	sadd.s32 s0, s8  }
0xb: {  	s4 =	sadd.s32 s4, s1;
	s1 =	sadd.s32 $0x2B800, s1;
	s5 =	sshrl.u32 s5, $0x3  }
0xc: {  	s9 =	smax.u32 s9, $0x1;
	s23 =	sadd.s32 $0x7800, s0;
	s24 =	sadd.s32 $0x5000, s0  }
0xd: {  	s11 =	sadd.s32 $0x2800, s0;
	s0 =	sshrl.u32 s0, $0x3;
	s5 =	sadd.s32 s1, s5  }
0xe: {  	s4 =	sadd.s32 $0x463800, s4;
	s25 =	sshrl.u32 s24, $0x3;
	s26 =	sshrl.u32 s11, $0x3  }
0xf: {  	s13 =	sadd.s32 s0, s1;
	s24 =	simm.s32 $0x3;
	s21 =	sadd.s32 $0x410000, s5  }
0x10: {  	[dreg:$0x2] =	wrdreg s4;
	s22 =	sadd.s32 $0x410500, s5;
	s7 =	sadd.s32 $0x410A00, s5  }
0x11: {  	s8 =	sadd.s32 $0x410F00, s5;
	s4 =	sshrl.u32 s23, $0x3;
	s11 =	sadd.s32 s25, s1  }
0x12: {  	s12 =	sadd.s32 s26, s1;
	s23 =	simm.s32 $0x2;
	[dreg:$0x3] =	wrdreg s21  }
0x13: {  	s25 =	simm.s32 $0x4;
	s26 =	simm.s32 $0x5;
	[dreg:$0x4] =	wrdreg s22  }
0x14: {  	s10 =	sadd.s32 s4, s1;
	s21 =	simm.s32 $0x9A00;
	s22 =	simm.s32 $0x1  }
.LBB2_1:
0x15: {  	s0 =	rddreg [dreg:$0x2]  }
0x16: {  	[tilespmem:s2], [sflag:$0x9] =	stream.linear.gather [hbm4b:s0+s2], $0x2200, $0x38;
	[tilespmem:$0xC200] =	vst v63  }
0x17: {  	_ =	swait.ge [sflag:s14], $0x2200  }
0x18: {  	[sflag:s14] =	ssyncset.done $0x0  }
0x19: {  	[sflag:s14] =	ssyncadd.s32 $0xFFFFDE00  }
0x1a: {  	[tilespmem:s16], [sflag:$0x1] =	stream.indirect.gather [hbm4b:s3+s15], $0x80, s2, s15, $0xb8;
	[tilespmem:$0xC200] =	vst v63  }
0x1b: {  	_ = 	snop  }
0x1c: {  	[tilespmem:s17], [sflag:$0x2] =	stream.indirect.gather [hbm4b:s3+s15], $0x80, s15, s15, $0xb8;
	[tilespmem:$0xC200] =	vst v63  }
0x1d: {  	s4 =	simm.s32 $0xA0  }
0x1e: {  	[tilespmem:s19], [sflag:$0x3] =	stream.indirect.gather [hbm4b:s3+s15], $0x80, s4, s15, $0xb8;
	[tilespmem:$0xC200] =	vst v63  }
0x1f: {  	s5 =	simm.s32 $0xF0  }
0x20: {  	[tilespmem:s21], [sflag:$0x4] =	stream.indirect.gather [hbm4b:s3+s15], $0x80, s5, s15, $0xb8;
	[tilespmem:$0xC200] =	vst v63  }
0x21: {  	_ =	swait.ge [sflag:s22], $0x2800  }
0x22: {  	[sflag:s22] =	ssyncset.done $0x0  }
0x23: {  	[sflag:s22] =	ssyncadd.s32 $0xFFFFD800  }
0x24: {  	[hbm4b:s13+s2] =	stream.linear.scatter [tilespmem:s16], [sflag:$0x5], $0x2800, $0x38;
	[tilespmem:$0xC200] =	vst v63  }
0x25: {  	_ =	swait.ge [sflag:s23], $0x2800  }
0x26: {  	[sflag:s23] =	ssyncset.done $0x0  }
0x27: {  	[sflag:s23] =	ssyncadd.s32 $0xFFFFD800  }
0x28: {  	[hbm4b:s12+s2] =	stream.linear.scatter [tilespmem:s17], [sflag:$0x6], $0x2800, $0x38;
	[tilespmem:$0xC200] =	vst v63  }
0x29: {  	_ =	swait.ge [sflag:s24], $0x2800  }
0x2a: {  	[sflag:s24] =	ssyncset.done $0x0  }
0x2b: {  	[sflag:s24] =	ssyncadd.s32 $0xFFFFD800  }
0x2c: {  	[hbm4b:s11+s2] =	stream.linear.scatter [tilespmem:s19], [sflag:$0x7], $0x2800, $0x38;
	[tilespmem:$0xC200] =	vst v63  }
0x2d: {  	_ =	swait.ge [sflag:s25], $0x2800  }
0x2e: {  	[sflag:s25] =	ssyncset.done $0x0  }
0x2f: {  	[sflag:s25] =	ssyncadd.s32 $0xFFFFD800  }
0x30: {  	[hbm4b:s10+s2] =	stream.linear.scatter [tilespmem:s21], [sflag:$0x8], $0x2800, $0x38;
	[tilespmem:$0xC200] =	vst v63  }
0x31: {  	_ =	swait.ge [sflag:s26], $0x2800  }
0x32: {  	[sflag:s26] =	ssyncset.done $0x0  }
0x33: {  	s6 =	simm.s32 $0x140;
	[sflag:s26] =	ssyncadd.s32 $0xFFFFD800  }
0x34: {  	[tilespmem:s16], [sflag:$0x1] =	stream.indirect.gather [hbm4b:s3+s15], $0x80, s6, s15, $0xb8;
	[tilespmem:$0xC200] =	vst v63  }
0x35: {  	_ =	swait.ge [sflag:s28], $0x2800  }
0x36: {  	[sflag:s28] =	ssyncset.done $0x0  }
0x37: {  	s18 =	simm.s32 $0x190;
	[sflag:s28] =	ssyncadd.s32 $0xFFFFD800  }
0x38: {  	[tilespmem:s17], [sflag:$0x2] =	stream.indirect.gather [hbm4b:s3+s15], $0x80, s18, s15, $0xb8;
	[tilespmem:$0xC200] =	vst v63  }
0x39: {  	_ =	swait.ge [sflag:s29], $0x2800  }
0x3a: {  	[sflag:s29] =	ssyncset.done $0x0  }
0x3b: {  	s20 =	simm.s32 $0x1E0;
	[sflag:s29] =	ssyncadd.s32 $0xFFFFD800  }
0x3c: {  	[tilespmem:s19], [sflag:$0x3] =	stream.indirect.gather [hbm4b:s3+s15], $0x80, s20, s15, $0xb8;
	[tilespmem:$0xC200] =	vst v63  }
0x3d: {  	s1 =	simm.s32 $0x500;
	s0 =	sadd.s32 $0x28000, s13;
	_ =	swait.ge [sflag:s30], $0x2800  }
0x3e: {  	s4 =	sadd.s32 $0x28000, s10;
	s5 =	simm.s32 $0x230;
	[sflag:s30] =	ssyncset.done $0x0  }
0x3f: {  	s18 =	sadd.s32 $0x28000, s11;
	s20 =	sadd.s32 $0x28000, s12;
	[sflag:s30] =	ssyncadd.s32 $0xFFFFD800  }
.LBB2_2:
0x40: {  	[tilespmem:s21], [sflag:$0x4] =	stream.indirect.gather [hbm4b:s3+s15], $0x80, s5, s15, $0xb8;
	[tilespmem:$0xC200] =	vst v63  }
0x41: {  	s5 =	smov.u32 s1  }
0x42: {  	p0 =	sne.s32 s1, $0x7D00;
	s1 =	sadd.s32 $0x500, s1;
	_ =	swait.ge [sflag:s22], $0x2800  }
0x43: {  	[sflag:s22] =	ssyncset.done $0x0  }
0x44: {  	[sflag:s22] =	ssyncadd.s32 $0xFFFFD800  }
0x45: {  	[hbm4b:s0+s2] =	stream.linear.scatter [tilespmem:s16], [sflag:$0x5], $0x2800, $0x38;
	[tilespmem:$0xC200] =	vst v63  }
0x46: {  	_ =	swait.ge [sflag:s23], $0x2800  }
0x47: {  	[sflag:s23] =	ssyncset.done $0x0  }
0x48: {  	[sflag:s23] =	ssyncadd.s32 $0xFFFFD800  }
0x49: {  	[hbm4b:s20+s2] =	stream.linear.scatter [tilespmem:s17], [sflag:$0x6], $0x2800, $0x38;
	[tilespmem:$0xC200] =	vst v63  }
0x4a: {  	_ =	swait.ge [sflag:s24], $0x2800  }
0x4b: {  	[sflag:s24] =	ssyncset.done $0x0  }
0x4c: {  	[sflag:s24] =	ssyncadd.s32 $0xFFFFD800  }
0x4d: {  	[hbm4b:s18+s2] =	stream.linear.scatter [tilespmem:s19], [sflag:$0x7], $0x2800, $0x38;
	[tilespmem:$0xC200] =	vst v63  }
0x4e: {  	_ =	swait.ge [sflag:s25], $0x2800  }
0x4f: {  	[sflag:s25] =	ssyncset.done $0x0  }
0x50: {  	[sflag:s25] =	ssyncadd.s32 $0xFFFFD800  }
0x51: {  	[hbm4b:s4+s2] =	stream.linear.scatter [tilespmem:s21], [sflag:$0x8], $0x2800, $0x38;
	[tilespmem:$0xC200] =	vst v63  }
0x52: {  	_ =	swait.ge [sflag:s26], $0x2800  }
0x53: {  	s5 =	sshra.s32 s5, $0x2;
	[sflag:s26] =	ssyncset.done $0x0  }
0x54: {  	s6 =	sadd.s32 $0x140, s5;
	[sflag:s26] =	ssyncadd.s32 $0xFFFFD800  }
0x55: {  	[tilespmem:s16], [sflag:$0x1] =	stream.indirect.gather [hbm4b:s3+s15], $0x80, s6, s15, $0xb8;
	[tilespmem:$0xC200] =	vst v63  }
0x56: {  	_ =	swait.ge [sflag:s28], $0x2800  }
0x57: {  	[sflag:s28] =	ssyncset.done $0x0  }
0x58: {  	s6 =	sadd.s32 $0x190, s5;
	[sflag:s28] =	ssyncadd.s32 $0xFFFFD800  }
0x59: {  	[tilespmem:s17], [sflag:$0x2] =	stream.indirect.gather [hbm4b:s3+s15], $0x80, s6, s15, $0xb8;
	[tilespmem:$0xC200] =	vst v63  }
0x5a: {  	_ =	swait.ge [sflag:s29], $0x2800  }
0x5b: {  	[sflag:s29] =	ssyncset.done $0x0  }
.Ltmp0:
0x5c: {  	s6 =	sadd.s32 $0x1E0, s5;
	[sflag:s29] =	ssyncadd.s32 $0xFFFFD800;
	(pc) =	sbr.rel @p0 .LBB2_2-.Ltmp0, $4  }
0x5d: {  	[tilespmem:s19], [sflag:$0x3] =	stream.indirect.gather [hbm4b:s3+s15], $0x80, s6, s15, $0xb8;
	[tilespmem:$0xC200] =	vst v63  }
0x5e: {  	s0 =	sadd.s32 $0x28000, s0;
	_ =	swait.ge [sflag:s30], $0x2800  }
0x5f: {  	s20 =	sadd.s32 $0x28000, s20;
	s18 =	sadd.s32 $0x28000, s18;
	[sflag:s30] =	ssyncset.done $0x0  }
0x60: {  	s4 =	sadd.s32 $0x28000, s4;
	s5 =	sadd.s32 $0x230, s5;
	[sflag:s30] =	ssyncadd.s32 $0xFFFFD800  }
0x61: {  	[tilespmem:s21], [sflag:$0x4] =	stream.indirect.gather [hbm4b:s3+s15], $0x80, s5, s15, $0xb8;
	[tilespmem:$0xC200] =	vst v63  }
0x62: {  	_ =	swait.ge [sflag:s22], $0x2800  }
0x63: {  	[sflag:s22] =	ssyncset.done $0x0  }
0x64: {  	s0 =	rddreg [dreg:$0x3];
	[sflag:s22] =	ssyncadd.s32 $0xFFFFD800  }
0x65: {  	[hbm4b:s0+s2] =	stream.linear.scatter [tilespmem:s16], [sflag:$0x5], $0x2800, $0x38;
	[tilespmem:$0xC200] =	vst v63  }
0x66: {  	_ =	swait.ge [sflag:s23], $0x2800  }
0x67: {  	[sflag:s23] =	ssyncset.done $0x0  }
0x68: {  	s20 =	rddreg [dreg:$0x4];
	[sflag:s23] =	ssyncadd.s32 $0xFFFFD800  }
0x69: {  	[hbm4b:s20+s2] =	stream.linear.scatter [tilespmem:s17], [sflag:$0x6], $0x2800, $0x38;
	[tilespmem:$0xC200] =	vst v63  }
0x6a: {  	_ =	swait.ge [sflag:s24], $0x2800  }
0x6b: {  	[sflag:s24] =	ssyncset.done $0x0  }
0x6c: {  	[sflag:s24] =	ssyncadd.s32 $0xFFFFD800  }
0x6d: {  	[hbm4b:s7+s2] =	stream.linear.scatter [tilespmem:s19], [sflag:$0x7], $0x2800, $0x38;
	[tilespmem:$0xC200] =	vst v63  }
0x6e: {  	_ =	swait.ge [sflag:s25], $0x2800  }
0x6f: {  	[sflag:s25] =	ssyncset.done $0x0  }
0x70: {  	[sflag:s25] =	ssyncadd.s32 $0xFFFFD800  }
0x71: {  	[hbm4b:s8+s2] =	stream.linear.scatter [tilespmem:s21], [sflag:$0x8], $0x2800, $0x38;
	[tilespmem:$0xC200] =	vst v63  }
0x72: {  	_ =	swait.ge [sflag:s26], $0x2800  }
0x73: {  	[sflag:s26] =	ssyncset.done $0x0  }
0x74: {  	[sflag:s26] =	ssyncadd.s32 $0xFFFFD800  }
0x75: {  	_ =	swait.ge [sflag:s28], $0x2800  }
0x76: {  	[sflag:s28] =	ssyncset.done $0x0  }
0x77: {  	s31 =	sadd.s32 $0x1, s31;
	[sflag:s28] =	ssyncadd.s32 $0xFFFFD800  }
0x78: {  	p0 =	sne.s32 s31, s9;
	_ =	swait.ge [sflag:s29], $0x2800  }
.Ltmp1:
0x79: {  	[sflag:s29] =	ssyncset.done $0x0;
	(pc) =	sbr.rel @p0 .LBB2_1-.Ltmp1, $4  }
0x7a: {  	[sflag:s29] =	ssyncadd.s32 $0xFFFFD800  }
0x7b: {  	_ =	swait.ge [sflag:s30], $0x2800  }
0x7c: {  	[sflag:s30] =	ssyncset.done $0x0  }
0x7d: {  	[sflag:s30] =	ssyncadd.s32 $0xFFFFD800  }
0x7e: {  	_ =	sfence.sel $0x180000  }
0x7f: {  	[bflag:$0x0] =	sbarrier.arrive $0xFFFF  }
0x80: {  	_ =	strace $0x9000004D  }
0x81: {  	s0 =	stileid.u32;
	[bflag:$0x2] =	sbarrier.arrive $0xFFFF  }
0x82: {  	p0 =	sne.s32 s0, $0x0;
	s0 =	rddreg [dreg:$0x1]  }
0x83: {  	s0 =	sadd.s32 @!p0 $0x100000, s0  }
0x84: {  	[sflag:s0] =	ssyncadd.tile.s32 @!p0 $0x1;
	_ =	shalt  }
.Lfunc_end2:
_tile_overlayer_lowered:
.L_overlay_start_2:
0x85: {  	(tag) =	ssettag $0x2  }
0x86: {  	s0 =	rddreg [dreg:$0x0];
	s2 =	stileid.u32  }
0x87: {  	s1 =	rddreg [dreg:$0x1];
	p0 =	sne.s32 s2, $0x0  }
0x88: {  	s3 =	rddreg [dreg:$0x2];
	[bflag:$0x3] =	sbarrier.arrive $0xFFFF;
	s2 =	simm.s32 @!p0 $0x1C09  }
0x89: {  	[timem:s3], [sflag:s2] =	dma.local @!p0 [hbm:s0], s1  }
0x8a: {  	s0 =	simm.s32 @!p0 $0x9  }
0x8b: {  	_ =	swait.ge @!p0 [sflag:s0], s1  }
0x8c: {  	s1 =	ssub.s32 @!p0 $0x0, s1;
	[sflag:s0] =	ssyncset.done @!p0 $0x0  }
0x8d: {  	[sflag:s0] =	ssyncadd.s32 @!p0 s1  }
0x8e: {  	[bflag:$0x3] =	sbarrier.arrive $0xFFFF  }
0x8f: {  	_ =	shalt  }

// kernel: sc_up_gather.3.cloned.1.call-start
scs
__scs_entry_jumppad:
0x0: {  	(pc) =	sbr.rel $0x88, $3  }
0x1: {  	(tag) =	ssettag $0x0;
	lr =	simm.s32 $0x1  }
0x2: {  	[smem:$0x3F93] =	sst lr;
	_ =	strace $0xD0000000  }
0x3: {  	_ = 	snop  }
0x4: {  	_ = 	snop  }
0x5: {  	_ = 	snop  }
0x6: {  	_ = 	snop  }
0x7: {  	_ = 	snop  }
__scs_overlays_trampoline_lowered:
0x8: {  	[smem:$0x3FA2] =	sst s0  }
0x9: {  	[smem:$0x3FA3] =	sst s1  }
0xa: {  	[smem:$0x3FA4] =	sst s2  }
0xb: {  	[smem:$0x3FA5] =	sst s3  }
0xc: {  	[smem:$0x3FA6] =	sst s4  }
0xd: {  	[smem:$0x3FA7] =	sst s5  }
0xe: {  	[smem:$0x3FA8] =	sst s6  }
0xf: {  	[smem:$0x3FA9] =	sst s7  }
0x10: {  	[smem:$0x3FAA] =	sst s8  }
0x11: {  	[smem:$0x3FAB] =	sst s9;
	s0 =	simm.s32 @!p0 $0x0  }
0x12: {  	s1 =	sld [smem:$0x3F91];
	s0 =	simm.s32 @p0 $0x1  }
0x13: {  	[smem:$0x3FAC] =	sst s0;
	s0 =	simm.s32 @!p1 $0x0  }
0x14: {  	s2 =	sld [smem:$0x3F90];
	s0 =	simm.s32 @p1 $0x1  }
0x15: {  	[smem:$0x3FAD] =	sst s0;
	s0 =	simm.s32 @!p2 $0x0  }
0x16: {  	s3 =	sld [smem:$0x3FDB];
	s0 =	simm.s32 @p2 $0x1  }
0x17: {  	s4 =	simm.s32 $0x1BF5;
	[smem:$0x3FAF] =	sst s0  }
0x18: {  	s0 =	sld [smem:$0x3F92];
	_ =	swait.ge [sflag:s4], $0x0  }
0x19: {  	s7 =	sld [smem:$0x3F93]  }
0x1a: {  	s8 =	sadd.s32 $0xFFFFE003, lr  }
0x1b: {  	s9 =	sadd.s32 $0xFFFFFEF7, lr;
	s5 =	simm.s32 $0xFFFFFFFF;
	p2 =	slt.u32 s8, $0xFFFFF086  }
0x1c: {  	p1 =	slt.u32 s9, $0xF7A;
	s5 =	simm.s32 @!p2 $0x0  }
0x1d: {  	s5 =	simm.s32 @p1 $0x1;
	p0 =	seq.s32 s7, s2  }
0x1e: {  	s7 =	smul.u32 @!p0 $0xF7A, s2;
	p2 =	seq.s32 @!p0 s5, $0x0  }
0x1f: {  	s9 =	smul.u32 $0xF7A, s1;
	s8 =	simm.s32 @!p0 $0x1BF5;
	p2 =	por !p2, p0  }
0x20: {  	[sflag:s8] =	ssyncset.s32 @!p0 $0xFFFFF086;
	s6 =	sadd.s32 @!p0 s3, s7;
	s7 =	simm.s32 @!p0 $0x108  }
0x21: {  	s3 =	sadd.s32 s3, s9;
	s6 =	sadd.s32 @!p0 $0x88, s6;
	s7 =	simm.s32 @p2 $0x1082  }
0x22: {  	[simem:s7], [sflag:s8] =	dma.local @!p0 [hbm:s6], $0xF7A  }
0x23: {  	s9 =	sor.u32 $0xD0000000, s2;
	s6 =	simm.s32 $0x108;
	_ =	swait.ge @!p0 [sflag:s8], $0x0  }
0x24: {  	s3 =	sadd.s32 $0x88, s3;
	s6 =	simm.s32 @!p1 $0x1082;
	[sflag:s4] =	ssyncset.s32 $0xFFFFF086  }
0x25: {  	[simem:s6], [sflag:s4] =	dma.local [hbm:s3], $0xF7A  }
0x26: {  	[smem:$0x3F93] =	sst s1;
	(tag) =	ssettag s2;
	_ =	strace s9  }
0x27: {  	s1 =	sld [smem:$0x3FA3]  }
0x28: {  	s2 =	sld [smem:$0x3FA4]  }
0x29: {  	s4 =	sld [smem:$0x3FA6]  }
0x2a: {  	p0 =	seq.s32 s5, $0x0;
	s5 =	sld [smem:$0x3FA7]  }
0x2b: {  	s6 =	sld [smem:$0x3FA8]  }
0x2c: {  	s7 =	sld [smem:$0x3FA9]  }
0x2d: {  	s3 =	simm.s32 $0x108;
	s8 =	sld [smem:$0x3FAA]  }
0x2e: {  	s3 =	simm.s32 @!p0 $0x1082;
	s9 =	sld [smem:$0x3FAB]  }
0x2f: {  	lr =	sadd.s32 s0, s3;
	s0 =	sld [smem:$0x3FA2]  }
0x30: {  	s3 =	sld [smem:$0x3FA5]  }
0x31: {  	[smem:$0x3FAE] =	sst s10  }
0x32: {  	s10 =	sld [smem:$0x3FAC];
	_ =	sdelay $0x3  }
0x33: {  	p0 =	seq.s32 s10, $0x1;
	s10 =	sld [smem:$0x3FAE];
	_ =	sdelay $0x3  }
0x34: {  	[smem:$0x3FAE] =	sst s10  }
0x35: {  	s10 =	sld [smem:$0x3FAD];
	_ =	sdelay $0x3  }
0x36: {  	p1 =	seq.s32 s10, $0x1;
	s10 =	sld [smem:$0x3FAE];
	_ =	sdelay $0x3  }
0x37: {  	[smem:$0x3FAE] =	sst s10  }
0x38: {  	s10 =	sld [smem:$0x3FAF]  }
0x39: {  	_ = 	snop;
	(pc) =	sbr.ind lr, $3  }
0x3a: {  	_ = 	snop  }
0x3b: {  	_ = 	snop  }
0x3c: {  	p2 =	seq.s32 s10, $0x1;
	s10 =	sld [smem:$0x3FAE]  }
0x3d: {  	_ =	shalt  }
0x3e: {  	_ =	shalt  }
0x3f: {  	_ =	shalt  }
0x40: {  	_ =	shalt  }
0x41: {  	_ =	shalt  }
0x42: {  	_ =	shalt  }
0x43: {  	_ =	shalt  }
0x44: {  	_ =	shalt  }
0x45: {  	_ =	shalt  }
0x46: {  	_ =	shalt  }
0x47: {  	_ =	shalt  }
0x48: {  	_ =	shalt  }
0x49: {  	_ =	shalt  }
0x4a: {  	_ =	shalt  }
0x4b: {  	_ =	shalt  }
0x4c: {  	_ =	shalt  }
0x4d: {  	_ =	shalt  }
0x4e: {  	_ =	shalt  }
0x4f: {  	_ =	shalt  }
0x50: {  	_ =	shalt  }
0x51: {  	_ =	shalt  }
0x52: {  	_ =	shalt  }
0x53: {  	_ =	shalt  }
0x54: {  	_ =	shalt  }
0x55: {  	_ =	shalt  }
0x56: {  	_ =	shalt  }
0x57: {  	_ =	shalt  }
0x58: {  	_ =	shalt  }
0x59: {  	_ =	shalt  }
0x5a: {  	_ =	shalt  }
0x5b: {  	_ =	shalt  }
0x5c: {  	_ =	shalt  }
0x5d: {  	_ =	shalt  }
0x5e: {  	_ =	shalt  }
0x5f: {  	_ =	shalt  }
0x60: {  	_ =	shalt  }
0x61: {  	_ =	shalt  }
0x62: {  	_ =	shalt  }
0x63: {  	_ =	shalt  }
0x64: {  	_ =	shalt  }
0x65: {  	_ =	shalt  }
0x66: {  	_ =	shalt  }
0x67: {  	_ =	shalt  }
0x68: {  	_ =	shalt  }
0x69: {  	_ =	shalt  }
0x6a: {  	_ =	shalt  }
0x6b: {  	_ =	shalt  }
0x6c: {  	_ =	shalt  }
0x6d: {  	_ =	shalt  }
0x6e: {  	_ =	shalt  }
0x6f: {  	_ =	shalt  }
0x70: {  	_ =	shalt  }
0x71: {  	_ =	shalt  }
0x72: {  	_ =	shalt  }
0x73: {  	_ =	shalt  }
0x74: {  	_ =	shalt  }
0x75: {  	_ =	shalt  }
0x76: {  	_ =	shalt  }
0x77: {  	_ =	shalt  }
0x78: {  	_ =	shalt  }
0x79: {  	_ =	shalt  }
0x7a: {  	_ =	shalt  }
0x7b: {  	_ =	shalt  }
0x7c: {  	_ =	shalt  }
0x7d: {  	_ =	shalt  }
0x7e: {  	_ =	shalt  }
0x7f: {  	_ =	shalt  }
0x80: {  	_ =	shalt  }
0x81: {  	_ =	shalt  }
0x82: {  	_ =	shalt  }
0x83: {  	_ =	shalt  }
0x84: {  	_ =	shalt  }
0x85: {  	_ =	shalt  }
0x86: {  	_ =	shalt  }
0x87: {  	_ =	shalt  }
.Lfunc_end0:
.L_simem_size_0:
called_computation_lowered:
.L_overlay_start_0:
0x88: {  	s2 =	sld [smem:$0x3FD9]  }
0x89: {  	s3 =	sld [smem:$0x3FFE];
	_ =	sdelay $0x1  }
0x8a: {  	s1 =	srdreg.scid  }
0x8b: {  	s0 =	sand.u32 $0x1, s1  }
0x8c: {  	s16 =	sshll.u32 s0, $0xA;
	s2 =	sadd.s32 s3, s2  }
0x8d: {  	s2 =	sadd.s32 s2, s16  }
0x8e: {  	[smem:$0x3FBA] =	sst s2  }
0x8f: {  	_ = 	snop  }
0x90: {  	(tm) =	ssettm $0x1  }
0x91: {  	s17 =	sld [smem:$0x3FFB];
	_ =	sdelay $0x3  }
0x92: {  	_ =	strace s17  }
0x93: {  	s2 =	sld [smem:$0x3FFC];
	_ =	sdelay $0x3  }
0x94: {  	_ =	strace s2  }
0x95: {  	s2 =	sld [smem:$0x3FFD];
	_ =	sdelay $0x3  }
0x96: {  	_ =	strace s2  }
0x97: {  	_ =	strace $0x8FFFFFFF  }
0x98: {  	s18 =	sld [smem:$0x3FDB];
	_ =	sdelay $0x1  }
0x99: {  	s19 =	simm.s32 $_scs_section_size  }
0x9a: {  	s4 =	simm.s32 $_size__tile_overlayer_lowered;
	s5 =	simm.s32 $_tile_overlayer_lowered  }
0x9b: {  	s22 =	simm.s32 $0x1BFF;
	s21 =	sshll.u32 s5, $0x1;
	s2 =	sadd.s32 s19, s18  }
0x9c: {  	s6 =	simm.s32 $0x0;
	s20 =	sshll.u32 s4, $0x1;
	s4 =	sadd.s32 s21, s2  }
0x9d: {  	[timem:s6], [sflag:s22] =	dma.local [hbm:s4], s20  }
0x9e: {  	_ =	swait.ge [sflag:s22], s20  }
0x9f: {  	s3 =	ssub.s32 $0x0, s20;
	[sflag:s22] =	ssyncset.done $0x0  }
0xa0: {  	[sflag:s22] =	ssyncadd.s32 s3;
	_ =	sdelay $0x1  }
0xa1: {  	s23 =	simm.s32 $0x1B8B  }
0xa2: {  	_ =	swait.ge [sflag:s23], $0x1  }
0xa3: {  	[sflag:s23] =	ssyncset.done $0x0  }
0xa4: {  	s25 =	simm.s32 $0x1B8E;
	s24 =	sld [smem:$0x3FFE];
	[sflag:s23] =	ssyncadd.s32 $0xFFFFFFFF  }
0xa5: {  	s26 =	simm.s32 $execute0_lowered;
	[smem:$0x3FD2] =	sst s25  }
0xa6: {  	s4 =	sshll.u32 s26, $0x1;
	_ =	strace $0x80000046;
	[dreg:$0x1] =	wrdreg $0xFFFFFFFF  }
0xa7: {  	s28 =	simm.s32 $_size_execute0_lowered;
	s2 =	sadd.s32 s2, s4;
	[dreg:$0x0] =	wrdreg $0x0  }
0xa8: {  	s4 =	sshll.u32 s28, $0x1;
	[dreg:$0x2] =	wrdreg s2  }
0xa9: {  	[dreg:$0x3] =	wrdreg s4  }
0xaa: {  	[dreg:$0x4] =	wrdreg $0xC0  }
0xab: {  	_ =	task [dreg:s6], $0x5FFFF  }
0xac: {  	[dreg:$0x1] =	wrdreg $0xFFFFFFFF  }
0xad: {  	[dreg:$0x0] =	wrdreg $0x60  }
0xae: {  	[dreg:$0x2] =	wrdreg s24  }
0xaf: {  	[dreg:$0x3] =	wrdreg $0x9  }
0xb0: {  	_ =	task.clear_ibuf [dreg:s6], $0x4FFFF;
	_ =	strace $0x90000046  }
0xb1: {  	s29 =	simm.s32 $0x9;
	_ =	strace $0x80000048  }
0xb2: {  	_ =	swait.ge [sflag:s29], $0x1  }
0xb3: {  	[sflag:s29] =	ssyncadd.s32 $0xFFFFFFFF  }
0xb4: {  	_ =	strace $0x90000048  }
0xb5: {  	_ =	sfence  }
0xb6: {  	s30 =	sld [smem:$0x0];
	_ =	sdelay $0x2  }
0xb7: {  	s31 =	sshll.u32 s1, $0xD;
	s1 =	sshrl.u32 s1, $0x2  }
0xb8: {  	s3 =	sand.u32 $0x4000, s31;
	s1 =	sadd.s32 s1, s30  }
0xb9: {  	s0 =	sor.u32 s3, s0;
	s1 =	sshll.u32 s1, $0x11  }
0xba: {  	s0 =	sor.u32 s1, s0  }
0xbb: {  	s0 =	sadd.s32 $0x8F2B, s0  }
0xbc: {  	[sflag:s0] =	ssyncadd.remote.s32 $0x1  }
0xbd: {  	_ =	sfence.sel $0xFFFF  }
0xbe: {  	[dreg:$0x0] =	wrdreg $0xFFFFFFFF;
	(pc) =	sbr.abs _section_cstart, $3  }
0xbf: {  	[dreg:$0x1] =	wrdreg $0xFFFFFFFF  }
0xc0: {  	_ =	task.clear_ibuf [dreg:s6], $0x2FFFF;
	_ =	strace $0x9FFFFFFF  }
0xc1: {  	(tm) =	ssettm $0x7FFFFFFF  }
tec
execute0_lowered:
.L_overlay_start_1:
0x0: {  	(tag) =	ssettag $0x1  }
0x1: {  	s1 =	srdreg.scid;
	s0 =	stileid.u32  }
0x2: {  	s5 =	rddreg [dreg:$0x0];
	s2 =	simm.s32 $0x0;
	s8 =	simm.s32 $0x80  }
0x3: {  	s9 =	simm.s32 $0xA00;
	s10 =	simm.s32 $0x4A00;
	s11 =	simm.s32 $0x1  }
0x4: {  	s12 =	simm.s32 $0x2;
	s4 =	sand.u32 $0x1, s1;
	s30 =	sshll.u32 s0, $0x1  }
0x5: {  	s13 =	simm.s32 $0x8A00;
	s1 =	rddreg [dreg:$0x1];
	s3 =	sor.u32 s4, s30  }
0x6: {  	s14 =	simm.s32 $0x0;
	[smem:$0x7FF] =	sst s2;
	s6 =	smul.u32 $0x140, s3  }
0x7: {  	_ =	strace $0x80000047;
	s4 =	ssub.s32 $0x2, s4;
	s7 =	smul.u32 $0x1400, s3  }
0x8: {  	s3 =	sadd.s32 $0x3800, s5;
	s31 =	sshrl.u32 s4, $0x1;
	s6 =	sadd.s32 s6, s5  }
0x9: {  	v0 =	vlaneseq.u32;
	s5 =	sadd.s32 s7, s5;
	s7 =	ssub.s32 s4, s31;
	s4 =	sadd.s32 $0x2B800, s6  }
0xa: {  	v0 =	vand.u32 $0x7, v0;
	s5 =	sadd.s32 $0x2E000, s5;
	s6 =	smax.u32 s7, $0x1;
	s7 =	simm.s32 $0x3  }
.LBB2_1:
0xb: {  	[tilespmem:s2], [sflag:$0x3] =	stream.linear.gather [hbm4b:s4+s2], $0xA00, $0x38;
	[tilespmem:$0x12A00] =	vst v63  }
0xc: {  	_ =	swait.ge [sflag:s7], $0xA00  }
0xd: {  	[sflag:s7] =	ssyncset.done $0x0  }
0xe: {  	s15 =	simm.s32 $0x0;
	s16 =	simm.s32 $0x40;
	[sflag:s7] =	ssyncadd.s32 $0xFFFFF600  }
.LBB2_2:
0xf: {  	p0 =	sne.s32 s16, $0x27C0;
	v1 =	vld [tilespmem:s15+$0x0];
	_ =	sdelay $0x2  }
.Ltmp0:
0x10: {  	(pc) =	sbr.rel @p0 .LBB2_2-.Ltmp0, $4  }
0x11: {  	_ = 	snop  }
0x12: {  	v1 =	vshll.u32 v1, $0x3  }
0x13: {  	v1 =	vor.u32 v0, v1  }
0x14: {  	[tilespmem:s15+$0x0] =	vst v1;
	s15 =	sshra.s32 s16, $0x2;
	s16 =	sadd.s32 $0x40, s16  }
0x15: {  	v1 =	vld [tilespmem:s15+$0x0];
	_ =	sdelay $0x4  }
0x16: {  	v1 =	vshll.u32 v1, $0x3  }
0x17: {  	v1 =	vor.u32 v0, v1  }
0x18: {  	[tilespmem:s15+$0x0] =	vst v1;
	s15 =	simm.s32 $0x0  }
0x19: {  	[tilespmem:s9], [sflag:$0x1] =	stream.indirect.gather [hbm4b:s3+s8], $0x80, s15, s8, $0xb8;
	[tilespmem:$0x12A00] =	vst v63  }
0x1a: {  	s16 =	simm.s32 $0x8A70;
	s17 =	simm.s32 $0x9270  }
0x1b: {  	[tilespmem:s10], [sflag:$0x2] =	stream.indirect.gather [hbm4b:s3+s8], $0x80, s8, s8, $0xb8;
	[tilespmem:$0x12A00] =	vst v63  }
.LBB2_4:
0x1c: {  	_ =	swait.ge [sflag:s11], $0x4000  }
0x1d: {  	[sflag:s11] =	ssyncset.done $0x0  }
0x1e: {  	s18 =	simm.s32 $0xC00;
	v1 =	vmov s16;
	s19 =	simm.s32 $0x0;
	[sflag:s11] =	ssyncadd.s32 $0xFFFFC000  }
.LBB2_5:
0x1f: {  	v2 =	vld [tilespmem:s18+$0xFFFFFE00]  }
0x20: {  	v3 =	vld [tilespmem:s18+$0xFFFFFE10]  }
0x21: {  	v4 =	vld [tilespmem:s18+$0xFFFFFE20]  }
0x22: {  	v5 =	vld [tilespmem:s18+$0xFFFFFE30]  }
0x23: {  	v6 =	vld [tilespmem:s18+$0xFFFFFE40]  }
0x24: {  	v7 =	vld [tilespmem:s18+$0xFFFFFE50]  }
0x25: {  	v8 =	vld [tilespmem:s18+$0xFFFFFE60]  }
0x26: {  	v9 =	vld [tilespmem:s18+$0xFFFFFE70]  }
0x27: {  	v10 =	vld [tilespmem:s18+$0xFFFFFE80]  }
0x28: {  	v11 =	vld [tilespmem:s18+$0xFFFFFE90]  }
0x29: {  	v12 =	vld [tilespmem:s18+$0xFFFFFEA0]  }
0x2a: {  	v13 =	vld [tilespmem:s18+$0xFFFFFEB0]  }
0x2b: {  	v14 =	vld [tilespmem:s18+$0xFFFFFEC0]  }
0x2c: {  	v15 =	vld [tilespmem:s18+$0xFFFFFED0]  }
0x2d: {  	v16 =	vld [tilespmem:s18+$0xFFFFFEE0]  }
0x2e: {  	v17 =	vld [tilespmem:s18+$0xFFFFFEF0]  }
0x2f: {  	v18 =	vld [tilespmem:s18+$0xFFFFFF00]  }
0x30: {  	v19 =	vld [tilespmem:s18+$0xFFFFFF10]  }
0x31: {  	v20 =	vld [tilespmem:s18+$0xFFFFFF20]  }
0x32: {  	v21 =	vld [tilespmem:s18+$0xFFFFFF30]  }
0x33: {  	v22 =	vld [tilespmem:s18+$0xFFFFFF40]  }
0x34: {  	v23 =	vld [tilespmem:s18+$0xFFFFFF50]  }
0x35: {  	v24 =	vld [tilespmem:s18+$0xFFFFFF60]  }
0x36: {  	v25 =	vld [tilespmem:s18+$0xFFFFFF70]  }
0x37: {  	v26 =	vld [tilespmem:s18+$0xFFFFFF80]  }
0x38: {  	v27 =	vld [tilespmem:s18+$0xFFFFFF90]  }
0x39: {  	v28 =	vld [tilespmem:s18+$0xFFFFFFA0]  }
0x3a: {  	v29 =	vld [tilespmem:s18+$0xFFFFFFB0]  }
0x3b: {  	v30 =	vld [tilespmem:s18+$0xFFFFFFC0]  }
0x3c: {  	v31 =	vld [tilespmem:s18+$0xFFFFFFD0]  }
0x3d: {  	v32 =	vld [tilespmem:s18+$0xFFFFFFE0]  }
0x3e: {  	v33 =	vld [tilespmem:s18+$0xFFFFFFF0]  }
0x3f: {  	v34 =	vld [tilespmem:s18+$0x0]  }
0x40: {  	v35 =	vld [tilespmem:s18+$0x10]  }
0x41: {  	v36 =	vld [tilespmem:s18+$0x20]  }
0x42: {  	v37 =	vld [tilespmem:s18+$0x30]  }
0x43: {  	v38 =	vld [tilespmem:s18+$0x40]  }
0x44: {  	v39 =	vld [tilespmem:s18+$0x50]  }
0x45: {  	v40 =	vld [tilespmem:s18+$0x60]  }
0x46: {  	v41 =	vld [tilespmem:s18+$0x70]  }
0x47: {  	v42 =	vld [tilespmem:s18+$0x80];
	v2 =	vadd.f32 v10, v2;
	v3 =	vadd.f32 v11, v3  }
0x48: {  	v61 =	vld [tilespmem:s18+$0x90];
	v4 =	vadd.f32 v12, v4;
	v5 =	vadd.f32 v13, v5  }
0x49: {  	v62 =	vld [tilespmem:s18+$0xA0];
	v6 =	vadd.f32 v14, v6;
	v7 =	vadd.f32 v15, v7  }
0x4a: {  	v63 =	vld [tilespmem:s18+$0xB0];
	v8 =	vadd.f32 v16, v8;
	v9 =	vadd.f32 v17, v9  }
0x4b: {  	v43 =	vld [tilespmem:s18+$0xC0];
	v2 =	vadd.f32 v18, v2;
	v3 =	vadd.f32 v19, v3  }
0x4c: {  	v44 =	vld [tilespmem:s18+$0xD0];
	v4 =	vadd.f32 v20, v4;
	v5 =	vadd.f32 v21, v5  }
0x4d: {  	v45 =	vld [tilespmem:s18+$0xE0];
	v6 =	vadd.f32 v22, v6;
	v7 =	vadd.f32 v23, v7  }
0x4e: {  	v46 =	vld [tilespmem:s18+$0xF0];
	v8 =	vadd.f32 v24, v8;
	v9 =	vadd.f32 v25, v9  }
0x4f: {  	v47 =	vld [tilespmem:s18+$0x100];
	v2 =	vadd.f32 v26, v2;
	v3 =	vadd.f32 v27, v3  }
0x50: {  	v48 =	vld [tilespmem:s18+$0x110];
	v4 =	vadd.f32 v28, v4;
	v5 =	vadd.f32 v29, v5  }
0x51: {  	v49 =	vld [tilespmem:s18+$0x120];
	v6 =	vadd.f32 v30, v6;
	v7 =	vadd.f32 v31, v7  }
0x52: {  	v50 =	vld [tilespmem:s18+$0x130];
	v8 =	vadd.f32 v32, v8;
	v9 =	vadd.f32 v33, v9  }
0x53: {  	v51 =	vld [tilespmem:s18+$0x140];
	v2 =	vadd.f32 v34, v2;
	v3 =	vadd.f32 v35, v3  }
0x54: {  	v52 =	vld [tilespmem:s18+$0x150];
	v4 =	vadd.f32 v36, v4;
	v5 =	vadd.f32 v37, v5  }
0x55: {  	v53 =	vld [tilespmem:s18+$0x160];
	v6 =	vadd.f32 v38, v6;
	v7 =	vadd.f32 v39, v7  }
0x56: {  	v54 =	vld [tilespmem:s18+$0x170];
	v8 =	vadd.f32 v40, v8;
	v9 =	vadd.f32 v41, v9  }
0x57: {  	v55 =	vld [tilespmem:s18+$0x180];
	v2 =	vadd.f32 v42, v2;
	v3 =	vadd.f32 v61, v3  }
0x58: {  	v56 =	vld [tilespmem:s18+$0x190];
	v4 =	vadd.f32 v62, v4;
	v5 =	vadd.f32 v63, v5  }
0x59: {  	v57 =	vld [tilespmem:s18+$0x1A0];
	v6 =	vadd.f32 v43, v6;
	v7 =	vadd.f32 v44, v7  }
0x5a: {  	v58 =	vld [tilespmem:s18+$0x1B0];
	v8 =	vadd.f32 v45, v8;
	v2 =	vadd.f32 v47, v2  }
0x5b: {  	v59 =	vld [tilespmem:s18+$0x1C0];
	v9 =	vadd.f32 v46, v9;
	v3 =	vadd.f32 v48, v3  }
0x5c: {  	v60 =	vld [tilespmem:s18+$0x1D0];
	v4 =	vadd.f32 v49, v4;
	v2 =	vadd.f32 v55, v2  }
0x5d: {  	s20 =	sshra.s32 s19, $0x2;
	v61 =	vld [tilespmem:s18+$0x1E0];
	v5 =	vadd.f32 v50, v5;
	v3 =	vadd.f32 v56, v3  }
0x5e: {  	v62 =	vld [tilespmem:s18+$0x1F0];
	v6 =	vadd.f32 v51, v6;
	v4 =	vadd.f32 v57, v4;
	[tilespmem:v1+s20+$0xFFFFFF90 ss:$0x1] =	vst.idx.msk $0xffff, v2  }
0x5f: {  	v5 =	vadd.f32 v58, v5;
	v2 =	vadd.f32 v52, v7;
	[tilespmem:v1+s20+$0xFFFFFFA0 ss:$0x1] =	vst.idx.msk $0xffff, v3  }
0x60: {  	p0 =	sne.s32 s19, $0x1E00;
	v6 =	vadd.f32 v59, v6;
	v3 =	vadd.f32 v53, v8;
	[tilespmem:v1+s20+$0xFFFFFFB0 ss:$0x1] =	vst.idx.msk $0xffff, v4  }
.Ltmp1:
0x61: {  	v63 =	vadd.f32 v54, v9;
	v2 =	vadd.f32 v60, v2;
	[tilespmem:v1+s20+$0xFFFFFFC0 ss:$0x1] =	vst.idx.msk $0xffff, v5;
	(pc) =	sbr.rel @p0 .LBB2_5-.Ltmp1, $4  }
0x62: {  	v3 =	vadd.f32 v61, v3;
	[tilespmem:v1+s20+$0xFFFFFFD0 ss:$0x1] =	vst.idx.msk $0xffff, v6  }
0x63: {  	v4 =	vadd.f32 v62, v63;
	[tilespmem:v1+s20+$0xFFFFFFE0 ss:$0x1] =	vst.idx.msk $0xffff, v2  }
0x64: {  	[tilespmem:v1+s20+$0xFFFFFFF0 ss:$0x1] =	vst.idx.msk $0xffff, v3  }
0x65: {  	s19 =	sadd.s32 $0x200, s19;
	s18 =	sadd.s32 $0x400, s18;
	[tilespmem:v1+s20+$0x0 ss:$0x1] =	vst.idx.msk $0xffff, v4  }
0x66: {  	s18 =	sshll.u32 s15, $0x8  }
0x67: {  	s18 =	sand.u32 $0x3FFFFF00, s18  }
0x68: {  	s19 =	sadd.s32 $0x100, s18  }
0x69: {  	[tilespmem:s9], [sflag:$0x1] =	stream.indirect.gather [hbm4b:s3+s8], $0x80, s19, s8, $0xb8;
	[tilespmem:$0x12A00] =	vst v63  }
0x6a: {  	_ =	swait.ge [sflag:s12], $0x4000  }
0x6b: {  	[sflag:s12] =	ssyncset.done $0x0  }
0x6c: {  	s20 =	simm.s32 $0x4C00;
	v1 =	vmov s17;
	s19 =	simm.s32 $0x0;
	[sflag:s12] =	ssyncadd.s32 $0xFFFFC000  }
.LBB2_7:
0x6d: {  	v2 =	vld [tilespmem:s20+$0xFFFFFE00]  }
0x6e: {  	v3 =	vld [tilespmem:s20+$0xFFFFFE10]  }
0x6f: {  	v4 =	vld [tilespmem:s20+$0xFFFFFE20]  }
0x70: {  	v5 =	vld [tilespmem:s20+$0xFFFFFE30]  }
0x71: {  	v6 =	vld [tilespmem:s20+$0xFFFFFE40]  }
0x72: {  	v7 =	vld [tilespmem:s20+$0xFFFFFE50]  }
0x73: {  	v8 =	vld [tilespmem:s20+$0xFFFFFE60]  }
0x74: {  	v9 =	vld [tilespmem:s20+$0xFFFFFE70]  }
0x75: {  	v10 =	vld [tilespmem:s20+$0xFFFFFE80]  }
0x76: {  	v11 =	vld [tilespmem:s20+$0xFFFFFE90]  }
0x77: {  	v12 =	vld [tilespmem:s20+$0xFFFFFEA0]  }
0x78: {  	v13 =	vld [tilespmem:s20+$0xFFFFFEB0]  }
0x79: {  	v14 =	vld [tilespmem:s20+$0xFFFFFEC0]  }
0x7a: {  	v15 =	vld [tilespmem:s20+$0xFFFFFED0]  }
0x7b: {  	v16 =	vld [tilespmem:s20+$0xFFFFFEE0]  }
0x7c: {  	v17 =	vld [tilespmem:s20+$0xFFFFFEF0]  }
0x7d: {  	v18 =	vld [tilespmem:s20+$0xFFFFFF00]  }
0x7e: {  	v19 =	vld [tilespmem:s20+$0xFFFFFF10]  }
0x7f: {  	v20 =	vld [tilespmem:s20+$0xFFFFFF20]  }
0x80: {  	v21 =	vld [tilespmem:s20+$0xFFFFFF30]  }
0x81: {  	v22 =	vld [tilespmem:s20+$0xFFFFFF40]  }
0x82: {  	v23 =	vld [tilespmem:s20+$0xFFFFFF50]  }
0x83: {  	v24 =	vld [tilespmem:s20+$0xFFFFFF60]  }
0x84: {  	v25 =	vld [tilespmem:s20+$0xFFFFFF70]  }
0x85: {  	v26 =	vld [tilespmem:s20+$0xFFFFFF80]  }
0x86: {  	v27 =	vld [tilespmem:s20+$0xFFFFFF90]  }
0x87: {  	v28 =	vld [tilespmem:s20+$0xFFFFFFA0]  }
0x88: {  	v29 =	vld [tilespmem:s20+$0xFFFFFFB0]  }
0x89: {  	v30 =	vld [tilespmem:s20+$0xFFFFFFC0]  }
0x8a: {  	v31 =	vld [tilespmem:s20+$0xFFFFFFD0]  }
0x8b: {  	v32 =	vld [tilespmem:s20+$0xFFFFFFE0]  }
0x8c: {  	v33 =	vld [tilespmem:s20+$0xFFFFFFF0]  }
0x8d: {  	v34 =	vld [tilespmem:s20+$0x0]  }
0x8e: {  	v35 =	vld [tilespmem:s20+$0x10]  }
0x8f: {  	v36 =	vld [tilespmem:s20+$0x20]  }
0x90: {  	v37 =	vld [tilespmem:s20+$0x30]  }
0x91: {  	v38 =	vld [tilespmem:s20+$0x40]  }
0x92: {  	v39 =	vld [tilespmem:s20+$0x50]  }
0x93: {  	v40 =	vld [tilespmem:s20+$0x60]  }
0x94: {  	v41 =	vld [tilespmem:s20+$0x70]  }
0x95: {  	v42 =	vld [tilespmem:s20+$0x80];
	v2 =	vadd.f32 v10, v2;
	v3 =	vadd.f32 v11, v3  }
0x96: {  	v61 =	vld [tilespmem:s20+$0x90];
	v4 =	vadd.f32 v12, v4;
	v5 =	vadd.f32 v13, v5  }
0x97: {  	v62 =	vld [tilespmem:s20+$0xA0];
	v6 =	vadd.f32 v14, v6;
	v7 =	vadd.f32 v15, v7  }
0x98: {  	v63 =	vld [tilespmem:s20+$0xB0];
	v8 =	vadd.f32 v16, v8;
	v9 =	vadd.f32 v17, v9  }
0x99: {  	v43 =	vld [tilespmem:s20+$0xC0];
	v2 =	vadd.f32 v18, v2;
	v3 =	vadd.f32 v19, v3  }
0x9a: {  	v44 =	vld [tilespmem:s20+$0xD0];
	v4 =	vadd.f32 v20, v4;
	v5 =	vadd.f32 v21, v5  }
0x9b: {  	v45 =	vld [tilespmem:s20+$0xE0];
	v6 =	vadd.f32 v22, v6;
	v7 =	vadd.f32 v23, v7  }
0x9c: {  	v46 =	vld [tilespmem:s20+$0xF0];
	v8 =	vadd.f32 v24, v8;
	v9 =	vadd.f32 v25, v9  }
0x9d: {  	v47 =	vld [tilespmem:s20+$0x100];
	v2 =	vadd.f32 v26, v2;
	v3 =	vadd.f32 v27, v3  }
0x9e: {  	v48 =	vld [tilespmem:s20+$0x110];
	v4 =	vadd.f32 v28, v4;
	v5 =	vadd.f32 v29, v5  }
0x9f: {  	v49 =	vld [tilespmem:s20+$0x120];
	v6 =	vadd.f32 v30, v6;
	v7 =	vadd.f32 v31, v7  }
0xa0: {  	v50 =	vld [tilespmem:s20+$0x130];
	v8 =	vadd.f32 v32, v8;
	v9 =	vadd.f32 v33, v9  }
0xa1: {  	v51 =	vld [tilespmem:s20+$0x140];
	v2 =	vadd.f32 v34, v2;
	v3 =	vadd.f32 v35, v3  }
0xa2: {  	v52 =	vld [tilespmem:s20+$0x150];
	v4 =	vadd.f32 v36, v4;
	v5 =	vadd.f32 v37, v5  }
0xa3: {  	v53 =	vld [tilespmem:s20+$0x160];
	v6 =	vadd.f32 v38, v6;
	v7 =	vadd.f32 v39, v7  }
0xa4: {  	v54 =	vld [tilespmem:s20+$0x170];
	v8 =	vadd.f32 v40, v8;
	v9 =	vadd.f32 v41, v9  }
0xa5: {  	v55 =	vld [tilespmem:s20+$0x180];
	v2 =	vadd.f32 v42, v2;
	v3 =	vadd.f32 v61, v3  }
0xa6: {  	v56 =	vld [tilespmem:s20+$0x190];
	v4 =	vadd.f32 v62, v4;
	v5 =	vadd.f32 v63, v5  }
0xa7: {  	v57 =	vld [tilespmem:s20+$0x1A0];
	v6 =	vadd.f32 v43, v6;
	v7 =	vadd.f32 v44, v7  }
0xa8: {  	v58 =	vld [tilespmem:s20+$0x1B0];
	v8 =	vadd.f32 v45, v8;
	v2 =	vadd.f32 v47, v2  }
0xa9: {  	v59 =	vld [tilespmem:s20+$0x1C0];
	v9 =	vadd.f32 v46, v9;
	v3 =	vadd.f32 v48, v3  }
0xaa: {  	v60 =	vld [tilespmem:s20+$0x1D0];
	v4 =	vadd.f32 v49, v4;
	v2 =	vadd.f32 v55, v2  }
0xab: {  	s21 =	sshra.s32 s19, $0x2;
	v61 =	vld [tilespmem:s20+$0x1E0];
	v5 =	vadd.f32 v50, v5;
	v3 =	vadd.f32 v56, v3  }
0xac: {  	v62 =	vld [tilespmem:s20+$0x1F0];
	v6 =	vadd.f32 v51, v6;
	v4 =	vadd.f32 v57, v4;
	[tilespmem:v1+s21+$0xFFFFFF90 ss:$0x1] =	vst.idx.msk $0xffff, v2  }
0xad: {  	v5 =	vadd.f32 v58, v5;
	v2 =	vadd.f32 v52, v7;
	[tilespmem:v1+s21+$0xFFFFFFA0 ss:$0x1] =	vst.idx.msk $0xffff, v3  }
0xae: {  	p0 =	sne.s32 s19, $0x1E00;
	v6 =	vadd.f32 v59, v6;
	v3 =	vadd.f32 v53, v8;
	[tilespmem:v1+s21+$0xFFFFFFB0 ss:$0x1] =	vst.idx.msk $0xffff, v4  }
.Ltmp2:
0xaf: {  	v63 =	vadd.f32 v54, v9;
	v2 =	vadd.f32 v60, v2;
	[tilespmem:v1+s21+$0xFFFFFFC0 ss:$0x1] =	vst.idx.msk $0xffff, v5;
	(pc) =	sbr.rel @p0 .LBB2_7-.Ltmp2, $4  }
0xb0: {  	v3 =	vadd.f32 v61, v3;
	[tilespmem:v1+s21+$0xFFFFFFD0 ss:$0x1] =	vst.idx.msk $0xffff, v6  }
0xb1: {  	v4 =	vadd.f32 v62, v63;
	[tilespmem:v1+s21+$0xFFFFFFE0 ss:$0x1] =	vst.idx.msk $0xffff, v2  }
0xb2: {  	[tilespmem:v1+s21+$0xFFFFFFF0 ss:$0x1] =	vst.idx.msk $0xffff, v3  }
0xb3: {  	s19 =	sadd.s32 $0x200, s19;
	s20 =	sadd.s32 $0x400, s20;
	[tilespmem:v1+s21+$0x0 ss:$0x1] =	vst.idx.msk $0xffff, v4  }
0xb4: {  	s15 =	sadd.s32 $0x1, s15  }
0xb5: {  	p0 =	sne.s32 s15, $0x9  }
.Ltmp3:
0xb6: {  	_ = 	snop;
	(pc) =	sbr.rel @p0 .LBB2_4-.Ltmp3, $3  }
0xb7: {  	_ =	sdelay $0x1  }
0xb8: {  	s18 =	sadd.s32 $0x180, s18;
	s16 =	sadd.s32 $0x1000, s16;
	s17 =	sadd.s32 $0x1000, s17  }
0xb9: {  	[tilespmem:s10], [sflag:$0x2] =	stream.indirect.gather [hbm4b:s3+s8], $0x80, s18, s8, $0xb8;
	[tilespmem:$0x12A00] =	vst v63  }
0xba: {  	_ =	swait.ge [sflag:s11], $0x4000  }
0xbb: {  	[sflag:s11] =	ssyncset.done $0x0  }
0xbc: {  	s15 =	simm.s32 $0x0;
	s16 =	simm.s32 $0xC00;
	[sflag:s11] =	ssyncadd.s32 $0xFFFFC000  }
.LBB2_10:
0xbd: {  	v1 =	vld [tilespmem:s16+$0xFFFFFE00]  }
0xbe: {  	v2 =	vld [tilespmem:s16+$0xFFFFFE10]  }
0xbf: {  	v3 =	vld [tilespmem:s16+$0xFFFFFE20]  }
0xc0: {  	v4 =	vld [tilespmem:s16+$0xFFFFFE30]  }
0xc1: {  	v5 =	vld [tilespmem:s16+$0xFFFFFE40]  }
0xc2: {  	v6 =	vld [tilespmem:s16+$0xFFFFFE50]  }
0xc3: {  	v7 =	vld [tilespmem:s16+$0xFFFFFE60]  }
0xc4: {  	v8 =	vld [tilespmem:s16+$0xFFFFFE70]  }
0xc5: {  	v9 =	vld [tilespmem:s16+$0xFFFFFE80]  }
0xc6: {  	v10 =	vld [tilespmem:s16+$0xFFFFFE90]  }
0xc7: {  	v11 =	vld [tilespmem:s16+$0xFFFFFEA0]  }
0xc8: {  	v12 =	vld [tilespmem:s16+$0xFFFFFEB0]  }
0xc9: {  	v13 =	vld [tilespmem:s16+$0xFFFFFEC0]  }
0xca: {  	v14 =	vld [tilespmem:s16+$0xFFFFFED0]  }
0xcb: {  	v15 =	vld [tilespmem:s16+$0xFFFFFEE0]  }
0xcc: {  	v16 =	vld [tilespmem:s16+$0xFFFFFEF0]  }
0xcd: {  	v17 =	vld [tilespmem:s16+$0xFFFFFF00]  }
0xce: {  	v18 =	vld [tilespmem:s16+$0xFFFFFF10]  }
0xcf: {  	v19 =	vld [tilespmem:s16+$0xFFFFFF20]  }
0xd0: {  	v20 =	vld [tilespmem:s16+$0xFFFFFF30]  }
0xd1: {  	v21 =	vld [tilespmem:s16+$0xFFFFFF40]  }
0xd2: {  	v22 =	vld [tilespmem:s16+$0xFFFFFF50]  }
0xd3: {  	v23 =	vld [tilespmem:s16+$0xFFFFFF60]  }
0xd4: {  	v24 =	vld [tilespmem:s16+$0xFFFFFF70]  }
0xd5: {  	v25 =	vld [tilespmem:s16+$0xFFFFFF80]  }
0xd6: {  	v26 =	vld [tilespmem:s16+$0xFFFFFF90]  }
0xd7: {  	v27 =	vld [tilespmem:s16+$0xFFFFFFA0]  }
0xd8: {  	v28 =	vld [tilespmem:s16+$0xFFFFFFB0]  }
0xd9: {  	v29 =	vld [tilespmem:s16+$0xFFFFFFC0]  }
0xda: {  	v30 =	vld [tilespmem:s16+$0xFFFFFFD0]  }
0xdb: {  	v31 =	vld [tilespmem:s16+$0xFFFFFFE0]  }
0xdc: {  	v32 =	vld [tilespmem:s16+$0xFFFFFFF0]  }
0xdd: {  	v33 =	vld [tilespmem:s16+$0x0]  }
0xde: {  	v34 =	vld [tilespmem:s16+$0x10]  }
0xdf: {  	v35 =	vld [tilespmem:s16+$0x20]  }
0xe0: {  	v36 =	vld [tilespmem:s16+$0x30]  }
0xe1: {  	v37 =	vld [tilespmem:s16+$0x40]  }
0xe2: {  	v38 =	vld [tilespmem:s16+$0x50]  }
0xe3: {  	v39 =	vld [tilespmem:s16+$0x60]  }
0xe4: {  	v40 =	vld [tilespmem:s16+$0x70]  }
0xe5: {  	v41 =	vld [tilespmem:s16+$0x80];
	v1 =	vadd.f32 v9, v1;
	v2 =	vadd.f32 v10, v2  }
0xe6: {  	v63 =	vld [tilespmem:s16+$0x90];
	v3 =	vadd.f32 v11, v3;
	v4 =	vadd.f32 v12, v4  }
0xe7: {  	v42 =	vld [tilespmem:s16+$0xA0];
	v5 =	vadd.f32 v13, v5;
	v6 =	vadd.f32 v14, v6  }
0xe8: {  	v43 =	vld [tilespmem:s16+$0xB0];
	v7 =	vadd.f32 v15, v7;
	v8 =	vadd.f32 v16, v8  }
0xe9: {  	v44 =	vld [tilespmem:s16+$0xC0];
	v1 =	vadd.f32 v17, v1;
	v2 =	vadd.f32 v18, v2  }
0xea: {  	v45 =	vld [tilespmem:s16+$0xD0];
	v3 =	vadd.f32 v19, v3;
	v4 =	vadd.f32 v20, v4  }
0xeb: {  	v46 =	vld [tilespmem:s16+$0xE0];
	v5 =	vadd.f32 v21, v5;
	v6 =	vadd.f32 v22, v6  }
0xec: {  	v47 =	vld [tilespmem:s16+$0xF0];
	v7 =	vadd.f32 v23, v7;
	v8 =	vadd.f32 v24, v8  }
0xed: {  	v48 =	vld [tilespmem:s16+$0x100];
	v1 =	vadd.f32 v25, v1;
	v2 =	vadd.f32 v26, v2  }
0xee: {  	v49 =	vld [tilespmem:s16+$0x110];
	v3 =	vadd.f32 v27, v3;
	v4 =	vadd.f32 v28, v4  }
0xef: {  	v50 =	vld [tilespmem:s16+$0x120];
	v5 =	vadd.f32 v29, v5;
	v6 =	vadd.f32 v30, v6  }
0xf0: {  	v51 =	vld [tilespmem:s16+$0x130];
	v7 =	vadd.f32 v31, v7;
	v8 =	vadd.f32 v32, v8  }
0xf1: {  	v52 =	vld [tilespmem:s16+$0x140];
	v1 =	vadd.f32 v33, v1;
	v2 =	vadd.f32 v34, v2  }
0xf2: {  	v53 =	vld [tilespmem:s16+$0x150];
	v3 =	vadd.f32 v35, v3;
	v4 =	vadd.f32 v36, v4  }
0xf3: {  	v54 =	vld [tilespmem:s16+$0x160];
	v5 =	vadd.f32 v37, v5;
	v6 =	vadd.f32 v38, v6  }
0xf4: {  	v55 =	vld [tilespmem:s16+$0x170];
	v7 =	vadd.f32 v39, v7;
	v8 =	vadd.f32 v40, v8  }
0xf5: {  	v56 =	vld [tilespmem:s16+$0x180];
	v1 =	vadd.f32 v41, v1;
	v2 =	vadd.f32 v63, v2  }
0xf6: {  	v57 =	vld [tilespmem:s16+$0x190];
	v3 =	vadd.f32 v42, v3;
	v4 =	vadd.f32 v43, v4  }
0xf7: {  	v58 =	vld [tilespmem:s16+$0x1A0];
	v5 =	vadd.f32 v44, v5;
	v6 =	vadd.f32 v45, v6  }
0xf8: {  	v59 =	vld [tilespmem:s16+$0x1B0];
	v7 =	vadd.f32 v46, v7;
	v1 =	vadd.f32 v48, v1  }
0xf9: {  	v60 =	vld [tilespmem:s16+$0x1C0];
	v8 =	vadd.f32 v47, v8;
	v2 =	vadd.f32 v49, v2  }
0xfa: {  	v61 =	vld [tilespmem:s16+$0x1D0];
	v3 =	vadd.f32 v50, v3;
	v1 =	vadd.f32 v56, v1  }
0xfb: {  	v62 =	vld [tilespmem:s16+$0x1E0];
	s17 =	sshra.s32 s15, $0x2;
	v4 =	vadd.f32 v51, v4;
	v2 =	vadd.f32 v57, v2  }
0xfc: {  	v63 =	vld [tilespmem:s16+$0x1F0];
	v5 =	vadd.f32 v52, v5;
	v3 =	vadd.f32 v58, v3;
	[tilespmem:s17+$0x11A00] =	vst v1  }
0xfd: {  	v4 =	vadd.f32 v59, v4;
	v1 =	vadd.f32 v53, v6;
	[tilespmem:s17+$0x11A10] =	vst v2  }
0xfe: {  	p0 =	sne.s32 s15, $0x1E00;
	v5 =	vadd.f32 v60, v5;
	v2 =	vadd.f32 v54, v7;
	[tilespmem:s17+$0x11A20] =	vst v3  }
.Ltmp4:
0xff: {  	v3 =	vadd.f32 v55, v8;
	[tilespmem:s17+$0x11A30] =	vst v4;
	v1 =	vadd.f32 v61, v1;
	(pc) =	sbr.rel @p0 .LBB2_10-.Ltmp4, $4  }
0x100: {  	[tilespmem:s17+$0x11A40] =	vst v5;
	v2 =	vadd.f32 v62, v2  }
0x101: {  	v3 =	vadd.f32 v63, v3;
	[tilespmem:s17+$0x11A50] =	vst v1  }
0x102: {  	[tilespmem:s17+$0x11A60] =	vst v2  }
0x103: {  	s15 =	sadd.s32 $0x200, s15;
	s16 =	sadd.s32 $0x400, s16;
	[tilespmem:s17+$0x11A70] =	vst v3  }
0x104: {  	_ =	swait.ge [sflag:s12], $0x4000  }
0x105: {  	[sflag:s12] =	ssyncset.done $0x0  }
0x106: {  	s15 =	simm.s32 $0x0;
	s16 =	simm.s32 $0x4C00;
	[sflag:s12] =	ssyncadd.s32 $0xFFFFC000  }
.LBB2_12:
0x107: {  	v1 =	vld [tilespmem:s16+$0xFFFFFE00]  }
0x108: {  	v2 =	vld [tilespmem:s16+$0xFFFFFE10]  }
0x109: {  	v3 =	vld [tilespmem:s16+$0xFFFFFE20]  }
0x10a: {  	v4 =	vld [tilespmem:s16+$0xFFFFFE30]  }
0x10b: {  	v5 =	vld [tilespmem:s16+$0xFFFFFE40]  }
0x10c: {  	v6 =	vld [tilespmem:s16+$0xFFFFFE50]  }
0x10d: {  	v7 =	vld [tilespmem:s16+$0xFFFFFE60]  }
0x10e: {  	v8 =	vld [tilespmem:s16+$0xFFFFFE70]  }
0x10f: {  	v9 =	vld [tilespmem:s16+$0xFFFFFE80]  }
0x110: {  	v10 =	vld [tilespmem:s16+$0xFFFFFE90]  }
0x111: {  	v11 =	vld [tilespmem:s16+$0xFFFFFEA0]  }
0x112: {  	v12 =	vld [tilespmem:s16+$0xFFFFFEB0]  }
0x113: {  	v13 =	vld [tilespmem:s16+$0xFFFFFEC0]  }
0x114: {  	v14 =	vld [tilespmem:s16+$0xFFFFFED0]  }
0x115: {  	v15 =	vld [tilespmem:s16+$0xFFFFFEE0]  }
0x116: {  	v16 =	vld [tilespmem:s16+$0xFFFFFEF0]  }
0x117: {  	v17 =	vld [tilespmem:s16+$0xFFFFFF00]  }
0x118: {  	v18 =	vld [tilespmem:s16+$0xFFFFFF10]  }
0x119: {  	v19 =	vld [tilespmem:s16+$0xFFFFFF20]  }
0x11a: {  	v20 =	vld [tilespmem:s16+$0xFFFFFF30]  }
0x11b: {  	v21 =	vld [tilespmem:s16+$0xFFFFFF40]  }
0x11c: {  	v22 =	vld [tilespmem:s16+$0xFFFFFF50]  }
0x11d: {  	v23 =	vld [tilespmem:s16+$0xFFFFFF60]  }
0x11e: {  	v24 =	vld [tilespmem:s16+$0xFFFFFF70]  }
0x11f: {  	v25 =	vld [tilespmem:s16+$0xFFFFFF80]  }
0x120: {  	v26 =	vld [tilespmem:s16+$0xFFFFFF90]  }
0x121: {  	v27 =	vld [tilespmem:s16+$0xFFFFFFA0]  }
0x122: {  	v28 =	vld [tilespmem:s16+$0xFFFFFFB0]  }
0x123: {  	v29 =	vld [tilespmem:s16+$0xFFFFFFC0]  }
0x124: {  	v30 =	vld [tilespmem:s16+$0xFFFFFFD0]  }
0x125: {  	v31 =	vld [tilespmem:s16+$0xFFFFFFE0]  }
0x126: {  	v32 =	vld [tilespmem:s16+$0xFFFFFFF0]  }
0x127: {  	v33 =	vld [tilespmem:s16+$0x0]  }
0x128: {  	v34 =	vld [tilespmem:s16+$0x10]  }
0x129: {  	v35 =	vld [tilespmem:s16+$0x20]  }
0x12a: {  	v36 =	vld [tilespmem:s16+$0x30]  }
0x12b: {  	v37 =	vld [tilespmem:s16+$0x40]  }
0x12c: {  	v38 =	vld [tilespmem:s16+$0x50]  }
0x12d: {  	v39 =	vld [tilespmem:s16+$0x60]  }
0x12e: {  	v40 =	vld [tilespmem:s16+$0x70]  }
0x12f: {  	v41 =	vld [tilespmem:s16+$0x80];
	v1 =	vadd.f32 v9, v1;
	v2 =	vadd.f32 v10, v2  }
0x130: {  	v63 =	vld [tilespmem:s16+$0x90];
	v3 =	vadd.f32 v11, v3;
	v4 =	vadd.f32 v12, v4  }
0x131: {  	v42 =	vld [tilespmem:s16+$0xA0];
	v5 =	vadd.f32 v13, v5;
	v6 =	vadd.f32 v14, v6  }
0x132: {  	v43 =	vld [tilespmem:s16+$0xB0];
	v7 =	vadd.f32 v15, v7;
	v8 =	vadd.f32 v16, v8  }
0x133: {  	v44 =	vld [tilespmem:s16+$0xC0];
	v1 =	vadd.f32 v17, v1;
	v2 =	vadd.f32 v18, v2  }
0x134: {  	v45 =	vld [tilespmem:s16+$0xD0];
	v3 =	vadd.f32 v19, v3;
	v4 =	vadd.f32 v20, v4  }
0x135: {  	v46 =	vld [tilespmem:s16+$0xE0];
	v5 =	vadd.f32 v21, v5;
	v6 =	vadd.f32 v22, v6  }
0x136: {  	v47 =	vld [tilespmem:s16+$0xF0];
	v7 =	vadd.f32 v23, v7;
	v8 =	vadd.f32 v24, v8  }
0x137: {  	v48 =	vld [tilespmem:s16+$0x100];
	v1 =	vadd.f32 v25, v1;
	v2 =	vadd.f32 v26, v2  }
0x138: {  	v49 =	vld [tilespmem:s16+$0x110];
	v3 =	vadd.f32 v27, v3;
	v4 =	vadd.f32 v28, v4  }
0x139: {  	v50 =	vld [tilespmem:s16+$0x120];
	v5 =	vadd.f32 v29, v5;
	v6 =	vadd.f32 v30, v6  }
0x13a: {  	v51 =	vld [tilespmem:s16+$0x130];
	v7 =	vadd.f32 v31, v7;
	v8 =	vadd.f32 v32, v8  }
0x13b: {  	v52 =	vld [tilespmem:s16+$0x140];
	v1 =	vadd.f32 v33, v1;
	v2 =	vadd.f32 v34, v2  }
0x13c: {  	v53 =	vld [tilespmem:s16+$0x150];
	v3 =	vadd.f32 v35, v3;
	v4 =	vadd.f32 v36, v4  }
0x13d: {  	v54 =	vld [tilespmem:s16+$0x160];
	v5 =	vadd.f32 v37, v5;
	v6 =	vadd.f32 v38, v6  }
0x13e: {  	v55 =	vld [tilespmem:s16+$0x170];
	v7 =	vadd.f32 v39, v7;
	v8 =	vadd.f32 v40, v8  }
0x13f: {  	v56 =	vld [tilespmem:s16+$0x180];
	v1 =	vadd.f32 v41, v1;
	v2 =	vadd.f32 v63, v2  }
0x140: {  	v57 =	vld [tilespmem:s16+$0x190];
	v3 =	vadd.f32 v42, v3;
	v4 =	vadd.f32 v43, v4  }
0x141: {  	v58 =	vld [tilespmem:s16+$0x1A0];
	v5 =	vadd.f32 v44, v5;
	v6 =	vadd.f32 v45, v6  }
0x142: {  	v59 =	vld [tilespmem:s16+$0x1B0];
	v7 =	vadd.f32 v46, v7;
	v1 =	vadd.f32 v48, v1  }
0x143: {  	v60 =	vld [tilespmem:s16+$0x1C0];
	v8 =	vadd.f32 v47, v8;
	v2 =	vadd.f32 v49, v2  }
0x144: {  	v61 =	vld [tilespmem:s16+$0x1D0];
	v3 =	vadd.f32 v50, v3;
	v1 =	vadd.f32 v56, v1  }
0x145: {  	v62 =	vld [tilespmem:s16+$0x1E0];
	s17 =	sshra.s32 s15, $0x2;
	v4 =	vadd.f32 v51, v4;
	v2 =	vadd.f32 v57, v2  }
0x146: {  	v63 =	vld [tilespmem:s16+$0x1F0];
	v5 =	vadd.f32 v52, v5;
	v3 =	vadd.f32 v58, v3;
	[tilespmem:s17+$0x12200] =	vst v1  }
0x147: {  	v4 =	vadd.f32 v59, v4;
	v1 =	vadd.f32 v53, v6;
	[tilespmem:s17+$0x12210] =	vst v2  }
0x148: {  	p0 =	sne.s32 s15, $0x1E00;
	v5 =	vadd.f32 v60, v5;
	v2 =	vadd.f32 v54, v7;
	[tilespmem:s17+$0x12220] =	vst v3  }
.Ltmp5:
0x149: {  	v3 =	vadd.f32 v55, v8;
	[tilespmem:s17+$0x12230] =	vst v4;
	v1 =	vadd.f32 v61, v1;
	(pc) =	sbr.rel @p0 .LBB2_12-.Ltmp5, $4  }
0x14a: {  	[tilespmem:s17+$0x12240] =	vst v5;
	v2 =	vadd.f32 v62, v2  }
0x14b: {  	v3 =	vadd.f32 v63, v3;
	[tilespmem:s17+$0x12250] =	vst v1  }
0x14c: {  	[tilespmem:s17+$0x12260] =	vst v2  }
0x14d: {  	s15 =	sadd.s32 $0x200, s15;
	s16 =	sadd.s32 $0x400, s16;
	[tilespmem:s17+$0x12270] =	vst v3  }
0x14e: {  	s14 =	sadd.s32 $0x1, s14  }
0x14f: {  	p0 =	sne.s32 s14, s6  }
.Ltmp6:
0x150: {  	_ = 	snop;
	(pc) =	sbr.rel @p0 .LBB2_1-.Ltmp6, $4  }
0x151: {  	[hbm4b:s5+s2] =	stream.linear.scatter [tilespmem:s13], [sflag:$0x3], $0xA000, $0x38;
	[tilespmem:$0x12A00] =	vst v63  }
0x152: {  	_ =	swait.ge [sflag:s7], $0xA000  }
0x153: {  	[sflag:s7] =	ssyncset.done $0x0  }
0x154: {  	[sflag:s7] =	ssyncadd.s32 $0xFFFF6000  }
0x155: {  	_ =	sfence.sel $0x180000  }
0x156: {  	[bflag:$0x0] =	sbarrier.arrive $0xFFFF  }
0x157: {  	p0 =	sne.s32 s0, $0x0;
	_ =	strace $0x90000047  }
0x158: {  	s0 =	sadd.s32 @!p0 $0x100000, s1;
	[bflag:$0x2] =	sbarrier.arrive $0xFFFF  }
0x159: {  	[sflag:s0] =	ssyncadd.tile.s32 @!p0 $0x1;
	_ =	shalt  }
.Lfunc_end2:
_tile_overlayer_lowered:
.L_overlay_start_2:
0x15a: {  	(tag) =	ssettag $0x2  }
0x15b: {  	s0 =	rddreg [dreg:$0x0];
	s2 =	stileid.u32  }
0x15c: {  	s1 =	rddreg [dreg:$0x1];
	p0 =	sne.s32 s2, $0x0  }
0x15d: {  	s3 =	rddreg [dreg:$0x2];
	[bflag:$0x3] =	sbarrier.arrive $0xFFFF;
	s2 =	simm.s32 @!p0 $0x1C03  }
0x15e: {  	[timem:s3], [sflag:s2] =	dma.local @!p0 [hbm:s0], s1  }
0x15f: {  	s0 =	simm.s32 @!p0 $0x3  }
0x160: {  	_ =	swait.ge @!p0 [sflag:s0], s1  }
0x161: {  	s1 =	ssub.s32 @!p0 $0x0, s1;
	[sflag:s0] =	ssyncset.done @!p0 $0x0  }
0x162: {  	[sflag:s0] =	ssyncadd.s32 @!p0 s1  }
0x163: {  	[bflag:$0x3] =	sbarrier.arrive $0xFFFF  }
0x164: {  	_ =	shalt  }

</sc_bundles>
